<compile_context>
chip_gen: v7x
topology: tpu7x:2x2x1
jax: 0.10.2.dev20260603
libtpu: 0.0.44.dev20260713+nightly
codegen_flags: <defaults>
</compile_context>

<pallas_src>
import functools

import jax
import jax.numpy as jnp
from jax import lax
from jax.experimental import pallas as pl
from jax.experimental.pallas import tpu as pltpu
from jax.experimental.pallas import tpu_sc as plsc

_N = 10000
_E = 320000
_G = 64
_CIN = 128

_NC = 2
_NS = 16
_CH = 128
_CPT = 80
_CPT_A = 136
_CPT_B = 24
_IDXG = 8
_GMAX = _CPT_A // _IDXG
_EPAD = _NC * _NS * _CPT * _CH
_EROWS = _EPAD // _CH
_NPAD = 10240
_RPT = _NPAD // _NS
_DW = 128

@functools.lru_cache(maxsize=None)
def _sc_mesh():
    return plsc.VectorSubcoreMesh(core_axis_name="c", subcore_axis_name="s",
                                  num_cores=_NC, num_subcores=_NS)



def _deg_body(dstb, zeros, ones, out, ones_v, idx_d, sem, acc):
    c = lax.axis_index("c")
    s = lax.axis_index("s")
    wid = c * _NS + s
    pltpu.sync_copy(zeros, acc.at[pl.ds(s * _RPT, _RPT)])
    pltpu.sync_copy(ones, ones_v)
    pltpu.sync_copy(dstb.at[pl.ds(wid * _CPT, _CPT)], idx_d)
    plsc.subcore_barrier()

    def chunk(j, carry):
        pltpu.sync_copy(ones_v, acc.at[idx_d.at[j]], add=True)
        return carry

    lax.fori_loop(0, _CPT, chunk, 0)
    plsc.subcore_barrier()
    pltpu.sync_copy(acc.at[pl.ds(s * _RPT, _RPT)],
                    out.at[c, pl.ds(s * _RPT, _RPT)])


@functools.lru_cache(maxsize=None)
def _deg_call():
    return pl.kernel(
        _deg_body,
        out_type=jax.ShapeDtypeStruct((_NC, _NPAD, _DW), jnp.float32),
        mesh=_sc_mesh(),
        scratch_types=[
            pltpu.VMEM((_CH, _DW), jnp.float32),
            pltpu.VMEM((_CPT, _CH), jnp.int32),
            pltpu.SemaphoreType.DMA,
            pltpu.VMEM_SHARED((_NPAD, _DW), jnp.float32),
        ],
    )


def _agg_body(table, srcb, dstb, zeros, out,
              is0, is1, id0, id1, r0, r1, es0, es1, rs0, rs1, acc):
    isb = (is0, is1)
    idb = (id0, id1)
    rows = (r0, r1)
    esem = (es0, es1)
    rsem = (rs0, rs1)
    c = lax.axis_index("c")
    s = lax.axis_index("s")
    base = lax.select(c == 0, s * _CPT_A, _NS * _CPT_A + s * _CPT_B)
    ng = lax.select(c == 0, _CPT_A // _IDXG, _CPT_B // _IDXG)
    pltpu.sync_copy(zeros, acc.at[pl.ds(s * _RPT, _RPT)])
    plsc.subcore_barrier()

    def fire_idx(g, b):
        pltpu.async_copy(srcb.at[pl.ds(base + g * _IDXG, _IDXG)],
                         isb[b], esem[b])
        pltpu.async_copy(dstb.at[pl.ds(base + g * _IDXG, _IDXG)],
                         idb[b], esem[b])

    def wait_idx(b):
        pltpu.make_async_copy(srcb.at[pl.ds(0, _IDXG)], isb[b],
                              esem[b]).wait()
        pltpu.make_async_copy(srcb.at[pl.ds(0, _IDXG)], idb[b],
                              esem[b]).wait()

    def wait_rows(b):
        pltpu.make_async_copy(table.at[pl.ds(0, _CH)], rows[b],
                              rsem[b]).wait()

    @pl.when(ng > 0)
    def _():
        fire_idx(0, 0)

    def group(g, carry):
        gb = lax.rem(g, 2)
        for b in range(2):
            @pl.when((gb == b) & (g < ng))
            def _():
                wait_idx(b)

                @pl.when(g + 1 < ng)
                def _():
                    fire_idx(g + 1, 1 - b)

                pltpu.async_copy(table.at[isb[b].at[0]], rows[0], rsem[0])
                for j in range(_IDXG):
                    wait_rows(j % 2)
                    if j + 1 < _IDXG:
                        @pl.when(c == 0)
                        def _():
                            pltpu.async_copy(
                                table.at[isb[b].at[j + 1]],
                                rows[(j + 1) % 2], rsem[(j + 1) % 2])
                    pltpu.sync_copy(rows[j % 2], acc.at[idb[b].at[j]],
                                    add=True)
                    if j + 1 < _IDXG:
                        @pl.when(c != 0)
                        def _():
                            pltpu.async_copy(
                                table.at[isb[b].at[j + 1]],
                                rows[(j + 1) % 2], rsem[(j + 1) % 2])
        return carry

    lax.fori_loop(0, _GMAX, group, 0)
    plsc.subcore_barrier()
    pltpu.sync_copy(acc.at[pl.ds(s * _RPT, _RPT)],
                    out.at[c, pl.ds(s * _RPT, _RPT)])


@functools.lru_cache(maxsize=None)
def _agg_call():
    return pl.kernel(
        _agg_body,
        out_type=jax.ShapeDtypeStruct((_NC, _NPAD, _CIN), jnp.float32),
        mesh=_sc_mesh(),
        scratch_types=(
            [pltpu.VMEM((_IDXG, _CH), jnp.int32)] * 4
            + [pltpu.VMEM((_CH, _CIN), jnp.float32)] * 2
            + [pltpu.SemaphoreType.DMA] * 4
            + [pltpu.VMEM_SHARED((_NPAD, _CIN), jnp.float32)]
        ),
    )



def _prep_body(x_ref, d0_ref, d1_ref, xs_ref, dinv_ref):
    deg = d0_ref[:, 0:1] + d1_ref[:, 0:1] + 1.0
    dinv = lax.rsqrt(deg)
    dinv_ref[...] = dinv
    xs_ref[...] = x_ref[...] * dinv


def _layer1_body(a0_ref, a1_ref, xs_ref, dinv_ref, w_ref, b_ref,
                 ha_ref, hb_ref):
    dinv = dinv_ref[...]
    y = (a0_ref[...] + a1_ref[...] + xs_ref[...]) * dinv
    h = jnp.maximum(
        jnp.dot(y, w_ref[...], preferred_element_type=jnp.float32)
        + b_ref[...], 0.0) * dinv
    ha_ref[...] = h[:, :_CIN]
    hb_ref[...] = h[:, _CIN:]


def _layer2_pool_body(gl_ref, a2a0, a2a1, a2b0, a2b1, hsa, hsb,
                      dinv_ref, bat_ref, w_ref, b_ref, pool_ref):
    blk = pl.program_id(0)

    @pl.when(blk == 0)
    def _init():
        pool_ref[...] = jnp.full_like(pool_ref[...], -jnp.inf)

    dinv = dinv_ref[...]
    ya = (a2a0[...] + a2a1[...] + hsa[...]) * dinv
    yb = (a2b0[...] + a2b1[...] + hsb[...]) * dinv
    y = jnp.concatenate([ya, yb], axis=1)
    h = jnp.maximum(
        jnp.dot(y, w_ref[...], preferred_element_type=jnp.float32)
        + b_ref[...], 0.0)
    bat = bat_ref[...]

    def upd(g, carry):
        m = bat == g
        mx = jnp.max(jnp.where(m, h, -jnp.inf), axis=0, keepdims=True)
        pool_ref[pl.ds(g, 1), :] = jnp.maximum(pool_ref[pl.ds(g, 1), :], mx)
        return carry

    lax.fori_loop(gl_ref[0, blk], gl_ref[1, blk] + 1, upd, 0)


def _head_body(p_ref, m1w, m1b, g1, be1, m2w, m2b, g2, be2, lw, lb, o_ref):
    p = p_ref[...]
    p = jnp.where(jnp.isfinite(p), p, 0.0)
    eps = 1e-5

    def bn(z, g, b):
        m = jnp.mean(z, axis=0, keepdims=True)
        v = jnp.mean((z - m) ** 2, axis=0, keepdims=True)
        return g[...] * (z - m) / jnp.sqrt(v + eps) + b[...]

    z = jnp.maximum(jnp.dot(p, m1w[...], preferred_element_type=jnp.float32)
                    + m1b[...], 0.0)
    z = bn(z, g1, be1)
    z = jnp.maximum(jnp.dot(z, m2w[...], preferred_element_type=jnp.float32)
                    + m2b[...], 0.0)
    z = bn(z, g2, be2)
    z = jnp.dot(z, lw[...], preferred_element_type=jnp.float32) + lb[...]
    zmax = jnp.max(z, axis=1, keepdims=True)
    zs = z - zmax
    o_ref[...] = zs - jnp.log(jnp.sum(jnp.exp(zs), axis=1, keepdims=True))


def _row_spec(rb, cols):
    return pl.BlockSpec((rb, cols), lambda i, *_: (i, 0))


def _full_spec(shape):
    return pl.BlockSpec(shape, lambda i, *_: tuple(0 for _ in shape))



def kernel(x, edge_index, batch, W1, b1, W2, b2, M1W, M1b, BN1g, BN1b,
           M2W, M2b, BN2g, BN2b, LW, Lb):
    f32 = jnp.float32
    src = edge_index[0].astype(jnp.int32)
    dst = edge_index[1].astype(jnp.int32)
    pad = _EROWS * _CH - _E
    srcb = jnp.concatenate([src, jnp.zeros((pad,), jnp.int32)])
    srcb = srcb.reshape(_EROWS, _CH)
    dstb = jnp.concatenate([dst, jnp.full((pad,), _N, jnp.int32)])
    dstb = dstb.reshape(_EROWS, _CH)

    zeros_deg = jnp.zeros((_RPT, _DW), f32)
    ones_deg = jnp.ones((_CH, _DW), f32)
    zeros_agg = zeros_deg

    degp = _deg_call()(dstb, zeros_deg, ones_deg)[:, :_N]

    rb = 1000
    grid = (_N // rb,)
    xs, dinv = pl.pallas_call(
        _prep_body,
        grid=grid,
        in_specs=[_row_spec(rb, _CIN), _row_spec(rb, _DW), _row_spec(rb, _DW)],
        out_specs=[_row_spec(rb, _CIN), _row_spec(rb, 1)],
        out_shape=[jax.ShapeDtypeStruct((_N, _CIN), f32),
                   jax.ShapeDtypeStruct((_N, 1), f32)],
    )(x, degp[0], degp[1])

    a1 = _agg_call()(xs, srcb, dstb, zeros_agg)[:, :_N]

    rd = 400
    gridd = (_N // rd,)
    hsa, hsb = pl.pallas_call(
        _layer1_body,
        grid=gridd,
        in_specs=[_row_spec(rd, _CIN), _row_spec(rd, _CIN),
                  _row_spec(rd, _CIN), _row_spec(rd, 1),
                  _full_spec((_CIN, 2 * _CIN)), _full_spec((1, 2 * _CIN))],
        out_specs=[_row_spec(rd, _CIN), _row_spec(rd, _CIN)],
        out_shape=[jax.ShapeDtypeStruct((_N, _CIN), f32),
                   jax.ShapeDtypeStruct((_N, _CIN), f32)],
    )(a1[0], a1[1], xs, dinv, W1, b1.reshape(1, -1))

    a2a = _agg_call()(hsa, srcb, dstb, zeros_agg)[:, :_N]
    a2b = _agg_call()(hsb, srcb, dstb, zeros_agg)[:, :_N]

    nblk = _N // rd
    bi = jnp.arange(nblk, dtype=jnp.int32)
    bat32 = batch.astype(jnp.int32)
    gl = jnp.stack([bat32[bi * rd], bat32[(bi + 1) * rd - 1]])
    pooled = pl.pallas_call(
        _layer2_pool_body,
        grid_spec=pltpu.PrefetchScalarGridSpec(
            num_scalar_prefetch=1,
            grid=gridd,
            in_specs=[_row_spec(rd, _CIN), _row_spec(rd, _CIN),
                      _row_spec(rd, _CIN), _row_spec(rd, _CIN),
                      _row_spec(rd, _CIN), _row_spec(rd, _CIN),
                      _row_spec(rd, 1), _row_spec(rd, 1),
                      _full_spec((2 * _CIN, 4 * _CIN)),
                      _full_spec((1, 4 * _CIN))],
            out_specs=_full_spec((_G, 4 * _CIN)),
        ),
        out_shape=jax.ShapeDtypeStruct((_G, 4 * _CIN), f32),
    )(gl, a2a[0], a2a[1], a2b[0], a2b[1], hsa, hsb, dinv,
      bat32.reshape(_N, 1), W2, b2.reshape(1, -1))

    out = pl.pallas_call(
        _head_body,
        grid=(1,),
        in_specs=[_full_spec((_G, 4 * _CIN)),
                  _full_spec((4 * _CIN, 32)), _full_spec((1, 32)),
                  _full_spec((1, 32)), _full_spec((1, 32)),
                  _full_spec((32, 64)), _full_spec((1, 64)),
                  _full_spec((1, 64)), _full_spec((1, 64)),
                  _full_spec((64, 40)), _full_spec((1, 40))],
        out_specs=_full_spec((_G, 40)),
        out_shape=jax.ShapeDtypeStruct((_G, 40), f32),
    )(pooled, M1W, M1b.reshape(1, -1), BN1g.reshape(1, -1),
      BN1b.reshape(1, -1), M2W, M2b.reshape(1, -1), BN2g.reshape(1, -1),
      BN2b.reshape(1, -1), LW, Lb.reshape(1, -1))
    return out

# --- scband reference (transcript-rebuilt; emitter-appended) ---
"""Pipeline reference for scband-gcn-9552007266308 (READ-ONLY COPY).

The authoritative reference and input builder live on the scoring server;
editing this copy changes nothing except your own understanding.
"""

import jax, jax.numpy as jnp
import numpy as np

N = 10000
E = 320000
G = 64
C_IN = 128
C_OUT = 40


def setup_inputs(seed: int = 0) -> dict:
    key = jax.random.key(seed)
    ks = jax.random.split(key, 20)
    inp = {}
    inp["x"] = jax.random.normal(ks[0], (N, C_IN), dtype=jnp.float32)
    inp["edge_index"] = jax.random.randint(ks[1], (2, E), 0, N, dtype=jnp.int32)
    inp["batch"] = jnp.sort(jax.random.randint(ks[2], (N,), 0, G, dtype=jnp.int32))
    s = 0.05
    inp["W1"] = jax.random.normal(ks[3], (C_IN, C_IN * 2), dtype=jnp.float32) * s
    inp["b1"] = jnp.zeros((C_IN * 2,), dtype=jnp.float32)
    inp["W2"] = jax.random.normal(ks[4], (C_IN * 2, C_IN * 4), dtype=jnp.float32) * s
    inp["b2"] = jnp.zeros((C_IN * 4,), dtype=jnp.float32)
    inp["M1W"] = jax.random.normal(ks[5], (C_IN * 4, 32), dtype=jnp.float32) * s
    inp["M1b"] = jnp.zeros((32,), dtype=jnp.float32)
    inp["BN1g"] = jnp.ones((32,), dtype=jnp.float32)
    inp["BN1b"] = jnp.zeros((32,), dtype=jnp.float32)
    inp["M2W"] = jax.random.normal(ks[6], (32, 64), dtype=jnp.float32) * s
    inp["M2b"] = jnp.zeros((64,), dtype=jnp.float32)
    inp["BN2g"] = jnp.ones((64,), dtype=jnp.float32)
    inp["BN2b"] = jnp.zeros((64,), dtype=jnp.float32)
    inp["LW"] = jax.random.normal(ks[7], (64, C_OUT), dtype=jnp.float32) * s
    inp["Lb"] = jnp.zeros((C_OUT,), dtype=jnp.float32)
    return inp


def _gcn_conv(x, edge_index, W, b, num_nodes):
    # PyG GCNConv: x' = D^{-1/2} (A + I) D^{-1/2} (x W) + b
    h = x @ W
    loop = jnp.arange(num_nodes, dtype=edge_index.dtype)
    src = jnp.concatenate([edge_index[0], loop])
    dst = jnp.concatenate([edge_index[1], loop])
    deg = jnp.zeros((num_nodes,), dtype=h.dtype).at[dst].add(1.0)
    dinv = jax.lax.rsqrt(jnp.maximum(deg, 1.0))
    norm = dinv[src] * dinv[dst]
    msg = h[src] * norm[:, None]
    out = jnp.zeros((num_nodes, h.shape[1]), dtype=h.dtype).at[dst].add(msg)
    return out + b


def _bn(x, g, b, eps=1e-5):
    m = jnp.mean(x, axis=0)
    v = jnp.var(x, axis=0)
    return g * (x - m) / jnp.sqrt(v + eps) + b


def reference(x, edge_index, batch, W1, b1, W2, b2, M1W, M1b, BN1g, BN1b, M2W, M2b, BN2g, BN2b, LW, Lb):
    h = jax.nn.relu(_gcn_conv(x, edge_index, W1, b1, N))
    h = jax.nn.relu(_gcn_conv(h, edge_index, W2, b2, N))
    pooled = jax.ops.segment_max(h, batch, num_segments=G)
    pooled = jnp.where(jnp.isfinite(pooled), pooled, 0.0)
    z = _bn(jax.nn.relu(pooled @ M1W + M1b), BN1g, BN1b)
    # Dropout(0.5) in eval mode -> identity
    z = _bn(jax.nn.relu(z @ M2W + M2b), BN2g, BN2b)
    z = z @ LW + Lb
    return jax.nn.log_softmax(z, axis=1)

if __name__ == "__main__":
    import jax
    _d = setup_inputs()
    print(jax.jit(kernel)(*tuple(_d.values())))

</pallas_src>

<mosaic_0001>
#map = affine_map<(d0, d1) -> (0, 0)>
#map1 = affine_map<(d0, d1) -> (0, 0, 0)>
module attributes {stable_mosaic.version = 14 : i64} {
  func.func @_deg_body(%arg0: i32, %arg1: i32, %arg2: memref<2560x128xi32, #tpu.memory_space<hbm>>, %arg3: memref<640x128xf32, #tpu.memory_space<hbm>>, %arg4: memref<128x128xf32, #tpu.memory_space<hbm>>, %arg5: memref<2x10240x128xf32, #tpu.memory_space<hbm>>, %arg6: memref<128x128xf32, #tpu.memory_space<vmem>>, %arg7: memref<80x128xi32, #tpu.memory_space<vmem>>, %arg8: memref<!tpu.dma_semaphore, #tpu.memory_space<semaphore_mem>>, %arg9: memref<10240x128xf32, #tpu.memory_space<vmem_shared>>) attributes {dimension_semantics = [#tpu.dimension_semantics<core_parallel>, #tpu.dimension_semantics<subcore_parallel>], iteration_bounds = array<i64: 2, 16>, scalar_prefetch = 0 : i64, scratch_operands = 4 : i64, tpu.core_type = #tpu.core_type<sc_vector_subcore>, window_params = [{transform_indices = #map}, {transform_indices = #map}, {transform_indices = #map}, {transform_indices = #map1}]} {
    %mul3A = arith.constant 16 : i32
    %mul3A_0 = arith.muli %arg0, %mul3A : i32
    %add3A = arith.addi %mul3A_0, %arg1 : i32
    %mul3A_1 = arith.constant 640 : i32
    %mul3A_2 = arith.muli %arg1, %mul3A_1 : i32
    "tpu.region"() ({
      %run_scoped3A = tpu.sem_alloc : memref<!tpu.dma_semaphore, #tpu.memory_space<semaphore_mem>>
      %dma_start3A = arith.constant 0 : i32
      %dma_start3A_15 = tpu.memref_slice %arg9[%mul3A_2, %dma_start3A] : memref<10240x128xf32, #tpu.memory_space<vmem_shared>> -> memref<640x128xf32, #tpu.memory_space<vmem_shared>>
      tpu.enqueue_dma source(%arg3 : memref<640x128xf32, #tpu.memory_space<hbm>>) target(%dma_start3A_15 : memref<640x128xf32, #tpu.memory_space<vmem_shared>>) target_semaphore(%run_scoped3A : memref<!tpu.dma_semaphore, #tpu.memory_space<semaphore_mem>>)
      %dma_wait3A = arith.constant 0 : i32
      %dma_wait3A_16 = tpu.memref_slice %arg9[%mul3A_2, %dma_wait3A] : memref<10240x128xf32, #tpu.memory_space<vmem_shared>> -> memref<640x128xf32, #tpu.memory_space<vmem_shared>>
      tpu.wait_dma2 semaphore(%run_scoped3A : memref<!tpu.dma_semaphore, #tpu.memory_space<semaphore_mem>>) src(%arg3 : memref<640x128xf32, #tpu.memory_space<hbm>>) dst(%dma_wait3A_16 : memref<640x128xf32, #tpu.memory_space<vmem_shared>>)
      tpu.yield
    }) : () -> ()
    "tpu.region"() ({
      %run_scoped3A = tpu.sem_alloc : memref<!tpu.dma_semaphore, #tpu.memory_space<semaphore_mem>>
      tpu.enqueue_dma source(%arg4 : memref<128x128xf32, #tpu.memory_space<hbm>>) target(%arg6 : memref<128x128xf32, #tpu.memory_space<vmem>>) target_semaphore(%run_scoped3A : memref<!tpu.dma_semaphore, #tpu.memory_space<semaphore_mem>>)
      tpu.wait_dma2 semaphore(%run_scoped3A : memref<!tpu.dma_semaphore, #tpu.memory_space<semaphore_mem>>) src(%arg4 : memref<128x128xf32, #tpu.memory_space<hbm>>) dst(%arg6 : memref<128x128xf32, #tpu.memory_space<vmem>>)
      tpu.yield
    }) : () -> ()
    %mul3A_3 = arith.constant 80 : i32
    %mul3A_4 = arith.muli %add3A, %mul3A_3 : i32
    "tpu.region"() ({
      %run_scoped3A = tpu.sem_alloc : memref<!tpu.dma_semaphore, #tpu.memory_space<semaphore_mem>>
      %dma_start3A = arith.constant 0 : i32
      %dma_start3A_15 = tpu.memref_slice %arg2[%mul3A_4, %dma_start3A] : memref<2560x128xi32, #tpu.memory_space<hbm>> -> memref<80x128xi32, #tpu.memory_space<hbm>>
      %dma_start3A_16 = arith.constant 0 : i32
      %dma_start3A_17 = tpu.memref_slice %arg2[%mul3A_4, %dma_start3A_16] : memref<2560x128xi32, #tpu.memory_space<hbm>> -> memref<80x128xi32, #tpu.memory_space<hbm>>
      tpu.enqueue_dma source(%dma_start3A_17 : memref<80x128xi32, #tpu.memory_space<hbm>>) target(%arg7 : memref<80x128xi32, #tpu.memory_space<vmem>>) target_semaphore(%run_scoped3A : memref<!tpu.dma_semaphore, #tpu.memory_space<semaphore_mem>>)
      %dma_wait3A = arith.constant 0 : i32
      %dma_wait3A_18 = tpu.memref_slice %arg2[%mul3A_4, %dma_wait3A] : memref<2560x128xi32, #tpu.memory_space<hbm>> -> memref<80x128xi32, #tpu.memory_space<hbm>>
      %dma_wait3A_19 = arith.constant 0 : i32
      %dma_wait3A_20 = tpu.memref_slice %arg2[%mul3A_4, %dma_wait3A_19] : memref<2560x128xi32, #tpu.memory_space<hbm>> -> memref<80x128xi32, #tpu.memory_space<hbm>>
      tpu.wait_dma2 semaphore(%run_scoped3A : memref<!tpu.dma_semaphore, #tpu.memory_space<semaphore_mem>>) src(%dma_wait3A_20 : memref<80x128xi32, #tpu.memory_space<hbm>>) dst(%arg7 : memref<80x128xi32, #tpu.memory_space<vmem>>)
      tpu.yield
    }) : () -> ()
    %barrier3A = arith.constant 0 : index
    tpu.barrier barrier_id(%barrier3A)
    %scan3A = arith.constant 0 : i32
    %scan3A_5 = arith.constant 0 : i32
    %scan3A_6 = arith.constant 80 : i32
    %scan3A_7 = arith.addi %scan3A_5, %scan3A_6 : i32
    %scan3A_8 = arith.constant 1 : i32
    scf.for %scan3A_15 = %scan3A_5 to %scan3A_7 step %scan3A_8  : i32 {
      "tpu.region"() ({
        %run_scoped3A = tpu.sem_alloc : memref<!tpu.dma_semaphore, #tpu.memory_space<semaphore_mem>>
        %dma_start3A = arith.constant 0 : i32
        %dma_start3A_16 = tpu.memref_slice %arg7[%scan3A_15, %dma_start3A] : memref<80x128xi32, #tpu.memory_space<vmem>> -> memref<1x128xi32, #tpu.memory_space<vmem>>
        %dma_start3A_17 = tpu.memref_squeeze %dma_start3A_16 : memref<1x128xi32, #tpu.memory_space<vmem>> -> memref<128xi32, #tpu.memory_space<vmem>>
        %dma_start3A_18 = arith.constant 0 : i32
        %dma_start3A_19 = arith.constant 0 : i32
        %dma_start3A_20 = tpu.memref_slice %arg9[%dma_start3A_18, %dma_start3A_19] : memref<10240x128xf32, #tpu.memory_space<vmem_shared>> -> memref<10240x128xf32, #tpu.memory_space<vmem_shared>>
        tpu.enqueue_indirect_dma source(%arg6 : memref<128x128xf32, #tpu.memory_space<vmem>>) target(%dma_start3A_20 : memref<10240x128xf32, #tpu.memory_space<vmem_shared>>) offsets(%dma_start3A_17 : memref<128xi32, #tpu.memory_space<vmem>>) semaphore(%run_scoped3A : memref<!tpu.dma_semaphore, #tpu.memory_space<semaphore_mem>>) {add = true}
        %dma_wait3A = arith.constant 0 : i32
        %dma_wait3A_21 = tpu.memref_slice %arg7[%scan3A_15, %dma_wait3A] : memref<80x128xi32, #tpu.memory_space<vmem>> -> memref<1x128xi32, #tpu.memory_space<vmem>>
        %dma_wait3A_22 = tpu.memref_squeeze %dma_wait3A_21 : memref<1x128xi32, #tpu.memory_space<vmem>> -> memref<128xi32, #tpu.memory_space<vmem>>
        %dma_wait3A_23 = arith.constant 0 : i32
        %dma_wait3A_24 = arith.constant 0 : i32
        %dma_wait3A_25 = tpu.memref_slice %arg9[%dma_wait3A_23, %dma_wait3A_24] : memref<10240x128xf32, #tpu.memory_space<vmem_shared>> -> memref<10240x128xf32, #tpu.memory_space<vmem_shared>>
        tpu.wait_indirect_dma semaphore(%run_scoped3A : memref<!tpu.dma_semaphore, #tpu.memory_space<semaphore_mem>>) src(%arg6 : memref<128x128xf32, #tpu.memory_space<vmem>>) dst(%dma_wait3A_25 : memref<10240x128xf32, #tpu.memory_space<vmem_shared>>)
        tpu.yield
      }) : () -> ()
    }
    %scan3A_9 = arith.constant 80 : i32
    %barrier3A_10 = arith.constant 0 : index
    tpu.barrier barrier_id(%barrier3A_10)
    %mul3A_11 = arith.constant 640 : i32
    %mul3A_12 = arith.muli %arg1, %mul3A_11 : i32
    %mul3A_13 = arith.constant 640 : i32
    %mul3A_14 = arith.muli %arg1, %mul3A_13 : i32
    "tpu.region"() ({
      %run_scoped3A = tpu.sem_alloc : memref<!tpu.dma_semaphore, #tpu.memory_space<semaphore_mem>>
      %dma_start3A = arith.constant 0 : i32
      %dma_start3A_15 = tpu.memref_slice %arg5[%arg0, %mul3A_14, %dma_start3A] : memref<2x10240x128xf32, #tpu.memory_space<hbm>> -> memref<1x640x128xf32, #tpu.memory_space<hbm>>
      %dma_start3A_16 = tpu.memref_squeeze %dma_start3A_15 : memref<1x640x128xf32, #tpu.memory_space<hbm>> -> memref<640x128xf32, #tpu.memory_space<hbm>>
      %dma_start3A_17 = arith.constant 0 : i32
      %dma_start3A_18 = tpu.memref_slice %arg9[%mul3A_12, %dma_start3A_17] : memref<10240x128xf32, #tpu.memory_space<vmem_shared>> -> memref<640x128xf32, #tpu.memory_space<vmem_shared>>
      tpu.enqueue_dma source(%dma_start3A_18 : memref<640x128xf32, #tpu.memory_space<vmem_shared>>) target(%dma_start3A_16 : memref<640x128xf32, #tpu.memory_space<hbm>>) target_semaphore(%run_scoped3A : memref<!tpu.dma_semaphore, #tpu.memory_space<semaphore_mem>>)
      %dma_wait3A = arith.constant 0 : i32
      %dma_wait3A_19 = tpu.memref_slice %arg5[%arg0, %mul3A_14, %dma_wait3A] : memref<2x10240x128xf32, #tpu.memory_space<hbm>> -> memref<1x640x128xf32, #tpu.memory_space<hbm>>
      %dma_wait3A_20 = tpu.memref_squeeze %dma_wait3A_19 : memref<1x640x128xf32, #tpu.memory_space<hbm>> -> memref<640x128xf32, #tpu.memory_space<hbm>>
      %dma_wait3A_21 = arith.constant 0 : i32
      %dma_wait3A_22 = tpu.memref_slice %arg9[%mul3A_12, %dma_wait3A_21] : memref<10240x128xf32, #tpu.memory_space<vmem_shared>> -> memref<640x128xf32, #tpu.memory_space<vmem_shared>>
      tpu.wait_dma2 semaphore(%run_scoped3A : memref<!tpu.dma_semaphore, #tpu.memory_space<semaphore_mem>>) src(%dma_wait3A_22 : memref<640x128xf32, #tpu.memory_space<vmem_shared>>) dst(%dma_wait3A_20 : memref<640x128xf32, #tpu.memory_space<hbm>>)
      tpu.yield
    }) : () -> ()
    return
  }
}

#map = affine_map<(d0, d1) -> (0, 0)>
#map1 = affine_map<(d0, d1) -> (0, 0, 0)>
module attributes {stable_mosaic.version = 14 : i64} {
  func.func @_agg_body(%arg0: i32, %arg1: i32, %arg2: memref<10000x128xf32, #tpu.memory_space<hbm>>, %arg3: memref<2560x128xi32, #tpu.memory_space<hbm>>, %arg4: memref<2560x128xi32, #tpu.memory_space<hbm>>, %arg5: memref<640x128xf32, #tpu.memory_space<hbm>>, %arg6: memref<2x10240x128xf32, #tpu.memory_space<hbm>>, %arg7: memref<8x128xi32, #tpu.memory_space<vmem>>, %arg8: memref<8x128xi32, #tpu.memory_space<vmem>>, %arg9: memref<8x128xi32, #tpu.memory_space<vmem>>, %arg10: memref<8x128xi32, #tpu.memory_space<vmem>>, %arg11: memref<128x128xf32, #tpu.memory_space<vmem>>, %arg12: memref<128x128xf32, #tpu.memory_space<vmem>>, %arg13: memref<!tpu.dma_semaphore, #tpu.memory_space<semaphore_mem>>, %arg14: memref<!tpu.dma_semaphore, #tpu.memory_space<semaphore_mem>>, %arg15: memref<!tpu.dma_semaphore, #tpu.memory_space<semaphore_mem>>, %arg16: memref<!tpu.dma_semaphore, #tpu.memory_space<semaphore_mem>>, %arg17: memref<10240x128xf32, #tpu.memory_space<vmem_shared>>) attributes {dimension_semantics = [#tpu.dimension_semantics<core_parallel>, #tpu.dimension_semantics<subcore_parallel>], iteration_bounds = array<i64: 2, 16>, scalar_prefetch = 0 : i64, scratch_operands = 11 : i64, tpu.core_type = #tpu.core_type<sc_vector_subcore>, window_params = [{transform_indices = #map}, {transform_indices = #map}, {transform_indices = #map}, {transform_indices = #map}, {transform_indices = #map1}]} {
    %eq3A = arith.constant 0 : i32
    %eq3A_0 = arith.cmpi eq, %arg0, %eq3A : i32
    %mul3A = arith.constant 136 : i32
    %mul3A_1 = arith.muli %arg1, %mul3A : i32
    %mul3A_2 = arith.constant 24 : i32
    %mul3A_3 = arith.muli %arg1, %mul3A_2 : i32
    %add3A = arith.constant 2176 : i32
    %add3A_4 = arith.addi %add3A, %mul3A_3 : i32
    %select_n3A = arith.select %eq3A_0, %mul3A_1, %add3A_4 : i32
    %eq3A_5 = arith.constant 0 : i32
    %eq3A_6 = arith.cmpi eq, %arg0, %eq3A_5 : i32
    %select_n3A_7 = arith.constant 3 : i32
    %select_n3A_8 = arith.constant 17 : i32
    %select_n3A_9 = arith.select %eq3A_6, %select_n3A_8, %select_n3A_7 : i32
    %mul3A_10 = arith.constant 640 : i32
    %mul3A_11 = arith.muli %arg1, %mul3A_10 : i32
    "tpu.region"() ({
      %run_scoped3A = tpu.sem_alloc : memref<!tpu.dma_semaphore, #tpu.memory_space<semaphore_mem>>
      %dma_start3A = arith.constant 0 : i32
      %dma_start3A_24 = tpu.memref_slice %arg17[%mul3A_11, %dma_start3A] : memref<10240x128xf32, #tpu.memory_space<vmem_shared>> -> memref<640x128xf32, #tpu.memory_space<vmem_shared>>
      tpu.enqueue_dma source(%arg5 : memref<640x128xf32, #tpu.memory_space<hbm>>) target(%dma_start3A_24 : memref<640x128xf32, #tpu.memory_space<vmem_shared>>) target_semaphore(%run_scoped3A : memref<!tpu.dma_semaphore, #tpu.memory_space<semaphore_mem>>)
      %dma_wait3A = arith.constant 0 : i32
      %dma_wait3A_25 = tpu.memref_slice %arg17[%mul3A_11, %dma_wait3A] : memref<10240x128xf32, #tpu.memory_space<vmem_shared>> -> memref<640x128xf32, #tpu.memory_space<vmem_shared>>
      tpu.wait_dma2 semaphore(%run_scoped3A : memref<!tpu.dma_semaphore, #tpu.memory_space<semaphore_mem>>) src(%arg5 : memref<640x128xf32, #tpu.memory_space<hbm>>) dst(%dma_wait3A_25 : memref<640x128xf32, #tpu.memory_space<vmem_shared>>)
      tpu.yield
    }) : () -> ()
    %barrier3A = arith.constant 0 : index
    tpu.barrier barrier_id(%barrier3A)
    %gt3A = arith.constant 0 : i32
    %gt3A_12 = arith.cmpi sgt, %select_n3A_9, %gt3A : i32
    %convert_element_type3A = arith.extui %gt3A_12 : i1 to i32
    %cond3A = arith.constant 0 : i32
    %cond3A_13 = arith.cmpi ne, %convert_element_type3A, %cond3A : i32
    scf.if %cond3A_13 {
      %add3A_24 = arith.constant 0 : i32
      %add3A_25 = arith.addi %select_n3A, %add3A_24 : i32
      %dma_start3A = arith.constant 0 : i32
      %dma_start3A_26 = tpu.memref_slice %arg3[%add3A_25, %dma_start3A] : memref<2560x128xi32, #tpu.memory_space<hbm>> -> memref<8x128xi32, #tpu.memory_space<hbm>>
      %dma_start3A_27 = arith.constant 0 : i32
      %dma_start3A_28 = tpu.memref_slice %arg3[%add3A_25, %dma_start3A_27] : memref<2560x128xi32, #tpu.memory_space<hbm>> -> memref<8x128xi32, #tpu.memory_space<hbm>>
      tpu.enqueue_dma source(%dma_start3A_28 : memref<8x128xi32, #tpu.memory_space<hbm>>) target(%arg7 : memref<8x128xi32, #tpu.memory_space<vmem>>) target_semaphore(%arg13 : memref<!tpu.dma_semaphore, #tpu.memory_space<semaphore_mem>>)
      %add3A_29 = arith.constant 0 : i32
      %add3A_30 = arith.addi %select_n3A, %add3A_29 : i32
      %dma_start3A_31 = arith.constant 0 : i32
      %dma_start3A_32 = tpu.memref_slice %arg4[%add3A_30, %dma_start3A_31] : memref<2560x128xi32, #tpu.memory_space<hbm>> -> memref<8x128xi32, #tpu.memory_space<hbm>>
      %dma_start3A_33 = arith.constant 0 : i32
      %dma_start3A_34 = tpu.memref_slice %arg4[%add3A_30, %dma_start3A_33] : memref<2560x128xi32, #tpu.memory_space<hbm>> -> memref<8x128xi32, #tpu.memory_space<hbm>>
      tpu.enqueue_dma source(%dma_start3A_34 : memref<8x128xi32, #tpu.memory_space<hbm>>) target(%arg9 : memref<8x128xi32, #tpu.memory_space<vmem>>) target_semaphore(%arg13 : memref<!tpu.dma_semaphore, #tpu.memory_space<semaphore_mem>>)
    } else {
    }
    %scan3A = arith.constant 0 : i32
    %scan3A_14 = arith.constant 0 : i32
    %scan3A_15 = arith.constant 17 : i32
    %scan3A_16 = arith.addi %scan3A_14, %scan3A_15 : i32
    %scan3A_17 = arith.constant 1 : i32
    scf.for %scan3A_24 = %scan3A_14 to %scan3A_16 step %scan3A_17  : i32 {
      %rem3A = arith.constant 2 : i32
      %rem3A_25 = arith.remsi %scan3A_24, %rem3A : i32
      %eq3A_26 = arith.constant 0 : i32
      %eq3A_27 = arith.cmpi eq, %rem3A_25, %eq3A_26 : i32
      %lt3A = arith.cmpi slt, %scan3A_24, %select_n3A_9 : i32
      %and3A = arith.andi %eq3A_27, %lt3A : i1
      %convert_element_type3A_28 = arith.extui %and3A : i1 to i32
      %cond3A_29 = arith.constant 0 : i32
      %cond3A_30 = arith.cmpi ne, %convert_element_type3A_28, %cond3A_29 : i32
      scf.if %cond3A_30 {
        %dma_wait3A = arith.constant 0 : i32
        %dma_wait3A_38 = arith.constant 0 : i32
        %dma_wait3A_39 = tpu.memref_slice %arg3[%dma_wait3A, %dma_wait3A_38] : memref<2560x128xi32, #tpu.memory_space<hbm>> -> memref<8x128xi32, #tpu.memory_space<hbm>>
        %dma_wait3A_40 = arith.constant 0 : i32
        %dma_wait3A_41 = arith.constant 0 : i32
        %dma_wait3A_42 = tpu.memref_slice %arg3[%dma_wait3A_40, %dma_wait3A_41] : memref<2560x128xi32, #tpu.memory_space<hbm>> -> memref<8x128xi32, #tpu.memory_space<hbm>>
        tpu.wait_dma2 semaphore(%arg13 : memref<!tpu.dma_semaphore, #tpu.memory_space<semaphore_mem>>) src(%dma_wait3A_42 : memref<8x128xi32, #tpu.memory_space<hbm>>) dst(%arg7 : memref<8x128xi32, #tpu.memory_space<vmem>>)
        %dma_wait3A_43 = arith.constant 0 : i32
        %dma_wait3A_44 = arith.constant 0 : i32
        %dma_wait3A_45 = tpu.memref_slice %arg3[%dma_wait3A_43, %dma_wait3A_44] : memref<2560x128xi32, #tpu.memory_space<hbm>> -> memref<8x128xi32, #tpu.memory_space<hbm>>
        %dma_wait3A_46 = arith.constant 0 : i32
        %dma_wait3A_47 = arith.constant 0 : i32
        %dma_wait3A_48 = tpu.memref_slice %arg3[%dma_wait3A_46, %dma_wait3A_47] : memref<2560x128xi32, #tpu.memory_space<hbm>> -> memref<8x128xi32, #tpu.memory_space<hbm>>
        tpu.wait_dma2 semaphore(%arg13 : memref<!tpu.dma_semaphore, #tpu.memory_space<semaphore_mem>>) src(%dma_wait3A_48 : memref<8x128xi32, #tpu.memory_space<hbm>>) dst(%arg9 : memref<8x128xi32, #tpu.memory_space<vmem>>)
        %add3A_49 = arith.constant 1 : i32
        %add3A_50 = arith.addi %scan3A_24, %add3A_49 : i32
        %lt3A_51 = arith.cmpi slt, %add3A_50, %select_n3A_9 : i32
        %convert_element_type3A_52 = arith.extui %lt3A_51 : i1 to i32
        %cond3A_53 = arith.constant 0 : i32
        %cond3A_54 = arith.cmpi ne, %convert_element_type3A_52, %cond3A_53 : i32
        scf.if %cond3A_54 {
          %add3A_185 = arith.constant 1 : i32
          %add3A_186 = arith.addi %scan3A_24, %add3A_185 : i32
          %mul3A_187 = arith.constant 8 : i32
          %mul3A_188 = arith.muli %add3A_186, %mul3A_187 : i32
          %add3A_189 = arith.addi %select_n3A, %mul3A_188 : i32
          %dma_start3A_190 = arith.constant 0 : i32
          %dma_start3A_191 = tpu.memref_slice %arg3[%add3A_189, %dma_start3A_190] : memref<2560x128xi32, #tpu.memory_space<hbm>> -> memref<8x128xi32, #tpu.memory_space<hbm>>
          %dma_start3A_192 = arith.constant 0 : i32
          %dma_start3A_193 = tpu.memref_slice %arg3[%add3A_189, %dma_start3A_192] : memref<2560x128xi32, #tpu.memory_space<hbm>> -> memref<8x128xi32, #tpu.memory_space<hbm>>
          tpu.enqueue_dma source(%dma_start3A_193 : memref<8x128xi32, #tpu.memory_space<hbm>>) target(%arg8 : memref<8x128xi32, #tpu.memory_space<vmem>>) target_semaphore(%arg14 : memref<!tpu.dma_semaphore, #tpu.memory_space<semaphore_mem>>)
          %mul3A_194 = arith.constant 8 : i32
          %mul3A_195 = arith.muli %add3A_186, %mul3A_194 : i32
          %add3A_196 = arith.addi %select_n3A, %mul3A_195 : i32
          %dma_start3A_197 = arith.constant 0 : i32
          %dma_start3A_198 = tpu.memref_slice %arg4[%add3A_196, %dma_start3A_197] : memref<2560x128xi32, #tpu.memory_space<hbm>> -> memref<8x128xi32, #tpu.memory_space<hbm>>
          %dma_start3A_199 = arith.constant 0 : i32
          %dma_start3A_200 = tpu.memref_slice %arg4[%add3A_196, %dma_start3A_199] : memref<2560x128xi32, #tpu.memory_space<hbm>> -> memref<8x128xi32, #tpu.memory_space<hbm>>
          tpu.enqueue_dma source(%dma_start3A_200 : memref<8x128xi32, #tpu.memory_space<hbm>>) target(%arg10 : memref<8x128xi32, #tpu.memory_space<vmem>>) target_semaphore(%arg14 : memref<!tpu.dma_semaphore, #tpu.memory_space<semaphore_mem>>)
        } else {
        }
        %dma_start3A = arith.constant 0 : i32
        %dma_start3A_55 = arith.constant 0 : i32
        %dma_start3A_56 = tpu.memref_slice %arg7[%dma_start3A, %dma_start3A_55] : memref<8x128xi32, #tpu.memory_space<vmem>> -> memref<1x128xi32, #tpu.memory_space<vmem>>
        %dma_start3A_57 = tpu.memref_squeeze %dma_start3A_56 : memref<1x128xi32, #tpu.memory_space<vmem>> -> memref<128xi32, #tpu.memory_space<vmem>>
        %dma_start3A_58 = arith.constant 0 : i32
        %dma_start3A_59 = arith.constant 0 : i32
        %dma_start3A_60 = tpu.memref_slice %arg2[%dma_start3A_58, %dma_start3A_59] : memref<10000x128xf32, #tpu.memory_space<hbm>> -> memref<10000x128xf32, #tpu.memory_space<hbm>>
        tpu.enqueue_indirect_dma source(%dma_start3A_60 : memref<10000x128xf32, #tpu.memory_space<hbm>>) target(%arg11 : memref<128x128xf32, #tpu.memory_space<vmem>>) offsets(%dma_start3A_57 : memref<128xi32, #tpu.memory_space<vmem>>) semaphore(%arg15 : memref<!tpu.dma_semaphore, #tpu.memory_space<semaphore_mem>>)
        %dma_wait3A_61 = arith.constant 0 : i32
        %dma_wait3A_62 = arith.constant 0 : i32
        %dma_wait3A_63 = tpu.memref_slice %arg2[%dma_wait3A_61, %dma_wait3A_62] : memref<10000x128xf32, #tpu.memory_space<hbm>> -> memref<128x128xf32, #tpu.memory_space<hbm>>
        %dma_wait3A_64 = arith.constant 0 : i32
        %dma_wait3A_65 = arith.constant 0 : i32
        %dma_wait3A_66 = tpu.memref_slice %arg2[%dma_wait3A_64, %dma_wait3A_65] : memref<10000x128xf32, #tpu.memory_space<hbm>> -> memref<128x128xf32, #tpu.memory_space<hbm>>
        tpu.wait_dma2 semaphore(%arg15 : memref<!tpu.dma_semaphore, #tpu.memory_space<semaphore_mem>>) src(%dma_wait3A_66 : memref<128x128xf32, #tpu.memory_space<hbm>>) dst(%arg11 : memref<128x128xf32, #tpu.memory_space<vmem>>)
        %eq3A_67 = arith.constant 0 : i32
        %eq3A_68 = arith.cmpi eq, %arg0, %eq3A_67 : i32
        %convert_element_type3A_69 = arith.extui %eq3A_68 : i1 to i32
        %cond3A_70 = arith.constant 0 : i32
        %cond3A_71 = arith.cmpi ne, %convert_element_type3A_69, %cond3A_70 : i32
        scf.if %cond3A_71 {
          %dma_start3A_185 = arith.constant 1 : i32
          %dma_start3A_186 = arith.constant 0 : i32
          %dma_start3A_187 = tpu.memref_slice %arg7[%dma_start3A_185, %dma_start3A_186] : memref<8x128xi32, #tpu.memory_space<vmem>> -> memref<1x128xi32, #tpu.memory_space<vmem>>
          %dma_start3A_188 = tpu.memref_squeeze %dma_start3A_187 : memref<1x128xi32, #tpu.memory_space<vmem>> -> memref<128xi32, #tpu.memory_space<vmem>>
          %dma_start3A_189 = arith.constant 0 : i32
          %dma_start3A_190 = arith.constant 0 : i32
          %dma_start3A_191 = tpu.memref_slice %arg2[%dma_start3A_189, %dma_start3A_190] : memref<10000x128xf32, #tpu.memory_space<hbm>> -> memref<10000x128xf32, #tpu.memory_space<hbm>>
          tpu.enqueue_indirect_dma source(%dma_start3A_191 : memref<10000x128xf32, #tpu.memory_space<hbm>>) target(%arg12 : memref<128x128xf32, #tpu.memory_space<vmem>>) offsets(%dma_start3A_188 : memref<128xi32, #tpu.memory_space<vmem>>) semaphore(%arg16 : memref<!tpu.dma_semaphore, #tpu.memory_space<semaphore_mem>>)
        } else {
        }
        %run_scoped3A = arith.constant 0 : i32
        "tpu.region"() ({
          %run_scoped3A_185 = tpu.sem_alloc : memref<!tpu.dma_semaphore, #tpu.memory_space<semaphore_mem>>
          %dma_start3A_186 = arith.constant 0 : i32
          %dma_start3A_187 = tpu.memref_slice %arg9[%run_scoped3A, %dma_start3A_186] : memref<8x128xi32, #tpu.memory_space<vmem>> -> memref<1x128xi32, #tpu.memory_space<vmem>>
          %dma_start3A_188 = tpu.memref_squeeze %dma_start3A_187 : memref<1x128xi32, #tpu.memory_space<vmem>> -> memref<128xi32, #tpu.memory_space<vmem>>
          %dma_start3A_189 = arith.constant 0 : i32
          %dma_start3A_190 = arith.constant 0 : i32
          %dma_start3A_191 = tpu.memref_slice %arg17[%dma_start3A_189, %dma_start3A_190] : memref<10240x128xf32, #tpu.memory_space<vmem_shared>> -> memref<10240x128xf32, #tpu.memory_space<vmem_shared>>
          tpu.enqueue_indirect_dma source(%arg11 : memref<128x128xf32, #tpu.memory_space<vmem>>) target(%dma_start3A_191 : memref<10240x128xf32, #tpu.memory_space<vmem_shared>>) offsets(%dma_start3A_188 : memref<128xi32, #tpu.memory_space<vmem>>) semaphore(%run_scoped3A_185 : memref<!tpu.dma_semaphore, #tpu.memory_space<semaphore_mem>>) {add = true}
          %dma_wait3A_192 = arith.constant 0 : i32
          %dma_wait3A_193 = tpu.memref_slice %arg9[%run_scoped3A, %dma_wait3A_192] : memref<8x128xi32, #tpu.memory_space<vmem>> -> memref<1x128xi32, #tpu.memory_space<vmem>>
          %dma_wait3A_194 = tpu.memref_squeeze %dma_wait3A_193 : memref<1x128xi32, #tpu.memory_space<vmem>> -> memref<128xi32, #tpu.memory_space<vmem>>
          %dma_wait3A_195 = arith.constant 0 : i32
          %dma_wait3A_196 = arith.constant 0 : i32
          %dma_wait3A_197 = tpu.memref_slice %arg17[%dma_wait3A_195, %dma_wait3A_196] : memref<10240x128xf32, #tpu.memory_space<vmem_shared>> -> memref<10240x128xf32, #tpu.memory_space<vmem_shared>>
          tpu.wait_indirect_dma semaphore(%run_scoped3A_185 : memref<!tpu.dma_semaphore, #tpu.memory_space<semaphore_mem>>) src(%arg11 : memref<128x128xf32, #tpu.memory_space<vmem>>) dst(%dma_wait3A_197 : memref<10240x128xf32, #tpu.memory_space<vmem_shared>>)
          tpu.yield
        }) : () -> ()
        %ne3A = arith.constant 0 : i32
        %ne3A_72 = arith.cmpi ne, %arg0, %ne3A : i32
        %convert_element_type3A_73 = arith.extui %ne3A_72 : i1 to i32
        %cond3A_74 = arith.constant 0 : i32
        %cond3A_75 = arith.cmpi ne, %convert_element_type3A_73, %cond3A_74 : i32
        scf.if %cond3A_75 {
          %dma_start3A_185 = arith.constant 1 : i32
          %dma_start3A_186 = arith.constant 0 : i32
          %dma_start3A_187 = tpu.memref_slice %arg7[%dma_start3A_185, %dma_start3A_186] : memref<8x128xi32, #tpu.memory_space<vmem>> -> memref<1x128xi32, #tpu.memory_space<vmem>>
          %dma_start3A_188 = tpu.memref_squeeze %dma_start3A_187 : memref<1x128xi32, #tpu.memory_space<vmem>> -> memref<128xi32, #tpu.memory_space<vmem>>
          %dma_start3A_189 = arith.constant 0 : i32
          %dma_start3A_190 = arith.constant 0 : i32
          %dma_start3A_191 = tpu.memref_slice %arg2[%dma_start3A_189, %dma_start3A_190] : memref<10000x128xf32, #tpu.memory_space<hbm>> -> memref<10000x128xf32, #tpu.memory_space<hbm>>
          tpu.enqueue_indirect_dma source(%dma_start3A_191 : memref<10000x128xf32, #tpu.memory_space<hbm>>) target(%arg12 : memref<128x128xf32, #tpu.memory_space<vmem>>) offsets(%dma_start3A_188 : memref<128xi32, #tpu.memory_space<vmem>>) semaphore(%arg16 : memref<!tpu.dma_semaphore, #tpu.memory_space<semaphore_mem>>)
        } else {
        }
        %dma_wait3A_76 = arith.constant 0 : i32
        %dma_wait3A_77 = arith.constant 0 : i32
        %dma_wait3A_78 = tpu.memref_slice %arg2[%dma_wait3A_76, %dma_wait3A_77] : memref<10000x128xf32, #tpu.memory_space<hbm>> -> memref<128x128xf32, #tpu.memory_space<hbm>>
        %dma_wait3A_79 = arith.constant 0 : i32
        %dma_wait3A_80 = arith.constant 0 : i32
        %dma_wait3A_81 = tpu.memref_slice %arg2[%dma_wait3A_79, %dma_wait3A_80] : memref<10000x128xf32, #tpu.memory_space<hbm>> -> memref<128x128xf32, #tpu.memory_space<hbm>>
        tpu.wait_dma2 semaphore(%arg16 : memref<!tpu.dma_semaphore, #tpu.memory_space<semaphore_mem>>) src(%dma_wait3A_81 : memref<128x128xf32, #tpu.memory_space<hbm>>) dst(%arg12 : memref<128x128xf32, #tpu.memory_space<vmem>>)
        %eq3A_82 = arith.constant 0 : i32
        %eq3A_83 = arith.cmpi eq, %arg0, %eq3A_82 : i32
        %convert_element_type3A_84 = arith.extui %eq3A_83 : i1 to i32
        %cond3A_85 = arith.constant 0 : i32
        %cond3A_86 = arith.cmpi ne, %convert_element_type3A_84, %cond3A_85 : i32
        scf.if %cond3A_86 {
          %dma_start3A_185 = arith.constant 2 : i32
          %dma_start3A_186 = arith.constant 0 : i32
          %dma_start3A_187 = tpu.memref_slice %arg7[%dma_start3A_185, %dma_start3A_186] : memref<8x128xi32, #tpu.memory_space<vmem>> -> memref<1x128xi32, #tpu.memory_space<vmem>>
          %dma_start3A_188 = tpu.memref_squeeze %dma_start3A_187 : memref<1x128xi32, #tpu.memory_space<vmem>> -> memref<128xi32, #tpu.memory_space<vmem>>
          %dma_start3A_189 = arith.constant 0 : i32
          %dma_start3A_190 = arith.constant 0 : i32
          %dma_start3A_191 = tpu.memref_slice %arg2[%dma_start3A_189, %dma_start3A_190] : memref<10000x128xf32, #tpu.memory_space<hbm>> -> memref<10000x128xf32, #tpu.memory_space<hbm>>
          tpu.enqueue_indirect_dma source(%dma_start3A_191 : memref<10000x128xf32, #tpu.memory_space<hbm>>) target(%arg11 : memref<128x128xf32, #tpu.memory_space<vmem>>) offsets(%dma_start3A_188 : memref<128xi32, #tpu.memory_space<vmem>>) semaphore(%arg15 : memref<!tpu.dma_semaphore, #tpu.memory_space<semaphore_mem>>)
        } else {
        }
        %run_scoped3A_87 = arith.constant 1 : i32
        "tpu.region"() ({
          %run_scoped3A_185 = tpu.sem_alloc : memref<!tpu.dma_semaphore, #tpu.memory_space<semaphore_mem>>
          %dma_start3A_186 = arith.constant 0 : i32
          %dma_start3A_187 = tpu.memref_slice %arg9[%run_scoped3A_87, %dma_start3A_186] : memref<8x128xi32, #tpu.memory_space<vmem>> -> memref<1x128xi32, #tpu.memory_space<vmem>>
          %dma_start3A_188 = tpu.memref_squeeze %dma_start3A_187 : memref<1x128xi32, #tpu.memory_space<vmem>> -> memref<128xi32, #tpu.memory_space<vmem>>
          %dma_start3A_189 = arith.constant 0 : i32
          %dma_start3A_190 = arith.constant 0 : i32
          %dma_start3A_191 = tpu.memref_slice %arg17[%dma_start3A_189, %dma_start3A_190] : memref<10240x128xf32, #tpu.memory_space<vmem_shared>> -> memref<10240x128xf32, #tpu.memory_space<vmem_shared>>
          tpu.enqueue_indirect_dma source(%arg12 : memref<128x128xf32, #tpu.memory_space<vmem>>) target(%dma_start3A_191 : memref<10240x128xf32, #tpu.memory_space<vmem_shared>>) offsets(%dma_start3A_188 : memref<128xi32, #tpu.memory_space<vmem>>) semaphore(%run_scoped3A_185 : memref<!tpu.dma_semaphore, #tpu.memory_space<semaphore_mem>>) {add = true}
          %dma_wait3A_192 = arith.constant 0 : i32
          %dma_wait3A_193 = tpu.memref_slice %arg9[%run_scoped3A_87, %dma_wait3A_192] : memref<8x128xi32, #tpu.memory_space<vmem>> -> memref<1x128xi32, #tpu.memory_space<vmem>>
          %dma_wait3A_194 = tpu.memref_squeeze %dma_wait3A_193 : memref<1x128xi32, #tpu.memory_space<vmem>> -> memref<128xi32, #tpu.memory_space<vmem>>
          %dma_wait3A_195 = arith.constant 0 : i32
          %dma_wait3A_196 = arith.constant 0 : i32
          %dma_wait3A_197 = tpu.memref_slice %arg17[%dma_wait3A_195, %dma_wait3A_196] : memref<10240x128xf32, #tpu.memory_space<vmem_shared>> -> memref<10240x128xf32, #tpu.memory_space<vmem_shared>>
          tpu.wait_indirect_dma semaphore(%run_scoped3A_185 : memref<!tpu.dma_semaphore, #tpu.memory_space<semaphore_mem>>) src(%arg12 : memref<128x128xf32, #tpu.memory_space<vmem>>) dst(%dma_wait3A_197 : memref<10240x128xf32, #tpu.memory_space<vmem_shared>>)
          tpu.yield
        }) : () -> ()
        %ne3A_88 = arith.constant 0 : i32
        %ne3A_89 = arith.cmpi ne, %arg0, %ne3A_88 : i32
        %convert_element_type3A_90 = arith.extui %ne3A_89 : i1 to i32
        %cond3A_91 = arith.constant 0 : i32
        %cond3A_92 = arith.cmpi ne, %convert_element_type3A_90, %cond3A_91 : i32
        scf.if %cond3A_92 {
          %dma_start3A_185 = arith.constant 2 : i32
          %dma_start3A_186 = arith.constant 0 : i32
          %dma_start3A_187 = tpu.memref_slice %arg7[%dma_start3A_185, %dma_start3A_186] : memref<8x128xi32, #tpu.memory_space<vmem>> -> memref<1x128xi32, #tpu.memory_space<vmem>>
          %dma_start3A_188 = tpu.memref_squeeze %dma_start3A_187 : memref<1x128xi32, #tpu.memory_space<vmem>> -> memref<128xi32, #tpu.memory_space<vmem>>
          %dma_start3A_189 = arith.constant 0 : i32
          %dma_start3A_190 = arith.constant 0 : i32
          %dma_start3A_191 = tpu.memref_slice %arg2[%dma_start3A_189, %dma_start3A_190] : memref<10000x128xf32, #tpu.memory_space<hbm>> -> memref<10000x128xf32, #tpu.memory_space<hbm>>
          tpu.enqueue_indirect_dma source(%dma_start3A_191 : memref<10000x128xf32, #tpu.memory_space<hbm>>) target(%arg11 : memref<128x128xf32, #tpu.memory_space<vmem>>) offsets(%dma_start3A_188 : memref<128xi32, #tpu.memory_space<vmem>>) semaphore(%arg15 : memref<!tpu.dma_semaphore, #tpu.memory_space<semaphore_mem>>)
        } else {
        }
        %dma_wait3A_93 = arith.constant 0 : i32
        %dma_wait3A_94 = arith.constant 0 : i32
        %dma_wait3A_95 = tpu.memref_slice %arg2[%dma_wait3A_93, %dma_wait3A_94] : memref<10000x128xf32, #tpu.memory_space<hbm>> -> memref<128x128xf32, #tpu.memory_space<hbm>>
        %dma_wait3A_96 = arith.constant 0 : i32
        %dma_wait3A_97 = arith.constant 0 : i32
        %dma_wait3A_98 = tpu.memref_slice %arg2[%dma_wait3A_96, %dma_wait3A_97] : memref<10000x128xf32, #tpu.memory_space<hbm>> -> memref<128x128xf32, #tpu.memory_space<hbm>>
        tpu.wait_dma2 semaphore(%arg15 : memref<!tpu.dma_semaphore, #tpu.memory_space<semaphore_mem>>) src(%dma_wait3A_98 : memref<128x128xf32, #tpu.memory_space<hbm>>) dst(%arg11 : memref<128x128xf32, #tpu.memory_space<vmem>>)
        %eq3A_99 = arith.constant 0 : i32
        %eq3A_100 = arith.cmpi eq, %arg0, %eq3A_99 : i32
        %convert_element_type3A_101 = arith.extui %eq3A_100 : i1 to i32
        %cond3A_102 = arith.constant 0 : i32
        %cond3A_103 = arith.cmpi ne, %convert_element_type3A_101, %cond3A_102 : i32
        scf.if %cond3A_103 {
          %dma_start3A_185 = arith.constant 3 : i32
          %dma_start3A_186 = arith.constant 0 : i32
          %dma_start3A_187 = tpu.memref_slice %arg7[%dma_start3A_185, %dma_start3A_186] : memref<8x128xi32, #tpu.memory_space<vmem>> -> memref<1x128xi32, #tpu.memory_space<vmem>>
          %dma_start3A_188 = tpu.memref_squeeze %dma_start3A_187 : memref<1x128xi32, #tpu.memory_space<vmem>> -> memref<128xi32, #tpu.memory_space<vmem>>
          %dma_start3A_189 = arith.constant 0 : i32
          %dma_start3A_190 = arith.constant 0 : i32
          %dma_start3A_191 = tpu.memref_slice %arg2[%dma_start3A_189, %dma_start3A_190] : memref<10000x128xf32, #tpu.memory_space<hbm>> -> memref<10000x128xf32, #tpu.memory_space<hbm>>
          tpu.enqueue_indirect_dma source(%dma_start3A_191 : memref<10000x128xf32, #tpu.memory_space<hbm>>) target(%arg12 : memref<128x128xf32, #tpu.memory_space<vmem>>) offsets(%dma_start3A_188 : memref<128xi32, #tpu.memory_space<vmem>>) semaphore(%arg16 : memref<!tpu.dma_semaphore, #tpu.memory_space<semaphore_mem>>)
        } else {
        }
        %run_scoped3A_104 = arith.constant 2 : i32
        "tpu.region"() ({
          %run_scoped3A_185 = tpu.sem_alloc : memref<!tpu.dma_semaphore, #tpu.memory_space<semaphore_mem>>
          %dma_start3A_186 = arith.constant 0 : i32
          %dma_start3A_187 = tpu.memref_slice %arg9[%run_scoped3A_104, %dma_start3A_186] : memref<8x128xi32, #tpu.memory_space<vmem>> -> memref<1x128xi32, #tpu.memory_space<vmem>>
          %dma_start3A_188 = tpu.memref_squeeze %dma_start3A_187 : memref<1x128xi32, #tpu.memory_space<vmem>> -> memref<128xi32, #tpu.memory_space<vmem>>
          %dma_start3A_189 = arith.constant 0 : i32
          %dma_start3A_190 = arith.constant 0 : i32
          %dma_start3A_191 = tpu.memref_slice %arg17[%dma_start3A_189, %dma_start3A_190] : memref<10240x128xf32, #tpu.memory_space<vmem_shared>> -> memref<10240x128xf32, #tpu.memory_space<vmem_shared>>
          tpu.enqueue_indirect_dma source(%arg11 : memref<128x128xf32, #tpu.memory_space<vmem>>) target(%dma_start3A_191 : memref<10240x128xf32, #tpu.memory_space<vmem_shared>>) offsets(%dma_start3A_188 : memref<128xi32, #tpu.memory_space<vmem>>) semaphore(%run_scoped3A_185 : memref<!tpu.dma_semaphore, #tpu.memory_space<semaphore_mem>>) {add = true}
          %dma_wait3A_192 = arith.constant 0 : i32
          %dma_wait3A_193 = tpu.memref_slice %arg9[%run_scoped3A_104, %dma_wait3A_192] : memref<8x128xi32, #tpu.memory_space<vmem>> -> memref<1x128xi32, #tpu.memory_space<vmem>>
          %dma_wait3A_194 = tpu.memref_squeeze %dma_wait3A_193 : memref<1x128xi32, #tpu.memory_space<vmem>> -> memref<128xi32, #tpu.memory_space<vmem>>
          %dma_wait3A_195 = arith.constant 0 : i32
          %dma_wait3A_196 = arith.constant 0 : i32
          %dma_wait3A_197 = tpu.memref_slice %arg17[%dma_wait3A_195, %dma_wait3A_196] : memref<10240x128xf32, #tpu.memory_space<vmem_shared>> -> memref<10240x128xf32, #tpu.memory_space<vmem_shared>>
          tpu.wait_indirect_dma semaphore(%run_scoped3A_185 : memref<!tpu.dma_semaphore, #tpu.memory_space<semaphore_mem>>) src(%arg11 : memref<128x128xf32, #tpu.memory_space<vmem>>) dst(%dma_wait3A_197 : memref<10240x128xf32, #tpu.memory_space<vmem_shared>>)
          tpu.yield
        }) : () -> ()
        %ne3A_105 = arith.constant 0 : i32
        %ne3A_106 = arith.cmpi ne, %arg0, %ne3A_105 : i32
        %convert_element_type3A_107 = arith.extui %ne3A_106 : i1 to i32
        %cond3A_108 = arith.constant 0 : i32
        %cond3A_109 = arith.cmpi ne, %convert_element_type3A_107, %cond3A_108 : i32
        scf.if %cond3A_109 {
          %dma_start3A_185 = arith.constant 3 : i32
          %dma_start3A_186 = arith.constant 0 : i32
          %dma_start3A_187 = tpu.memref_slice %arg7[%dma_start3A_185, %dma_start3A_186] : memref<8x128xi32, #tpu.memory_space<vmem>> -> memref<1x128xi32, #tpu.memory_space<vmem>>
          %dma_start3A_188 = tpu.memref_squeeze %dma_start3A_187 : memref<1x128xi32, #tpu.memory_space<vmem>> -> memref<128xi32, #tpu.memory_space<vmem>>
          %dma_start3A_189 = arith.constant 0 : i32
          %dma_start3A_190 = arith.constant 0 : i32
          %dma_start3A_191 = tpu.memref_slice %arg2[%dma_start3A_189, %dma_start3A_190] : memref<10000x128xf32, #tpu.memory_space<hbm>> -> memref<10000x128xf32, #tpu.memory_space<hbm>>
          tpu.enqueue_indirect_dma source(%dma_start3A_191 : memref<10000x128xf32, #tpu.memory_space<hbm>>) target(%arg12 : memref<128x128xf32, #tpu.memory_space<vmem>>) offsets(%dma_start3A_188 : memref<128xi32, #tpu.memory_space<vmem>>) semaphore(%arg16 : memref<!tpu.dma_semaphore, #tpu.memory_space<semaphore_mem>>)
        } else {
        }
        %dma_wait3A_110 = arith.constant 0 : i32
        %dma_wait3A_111 = arith.constant 0 : i32
        %dma_wait3A_112 = tpu.memref_slice %arg2[%dma_wait3A_110, %dma_wait3A_111] : memref<10000x128xf32, #tpu.memory_space<hbm>> -> memref<128x128xf32, #tpu.memory_space<hbm>>
        %dma_wait3A_113 = arith.constant 0 : i32
        %dma_wait3A_114 = arith.constant 0 : i32
        %dma_wait3A_115 = tpu.memref_slice %arg2[%dma_wait3A_113, %dma_wait3A_114] : memref<10000x128xf32, #tpu.memory_space<hbm>> -> memref<128x128xf32, #tpu.memory_space<hbm>>
        tpu.wait_dma2 semaphore(%arg16 : memref<!tpu.dma_semaphore, #tpu.memory_space<semaphore_mem>>) src(%dma_wait3A_115 : memref<128x128xf32, #tpu.memory_space<hbm>>) dst(%arg12 : memref<128x128xf32, #tpu.memory_space<vmem>>)
        %eq3A_116 = arith.constant 0 : i32
        %eq3A_117 = arith.cmpi eq, %arg0, %eq3A_116 : i32
        %convert_element_type3A_118 = arith.extui %eq3A_117 : i1 to i32
        %cond3A_119 = arith.constant 0 : i32
        %cond3A_120 = arith.cmpi ne, %convert_element_type3A_118, %cond3A_119 : i32
        scf.if %cond3A_120 {
          %dma_start3A_185 = arith.constant 4 : i32
          %dma_start3A_186 = arith.constant 0 : i32
          %dma_start3A_187 = tpu.memref_slice %arg7[%dma_start3A_185, %dma_start3A_186] : memref<8x128xi32, #tpu.memory_space<vmem>> -> memref<1x128xi32, #tpu.memory_space<vmem>>
          %dma_start3A_188 = tpu.memref_squeeze %dma_start3A_187 : memref<1x128xi32, #tpu.memory_space<vmem>> -> memref<128xi32, #tpu.memory_space<vmem>>
          %dma_start3A_189 = arith.constant 0 : i32
          %dma_start3A_190 = arith.constant 0 : i32
          %dma_start3A_191 = tpu.memref_slice %arg2[%dma_start3A_189, %dma_start3A_190] : memref<10000x128xf32, #tpu.memory_space<hbm>> -> memref<10000x128xf32, #tpu.memory_space<hbm>>
          tpu.enqueue_indirect_dma source(%dma_start3A_191 : memref<10000x128xf32, #tpu.memory_space<hbm>>) target(%arg11 : memref<128x128xf32, #tpu.memory_space<vmem>>) offsets(%dma_start3A_188 : memref<128xi32, #tpu.memory_space<vmem>>) semaphore(%arg15 : memref<!tpu.dma_semaphore, #tpu.memory_space<semaphore_mem>>)
        } else {
        }
        %run_scoped3A_121 = arith.constant 3 : i32
        "tpu.region"() ({
          %run_scoped3A_185 = tpu.sem_alloc : memref<!tpu.dma_semaphore, #tpu.memory_space<semaphore_mem>>
          %dma_start3A_186 = arith.constant 0 : i32
          %dma_start3A_187 = tpu.memref_slice %arg9[%run_scoped3A_121, %dma_start3A_186] : memref<8x128xi32, #tpu.memory_space<vmem>> -> memref<1x128xi32, #tpu.memory_space<vmem>>
          %dma_start3A_188 = tpu.memref_squeeze %dma_start3A_187 : memref<1x128xi32, #tpu.memory_space<vmem>> -> memref<128xi32, #tpu.memory_space<vmem>>
          %dma_start3A_189 = arith.constant 0 : i32
          %dma_start3A_190 = arith.constant 0 : i32
          %dma_start3A_191 = tpu.memref_slice %arg17[%dma_start3A_189, %dma_start3A_190] : memref<10240x128xf32, #tpu.memory_space<vmem_shared>> -> memref<10240x128xf32, #tpu.memory_space<vmem_shared>>
          tpu.enqueue_indirect_dma source(%arg12 : memref<128x128xf32, #tpu.memory_space<vmem>>) target(%dma_start3A_191 : memref<10240x128xf32, #tpu.memory_space<vmem_shared>>) offsets(%dma_start3A_188 : memref<128xi32, #tpu.memory_space<vmem>>) semaphore(%run_scoped3A_185 : memref<!tpu.dma_semaphore, #tpu.memory_space<semaphore_mem>>) {add = true}
          %dma_wait3A_192 = arith.constant 0 : i32
          %dma_wait3A_193 = tpu.memref_slice %arg9[%run_scoped3A_121, %dma_wait3A_192] : memref<8x128xi32, #tpu.memory_space<vmem>> -> memref<1x128xi32, #tpu.memory_space<vmem>>
          %dma_wait3A_194 = tpu.memref_squeeze %dma_wait3A_193 : memref<1x128xi32, #tpu.memory_space<vmem>> -> memref<128xi32, #tpu.memory_space<vmem>>
          %dma_wait3A_195 = arith.constant 0 : i32
          %dma_wait3A_196 = arith.constant 0 : i32
          %dma_wait3A_197 = tpu.memref_slice %arg17[%dma_wait3A_195, %dma_wait3A_196] : memref<10240x128xf32, #tpu.memory_space<vmem_shared>> -> memref<10240x128xf32, #tpu.memory_space<vmem_shared>>
          tpu.wait_indirect_dma semaphore(%run_scoped3A_185 : memref<!tpu.dma_semaphore, #tpu.memory_space<semaphore_mem>>) src(%arg12 : memref<128x128xf32, #tpu.memory_space<vmem>>) dst(%dma_wait3A_197 : memref<10240x128xf32, #tpu.memory_space<vmem_shared>>)
          tpu.yield
        }) : () -> ()
        %ne3A_122 = arith.constant 0 : i32
        %ne3A_123 = arith.cmpi ne, %arg0, %ne3A_122 : i32
        %convert_element_type3A_124 = arith.extui %ne3A_123 : i1 to i32
        %cond3A_125 = arith.constant 0 : i32
        %cond3A_126 = arith.cmpi ne, %convert_element_type3A_124, %cond3A_125 : i32
        scf.if %cond3A_126 {
          %dma_start3A_185 = arith.constant 4 : i32
          %dma_start3A_186 = arith.constant 0 : i32
          %dma_start3A_187 = tpu.memref_slice %arg7[%dma_start3A_185, %dma_start3A_186] : memref<8x128xi32, #tpu.memory_space<vmem>> -> memref<1x128xi32, #tpu.memory_space<vmem>>
          %dma_start3A_188 = tpu.memref_squeeze %dma_start3A_187 : memref<1x128xi32, #tpu.memory_space<vmem>> -> memref<128xi32, #tpu.memory_space<vmem>>
          %dma_start3A_189 = arith.constant 0 : i32
          %dma_start3A_190 = arith.constant 0 : i32
          %dma_start3A_191 = tpu.memref_slice %arg2[%dma_start3A_189, %dma_start3A_190] : memref<10000x128xf32, #tpu.memory_space<hbm>> -> memref<10000x128xf32, #tpu.memory_space<hbm>>
          tpu.enqueue_indirect_dma source(%dma_start3A_191 : memref<10000x128xf32, #tpu.memory_space<hbm>>) target(%arg11 : memref<128x128xf32, #tpu.memory_space<vmem>>) offsets(%dma_start3A_188 : memref<128xi32, #tpu.memory_space<vmem>>) semaphore(%arg15 : memref<!tpu.dma_semaphore, #tpu.memory_space<semaphore_mem>>)
        } else {
        }
        %dma_wait3A_127 = arith.constant 0 : i32
        %dma_wait3A_128 = arith.constant 0 : i32
        %dma_wait3A_129 = tpu.memref_slice %arg2[%dma_wait3A_127, %dma_wait3A_128] : memref<10000x128xf32, #tpu.memory_space<hbm>> -> memref<128x128xf32, #tpu.memory_space<hbm>>
        %dma_wait3A_130 = arith.constant 0 : i32
        %dma_wait3A_131 = arith.constant 0 : i32
        %dma_wait3A_132 = tpu.memref_slice %arg2[%dma_wait3A_130, %dma_wait3A_131] : memref<10000x128xf32, #tpu.memory_space<hbm>> -> memref<128x128xf32, #tpu.memory_space<hbm>>
        tpu.wait_dma2 semaphore(%arg15 : memref<!tpu.dma_semaphore, #tpu.memory_space<semaphore_mem>>) src(%dma_wait3A_132 : memref<128x128xf32, #tpu.memory_space<hbm>>) dst(%arg11 : memref<128x128xf32, #tpu.memory_space<vmem>>)
        %eq3A_133 = arith.constant 0 : i32
        %eq3A_134 = arith.cmpi eq, %arg0, %eq3A_133 : i32
        %convert_element_type3A_135 = arith.extui %eq3A_134 : i1 to i32
        %cond3A_136 = arith.constant 0 : i32
        %cond3A_137 = arith.cmpi ne, %convert_element_type3A_135, %cond3A_136 : i32
        scf.if %cond3A_137 {
          %dma_start3A_185 = arith.constant 5 : i32
          %dma_start3A_186 = arith.constant 0 : i32
          %dma_start3A_187 = tpu.memref_slice %arg7[%dma_start3A_185, %dma_start3A_186] : memref<8x128xi32, #tpu.memory_space<vmem>> -> memref<1x128xi32, #tpu.memory_space<vmem>>
          %dma_start3A_188 = tpu.memref_squeeze %dma_start3A_187 : memref<1x128xi32, #tpu.memory_space<vmem>> -> memref<128xi32, #tpu.memory_space<vmem>>
          %dma_start3A_189 = arith.constant 0 : i32
          %dma_start3A_190 = arith.constant 0 : i32
          %dma_start3A_191 = tpu.memref_slice %arg2[%dma_start3A_189, %dma_start3A_190] : memref<10000x128xf32, #tpu.memory_space<hbm>> -> memref<10000x128xf32, #tpu.memory_space<hbm>>
          tpu.enqueue_indirect_dma source(%dma_start3A_191 : memref<10000x128xf32, #tpu.memory_space<hbm>>) target(%arg12 : memref<128x128xf32, #tpu.memory_space<vmem>>) offsets(%dma_start3A_188 : memref<128xi32, #tpu.memory_space<vmem>>) semaphore(%arg16 : memref<!tpu.dma_semaphore, #tpu.memory_space<semaphore_mem>>)
        } else {
        }
        %run_scoped3A_138 = arith.constant 4 : i32
        "tpu.region"() ({
          %run_scoped3A_185 = tpu.sem_alloc : memref<!tpu.dma_semaphore, #tpu.memory_space<semaphore_mem>>
          %dma_start3A_186 = arith.constant 0 : i32
          %dma_start3A_187 = tpu.memref_slice %arg9[%run_scoped3A_138, %dma_start3A_186] : memref<8x128xi32, #tpu.memory_space<vmem>> -> memref<1x128xi32, #tpu.memory_space<vmem>>
          %dma_start3A_188 = tpu.memref_squeeze %dma_start3A_187 : memref<1x128xi32, #tpu.memory_space<vmem>> -> memref<128xi32, #tpu.memory_space<vmem>>
          %dma_start3A_189 = arith.constant 0 : i32
          %dma_start3A_190 = arith.constant 0 : i32
          %dma_start3A_191 = tpu.memref_slice %arg17[%dma_start3A_189, %dma_start3A_190] : memref<10240x128xf32, #tpu.memory_space<vmem_shared>> -> memref<10240x128xf32, #tpu.memory_space<vmem_shared>>
          tpu.enqueue_indirect_dma source(%arg11 : memref<128x128xf32, #tpu.memory_space<vmem>>) target(%dma_start3A_191 : memref<10240x128xf32, #tpu.memory_space<vmem_shared>>) offsets(%dma_start3A_188 : memref<128xi32, #tpu.memory_space<vmem>>) semaphore(%run_scoped3A_185 : memref<!tpu.dma_semaphore, #tpu.memory_space<semaphore_mem>>) {add = true}
          %dma_wait3A_192 = arith.constant 0 : i32
          %dma_wait3A_193 = tpu.memref_slice %arg9[%run_scoped3A_138, %dma_wait3A_192] : memref<8x128xi32, #tpu.memory_space<vmem>> -> memref<1x128xi32, #tpu.memory_space<vmem>>
          %dma_wait3A_194 = tpu.memref_squeeze %dma_wait3A_193 : memref<1x128xi32, #tpu.memory_space<vmem>> -> memref<128xi32, #tpu.memory_space<vmem>>
          %dma_wait3A_195 = arith.constant 0 : i32
          %dma_wait3A_196 = arith.constant 0 : i32
          %dma_wait3A_197 = tpu.memref_slice %arg17[%dma_wait3A_195, %dma_wait3A_196] : memref<10240x128xf32, #tpu.memory_space<vmem_shared>> -> memref<10240x128xf32, #tpu.memory_space<vmem_shared>>
          tpu.wait_indirect_dma semaphore(%run_scoped3A_185 : memref<!tpu.dma_semaphore, #tpu.memory_space<semaphore_mem>>) src(%arg11 : memref<128x128xf32, #tpu.memory_space<vmem>>) dst(%dma_wait3A_197 : memref<10240x128xf32, #tpu.memory_space<vmem_shared>>)
          tpu.yield
        }) : () -> ()
        %ne3A_139 = arith.constant 0 : i32
        %ne3A_140 = arith.cmpi ne, %arg0, %ne3A_139 : i32
        %convert_element_type3A_141 = arith.extui %ne3A_140 : i1 to i32
        %cond3A_142 = arith.constant 0 : i32
        %cond3A_143 = arith.cmpi ne, %convert_element_type3A_141, %cond3A_142 : i32
        scf.if %cond3A_143 {
          %dma_start3A_185 = arith.constant 5 : i32
          %dma_start3A_186 = arith.constant 0 : i32
          %dma_start3A_187 = tpu.memref_slice %arg7[%dma_start3A_185, %dma_start3A_186] : memref<8x128xi32, #tpu.memory_space<vmem>> -> memref<1x128xi32, #tpu.memory_space<vmem>>
          %dma_start3A_188 = tpu.memref_squeeze %dma_start3A_187 : memref<1x128xi32, #tpu.memory_space<vmem>> -> memref<128xi32, #tpu.memory_space<vmem>>
          %dma_start3A_189 = arith.constant 0 : i32
          %dma_start3A_190 = arith.constant 0 : i32
          %dma_start3A_191 = tpu.memref_slice %arg2[%dma_start3A_189, %dma_start3A_190] : memref<10000x128xf32, #tpu.memory_space<hbm>> -> memref<10000x128xf32, #tpu.memory_space<hbm>>
          tpu.enqueue_indirect_dma source(%dma_start3A_191 : memref<10000x128xf32, #tpu.memory_space<hbm>>) target(%arg12 : memref<128x128xf32, #tpu.memory_space<vmem>>) offsets(%dma_start3A_188 : memref<128xi32, #tpu.memory_space<vmem>>) semaphore(%arg16 : memref<!tpu.dma_semaphore, #tpu.memory_space<semaphore_mem>>)
        } else {
        }
        %dma_wait3A_144 = arith.constant 0 : i32
        %dma_wait3A_145 = arith.constant 0 : i32
        %dma_wait3A_146 = tpu.memref_slice %arg2[%dma_wait3A_144, %dma_wait3A_145] : memref<10000x128xf32, #tpu.memory_space<hbm>> -> memref<128x128xf32, #tpu.memory_space<hbm>>
        %dma_wait3A_147 = arith.constant 0 : i32
        %dma_wait3A_148 = arith.constant 0 : i32
        %dma_wait3A_149 = tpu.memref_slice %arg2[%dma_wait3A_147, %dma_wait3A_148] : memref<10000x128xf32, #tpu.memory_space<hbm>> -> memref<128x128xf32, #tpu.memory_space<hbm>>
        tpu.wait_dma2 semaphore(%arg16 : memref<!tpu.dma_semaphore, #tpu.memory_space<semaphore_mem>>) src(%dma_wait3A_149 : memref<128x128xf32, #tpu.memory_space<hbm>>) dst(%arg12 : memref<128x128xf32, #tpu.memory_space<vmem>>)
        %eq3A_150 = arith.constant 0 : i32
        %eq3A_151 = arith.cmpi eq, %arg0, %eq3A_150 : i32
        %convert_element_type3A_152 = arith.extui %eq3A_151 : i1 to i32
        %cond3A_153 = arith.constant 0 : i32
        %cond3A_154 = arith.cmpi ne, %convert_element_type3A_152, %cond3A_153 : i32
        scf.if %cond3A_154 {
          %dma_start3A_185 = arith.constant 6 : i32
          %dma_start3A_186 = arith.constant 0 : i32
          %dma_start3A_187 = tpu.memref_slice %arg7[%dma_start3A_185, %dma_start3A_186] : memref<8x128xi32, #tpu.memory_space<vmem>> -> memref<1x128xi32, #tpu.memory_space<vmem>>
          %dma_start3A_188 = tpu.memref_squeeze %dma_start3A_187 : memref<1x128xi32, #tpu.memory_space<vmem>> -> memref<128xi32, #tpu.memory_space<vmem>>
          %dma_start3A_189 = arith.constant 0 : i32
          %dma_start3A_190 = arith.constant 0 : i32
          %dma_start3A_191 = tpu.memref_slice %arg2[%dma_start3A_189, %dma_start3A_190] : memref<10000x128xf32, #tpu.memory_space<hbm>> -> memref<10000x128xf32, #tpu.memory_space<hbm>>
          tpu.enqueue_indirect_dma source(%dma_start3A_191 : memref<10000x128xf32, #tpu.memory_space<hbm>>) target(%arg11 : memref<128x128xf32, #tpu.memory_space<vmem>>) offsets(%dma_start3A_188 : memref<128xi32, #tpu.memory_space<vmem>>) semaphore(%arg15 : memref<!tpu.dma_semaphore, #tpu.memory_space<semaphore_mem>>)
        } else {
        }
        %run_scoped3A_155 = arith.constant 5 : i32
        "tpu.region"() ({
          %run_scoped3A_185 = tpu.sem_alloc : memref<!tpu.dma_semaphore, #tpu.memory_space<semaphore_mem>>
          %dma_start3A_186 = arith.constant 0 : i32
          %dma_start3A_187 = tpu.memref_slice %arg9[%run_scoped3A_155, %dma_start3A_186] : memref<8x128xi32, #tpu.memory_space<vmem>> -> memref<1x128xi32, #tpu.memory_space<vmem>>
          %dma_start3A_188 = tpu.memref_squeeze %dma_start3A_187 : memref<1x128xi32, #tpu.memory_space<vmem>> -> memref<128xi32, #tpu.memory_space<vmem>>
          %dma_start3A_189 = arith.constant 0 : i32
          %dma_start3A_190 = arith.constant 0 : i32
          %dma_start3A_191 = tpu.memref_slice %arg17[%dma_start3A_189, %dma_start3A_190] : memref<10240x128xf32, #tpu.memory_space<vmem_shared>> -> memref<10240x128xf32, #tpu.memory_space<vmem_shared>>
          tpu.enqueue_indirect_dma source(%arg12 : memref<128x128xf32, #tpu.memory_space<vmem>>) target(%dma_start3A_191 : memref<10240x128xf32, #tpu.memory_space<vmem_shared>>) offsets(%dma_start3A_188 : memref<128xi32, #tpu.memory_space<vmem>>) semaphore(%run_scoped3A_185 : memref<!tpu.dma_semaphore, #tpu.memory_space<semaphore_mem>>) {add = true}
          %dma_wait3A_192 = arith.constant 0 : i32
          %dma_wait3A_193 = tpu.memref_slice %arg9[%run_scoped3A_155, %dma_wait3A_192] : memref<8x128xi32, #tpu.memory_space<vmem>> -> memref<1x128xi32, #tpu.memory_space<vmem>>
          %dma_wait3A_194 = tpu.memref_squeeze %dma_wait3A_193 : memref<1x128xi32, #tpu.memory_space<vmem>> -> memref<128xi32, #tpu.memory_space<vmem>>
          %dma_wait3A_195 = arith.constant 0 : i32
          %dma_wait3A_196 = arith.constant 0 : i32
          %dma_wait3A_197 = tpu.memref_slice %arg17[%dma_wait3A_195, %dma_wait3A_196] : memref<10240x128xf32, #tpu.memory_space<vmem_shared>> -> memref<10240x128xf32, #tpu.memory_space<vmem_shared>>
          tpu.wait_indirect_dma semaphore(%run_scoped3A_185 : memref<!tpu.dma_semaphore, #tpu.memory_space<semaphore_mem>>) src(%arg12 : memref<128x128xf32, #tpu.memory_space<vmem>>) dst(%dma_wait3A_197 : memref<10240x128xf32, #tpu.memory_space<vmem_shared>>)
          tpu.yield
        }) : () -> ()
        %ne3A_156 = arith.constant 0 : i32
        %ne3A_157 = arith.cmpi ne, %arg0, %ne3A_156 : i32
        %convert_element_type3A_158 = arith.extui %ne3A_157 : i1 to i32
        %cond3A_159 = arith.constant 0 : i32
        %cond3A_160 = arith.cmpi ne, %convert_element_type3A_158, %cond3A_159 : i32
        scf.if %cond3A_160 {
          %dma_start3A_185 = arith.constant 6 : i32
          %dma_start3A_186 = arith.constant 0 : i32
          %dma_start3A_187 = tpu.memref_slice %arg7[%dma_start3A_185, %dma_start3A_186] : memref<8x128xi32, #tpu.memory_space<vmem>> -> memref<1x128xi32, #tpu.memory_space<vmem>>
          %dma_start3A_188 = tpu.memref_squeeze %dma_start3A_187 : memref<1x128xi32, #tpu.memory_space<vmem>> -> memref<128xi32, #tpu.memory_space<vmem>>
          %dma_start3A_189 = arith.constant 0 : i32
          %dma_start3A_190 = arith.constant 0 : i32
          %dma_start3A_191 = tpu.memref_slice %arg2[%dma_start3A_189, %dma_start3A_190] : memref<10000x128xf32, #tpu.memory_space<hbm>> -> memref<10000x128xf32, #tpu.memory_space<hbm>>
          tpu.enqueue_indirect_dma source(%dma_start3A_191 : memref<10000x128xf32, #tpu.memory_space<hbm>>) target(%arg11 : memref<128x128xf32, #tpu.memory_space<vmem>>) offsets(%dma_start3A_188 : memref<128xi32, #tpu.memory_space<vmem>>) semaphore(%arg15 : memref<!tpu.dma_semaphore, #tpu.memory_space<semaphore_mem>>)
        } else {
        }
        %dma_wait3A_161 = arith.constant 0 : i32
        %dma_wait3A_162 = arith.constant 0 : i32
        %dma_wait3A_163 = tpu.memref_slice %arg2[%dma_wait3A_161, %dma_wait3A_162] : memref<10000x128xf32, #tpu.memory_space<hbm>> -> memref<128x128xf32, #tpu.memory_space<hbm>>
        %dma_wait3A_164 = arith.constant 0 : i32
        %dma_wait3A_165 = arith.constant 0 : i32
        %dma_wait3A_166 = tpu.memref_slice %arg2[%dma_wait3A_164, %dma_wait3A_165] : memref<10000x128xf32, #tpu.memory_space<hbm>> -> memref<128x128xf32, #tpu.memory_space<hbm>>
        tpu.wait_dma2 semaphore(%arg15 : memref<!tpu.dma_semaphore, #tpu.memory_space<semaphore_mem>>) src(%dma_wait3A_166 : memref<128x128xf32, #tpu.memory_space<hbm>>) dst(%arg11 : memref<128x128xf32, #tpu.memory_space<vmem>>)
        %eq3A_167 = arith.constant 0 : i32
        %eq3A_168 = arith.cmpi eq, %arg0, %eq3A_167 : i32
        %convert_element_type3A_169 = arith.extui %eq3A_168 : i1 to i32
        %cond3A_170 = arith.constant 0 : i32
        %cond3A_171 = arith.cmpi ne, %convert_element_type3A_169, %cond3A_170 : i32
        scf.if %cond3A_171 {
          %dma_start3A_185 = arith.constant 7 : i32
          %dma_start3A_186 = arith.constant 0 : i32
          %dma_start3A_187 = tpu.memref_slice %arg7[%dma_start3A_185, %dma_start3A_186] : memref<8x128xi32, #tpu.memory_space<vmem>> -> memref<1x128xi32, #tpu.memory_space<vmem>>
          %dma_start3A_188 = tpu.memref_squeeze %dma_start3A_187 : memref<1x128xi32, #tpu.memory_space<vmem>> -> memref<128xi32, #tpu.memory_space<vmem>>
          %dma_start3A_189 = arith.constant 0 : i32
          %dma_start3A_190 = arith.constant 0 : i32
          %dma_start3A_191 = tpu.memref_slice %arg2[%dma_start3A_189, %dma_start3A_190] : memref<10000x128xf32, #tpu.memory_space<hbm>> -> memref<10000x128xf32, #tpu.memory_space<hbm>>
          tpu.enqueue_indirect_dma source(%dma_start3A_191 : memref<10000x128xf32, #tpu.memory_space<hbm>>) target(%arg12 : memref<128x128xf32, #tpu.memory_space<vmem>>) offsets(%dma_start3A_188 : memref<128xi32, #tpu.memory_space<vmem>>) semaphore(%arg16 : memref<!tpu.dma_semaphore, #tpu.memory_space<semaphore_mem>>)
        } else {
        }
        %run_scoped3A_172 = arith.constant 6 : i32
        "tpu.region"() ({
          %run_scoped3A_185 = tpu.sem_alloc : memref<!tpu.dma_semaphore, #tpu.memory_space<semaphore_mem>>
          %dma_start3A_186 = arith.constant 0 : i32
          %dma_start3A_187 = tpu.memref_slice %arg9[%run_scoped3A_172, %dma_start3A_186] : memref<8x128xi32, #tpu.memory_space<vmem>> -> memref<1x128xi32, #tpu.memory_space<vmem>>
          %dma_start3A_188 = tpu.memref_squeeze %dma_start3A_187 : memref<1x128xi32, #tpu.memory_space<vmem>> -> memref<128xi32, #tpu.memory_space<vmem>>
          %dma_start3A_189 = arith.constant 0 : i32
          %dma_start3A_190 = arith.constant 0 : i32
          %dma_start3A_191 = tpu.memref_slice %arg17[%dma_start3A_189, %dma_start3A_190] : memref<10240x128xf32, #tpu.memory_space<vmem_shared>> -> memref<10240x128xf32, #tpu.memory_space<vmem_shared>>
          tpu.enqueue_indirect_dma source(%arg11 : memref<128x128xf32, #tpu.memory_space<vmem>>) target(%dma_start3A_191 : memref<10240x128xf32, #tpu.memory_space<vmem_shared>>) offsets(%dma_start3A_188 : memref<128xi32, #tpu.memory_space<vmem>>) semaphore(%run_scoped3A_185 : memref<!tpu.dma_semaphore, #tpu.memory_space<semaphore_mem>>) {add = true}
          %dma_wait3A_192 = arith.constant 0 : i32
          %dma_wait3A_193 = tpu.memref_slice %arg9[%run_scoped3A_172, %dma_wait3A_192] : memref<8x128xi32, #tpu.memory_space<vmem>> -> memref<1x128xi32, #tpu.memory_space<vmem>>
          %dma_wait3A_194 = tpu.memref_squeeze %dma_wait3A_193 : memref<1x128xi32, #tpu.memory_space<vmem>> -> memref<128xi32, #tpu.memory_space<vmem>>
          %dma_wait3A_195 = arith.constant 0 : i32
          %dma_wait3A_196 = arith.constant 0 : i32
          %dma_wait3A_197 = tpu.memref_slice %arg17[%dma_wait3A_195, %dma_wait3A_196] : memref<10240x128xf32, #tpu.memory_space<vmem_shared>> -> memref<10240x128xf32, #tpu.memory_space<vmem_shared>>
          tpu.wait_indirect_dma semaphore(%run_scoped3A_185 : memref<!tpu.dma_semaphore, #tpu.memory_space<semaphore_mem>>) src(%arg11 : memref<128x128xf32, #tpu.memory_space<vmem>>) dst(%dma_wait3A_197 : memref<10240x128xf32, #tpu.memory_space<vmem_shared>>)
          tpu.yield
        }) : () -> ()
        %ne3A_173 = arith.constant 0 : i32
        %ne3A_174 = arith.cmpi ne, %arg0, %ne3A_173 : i32
        %convert_element_type3A_175 = arith.extui %ne3A_174 : i1 to i32
        %cond3A_176 = arith.constant 0 : i32
        %cond3A_177 = arith.cmpi ne, %convert_element_type3A_175, %cond3A_176 : i32
        scf.if %cond3A_177 {
          %dma_start3A_185 = arith.constant 7 : i32
          %dma_start3A_186 = arith.constant 0 : i32
          %dma_start3A_187 = tpu.memref_slice %arg7[%dma_start3A_185, %dma_start3A_186] : memref<8x128xi32, #tpu.memory_space<vmem>> -> memref<1x128xi32, #tpu.memory_space<vmem>>
          %dma_start3A_188 = tpu.memref_squeeze %dma_start3A_187 : memref<1x128xi32, #tpu.memory_space<vmem>> -> memref<128xi32, #tpu.memory_space<vmem>>
          %dma_start3A_189 = arith.constant 0 : i32
          %dma_start3A_190 = arith.constant 0 : i32
          %dma_start3A_191 = tpu.memref_slice %arg2[%dma_start3A_189, %dma_start3A_190] : memref<10000x128xf32, #tpu.memory_space<hbm>> -> memref<10000x128xf32, #tpu.memory_space<hbm>>
          tpu.enqueue_indirect_dma source(%dma_start3A_191 : memref<10000x128xf32, #tpu.memory_space<hbm>>) target(%arg12 : memref<128x128xf32, #tpu.memory_space<vmem>>) offsets(%dma_start3A_188 : memref<128xi32, #tpu.memory_space<vmem>>) semaphore(%arg16 : memref<!tpu.dma_semaphore, #tpu.memory_space<semaphore_mem>>)
        } else {
        }
        %dma_wait3A_178 = arith.constant 0 : i32
        %dma_wait3A_179 = arith.constant 0 : i32
        %dma_wait3A_180 = tpu.memref_slice %arg2[%dma_wait3A_178, %dma_wait3A_179] : memref<10000x128xf32, #tpu.memory_space<hbm>> -> memref<128x128xf32, #tpu.memory_space<hbm>>
        %dma_wait3A_181 = arith.constant 0 : i32
        %dma_wait3A_182 = arith.constant 0 : i32
        %dma_wait3A_183 = tpu.memref_slice %arg2[%dma_wait3A_181, %dma_wait3A_182] : memref<10000x128xf32, #tpu.memory_space<hbm>> -> memref<128x128xf32, #tpu.memory_space<hbm>>
        tpu.wait_dma2 semaphore(%arg16 : memref<!tpu.dma_semaphore, #tpu.memory_space<semaphore_mem>>) src(%dma_wait3A_183 : memref<128x128xf32, #tpu.memory_space<hbm>>) dst(%arg12 : memref<128x128xf32, #tpu.memory_space<vmem>>)
        %run_scoped3A_184 = arith.constant 7 : i32
        "tpu.region"() ({
          %run_scoped3A_185 = tpu.sem_alloc : memref<!tpu.dma_semaphore, #tpu.memory_space<semaphore_mem>>
          %dma_start3A_186 = arith.constant 0 : i32
          %dma_start3A_187 = tpu.memref_slice %arg9[%run_scoped3A_184, %dma_start3A_186] : memref<8x128xi32, #tpu.memory_space<vmem>> -> memref<1x128xi32, #tpu.memory_space<vmem>>
          %dma_start3A_188 = tpu.memref_squeeze %dma_start3A_187 : memref<1x128xi32, #tpu.memory_space<vmem>> -> memref<128xi32, #tpu.memory_space<vmem>>
          %dma_start3A_189 = arith.constant 0 : i32
          %dma_start3A_190 = arith.constant 0 : i32
          %dma_start3A_191 = tpu.memref_slice %arg17[%dma_start3A_189, %dma_start3A_190] : memref<10240x128xf32, #tpu.memory_space<vmem_shared>> -> memref<10240x128xf32, #tpu.memory_space<vmem_shared>>
          tpu.enqueue_indirect_dma source(%arg12 : memref<128x128xf32, #tpu.memory_space<vmem>>) target(%dma_start3A_191 : memref<10240x128xf32, #tpu.memory_space<vmem_shared>>) offsets(%dma_start3A_188 : memref<128xi32, #tpu.memory_space<vmem>>) semaphore(%run_scoped3A_185 : memref<!tpu.dma_semaphore, #tpu.memory_space<semaphore_mem>>) {add = true}
          %dma_wait3A_192 = arith.constant 0 : i32
          %dma_wait3A_193 = tpu.memref_slice %arg9[%run_scoped3A_184, %dma_wait3A_192] : memref<8x128xi32, #tpu.memory_space<vmem>> -> memref<1x128xi32, #tpu.memory_space<vmem>>
          %dma_wait3A_194 = tpu.memref_squeeze %dma_wait3A_193 : memref<1x128xi32, #tpu.memory_space<vmem>> -> memref<128xi32, #tpu.memory_space<vmem>>
          %dma_wait3A_195 = arith.constant 0 : i32
          %dma_wait3A_196 = arith.constant 0 : i32
          %dma_wait3A_197 = tpu.memref_slice %arg17[%dma_wait3A_195, %dma_wait3A_196] : memref<10240x128xf32, #tpu.memory_space<vmem_shared>> -> memref<10240x128xf32, #tpu.memory_space<vmem_shared>>
          tpu.wait_indirect_dma semaphore(%run_scoped3A_185 : memref<!tpu.dma_semaphore, #tpu.memory_space<semaphore_mem>>) src(%arg12 : memref<128x128xf32, #tpu.memory_space<vmem>>) dst(%dma_wait3A_197 : memref<10240x128xf32, #tpu.memory_space<vmem_shared>>)
          tpu.yield
        }) : () -> ()
      } else {
      }
      %eq3A_31 = arith.constant 1 : i32
      %eq3A_32 = arith.cmpi eq, %rem3A_25, %eq3A_31 : i32
      %lt3A_33 = arith.cmpi slt, %scan3A_24, %select_n3A_9 : i32
      %and3A_34 = arith.andi %eq3A_32, %lt3A_33 : i1
      %convert_element_type3A_35 = arith.extui %and3A_34 : i1 to i32
      %cond3A_36 = arith.constant 0 : i32
      %cond3A_37 = arith.cmpi ne, %convert_element_type3A_35, %cond3A_36 : i32
      scf.if %cond3A_37 {
        %dma_wait3A = arith.constant 0 : i32
        %dma_wait3A_38 = arith.constant 0 : i32
        %dma_wait3A_39 = tpu.memref_slice %arg3[%dma_wait3A, %dma_wait3A_38] : memref<2560x128xi32, #tpu.memory_space<hbm>> -> memref<8x128xi32, #tpu.memory_space<hbm>>
        %dma_wait3A_40 = arith.constant 0 : i32
        %dma_wait3A_41 = arith.constant 0 : i32
        %dma_wait3A_42 = tpu.memref_slice %arg3[%dma_wait3A_40, %dma_wait3A_41] : memref<2560x128xi32, #tpu.memory_space<hbm>> -> memref<8x128xi32, #tpu.memory_space<hbm>>
        tpu.wait_dma2 semaphore(%arg14 : memref<!tpu.dma_semaphore, #tpu.memory_space<semaphore_mem>>) src(%dma_wait3A_42 : memref<8x128xi32, #tpu.memory_space<hbm>>) dst(%arg8 : memref<8x128xi32, #tpu.memory_space<vmem>>)
        %dma_wait3A_43 = arith.constant 0 : i32
        %dma_wait3A_44 = arith.constant 0 : i32
        %dma_wait3A_45 = tpu.memref_slice %arg3[%dma_wait3A_43, %dma_wait3A_44] : memref<2560x128xi32, #tpu.memory_space<hbm>> -> memref<8x128xi32, #tpu.memory_space<hbm>>
        %dma_wait3A_46 = arith.constant 0 : i32
        %dma_wait3A_47 = arith.constant 0 : i32
        %dma_wait3A_48 = tpu.memref_slice %arg3[%dma_wait3A_46, %dma_wait3A_47] : memref<2560x128xi32, #tpu.memory_space<hbm>> -> memref<8x128xi32, #tpu.memory_space<hbm>>
        tpu.wait_dma2 semaphore(%arg14 : memref<!tpu.dma_semaphore, #tpu.memory_space<semaphore_mem>>) src(%dma_wait3A_48 : memref<8x128xi32, #tpu.memory_space<hbm>>) dst(%arg10 : memref<8x128xi32, #tpu.memory_space<vmem>>)
        %add3A_49 = arith.constant 1 : i32
        %add3A_50 = arith.addi %scan3A_24, %add3A_49 : i32
        %lt3A_51 = arith.cmpi slt, %add3A_50, %select_n3A_9 : i32
        %convert_element_type3A_52 = arith.extui %lt3A_51 : i1 to i32
        %cond3A_53 = arith.constant 0 : i32
        %cond3A_54 = arith.cmpi ne, %convert_element_type3A_52, %cond3A_53 : i32
        scf.if %cond3A_54 {
          %add3A_185 = arith.constant 1 : i32
          %add3A_186 = arith.addi %scan3A_24, %add3A_185 : i32
          %mul3A_187 = arith.constant 8 : i32
          %mul3A_188 = arith.muli %add3A_186, %mul3A_187 : i32
          %add3A_189 = arith.addi %select_n3A, %mul3A_188 : i32
          %dma_start3A_190 = arith.constant 0 : i32
          %dma_start3A_191 = tpu.memref_slice %arg3[%add3A_189, %dma_start3A_190] : memref<2560x128xi32, #tpu.memory_space<hbm>> -> memref<8x128xi32, #tpu.memory_space<hbm>>
          %dma_start3A_192 = arith.constant 0 : i32
          %dma_start3A_193 = tpu.memref_slice %arg3[%add3A_189, %dma_start3A_192] : memref<2560x128xi32, #tpu.memory_space<hbm>> -> memref<8x128xi32, #tpu.memory_space<hbm>>
          tpu.enqueue_dma source(%dma_start3A_193 : memref<8x128xi32, #tpu.memory_space<hbm>>) target(%arg7 : memref<8x128xi32, #tpu.memory_space<vmem>>) target_semaphore(%arg13 : memref<!tpu.dma_semaphore, #tpu.memory_space<semaphore_mem>>)
          %mul3A_194 = arith.constant 8 : i32
          %mul3A_195 = arith.muli %add3A_186, %mul3A_194 : i32
          %add3A_196 = arith.addi %select_n3A, %mul3A_195 : i32
          %dma_start3A_197 = arith.constant 0 : i32
          %dma_start3A_198 = tpu.memref_slice %arg4[%add3A_196, %dma_start3A_197] : memref<2560x128xi32, #tpu.memory_space<hbm>> -> memref<8x128xi32, #tpu.memory_space<hbm>>
          %dma_start3A_199 = arith.constant 0 : i32
          %dma_start3A_200 = tpu.memref_slice %arg4[%add3A_196, %dma_start3A_199] : memref<2560x128xi32, #tpu.memory_space<hbm>> -> memref<8x128xi32, #tpu.memory_space<hbm>>
          tpu.enqueue_dma source(%dma_start3A_200 : memref<8x128xi32, #tpu.memory_space<hbm>>) target(%arg9 : memref<8x128xi32, #tpu.memory_space<vmem>>) target_semaphore(%arg13 : memref<!tpu.dma_semaphore, #tpu.memory_space<semaphore_mem>>)
        } else {
        }
        %dma_start3A = arith.constant 0 : i32
        %dma_start3A_55 = arith.constant 0 : i32
        %dma_start3A_56 = tpu.memref_slice %arg8[%dma_start3A, %dma_start3A_55] : memref<8x128xi32, #tpu.memory_space<vmem>> -> memref<1x128xi32, #tpu.memory_space<vmem>>
        %dma_start3A_57 = tpu.memref_squeeze %dma_start3A_56 : memref<1x128xi32, #tpu.memory_space<vmem>> -> memref<128xi32, #tpu.memory_space<vmem>>
        %dma_start3A_58 = arith.constant 0 : i32
        %dma_start3A_59 = arith.constant 0 : i32
        %dma_start3A_60 = tpu.memref_slice %arg2[%dma_start3A_58, %dma_start3A_59] : memref<10000x128xf32, #tpu.memory_space<hbm>> -> memref<10000x128xf32, #tpu.memory_space<hbm>>
        tpu.enqueue_indirect_dma source(%dma_start3A_60 : memref<10000x128xf32, #tpu.memory_space<hbm>>) target(%arg11 : memref<128x128xf32, #tpu.memory_space<vmem>>) offsets(%dma_start3A_57 : memref<128xi32, #tpu.memory_space<vmem>>) semaphore(%arg15 : memref<!tpu.dma_semaphore, #tpu.memory_space<semaphore_mem>>)
        %dma_wait3A_61 = arith.constant 0 : i32
        %dma_wait3A_62 = arith.constant 0 : i32
        %dma_wait3A_63 = tpu.memref_slice %arg2[%dma_wait3A_61, %dma_wait3A_62] : memref<10000x128xf32, #tpu.memory_space<hbm>> -> memref<128x128xf32, #tpu.memory_space<hbm>>
        %dma_wait3A_64 = arith.constant 0 : i32
        %dma_wait3A_65 = arith.constant 0 : i32
        %dma_wait3A_66 = tpu.memref_slice %arg2[%dma_wait3A_64, %dma_wait3A_65] : memref<10000x128xf32, #tpu.memory_space<hbm>> -> memref<128x128xf32, #tpu.memory_space<hbm>>
        tpu.wait_dma2 semaphore(%arg15 : memref<!tpu.dma_semaphore, #tpu.memory_space<semaphore_mem>>) src(%dma_wait3A_66 : memref<128x128xf32, #tpu.memory_space<hbm>>) dst(%arg11 : memref<128x128xf32, #tpu.memory_space<vmem>>)
        %eq3A_67 = arith.constant 0 : i32
        %eq3A_68 = arith.cmpi eq, %arg0, %eq3A_67 : i32
        %convert_element_type3A_69 = arith.extui %eq3A_68 : i1 to i32
        %cond3A_70 = arith.constant 0 : i32
        %cond3A_71 = arith.cmpi ne, %convert_element_type3A_69, %cond3A_70 : i32
        scf.if %cond3A_71 {
          %dma_start3A_185 = arith.constant 1 : i32
          %dma_start3A_186 = arith.constant 0 : i32
          %dma_start3A_187 = tpu.memref_slice %arg8[%dma_start3A_185, %dma_start3A_186] : memref<8x128xi32, #tpu.memory_space<vmem>> -> memref<1x128xi32, #tpu.memory_space<vmem>>
          %dma_start3A_188 = tpu.memref_squeeze %dma_start3A_187 : memref<1x128xi32, #tpu.memory_space<vmem>> -> memref<128xi32, #tpu.memory_space<vmem>>
          %dma_start3A_189 = arith.constant 0 : i32
          %dma_start3A_190 = arith.constant 0 : i32
          %dma_start3A_191 = tpu.memref_slice %arg2[%dma_start3A_189, %dma_start3A_190] : memref<10000x128xf32, #tpu.memory_space<hbm>> -> memref<10000x128xf32, #tpu.memory_space<hbm>>
          tpu.enqueue_indirect_dma source(%dma_start3A_191 : memref<10000x128xf32, #tpu.memory_space<hbm>>) target(%arg12 : memref<128x128xf32, #tpu.memory_space<vmem>>) offsets(%dma_start3A_188 : memref<128xi32, #tpu.memory_space<vmem>>) semaphore(%arg16 : memref<!tpu.dma_semaphore, #tpu.memory_space<semaphore_mem>>)
        } else {
        }
        %run_scoped3A = arith.constant 0 : i32
        "tpu.region"() ({
          %run_scoped3A_185 = tpu.sem_alloc : memref<!tpu.dma_semaphore, #tpu.memory_space<semaphore_mem>>
          %dma_start3A_186 = arith.constant 0 : i32
          %dma_start3A_187 = tpu.memref_slice %arg10[%run_scoped3A, %dma_start3A_186] : memref<8x128xi32, #tpu.memory_space<vmem>> -> memref<1x128xi32, #tpu.memory_space<vmem>>
          %dma_start3A_188 = tpu.memref_squeeze %dma_start3A_187 : memref<1x128xi32, #tpu.memory_space<vmem>> -> memref<128xi32, #tpu.memory_space<vmem>>
          %dma_start3A_189 = arith.constant 0 : i32
          %dma_start3A_190 = arith.constant 0 : i32
          %dma_start3A_191 = tpu.memref_slice %arg17[%dma_start3A_189, %dma_start3A_190] : memref<10240x128xf32, #tpu.memory_space<vmem_shared>> -> memref<10240x128xf32, #tpu.memory_space<vmem_shared>>
          tpu.enqueue_indirect_dma source(%arg11 : memref<128x128xf32, #tpu.memory_space<vmem>>) target(%dma_start3A_191 : memref<10240x128xf32, #tpu.memory_space<vmem_shared>>) offsets(%dma_start3A_188 : memref<128xi32, #tpu.memory_space<vmem>>) semaphore(%run_scoped3A_185 : memref<!tpu.dma_semaphore, #tpu.memory_space<semaphore_mem>>) {add = true}
          %dma_wait3A_192 = arith.constant 0 : i32
          %dma_wait3A_193 = tpu.memref_slice %arg10[%run_scoped3A, %dma_wait3A_192] : memref<8x128xi32, #tpu.memory_space<vmem>> -> memref<1x128xi32, #tpu.memory_space<vmem>>
          %dma_wait3A_194 = tpu.memref_squeeze %dma_wait3A_193 : memref<1x128xi32, #tpu.memory_space<vmem>> -> memref<128xi32, #tpu.memory_space<vmem>>
          %dma_wait3A_195 = arith.constant 0 : i32
          %dma_wait3A_196 = arith.constant 0 : i32
          %dma_wait3A_197 = tpu.memref_slice %arg17[%dma_wait3A_195, %dma_wait3A_196] : memref<10240x128xf32, #tpu.memory_space<vmem_shared>> -> memref<10240x128xf32, #tpu.memory_space<vmem_shared>>
          tpu.wait_indirect_dma semaphore(%run_scoped3A_185 : memref<!tpu.dma_semaphore, #tpu.memory_space<semaphore_mem>>) src(%arg11 : memref<128x128xf32, #tpu.memory_space<vmem>>) dst(%dma_wait3A_197 : memref<10240x128xf32, #tpu.memory_space<vmem_shared>>)
          tpu.yield
        }) : () -> ()
        %ne3A = arith.constant 0 : i32
        %ne3A_72 = arith.cmpi ne, %arg0, %ne3A : i32
        %convert_element_type3A_73 = arith.extui %ne3A_72 : i1 to i32
        %cond3A_74 = arith.constant 0 : i32
        %cond3A_75 = arith.cmpi ne, %convert_element_type3A_73, %cond3A_74 : i32
        scf.if %cond3A_75 {
          %dma_start3A_185 = arith.constant 1 : i32
          %dma_start3A_186 = arith.constant 0 : i32
          %dma_start3A_187 = tpu.memref_slice %arg8[%dma_start3A_185, %dma_start3A_186] : memref<8x128xi32, #tpu.memory_space<vmem>> -> memref<1x128xi32, #tpu.memory_space<vmem>>
          %dma_start3A_188 = tpu.memref_squeeze %dma_start3A_187 : memref<1x128xi32, #tpu.memory_space<vmem>> -> memref<128xi32, #tpu.memory_space<vmem>>
          %dma_start3A_189 = arith.constant 0 : i32
          %dma_start3A_190 = arith.constant 0 : i32
          %dma_start3A_191 = tpu.memref_slice %arg2[%dma_start3A_189, %dma_start3A_190] : memref<10000x128xf32, #tpu.memory_space<hbm>> -> memref<10000x128xf32, #tpu.memory_space<hbm>>
          tpu.enqueue_indirect_dma source(%dma_start3A_191 : memref<10000x128xf32, #tpu.memory_space<hbm>>) target(%arg12 : memref<128x128xf32, #tpu.memory_space<vmem>>) offsets(%dma_start3A_188 : memref<128xi32, #tpu.memory_space<vmem>>) semaphore(%arg16 : memref<!tpu.dma_semaphore, #tpu.memory_space<semaphore_mem>>)
        } else {
        }
        %dma_wait3A_76 = arith.constant 0 : i32
        %dma_wait3A_77 = arith.constant 0 : i32
        %dma_wait3A_78 = tpu.memref_slice %arg2[%dma_wait3A_76, %dma_wait3A_77] : memref<10000x128xf32, #tpu.memory_space<hbm>> -> memref<128x128xf32, #tpu.memory_space<hbm>>
        %dma_wait3A_79 = arith.constant 0 : i32
        %dma_wait3A_80 = arith.constant 0 : i32
        %dma_wait3A_81 = tpu.memref_slice %arg2[%dma_wait3A_79, %dma_wait3A_80] : memref<10000x128xf32, #tpu.memory_space<hbm>> -> memref<128x128xf32, #tpu.memory_space<hbm>>
        tpu.wait_dma2 semaphore(%arg16 : memref<!tpu.dma_semaphore, #tpu.memory_space<semaphore_mem>>) src(%dma_wait3A_81 : memref<128x128xf32, #tpu.memory_space<hbm>>) dst(%arg12 : memref<128x128xf32, #tpu.memory_space<vmem>>)
        %eq3A_82 = arith.constant 0 : i32
        %eq3A_83 = arith.cmpi eq, %arg0, %eq3A_82 : i32
        %convert_element_type3A_84 = arith.extui %eq3A_83 : i1 to i32
        %cond3A_85 = arith.constant 0 : i32
        %cond3A_86 = arith.cmpi ne, %convert_element_type3A_84, %cond3A_85 : i32
        scf.if %cond3A_86 {
          %dma_start3A_185 = arith.constant 2 : i32
          %dma_start3A_186 = arith.constant 0 : i32
          %dma_start3A_187 = tpu.memref_slice %arg8[%dma_start3A_185, %dma_start3A_186] : memref<8x128xi32, #tpu.memory_space<vmem>> -> memref<1x128xi32, #tpu.memory_space<vmem>>
          %dma_start3A_188 = tpu.memref_squeeze %dma_start3A_187 : memref<1x128xi32, #tpu.memory_space<vmem>> -> memref<128xi32, #tpu.memory_space<vmem>>
          %dma_start3A_189 = arith.constant 0 : i32
          %dma_start3A_190 = arith.constant 0 : i32
          %dma_start3A_191 = tpu.memref_slice %arg2[%dma_start3A_189, %dma_start3A_190] : memref<10000x128xf32, #tpu.memory_space<hbm>> -> memref<10000x128xf32, #tpu.memory_space<hbm>>
          tpu.enqueue_indirect_dma source(%dma_start3A_191 : memref<10000x128xf32, #tpu.memory_space<hbm>>) target(%arg11 : memref<128x128xf32, #tpu.memory_space<vmem>>) offsets(%dma_start3A_188 : memref<128xi32, #tpu.memory_space<vmem>>) semaphore(%arg15 : memref<!tpu.dma_semaphore, #tpu.memory_space<semaphore_mem>>)
        } else {
        }
        %run_scoped3A_87 = arith.constant 1 : i32
        "tpu.region"() ({
          %run_scoped3A_185 = tpu.sem_alloc : memref<!tpu.dma_semaphore, #tpu.memory_space<semaphore_mem>>
          %dma_start3A_186 = arith.constant 0 : i32
          %dma_start3A_187 = tpu.memref_slice %arg10[%run_scoped3A_87, %dma_start3A_186] : memref<8x128xi32, #tpu.memory_space<vmem>> -> memref<1x128xi32, #tpu.memory_space<vmem>>
          %dma_start3A_188 = tpu.memref_squeeze %dma_start3A_187 : memref<1x128xi32, #tpu.memory_space<vmem>> -> memref<128xi32, #tpu.memory_space<vmem>>
          %dma_start3A_189 = arith.constant 0 : i32
          %dma_start3A_190 = arith.constant 0 : i32
          %dma_start3A_191 = tpu.memref_slice %arg17[%dma_start3A_189, %dma_start3A_190] : memref<10240x128xf32, #tpu.memory_space<vmem_shared>> -> memref<10240x128xf32, #tpu.memory_space<vmem_shared>>
          tpu.enqueue_indirect_dma source(%arg12 : memref<128x128xf32, #tpu.memory_space<vmem>>) target(%dma_start3A_191 : memref<10240x128xf32, #tpu.memory_space<vmem_shared>>) offsets(%dma_start3A_188 : memref<128xi32, #tpu.memory_space<vmem>>) semaphore(%run_scoped3A_185 : memref<!tpu.dma_semaphore, #tpu.memory_space<semaphore_mem>>) {add = true}
          %dma_wait3A_192 = arith.constant 0 : i32
          %dma_wait3A_193 = tpu.memref_slice %arg10[%run_scoped3A_87, %dma_wait3A_192] : memref<8x128xi32, #tpu.memory_space<vmem>> -> memref<1x128xi32, #tpu.memory_space<vmem>>
          %dma_wait3A_194 = tpu.memref_squeeze %dma_wait3A_193 : memref<1x128xi32, #tpu.memory_space<vmem>> -> memref<128xi32, #tpu.memory_space<vmem>>
          %dma_wait3A_195 = arith.constant 0 : i32
          %dma_wait3A_196 = arith.constant 0 : i32
          %dma_wait3A_197 = tpu.memref_slice %arg17[%dma_wait3A_195, %dma_wait3A_196] : memref<10240x128xf32, #tpu.memory_space<vmem_shared>> -> memref<10240x128xf32, #tpu.memory_space<vmem_shared>>
          tpu.wait_indirect_dma semaphore(%run_scoped3A_185 : memref<!tpu.dma_semaphore, #tpu.memory_space<semaphore_mem>>) src(%arg12 : memref<128x128xf32, #tpu.memory_space<vmem>>) dst(%dma_wait3A_197 : memref<10240x128xf32, #tpu.memory_space<vmem_shared>>)
          tpu.yield
        }) : () -> ()
        %ne3A_88 = arith.constant 0 : i32
        %ne3A_89 = arith.cmpi ne, %arg0, %ne3A_88 : i32
        %convert_element_type3A_90 = arith.extui %ne3A_89 : i1 to i32
        %cond3A_91 = arith.constant 0 : i32
        %cond3A_92 = arith.cmpi ne, %convert_element_type3A_90, %cond3A_91 : i32
        scf.if %cond3A_92 {
          %dma_start3A_185 = arith.constant 2 : i32
          %dma_start3A_186 = arith.constant 0 : i32
          %dma_start3A_187 = tpu.memref_slice %arg8[%dma_start3A_185, %dma_start3A_186] : memref<8x128xi32, #tpu.memory_space<vmem>> -> memref<1x128xi32, #tpu.memory_space<vmem>>
          %dma_start3A_188 = tpu.memref_squeeze %dma_start3A_187 : memref<1x128xi32, #tpu.memory_space<vmem>> -> memref<128xi32, #tpu.memory_space<vmem>>
          %dma_start3A_189 = arith.constant 0 : i32
          %dma_start3A_190 = arith.constant 0 : i32
          %dma_start3A_191 = tpu.memref_slice %arg2[%dma_start3A_189, %dma_start3A_190] : memref<10000x128xf32, #tpu.memory_space<hbm>> -> memref<10000x128xf32, #tpu.memory_space<hbm>>
          tpu.enqueue_indirect_dma source(%dma_start3A_191 : memref<10000x128xf32, #tpu.memory_space<hbm>>) target(%arg11 : memref<128x128xf32, #tpu.memory_space<vmem>>) offsets(%dma_start3A_188 : memref<128xi32, #tpu.memory_space<vmem>>) semaphore(%arg15 : memref<!tpu.dma_semaphore, #tpu.memory_space<semaphore_mem>>)
        } else {
        }
        %dma_wait3A_93 = arith.constant 0 : i32
        %dma_wait3A_94 = arith.constant 0 : i32
        %dma_wait3A_95 = tpu.memref_slice %arg2[%dma_wait3A_93, %dma_wait3A_94] : memref<10000x128xf32, #tpu.memory_space<hbm>> -> memref<128x128xf32, #tpu.memory_space<hbm>>
        %dma_wait3A_96 = arith.constant 0 : i32
        %dma_wait3A_97 = arith.constant 0 : i32
        %dma_wait3A_98 = tpu.memref_slice %arg2[%dma_wait3A_96, %dma_wait3A_97] : memref<10000x128xf32, #tpu.memory_space<hbm>> -> memref<128x128xf32, #tpu.memory_space<hbm>>
        tpu.wait_dma2 semaphore(%arg15 : memref<!tpu.dma_semaphore, #tpu.memory_space<semaphore_mem>>) src(%dma_wait3A_98 : memref<128x128xf32, #tpu.memory_space<hbm>>) dst(%arg11 : memref<128x128xf32, #tpu.memory_space<vmem>>)
        %eq3A_99 = arith.constant 0 : i32
        %eq3A_100 = arith.cmpi eq, %arg0, %eq3A_99 : i32
        %convert_element_type3A_101 = arith.extui %eq3A_100 : i1 to i32
        %cond3A_102 = arith.constant 0 : i32
        %cond3A_103 = arith.cmpi ne, %convert_element_type3A_101, %cond3A_102 : i32
        scf.if %cond3A_103 {
          %dma_start3A_185 = arith.constant 3 : i32
          %dma_start3A_186 = arith.constant 0 : i32
          %dma_start3A_187 = tpu.memref_slice %arg8[%dma_start3A_185, %dma_start3A_186] : memref<8x128xi32, #tpu.memory_space<vmem>> -> memref<1x128xi32, #tpu.memory_space<vmem>>
          %dma_start3A_188 = tpu.memref_squeeze %dma_start3A_187 : memref<1x128xi32, #tpu.memory_space<vmem>> -> memref<128xi32, #tpu.memory_space<vmem>>
          %dma_start3A_189 = arith.constant 0 : i32
          %dma_start3A_190 = arith.constant 0 : i32
          %dma_start3A_191 = tpu.memref_slice %arg2[%dma_start3A_189, %dma_start3A_190] : memref<10000x128xf32, #tpu.memory_space<hbm>> -> memref<10000x128xf32, #tpu.memory_space<hbm>>
          tpu.enqueue_indirect_dma source(%dma_start3A_191 : memref<10000x128xf32, #tpu.memory_space<hbm>>) target(%arg12 : memref<128x128xf32, #tpu.memory_space<vmem>>) offsets(%dma_start3A_188 : memref<128xi32, #tpu.memory_space<vmem>>) semaphore(%arg16 : memref<!tpu.dma_semaphore, #tpu.memory_space<semaphore_mem>>)
        } else {
        }
        %run_scoped3A_104 = arith.constant 2 : i32
        "tpu.region"() ({
          %run_scoped3A_185 = tpu.sem_alloc : memref<!tpu.dma_semaphore, #tpu.memory_space<semaphore_mem>>
          %dma_start3A_186 = arith.constant 0 : i32
          %dma_start3A_187 = tpu.memref_slice %arg10[%run_scoped3A_104, %dma_start3A_186] : memref<8x128xi32, #tpu.memory_space<vmem>> -> memref<1x128xi32, #tpu.memory_space<vmem>>
          %dma_start3A_188 = tpu.memref_squeeze %dma_start3A_187 : memref<1x128xi32, #tpu.memory_space<vmem>> -> memref<128xi32, #tpu.memory_space<vmem>>
          %dma_start3A_189 = arith.constant 0 : i32
          %dma_start3A_190 = arith.constant 0 : i32
          %dma_start3A_191 = tpu.memref_slice %arg17[%dma_start3A_189, %dma_start3A_190] : memref<10240x128xf32, #tpu.memory_space<vmem_shared>> -> memref<10240x128xf32, #tpu.memory_space<vmem_shared>>
          tpu.enqueue_indirect_dma source(%arg11 : memref<128x128xf32, #tpu.memory_space<vmem>>) target(%dma_start3A_191 : memref<10240x128xf32, #tpu.memory_space<vmem_shared>>) offsets(%dma_start3A_188 : memref<128xi32, #tpu.memory_space<vmem>>) semaphore(%run_scoped3A_185 : memref<!tpu.dma_semaphore, #tpu.memory_space<semaphore_mem>>) {add = true}
          %dma_wait3A_192 = arith.constant 0 : i32
          %dma_wait3A_193 = tpu.memref_slice %arg10[%run_scoped3A_104, %dma_wait3A_192] : memref<8x128xi32, #tpu.memory_space<vmem>> -> memref<1x128xi32, #tpu.memory_space<vmem>>
          %dma_wait3A_194 = tpu.memref_squeeze %dma_wait3A_193 : memref<1x128xi32, #tpu.memory_space<vmem>> -> memref<128xi32, #tpu.memory_space<vmem>>
          %dma_wait3A_195 = arith.constant 0 : i32
          %dma_wait3A_196 = arith.constant 0 : i32
          %dma_wait3A_197 = tpu.memref_slice %arg17[%dma_wait3A_195, %dma_wait3A_196] : memref<10240x128xf32, #tpu.memory_space<vmem_shared>> -> memref<10240x128xf32, #tpu.memory_space<vmem_shared>>
          tpu.wait_indirect_dma semaphore(%run_scoped3A_185 : memref<!tpu.dma_semaphore, #tpu.memory_space<semaphore_mem>>) src(%arg11 : memref<128x128xf32, #tpu.memory_space<vmem>>) dst(%dma_wait3A_197 : memref<10240x128xf32, #tpu.memory_space<vmem_shared>>)
          tpu.yield
        }) : () -> ()
        %ne3A_105 = arith.constant 0 : i32
        %ne3A_106 = arith.cmpi ne, %arg0, %ne3A_105 : i32
        %convert_element_type3A_107 = arith.extui %ne3A_106 : i1 to i32
        %cond3A_108 = arith.constant 0 : i32
        %cond3A_109 = arith.cmpi ne, %convert_element_type3A_107, %cond3A_108 : i32
        scf.if %cond3A_109 {
          %dma_start3A_185 = arith.constant 3 : i32
          %dma_start3A_186 = arith.constant 0 : i32
          %dma_start3A_187 = tpu.memref_slice %arg8[%dma_start3A_185, %dma_start3A_186] : memref<8x128xi32, #tpu.memory_space<vmem>> -> memref<1x128xi32, #tpu.memory_space<vmem>>
          %dma_start3A_188 = tpu.memref_squeeze %dma_start3A_187 : memref<1x128xi32, #tpu.memory_space<vmem>> -> memref<128xi32, #tpu.memory_space<vmem>>
          %dma_start3A_189 = arith.constant 0 : i32
          %dma_start3A_190 = arith.constant 0 : i32
          %dma_start3A_191 = tpu.memref_slice %arg2[%dma_start3A_189, %dma_start3A_190] : memref<10000x128xf32, #tpu.memory_space<hbm>> -> memref<10000x128xf32, #tpu.memory_space<hbm>>
          tpu.enqueue_indirect_dma source(%dma_start3A_191 : memref<10000x128xf32, #tpu.memory_space<hbm>>) target(%arg12 : memref<128x128xf32, #tpu.memory_space<vmem>>) offsets(%dma_start3A_188 : memref<128xi32, #tpu.memory_space<vmem>>) semaphore(%arg16 : memref<!tpu.dma_semaphore, #tpu.memory_space<semaphore_mem>>)
        } else {
        }
        %dma_wait3A_110 = arith.constant 0 : i32
        %dma_wait3A_111 = arith.constant 0 : i32
        %dma_wait3A_112 = tpu.memref_slice %arg2[%dma_wait3A_110, %dma_wait3A_111] : memref<10000x128xf32, #tpu.memory_space<hbm>> -> memref<128x128xf32, #tpu.memory_space<hbm>>
        %dma_wait3A_113 = arith.constant 0 : i32
        %dma_wait3A_114 = arith.constant 0 : i32
        %dma_wait3A_115 = tpu.memref_slice %arg2[%dma_wait3A_113, %dma_wait3A_114] : memref<10000x128xf32, #tpu.memory_space<hbm>> -> memref<128x128xf32, #tpu.memory_space<hbm>>
        tpu.wait_dma2 semaphore(%arg16 : memref<!tpu.dma_semaphore, #tpu.memory_space<semaphore_mem>>) src(%dma_wait3A_115 : memref<128x128xf32, #tpu.memory_space<hbm>>) dst(%arg12 : memref<128x128xf32, #tpu.memory_space<vmem>>)
        %eq3A_116 = arith.constant 0 : i32
        %eq3A_117 = arith.cmpi eq, %arg0, %eq3A_116 : i32
        %convert_element_type3A_118 = arith.extui %eq3A_117 : i1 to i32
        %cond3A_119 = arith.constant 0 : i32
        %cond3A_120 = arith.cmpi ne, %convert_element_type3A_118, %cond3A_119 : i32
        scf.if %cond3A_120 {
          %dma_start3A_185 = arith.constant 4 : i32
          %dma_start3A_186 = arith.constant 0 : i32
          %dma_start3A_187 = tpu.memref_slice %arg8[%dma_start3A_185, %dma_start3A_186] : memref<8x128xi32, #tpu.memory_space<vmem>> -> memref<1x128xi32, #tpu.memory_space<vmem>>
          %dma_start3A_188 = tpu.memref_squeeze %dma_start3A_187 : memref<1x128xi32, #tpu.memory_space<vmem>> -> memref<128xi32, #tpu.memory_space<vmem>>
          %dma_start3A_189 = arith.constant 0 : i32
          %dma_start3A_190 = arith.constant 0 : i32
          %dma_start3A_191 = tpu.memref_slice %arg2[%dma_start3A_189, %dma_start3A_190] : memref<10000x128xf32, #tpu.memory_space<hbm>> -> memref<10000x128xf32, #tpu.memory_space<hbm>>
          tpu.enqueue_indirect_dma source(%dma_start3A_191 : memref<10000x128xf32, #tpu.memory_space<hbm>>) target(%arg11 : memref<128x128xf32, #tpu.memory_space<vmem>>) offsets(%dma_start3A_188 : memref<128xi32, #tpu.memory_space<vmem>>) semaphore(%arg15 : memref<!tpu.dma_semaphore, #tpu.memory_space<semaphore_mem>>)
        } else {
        }
        %run_scoped3A_121 = arith.constant 3 : i32
        "tpu.region"() ({
          %run_scoped3A_185 = tpu.sem_alloc : memref<!tpu.dma_semaphore, #tpu.memory_space<semaphore_mem>>
          %dma_start3A_186 = arith.constant 0 : i32
          %dma_start3A_187 = tpu.memref_slice %arg10[%run_scoped3A_121, %dma_start3A_186] : memref<8x128xi32, #tpu.memory_space<vmem>> -> memref<1x128xi32, #tpu.memory_space<vmem>>
          %dma_start3A_188 = tpu.memref_squeeze %dma_start3A_187 : memref<1x128xi32, #tpu.memory_space<vmem>> -> memref<128xi32, #tpu.memory_space<vmem>>
          %dma_start3A_189 = arith.constant 0 : i32
          %dma_start3A_190 = arith.constant 0 : i32
          %dma_start3A_191 = tpu.memref_slice %arg17[%dma_start3A_189, %dma_start3A_190] : memref<10240x128xf32, #tpu.memory_space<vmem_shared>> -> memref<10240x128xf32, #tpu.memory_space<vmem_shared>>
          tpu.enqueue_indirect_dma source(%arg12 : memref<128x128xf32, #tpu.memory_space<vmem>>) target(%dma_start3A_191 : memref<10240x128xf32, #tpu.memory_space<vmem_shared>>) offsets(%dma_start3A_188 : memref<128xi32, #tpu.memory_space<vmem>>) semaphore(%run_scoped3A_185 : memref<!tpu.dma_semaphore, #tpu.memory_space<semaphore_mem>>) {add = true}
          %dma_wait3A_192 = arith.constant 0 : i32
          %dma_wait3A_193 = tpu.memref_slice %arg10[%run_scoped3A_121, %dma_wait3A_192] : memref<8x128xi32, #tpu.memory_space<vmem>> -> memref<1x128xi32, #tpu.memory_space<vmem>>
          %dma_wait3A_194 = tpu.memref_squeeze %dma_wait3A_193 : memref<1x128xi32, #tpu.memory_space<vmem>> -> memref<128xi32, #tpu.memory_space<vmem>>
          %dma_wait3A_195 = arith.constant 0 : i32
          %dma_wait3A_196 = arith.constant 0 : i32
          %dma_wait3A_197 = tpu.memref_slice %arg17[%dma_wait3A_195, %dma_wait3A_196] : memref<10240x128xf32, #tpu.memory_space<vmem_shared>> -> memref<10240x128xf32, #tpu.memory_space<vmem_shared>>
          tpu.wait_indirect_dma semaphore(%run_scoped3A_185 : memref<!tpu.dma_semaphore, #tpu.memory_space<semaphore_mem>>) src(%arg12 : memref<128x128xf32, #tpu.memory_space<vmem>>) dst(%dma_wait3A_197 : memref<10240x128xf32, #tpu.memory_space<vmem_shared>>)
          tpu.yield
        }) : () -> ()
        %ne3A_122 = arith.constant 0 : i32
        %ne3A_123 = arith.cmpi ne, %arg0, %ne3A_122 : i32
        %convert_element_type3A_124 = arith.extui %ne3A_123 : i1 to i32
        %cond3A_125 = arith.constant 0 : i32
        %cond3A_126 = arith.cmpi ne, %convert_element_type3A_124, %cond3A_125 : i32
        scf.if %cond3A_126 {
          %dma_start3A_185 = arith.constant 4 : i32
          %dma_start3A_186 = arith.constant 0 : i32
          %dma_start3A_187 = tpu.memref_slice %arg8[%dma_start3A_185, %dma_start3A_186] : memref<8x128xi32, #tpu.memory_space<vmem>> -> memref<1x128xi32, #tpu.memory_space<vmem>>
          %dma_start3A_188 = tpu.memref_squeeze %dma_start3A_187 : memref<1x128xi32, #tpu.memory_space<vmem>> -> memref<128xi32, #tpu.memory_space<vmem>>
          %dma_start3A_189 = arith.constant 0 : i32
          %dma_start3A_190 = arith.constant 0 : i32
          %dma_start3A_191 = tpu.memref_slice %arg2[%dma_start3A_189, %dma_start3A_190] : memref<10000x128xf32, #tpu.memory_space<hbm>> -> memref<10000x128xf32, #tpu.memory_space<hbm>>
          tpu.enqueue_indirect_dma source(%dma_start3A_191 : memref<10000x128xf32, #tpu.memory_space<hbm>>) target(%arg11 : memref<128x128xf32, #tpu.memory_space<vmem>>) offsets(%dma_start3A_188 : memref<128xi32, #tpu.memory_space<vmem>>) semaphore(%arg15 : memref<!tpu.dma_semaphore, #tpu.memory_space<semaphore_mem>>)
        } else {
        }
        %dma_wait3A_127 = arith.constant 0 : i32
        %dma_wait3A_128 = arith.constant 0 : i32
        %dma_wait3A_129 = tpu.memref_slice %arg2[%dma_wait3A_127, %dma_wait3A_128] : memref<10000x128xf32, #tpu.memory_space<hbm>> -> memref<128x128xf32, #tpu.memory_space<hbm>>
        %dma_wait3A_130 = arith.constant 0 : i32
        %dma_wait3A_131 = arith.constant 0 : i32
        %dma_wait3A_132 = tpu.memref_slice %arg2[%dma_wait3A_130, %dma_wait3A_131] : memref<10000x128xf32, #tpu.memory_space<hbm>> -> memref<128x128xf32, #tpu.memory_space<hbm>>
        tpu.wait_dma2 semaphore(%arg15 : memref<!tpu.dma_semaphore, #tpu.memory_space<semaphore_mem>>) src(%dma_wait3A_132 : memref<128x128xf32, #tpu.memory_space<hbm>>) dst(%arg11 : memref<128x128xf32, #tpu.memory_space<vmem>>)
        %eq3A_133 = arith.constant 0 : i32
        %eq3A_134 = arith.cmpi eq, %arg0, %eq3A_133 : i32
        %convert_element_type3A_135 = arith.extui %eq3A_134 : i1 to i32
        %cond3A_136 = arith.constant 0 : i32
        %cond3A_137 = arith.cmpi ne, %convert_element_type3A_135, %cond3A_136 : i32
        scf.if %cond3A_137 {
          %dma_start3A_185 = arith.constant 5 : i32
          %dma_start3A_186 = arith.constant 0 : i32
          %dma_start3A_187 = tpu.memref_slice %arg8[%dma_start3A_185, %dma_start3A_186] : memref<8x128xi32, #tpu.memory_space<vmem>> -> memref<1x128xi32, #tpu.memory_space<vmem>>
          %dma_start3A_188 = tpu.memref_squeeze %dma_start3A_187 : memref<1x128xi32, #tpu.memory_space<vmem>> -> memref<128xi32, #tpu.memory_space<vmem>>
          %dma_start3A_189 = arith.constant 0 : i32
          %dma_start3A_190 = arith.constant 0 : i32
          %dma_start3A_191 = tpu.memref_slice %arg2[%dma_start3A_189, %dma_start3A_190] : memref<10000x128xf32, #tpu.memory_space<hbm>> -> memref<10000x128xf32, #tpu.memory_space<hbm>>
          tpu.enqueue_indirect_dma source(%dma_start3A_191 : memref<10000x128xf32, #tpu.memory_space<hbm>>) target(%arg12 : memref<128x128xf32, #tpu.memory_space<vmem>>) offsets(%dma_start3A_188 : memref<128xi32, #tpu.memory_space<vmem>>) semaphore(%arg16 : memref<!tpu.dma_semaphore, #tpu.memory_space<semaphore_mem>>)
        } else {
        }
        %run_scoped3A_138 = arith.constant 4 : i32
        "tpu.region"() ({
          %run_scoped3A_185 = tpu.sem_alloc : memref<!tpu.dma_semaphore, #tpu.memory_space<semaphore_mem>>
          %dma_start3A_186 = arith.constant 0 : i32
          %dma_start3A_187 = tpu.memref_slice %arg10[%run_scoped3A_138, %dma_start3A_186] : memref<8x128xi32, #tpu.memory_space<vmem>> -> memref<1x128xi32, #tpu.memory_space<vmem>>
          %dma_start3A_188 = tpu.memref_squeeze %dma_start3A_187 : memref<1x128xi32, #tpu.memory_space<vmem>> -> memref<128xi32, #tpu.memory_space<vmem>>
          %dma_start3A_189 = arith.constant 0 : i32
          %dma_start3A_190 = arith.constant 0 : i32
          %dma_start3A_191 = tpu.memref_slice %arg17[%dma_start3A_189, %dma_start3A_190] : memref<10240x128xf32, #tpu.memory_space<vmem_shared>> -> memref<10240x128xf32, #tpu.memory_space<vmem_shared>>
          tpu.enqueue_indirect_dma source(%arg11 : memref<128x128xf32, #tpu.memory_space<vmem>>) target(%dma_start3A_191 : memref<10240x128xf32, #tpu.memory_space<vmem_shared>>) offsets(%dma_start3A_188 : memref<128xi32, #tpu.memory_space<vmem>>) semaphore(%run_scoped3A_185 : memref<!tpu.dma_semaphore, #tpu.memory_space<semaphore_mem>>) {add = true}
          %dma_wait3A_192 = arith.constant 0 : i32
          %dma_wait3A_193 = tpu.memref_slice %arg10[%run_scoped3A_138, %dma_wait3A_192] : memref<8x128xi32, #tpu.memory_space<vmem>> -> memref<1x128xi32, #tpu.memory_space<vmem>>
          %dma_wait3A_194 = tpu.memref_squeeze %dma_wait3A_193 : memref<1x128xi32, #tpu.memory_space<vmem>> -> memref<128xi32, #tpu.memory_space<vmem>>
          %dma_wait3A_195 = arith.constant 0 : i32
          %dma_wait3A_196 = arith.constant 0 : i32
          %dma_wait3A_197 = tpu.memref_slice %arg17[%dma_wait3A_195, %dma_wait3A_196] : memref<10240x128xf32, #tpu.memory_space<vmem_shared>> -> memref<10240x128xf32, #tpu.memory_space<vmem_shared>>
          tpu.wait_indirect_dma semaphore(%run_scoped3A_185 : memref<!tpu.dma_semaphore, #tpu.memory_space<semaphore_mem>>) src(%arg11 : memref<128x128xf32, #tpu.memory_space<vmem>>) dst(%dma_wait3A_197 : memref<10240x128xf32, #tpu.memory_space<vmem_shared>>)
          tpu.yield
        }) : () -> ()
        %ne3A_139 = arith.constant 0 : i32
        %ne3A_140 = arith.cmpi ne, %arg0, %ne3A_139 : i32
        %convert_element_type3A_141 = arith.extui %ne3A_140 : i1 to i32
        %cond3A_142 = arith.constant 0 : i32
        %cond3A_143 = arith.cmpi ne, %convert_element_type3A_141, %cond3A_142 : i32
        scf.if %cond3A_143 {
          %dma_start3A_185 = arith.constant 5 : i32
          %dma_start3A_186 = arith.constant 0 : i32
          %dma_start3A_187 = tpu.memref_slice %arg8[%dma_start3A_185, %dma_start3A_186] : memref<8x128xi32, #tpu.memory_space<vmem>> -> memref<1x128xi32, #tpu.memory_space<vmem>>
          %dma_start3A_188 = tpu.memref_squeeze %dma_start3A_187 : memref<1x128xi32, #tpu.memory_space<vmem>> -> memref<128xi32, #tpu.memory_space<vmem>>
          %dma_start3A_189 = arith.constant 0 : i32
          %dma_start3A_190 = arith.constant 0 : i32
          %dma_start3A_191 = tpu.memref_slice %arg2[%dma_start3A_189, %dma_start3A_190] : memref<10000x128xf32, #tpu.memory_space<hbm>> -> memref<10000x128xf32, #tpu.memory_space<hbm>>
          tpu.enqueue_indirect_dma source(%dma_start3A_191 : memref<10000x128xf32, #tpu.memory_space<hbm>>) target(%arg12 : memref<128x128xf32, #tpu.memory_space<vmem>>) offsets(%dma_start3A_188 : memref<128xi32, #tpu.memory_space<vmem>>) semaphore(%arg16 : memref<!tpu.dma_semaphore, #tpu.memory_space<semaphore_mem>>)
        } else {
        }
        %dma_wait3A_144 = arith.constant 0 : i32
        %dma_wait3A_145 = arith.constant 0 : i32
        %dma_wait3A_146 = tpu.memref_slice %arg2[%dma_wait3A_144, %dma_wait3A_145] : memref<10000x128xf32, #tpu.memory_space<hbm>> -> memref<128x128xf32, #tpu.memory_space<hbm>>
        %dma_wait3A_147 = arith.constant 0 : i32
        %dma_wait3A_148 = arith.constant 0 : i32
        %dma_wait3A_149 = tpu.memref_slice %arg2[%dma_wait3A_147, %dma_wait3A_148] : memref<10000x128xf32, #tpu.memory_space<hbm>> -> memref<128x128xf32, #tpu.memory_space<hbm>>
        tpu.wait_dma2 semaphore(%arg16 : memref<!tpu.dma_semaphore, #tpu.memory_space<semaphore_mem>>) src(%dma_wait3A_149 : memref<128x128xf32, #tpu.memory_space<hbm>>) dst(%arg12 : memref<128x128xf32, #tpu.memory_space<vmem>>)
        %eq3A_150 = arith.constant 0 : i32
        %eq3A_151 = arith.cmpi eq, %arg0, %eq3A_150 : i32
        %convert_element_type3A_152 = arith.extui %eq3A_151 : i1 to i32
        %cond3A_153 = arith.constant 0 : i32
        %cond3A_154 = arith.cmpi ne, %convert_element_type3A_152, %cond3A_153 : i32
        scf.if %cond3A_154 {
          %dma_start3A_185 = arith.constant 6 : i32
          %dma_start3A_186 = arith.constant 0 : i32
          %dma_start3A_187 = tpu.memref_slice %arg8[%dma_start3A_185, %dma_start3A_186] : memref<8x128xi32, #tpu.memory_space<vmem>> -> memref<1x128xi32, #tpu.memory_space<vmem>>
          %dma_start3A_188 = tpu.memref_squeeze %dma_start3A_187 : memref<1x128xi32, #tpu.memory_space<vmem>> -> memref<128xi32, #tpu.memory_space<vmem>>
          %dma_start3A_189 = arith.constant 0 : i32
          %dma_start3A_190 = arith.constant 0 : i32
          %dma_start3A_191 = tpu.memref_slice %arg2[%dma_start3A_189, %dma_start3A_190] : memref<10000x128xf32, #tpu.memory_space<hbm>> -> memref<10000x128xf32, #tpu.memory_space<hbm>>
          tpu.enqueue_indirect_dma source(%dma_start3A_191 : memref<10000x128xf32, #tpu.memory_space<hbm>>) target(%arg11 : memref<128x128xf32, #tpu.memory_space<vmem>>) offsets(%dma_start3A_188 : memref<128xi32, #tpu.memory_space<vmem>>) semaphore(%arg15 : memref<!tpu.dma_semaphore, #tpu.memory_space<semaphore_mem>>)
        } else {
        }
        %run_scoped3A_155 = arith.constant 5 : i32
        "tpu.region"() ({
          %run_scoped3A_185 = tpu.sem_alloc : memref<!tpu.dma_semaphore, #tpu.memory_space<semaphore_mem>>
          %dma_start3A_186 = arith.constant 0 : i32
          %dma_start3A_187 = tpu.memref_slice %arg10[%run_scoped3A_155, %dma_start3A_186] : memref<8x128xi32, #tpu.memory_space<vmem>> -> memref<1x128xi32, #tpu.memory_space<vmem>>
          %dma_start3A_188 = tpu.memref_squeeze %dma_start3A_187 : memref<1x128xi32, #tpu.memory_space<vmem>> -> memref<128xi32, #tpu.memory_space<vmem>>
          %dma_start3A_189 = arith.constant 0 : i32
          %dma_start3A_190 = arith.constant 0 : i32
          %dma_start3A_191 = tpu.memref_slice %arg17[%dma_start3A_189, %dma_start3A_190] : memref<10240x128xf32, #tpu.memory_space<vmem_shared>> -> memref<10240x128xf32, #tpu.memory_space<vmem_shared>>
          tpu.enqueue_indirect_dma source(%arg12 : memref<128x128xf32, #tpu.memory_space<vmem>>) target(%dma_start3A_191 : memref<10240x128xf32, #tpu.memory_space<vmem_shared>>) offsets(%dma_start3A_188 : memref<128xi32, #tpu.memory_space<vmem>>) semaphore(%run_scoped3A_185 : memref<!tpu.dma_semaphore, #tpu.memory_space<semaphore_mem>>) {add = true}
          %dma_wait3A_192 = arith.constant 0 : i32
          %dma_wait3A_193 = tpu.memref_slice %arg10[%run_scoped3A_155, %dma_wait3A_192] : memref<8x128xi32, #tpu.memory_space<vmem>> -> memref<1x128xi32, #tpu.memory_space<vmem>>
          %dma_wait3A_194 = tpu.memref_squeeze %dma_wait3A_193 : memref<1x128xi32, #tpu.memory_space<vmem>> -> memref<128xi32, #tpu.memory_space<vmem>>
          %dma_wait3A_195 = arith.constant 0 : i32
          %dma_wait3A_196 = arith.constant 0 : i32
          %dma_wait3A_197 = tpu.memref_slice %arg17[%dma_wait3A_195, %dma_wait3A_196] : memref<10240x128xf32, #tpu.memory_space<vmem_shared>> -> memref<10240x128xf32, #tpu.memory_space<vmem_shared>>
          tpu.wait_indirect_dma semaphore(%run_scoped3A_185 : memref<!tpu.dma_semaphore, #tpu.memory_space<semaphore_mem>>) src(%arg12 : memref<128x128xf32, #tpu.memory_space<vmem>>) dst(%dma_wait3A_197 : memref<10240x128xf32, #tpu.memory_space<vmem_shared>>)
          tpu.yield
        }) : () -> ()
        %ne3A_156 = arith.constant 0 : i32
        %ne3A_157 = arith.cmpi ne, %arg0, %ne3A_156 : i32
        %convert_element_type3A_158 = arith.extui %ne3A_157 : i1 to i32
        %cond3A_159 = arith.constant 0 : i32
        %cond3A_160 = arith.cmpi ne, %convert_element_type3A_158, %cond3A_159 : i32
        scf.if %cond3A_160 {
          %dma_start3A_185 = arith.constant 6 : i32
          %dma_start3A_186 = arith.constant 0 : i32
          %dma_start3A_187 = tpu.memref_slice %arg8[%dma_start3A_185, %dma_start3A_186] : memref<8x128xi32, #tpu.memory_space<vmem>> -> memref<1x128xi32, #tpu.memory_space<vmem>>
          %dma_start3A_188 = tpu.memref_squeeze %dma_start3A_187 : memref<1x128xi32, #tpu.memory_space<vmem>> -> memref<128xi32, #tpu.memory_space<vmem>>
          %dma_start3A_189 = arith.constant 0 : i32
          %dma_start3A_190 = arith.constant 0 : i32
          %dma_start3A_191 = tpu.memref_slice %arg2[%dma_start3A_189, %dma_start3A_190] : memref<10000x128xf32, #tpu.memory_space<hbm>> -> memref<10000x128xf32, #tpu.memory_space<hbm>>
          tpu.enqueue_indirect_dma source(%dma_start3A_191 : memref<10000x128xf32, #tpu.memory_space<hbm>>) target(%arg11 : memref<128x128xf32, #tpu.memory_space<vmem>>) offsets(%dma_start3A_188 : memref<128xi32, #tpu.memory_space<vmem>>) semaphore(%arg15 : memref<!tpu.dma_semaphore, #tpu.memory_space<semaphore_mem>>)
        } else {
        }
        %dma_wait3A_161 = arith.constant 0 : i32
        %dma_wait3A_162 = arith.constant 0 : i32
        %dma_wait3A_163 = tpu.memref_slice %arg2[%dma_wait3A_161, %dma_wait3A_162] : memref<10000x128xf32, #tpu.memory_space<hbm>> -> memref<128x128xf32, #tpu.memory_space<hbm>>
        %dma_wait3A_164 = arith.constant 0 : i32
        %dma_wait3A_165 = arith.constant 0 : i32
        %dma_wait3A_166 = tpu.memref_slice %arg2[%dma_wait3A_164, %dma_wait3A_165] : memref<10000x128xf32, #tpu.memory_space<hbm>> -> memref<128x128xf32, #tpu.memory_space<hbm>>
        tpu.wait_dma2 semaphore(%arg15 : memref<!tpu.dma_semaphore, #tpu.memory_space<semaphore_mem>>) src(%dma_wait3A_166 : memref<128x128xf32, #tpu.memory_space<hbm>>) dst(%arg11 : memref<128x128xf32, #tpu.memory_space<vmem>>)
        %eq3A_167 = arith.constant 0 : i32
        %eq3A_168 = arith.cmpi eq, %arg0, %eq3A_167 : i32
        %convert_element_type3A_169 = arith.extui %eq3A_168 : i1 to i32
        %cond3A_170 = arith.constant 0 : i32
        %cond3A_171 = arith.cmpi ne, %convert_element_type3A_169, %cond3A_170 : i32
        scf.if %cond3A_171 {
          %dma_start3A_185 = arith.constant 7 : i32
          %dma_start3A_186 = arith.constant 0 : i32
          %dma_start3A_187 = tpu.memref_slice %arg8[%dma_start3A_185, %dma_start3A_186] : memref<8x128xi32, #tpu.memory_space<vmem>> -> memref<1x128xi32, #tpu.memory_space<vmem>>
          %dma_start3A_188 = tpu.memref_squeeze %dma_start3A_187 : memref<1x128xi32, #tpu.memory_space<vmem>> -> memref<128xi32, #tpu.memory_space<vmem>>
          %dma_start3A_189 = arith.constant 0 : i32
          %dma_start3A_190 = arith.constant 0 : i32
          %dma_start3A_191 = tpu.memref_slice %arg2[%dma_start3A_189, %dma_start3A_190] : memref<10000x128xf32, #tpu.memory_space<hbm>> -> memref<10000x128xf32, #tpu.memory_space<hbm>>
          tpu.enqueue_indirect_dma source(%dma_start3A_191 : memref<10000x128xf32, #tpu.memory_space<hbm>>) target(%arg12 : memref<128x128xf32, #tpu.memory_space<vmem>>) offsets(%dma_start3A_188 : memref<128xi32, #tpu.memory_space<vmem>>) semaphore(%arg16 : memref<!tpu.dma_semaphore, #tpu.memory_space<semaphore_mem>>)
        } else {
        }
        %run_scoped3A_172 = arith.constant 6 : i32
        "tpu.region"() ({
          %run_scoped3A_185 = tpu.sem_alloc : memref<!tpu.dma_semaphore, #tpu.memory_space<semaphore_mem>>
          %dma_start3A_186 = arith.constant 0 : i32
          %dma_start3A_187 = tpu.memref_slice %arg10[%run_scoped3A_172, %dma_start3A_186] : memref<8x128xi32, #tpu.memory_space<vmem>> -> memref<1x128xi32, #tpu.memory_space<vmem>>
          %dma_start3A_188 = tpu.memref_squeeze %dma_start3A_187 : memref<1x128xi32, #tpu.memory_space<vmem>> -> memref<128xi32, #tpu.memory_space<vmem>>
          %dma_start3A_189 = arith.constant 0 : i32
          %dma_start3A_190 = arith.constant 0 : i32
          %dma_start3A_191 = tpu.memref_slice %arg17[%dma_start3A_189, %dma_start3A_190] : memref<10240x128xf32, #tpu.memory_space<vmem_shared>> -> memref<10240x128xf32, #tpu.memory_space<vmem_shared>>
          tpu.enqueue_indirect_dma source(%arg11 : memref<128x128xf32, #tpu.memory_space<vmem>>) target(%dma_start3A_191 : memref<10240x128xf32, #tpu.memory_space<vmem_shared>>) offsets(%dma_start3A_188 : memref<128xi32, #tpu.memory_space<vmem>>) semaphore(%run_scoped3A_185 : memref<!tpu.dma_semaphore, #tpu.memory_space<semaphore_mem>>) {add = true}
          %dma_wait3A_192 = arith.constant 0 : i32
          %dma_wait3A_193 = tpu.memref_slice %arg10[%run_scoped3A_172, %dma_wait3A_192] : memref<8x128xi32, #tpu.memory_space<vmem>> -> memref<1x128xi32, #tpu.memory_space<vmem>>
          %dma_wait3A_194 = tpu.memref_squeeze %dma_wait3A_193 : memref<1x128xi32, #tpu.memory_space<vmem>> -> memref<128xi32, #tpu.memory_space<vmem>>
          %dma_wait3A_195 = arith.constant 0 : i32
          %dma_wait3A_196 = arith.constant 0 : i32
          %dma_wait3A_197 = tpu.memref_slice %arg17[%dma_wait3A_195, %dma_wait3A_196] : memref<10240x128xf32, #tpu.memory_space<vmem_shared>> -> memref<10240x128xf32, #tpu.memory_space<vmem_shared>>
          tpu.wait_indirect_dma semaphore(%run_scoped3A_185 : memref<!tpu.dma_semaphore, #tpu.memory_space<semaphore_mem>>) src(%arg11 : memref<128x128xf32, #tpu.memory_space<vmem>>) dst(%dma_wait3A_197 : memref<10240x128xf32, #tpu.memory_space<vmem_shared>>)
          tpu.yield
        }) : () -> ()
        %ne3A_173 = arith.constant 0 : i32
        %ne3A_174 = arith.cmpi ne, %arg0, %ne3A_173 : i32
        %convert_element_type3A_175 = arith.extui %ne3A_174 : i1 to i32
        %cond3A_176 = arith.constant 0 : i32
        %cond3A_177 = arith.cmpi ne, %convert_element_type3A_175, %cond3A_176 : i32
        scf.if %cond3A_177 {
          %dma_start3A_185 = arith.constant 7 : i32
          %dma_start3A_186 = arith.constant 0 : i32
          %dma_start3A_187 = tpu.memref_slice %arg8[%dma_start3A_185, %dma_start3A_186] : memref<8x128xi32, #tpu.memory_space<vmem>> -> memref<1x128xi32, #tpu.memory_space<vmem>>
          %dma_start3A_188 = tpu.memref_squeeze %dma_start3A_187 : memref<1x128xi32, #tpu.memory_space<vmem>> -> memref<128xi32, #tpu.memory_space<vmem>>
          %dma_start3A_189 = arith.constant 0 : i32
          %dma_start3A_190 = arith.constant 0 : i32
          %dma_start3A_191 = tpu.memref_slice %arg2[%dma_start3A_189, %dma_start3A_190] : memref<10000x128xf32, #tpu.memory_space<hbm>> -> memref<10000x128xf32, #tpu.memory_space<hbm>>
          tpu.enqueue_indirect_dma source(%dma_start3A_191 : memref<10000x128xf32, #tpu.memory_space<hbm>>) target(%arg12 : memref<128x128xf32, #tpu.memory_space<vmem>>) offsets(%dma_start3A_188 : memref<128xi32, #tpu.memory_space<vmem>>) semaphore(%arg16 : memref<!tpu.dma_semaphore, #tpu.memory_space<semaphore_mem>>)
        } else {
        }
        %dma_wait3A_178 = arith.constant 0 : i32
        %dma_wait3A_179 = arith.constant 0 : i32
        %dma_wait3A_180 = tpu.memref_slice %arg2[%dma_wait3A_178, %dma_wait3A_179] : memref<10000x128xf32, #tpu.memory_space<hbm>> -> memref<128x128xf32, #tpu.memory_space<hbm>>
        %dma_wait3A_181 = arith.constant 0 : i32
        %dma_wait3A_182 = arith.constant 0 : i32
        %dma_wait3A_183 = tpu.memref_slice %arg2[%dma_wait3A_181, %dma_wait3A_182] : memref<10000x128xf32, #tpu.memory_space<hbm>> -> memref<128x128xf32, #tpu.memory_space<hbm>>
        tpu.wait_dma2 semaphore(%arg16 : memref<!tpu.dma_semaphore, #tpu.memory_space<semaphore_mem>>) src(%dma_wait3A_183 : memref<128x128xf32, #tpu.memory_space<hbm>>) dst(%arg12 : memref<128x128xf32, #tpu.memory_space<vmem>>)
        %run_scoped3A_184 = arith.constant 7 : i32
        "tpu.region"() ({
          %run_scoped3A_185 = tpu.sem_alloc : memref<!tpu.dma_semaphore, #tpu.memory_space<semaphore_mem>>
          %dma_start3A_186 = arith.constant 0 : i32
          %dma_start3A_187 = tpu.memref_slice %arg10[%run_scoped3A_184, %dma_start3A_186] : memref<8x128xi32, #tpu.memory_space<vmem>> -> memref<1x128xi32, #tpu.memory_space<vmem>>
          %dma_start3A_188 = tpu.memref_squeeze %dma_start3A_187 : memref<1x128xi32, #tpu.memory_space<vmem>> -> memref<128xi32, #tpu.memory_space<vmem>>
          %dma_start3A_189 = arith.constant 0 : i32
          %dma_start3A_190 = arith.constant 0 : i32
          %dma_start3A_191 = tpu.memref_slice %arg17[%dma_start3A_189, %dma_start3A_190] : memref<10240x128xf32, #tpu.memory_space<vmem_shared>> -> memref<10240x128xf32, #tpu.memory_space<vmem_shared>>
          tpu.enqueue_indirect_dma source(%arg12 : memref<128x128xf32, #tpu.memory_space<vmem>>) target(%dma_start3A_191 : memref<10240x128xf32, #tpu.memory_space<vmem_shared>>) offsets(%dma_start3A_188 : memref<128xi32, #tpu.memory_space<vmem>>) semaphore(%run_scoped3A_185 : memref<!tpu.dma_semaphore, #tpu.memory_space<semaphore_mem>>) {add = true}
          %dma_wait3A_192 = arith.constant 0 : i32
          %dma_wait3A_193 = tpu.memref_slice %arg10[%run_scoped3A_184, %dma_wait3A_192] : memref<8x128xi32, #tpu.memory_space<vmem>> -> memref<1x128xi32, #tpu.memory_space<vmem>>
          %dma_wait3A_194 = tpu.memref_squeeze %dma_wait3A_193 : memref<1x128xi32, #tpu.memory_space<vmem>> -> memref<128xi32, #tpu.memory_space<vmem>>
          %dma_wait3A_195 = arith.constant 0 : i32
          %dma_wait3A_196 = arith.constant 0 : i32
          %dma_wait3A_197 = tpu.memref_slice %arg17[%dma_wait3A_195, %dma_wait3A_196] : memref<10240x128xf32, #tpu.memory_space<vmem_shared>> -> memref<10240x128xf32, #tpu.memory_space<vmem_shared>>
          tpu.wait_indirect_dma semaphore(%run_scoped3A_185 : memref<!tpu.dma_semaphore, #tpu.memory_space<semaphore_mem>>) src(%arg12 : memref<128x128xf32, #tpu.memory_space<vmem>>) dst(%dma_wait3A_197 : memref<10240x128xf32, #tpu.memory_space<vmem_shared>>)
          tpu.yield
        }) : () -> ()
      } else {
      }
    }
    %scan3A_18 = arith.constant 17 : i32
    %barrier3A_19 = arith.constant 0 : index
    tpu.barrier barrier_id(%barrier3A_19)
    %mul3A_20 = arith.constant 640 : i32
    %mul3A_21 = arith.muli %arg1, %mul3A_20 : i32
    %mul3A_22 = arith.constant 640 : i32
    %mul3A_23 = arith.muli %arg1, %mul3A_22 : i32
    "tpu.region"() ({
      %run_scoped3A = tpu.sem_alloc : memref<!tpu.dma_semaphore, #tpu.memory_space<semaphore_mem>>
      %dma_start3A = arith.constant 0 : i32
      %dma_start3A_24 = tpu.memref_slice %arg6[%arg0, %mul3A_23, %dma_start3A] : memref<2x10240x128xf32, #tpu.memory_space<hbm>> -> memref<1x640x128xf32, #tpu.memory_space<hbm>>
      %dma_start3A_25 = tpu.memref_squeeze %dma_start3A_24 : memref<1x640x128xf32, #tpu.memory_space<hbm>> -> memref<640x128xf32, #tpu.memory_space<hbm>>
      %dma_start3A_26 = arith.constant 0 : i32
      %dma_start3A_27 = tpu.memref_slice %arg17[%mul3A_21, %dma_start3A_26] : memref<10240x128xf32, #tpu.memory_space<vmem_shared>> -> memref<640x128xf32, #tpu.memory_space<vmem_shared>>
      tpu.enqueue_dma source(%dma_start3A_27 : memref<640x128xf32, #tpu.memory_space<vmem_shared>>) target(%dma_start3A_25 : memref<640x128xf32, #tpu.memory_space<hbm>>) target_semaphore(%run_scoped3A : memref<!tpu.dma_semaphore, #tpu.memory_space<semaphore_mem>>)
      %dma_wait3A = arith.constant 0 : i32
      %dma_wait3A_28 = tpu.memref_slice %arg6[%arg0, %mul3A_23, %dma_wait3A] : memref<2x10240x128xf32, #tpu.memory_space<hbm>> -> memref<1x640x128xf32, #tpu.memory_space<hbm>>
      %dma_wait3A_29 = tpu.memref_squeeze %dma_wait3A_28 : memref<1x640x128xf32, #tpu.memory_space<hbm>> -> memref<640x128xf32, #tpu.memory_space<hbm>>
      %dma_wait3A_30 = arith.constant 0 : i32
      %dma_wait3A_31 = tpu.memref_slice %arg17[%mul3A_21, %dma_wait3A_30] : memref<10240x128xf32, #tpu.memory_space<vmem_shared>> -> memref<640x128xf32, #tpu.memory_space<vmem_shared>>
      tpu.wait_dma2 semaphore(%run_scoped3A : memref<!tpu.dma_semaphore, #tpu.memory_space<semaphore_mem>>) src(%dma_wait3A_31 : memref<640x128xf32, #tpu.memory_space<vmem_shared>>) dst(%dma_wait3A_29 : memref<640x128xf32, #tpu.memory_space<hbm>>)
      tpu.yield
    }) : () -> ()
    return
  }
}

#map = affine_map<(d0, d1) -> (0, 0)>
#map1 = affine_map<(d0, d1) -> (0, 0, 0)>
module attributes {stable_mosaic.version = 14 : i64} {
  func.func @_agg_body(%arg0: i32, %arg1: i32, %arg2: memref<10000x128xf32, #tpu.memory_space<hbm>>, %arg3: memref<2560x128xi32, #tpu.memory_space<hbm>>, %arg4: memref<2560x128xi32, #tpu.memory_space<hbm>>, %arg5: memref<640x128xf32, #tpu.memory_space<hbm>>, %arg6: memref<2x10240x128xf32, #tpu.memory_space<hbm>>, %arg7: memref<8x128xi32, #tpu.memory_space<vmem>>, %arg8: memref<8x128xi32, #tpu.memory_space<vmem>>, %arg9: memref<8x128xi32, #tpu.memory_space<vmem>>, %arg10: memref<8x128xi32, #tpu.memory_space<vmem>>, %arg11: memref<128x128xf32, #tpu.memory_space<vmem>>, %arg12: memref<128x128xf32, #tpu.memory_space<vmem>>, %arg13: memref<!tpu.dma_semaphore, #tpu.memory_space<semaphore_mem>>, %arg14: memref<!tpu.dma_semaphore, #tpu.memory_space<semaphore_mem>>, %arg15: memref<!tpu.dma_semaphore, #tpu.memory_space<semaphore_mem>>, %arg16: memref<!tpu.dma_semaphore, #tpu.memory_space<semaphore_mem>>, %arg17: memref<10240x128xf32, #tpu.memory_space<vmem_shared>>) attributes {dimension_semantics = [#tpu.dimension_semantics<core_parallel>, #tpu.dimension_semantics<subcore_parallel>], iteration_bounds = array<i64: 2, 16>, scalar_prefetch = 0 : i64, scratch_operands = 11 : i64, tpu.core_type = #tpu.core_type<sc_vector_subcore>, window_params = [{transform_indices = #map}, {transform_indices = #map}, {transform_indices = #map}, {transform_indices = #map}, {transform_indices = #map1}]} {
    %eq3A = arith.constant 0 : i32
    %eq3A_0 = arith.cmpi eq, %arg0, %eq3A : i32
    %mul3A = arith.constant 136 : i32
    %mul3A_1 = arith.muli %arg1, %mul3A : i32
    %mul3A_2 = arith.constant 24 : i32
    %mul3A_3 = arith.muli %arg1, %mul3A_2 : i32
    %add3A = arith.constant 2176 : i32
    %add3A_4 = arith.addi %add3A, %mul3A_3 : i32
    %select_n3A = arith.select %eq3A_0, %mul3A_1, %add3A_4 : i32
    %eq3A_5 = arith.constant 0 : i32
    %eq3A_6 = arith.cmpi eq, %arg0, %eq3A_5 : i32
    %select_n3A_7 = arith.constant 3 : i32
    %select_n3A_8 = arith.constant 17 : i32
    %select_n3A_9 = arith.select %eq3A_6, %select_n3A_8, %select_n3A_7 : i32
    %mul3A_10 = arith.constant 640 : i32
    %mul3A_11 = arith.muli %arg1, %mul3A_10 : i32
    "tpu.region"() ({
      %run_scoped3A = tpu.sem_alloc : memref<!tpu.dma_semaphore, #tpu.memory_space<semaphore_mem>>
      %dma_start3A = arith.constant 0 : i32
      %dma_start3A_24 = tpu.memref_slice %arg17[%mul3A_11, %dma_start3A] : memref<10240x128xf32, #tpu.memory_space<vmem_shared>> -> memref<640x128xf32, #tpu.memory_space<vmem_shared>>
      tpu.enqueue_dma source(%arg5 : memref<640x128xf32, #tpu.memory_space<hbm>>) target(%dma_start3A_24 : memref<640x128xf32, #tpu.memory_space<vmem_shared>>) target_semaphore(%run_scoped3A : memref<!tpu.dma_semaphore, #tpu.memory_space<semaphore_mem>>)
      %dma_wait3A = arith.constant 0 : i32
      %dma_wait3A_25 = tpu.memref_slice %arg17[%mul3A_11, %dma_wait3A] : memref<10240x128xf32, #tpu.memory_space<vmem_shared>> -> memref<640x128xf32, #tpu.memory_space<vmem_shared>>
      tpu.wait_dma2 semaphore(%run_scoped3A : memref<!tpu.dma_semaphore, #tpu.memory_space<semaphore_mem>>) src(%arg5 : memref<640x128xf32, #tpu.memory_space<hbm>>) dst(%dma_wait3A_25 : memref<640x128xf32, #tpu.memory_space<vmem_shared>>)
      tpu.yield
    }) : () -> ()
    %barrier3A = arith.constant 0 : index
    tpu.barrier barrier_id(%barrier3A)
    %gt3A = arith.constant 0 : i32
    %gt3A_12 = arith.cmpi sgt, %select_n3A_9, %gt3A : i32
    %convert_element_type3A = arith.extui %gt3A_12 : i1 to i32
    %cond3A = arith.constant 0 : i32
    %cond3A_13 = arith.cmpi ne, %convert_element_type3A, %cond3A : i32
    scf.if %cond3A_13 {
      %add3A_24 = arith.constant 0 : i32
      %add3A_25 = arith.addi %select_n3A, %add3A_24 : i32
      %dma_start3A = arith.constant 0 : i32
      %dma_start3A_26 = tpu.memref_slice %arg3[%add3A_25, %dma_start3A] : memref<2560x128xi32, #tpu.memory_space<hbm>> -> memref<8x128xi32, #tpu.memory_space<hbm>>
      %dma_start3A_27 = arith.constant 0 : i32
      %dma_start3A_28 = tpu.memref_slice %arg3[%add3A_25, %dma_start3A_27] : memref<2560x128xi32, #tpu.memory_space<hbm>> -> memref<8x128xi32, #tpu.memory_space<hbm>>
      tpu.enqueue_dma source(%dma_start3A_28 : memref<8x128xi32, #tpu.memory_space<hbm>>) target(%arg7 : memref<8x128xi32, #tpu.memory_space<vmem>>) target_semaphore(%arg13 : memref<!tpu.dma_semaphore, #tpu.memory_space<semaphore_mem>>)
      %add3A_29 = arith.constant 0 : i32
      %add3A_30 = arith.addi %select_n3A, %add3A_29 : i32
      %dma_start3A_31 = arith.constant 0 : i32
      %dma_start3A_32 = tpu.memref_slice %arg4[%add3A_30, %dma_start3A_31] : memref<2560x128xi32, #tpu.memory_space<hbm>> -> memref<8x128xi32, #tpu.memory_space<hbm>>
      %dma_start3A_33 = arith.constant 0 : i32
      %dma_start3A_34 = tpu.memref_slice %arg4[%add3A_30, %dma_start3A_33] : memref<2560x128xi32, #tpu.memory_space<hbm>> -> memref<8x128xi32, #tpu.memory_space<hbm>>
      tpu.enqueue_dma source(%dma_start3A_34 : memref<8x128xi32, #tpu.memory_space<hbm>>) target(%arg9 : memref<8x128xi32, #tpu.memory_space<vmem>>) target_semaphore(%arg13 : memref<!tpu.dma_semaphore, #tpu.memory_space<semaphore_mem>>)
    } else {
    }
    %scan3A = arith.constant 0 : i32
    %scan3A_14 = arith.constant 0 : i32
    %scan3A_15 = arith.constant 17 : i32
    %scan3A_16 = arith.addi %scan3A_14, %scan3A_15 : i32
    %scan3A_17 = arith.constant 1 : i32
    scf.for %scan3A_24 = %scan3A_14 to %scan3A_16 step %scan3A_17  : i32 {
      %rem3A = arith.constant 2 : i32
      %rem3A_25 = arith.remsi %scan3A_24, %rem3A : i32
      %eq3A_26 = arith.constant 0 : i32
      %eq3A_27 = arith.cmpi eq, %rem3A_25, %eq3A_26 : i32
      %lt3A = arith.cmpi slt, %scan3A_24, %select_n3A_9 : i32
      %and3A = arith.andi %eq3A_27, %lt3A : i1
      %convert_element_type3A_28 = arith.extui %and3A : i1 to i32
      %cond3A_29 = arith.constant 0 : i32
      %cond3A_30 = arith.cmpi ne, %convert_element_type3A_28, %cond3A_29 : i32
      scf.if %cond3A_30 {
        %dma_wait3A = arith.constant 0 : i32
        %dma_wait3A_38 = arith.constant 0 : i32
        %dma_wait3A_39 = tpu.memref_slice %arg3[%dma_wait3A, %dma_wait3A_38] : memref<2560x128xi32, #tpu.memory_space<hbm>> -> memref<8x128xi32, #tpu.memory_space<hbm>>
        %dma_wait3A_40 = arith.constant 0 : i32
        %dma_wait3A_41 = arith.constant 0 : i32
        %dma_wait3A_42 = tpu.memref_slice %arg3[%dma_wait3A_40, %dma_wait3A_41] : memref<2560x128xi32, #tpu.memory_space<hbm>> -> memref<8x128xi32, #tpu.memory_space<hbm>>
        tpu.wait_dma2 semaphore(%arg13 : memref<!tpu.dma_semaphore, #tpu.memory_space<semaphore_mem>>) src(%dma_wait3A_42 : memref<8x128xi32, #tpu.memory_space<hbm>>) dst(%arg7 : memref<8x128xi32, #tpu.memory_space<vmem>>)
        %dma_wait3A_43 = arith.constant 0 : i32
        %dma_wait3A_44 = arith.constant 0 : i32
        %dma_wait3A_45 = tpu.memref_slice %arg3[%dma_wait3A_43, %dma_wait3A_44] : memref<2560x128xi32, #tpu.memory_space<hbm>> -> memref<8x128xi32, #tpu.memory_space<hbm>>
        %dma_wait3A_46 = arith.constant 0 : i32
        %dma_wait3A_47 = arith.constant 0 : i32
        %dma_wait3A_48 = tpu.memref_slice %arg3[%dma_wait3A_46, %dma_wait3A_47] : memref<2560x128xi32, #tpu.memory_space<hbm>> -> memref<8x128xi32, #tpu.memory_space<hbm>>
        tpu.wait_dma2 semaphore(%arg13 : memref<!tpu.dma_semaphore, #tpu.memory_space<semaphore_mem>>) src(%dma_wait3A_48 : memref<8x128xi32, #tpu.memory_space<hbm>>) dst(%arg9 : memref<8x128xi32, #tpu.memory_space<vmem>>)
        %add3A_49 = arith.constant 1 : i32
        %add3A_50 = arith.addi %scan3A_24, %add3A_49 : i32
        %lt3A_51 = arith.cmpi slt, %add3A_50, %select_n3A_9 : i32
        %convert_element_type3A_52 = arith.extui %lt3A_51 : i1 to i32
        %cond3A_53 = arith.constant 0 : i32
        %cond3A_54 = arith.cmpi ne, %convert_element_type3A_52, %cond3A_53 : i32
        scf.if %cond3A_54 {
          %add3A_185 = arith.constant 1 : i32
          %add3A_186 = arith.addi %scan3A_24, %add3A_185 : i32
          %mul3A_187 = arith.constant 8 : i32
          %mul3A_188 = arith.muli %add3A_186, %mul3A_187 : i32
          %add3A_189 = arith.addi %select_n3A, %mul3A_188 : i32
          %dma_start3A_190 = arith.constant 0 : i32
          %dma_start3A_191 = tpu.memref_slice %arg3[%add3A_189, %dma_start3A_190] : memref<2560x128xi32, #tpu.memory_space<hbm>> -> memref<8x128xi32, #tpu.memory_space<hbm>>
          %dma_start3A_192 = arith.constant 0 : i32
          %dma_start3A_193 = tpu.memref_slice %arg3[%add3A_189, %dma_start3A_192] : memref<2560x128xi32, #tpu.memory_space<hbm>> -> memref<8x128xi32, #tpu.memory_space<hbm>>
          tpu.enqueue_dma source(%dma_start3A_193 : memref<8x128xi32, #tpu.memory_space<hbm>>) target(%arg8 : memref<8x128xi32, #tpu.memory_space<vmem>>) target_semaphore(%arg14 : memref<!tpu.dma_semaphore, #tpu.memory_space<semaphore_mem>>)
          %mul3A_194 = arith.constant 8 : i32
          %mul3A_195 = arith.muli %add3A_186, %mul3A_194 : i32
          %add3A_196 = arith.addi %select_n3A, %mul3A_195 : i32
          %dma_start3A_197 = arith.constant 0 : i32
          %dma_start3A_198 = tpu.memref_slice %arg4[%add3A_196, %dma_start3A_197] : memref<2560x128xi32, #tpu.memory_space<hbm>> -> memref<8x128xi32, #tpu.memory_space<hbm>>
          %dma_start3A_199 = arith.constant 0 : i32
          %dma_start3A_200 = tpu.memref_slice %arg4[%add3A_196, %dma_start3A_199] : memref<2560x128xi32, #tpu.memory_space<hbm>> -> memref<8x128xi32, #tpu.memory_space<hbm>>
          tpu.enqueue_dma source(%dma_start3A_200 : memref<8x128xi32, #tpu.memory_space<hbm>>) target(%arg10 : memref<8x128xi32, #tpu.memory_space<vmem>>) target_semaphore(%arg14 : memref<!tpu.dma_semaphore, #tpu.memory_space<semaphore_mem>>)
        } else {
        }
        %dma_start3A = arith.constant 0 : i32
        %dma_start3A_55 = arith.constant 0 : i32
        %dma_start3A_56 = tpu.memref_slice %arg7[%dma_start3A, %dma_start3A_55] : memref<8x128xi32, #tpu.memory_space<vmem>> -> memref<1x128xi32, #tpu.memory_space<vmem>>
        %dma_start3A_57 = tpu.memref_squeeze %dma_start3A_56 : memref<1x128xi32, #tpu.memory_space<vmem>> -> memref<128xi32, #tpu.memory_space<vmem>>
        %dma_start3A_58 = arith.constant 0 : i32
        %dma_start3A_59 = arith.constant 0 : i32
        %dma_start3A_60 = tpu.memref_slice %arg2[%dma_start3A_58, %dma_start3A_59] : memref<10000x128xf32, #tpu.memory_space<hbm>> -> memref<10000x128xf32, #tpu.memory_space<hbm>>
        tpu.enqueue_indirect_dma source(%dma_start3A_60 : memref<10000x128xf32, #tpu.memory_space<hbm>>) target(%arg11 : memref<128x128xf32, #tpu.memory_space<vmem>>) offsets(%dma_start3A_57 : memref<128xi32, #tpu.memory_space<vmem>>) semaphore(%arg15 : memref<!tpu.dma_semaphore, #tpu.memory_space<semaphore_mem>>)
        %dma_wait3A_61 = arith.constant 0 : i32
        %dma_wait3A_62 = arith.constant 0 : i32
        %dma_wait3A_63 = tpu.memref_slice %arg2[%dma_wait3A_61, %dma_wait3A_62] : memref<10000x128xf32, #tpu.memory_space<hbm>> -> memref<128x128xf32, #tpu.memory_space<hbm>>
        %dma_wait3A_64 = arith.constant 0 : i32
        %dma_wait3A_65 = arith.constant 0 : i32
        %dma_wait3A_66 = tpu.memref_slice %arg2[%dma_wait3A_64, %dma_wait3A_65] : memref<10000x128xf32, #tpu.memory_space<hbm>> -> memref<128x128xf32, #tpu.memory_space<hbm>>
        tpu.wait_dma2 semaphore(%arg15 : memref<!tpu.dma_semaphore, #tpu.memory_space<semaphore_mem>>) src(%dma_wait3A_66 : memref<128x128xf32, #tpu.memory_space<hbm>>) dst(%arg11 : memref<128x128xf32, #tpu.memory_space<vmem>>)
        %eq3A_67 = arith.constant 0 : i32
        %eq3A_68 = arith.cmpi eq, %arg0, %eq3A_67 : i32
        %convert_element_type3A_69 = arith.extui %eq3A_68 : i1 to i32
        %cond3A_70 = arith.constant 0 : i32
        %cond3A_71 = arith.cmpi ne, %convert_element_type3A_69, %cond3A_70 : i32
        scf.if %cond3A_71 {
          %dma_start3A_185 = arith.constant 1 : i32
          %dma_start3A_186 = arith.constant 0 : i32
          %dma_start3A_187 = tpu.memref_slice %arg7[%dma_start3A_185, %dma_start3A_186] : memref<8x128xi32, #tpu.memory_space<vmem>> -> memref<1x128xi32, #tpu.memory_space<vmem>>
          %dma_start3A_188 = tpu.memref_squeeze %dma_start3A_187 : memref<1x128xi32, #tpu.memory_space<vmem>> -> memref<128xi32, #tpu.memory_space<vmem>>
          %dma_start3A_189 = arith.constant 0 : i32
          %dma_start3A_190 = arith.constant 0 : i32
          %dma_start3A_191 = tpu.memref_slice %arg2[%dma_start3A_189, %dma_start3A_190] : memref<10000x128xf32, #tpu.memory_space<hbm>> -> memref<10000x128xf32, #tpu.memory_space<hbm>>
          tpu.enqueue_indirect_dma source(%dma_start3A_191 : memref<10000x128xf32, #tpu.memory_space<hbm>>) target(%arg12 : memref<128x128xf32, #tpu.memory_space<vmem>>) offsets(%dma_start3A_188 : memref<128xi32, #tpu.memory_space<vmem>>) semaphore(%arg16 : memref<!tpu.dma_semaphore, #tpu.memory_space<semaphore_mem>>)
        } else {
        }
        %run_scoped3A = arith.constant 0 : i32
        "tpu.region"() ({
          %run_scoped3A_185 = tpu.sem_alloc : memref<!tpu.dma_semaphore, #tpu.memory_space<semaphore_mem>>
          %dma_start3A_186 = arith.constant 0 : i32
          %dma_start3A_187 = tpu.memref_slice %arg9[%run_scoped3A, %dma_start3A_186] : memref<8x128xi32, #tpu.memory_space<vmem>> -> memref<1x128xi32, #tpu.memory_space<vmem>>
          %dma_start3A_188 = tpu.memref_squeeze %dma_start3A_187 : memref<1x128xi32, #tpu.memory_space<vmem>> -> memref<128xi32, #tpu.memory_space<vmem>>
          %dma_start3A_189 = arith.constant 0 : i32
          %dma_start3A_190 = arith.constant 0 : i32
          %dma_start3A_191 = tpu.memref_slice %arg17[%dma_start3A_189, %dma_start3A_190] : memref<10240x128xf32, #tpu.memory_space<vmem_shared>> -> memref<10240x128xf32, #tpu.memory_space<vmem_shared>>
          tpu.enqueue_indirect_dma source(%arg11 : memref<128x128xf32, #tpu.memory_space<vmem>>) target(%dma_start3A_191 : memref<10240x128xf32, #tpu.memory_space<vmem_shared>>) offsets(%dma_start3A_188 : memref<128xi32, #tpu.memory_space<vmem>>) semaphore(%run_scoped3A_185 : memref<!tpu.dma_semaphore, #tpu.memory_space<semaphore_mem>>) {add = true}
          %dma_wait3A_192 = arith.constant 0 : i32
          %dma_wait3A_193 = tpu.memref_slice %arg9[%run_scoped3A, %dma_wait3A_192] : memref<8x128xi32, #tpu.memory_space<vmem>> -> memref<1x128xi32, #tpu.memory_space<vmem>>
          %dma_wait3A_194 = tpu.memref_squeeze %dma_wait3A_193 : memref<1x128xi32, #tpu.memory_space<vmem>> -> memref<128xi32, #tpu.memory_space<vmem>>
          %dma_wait3A_195 = arith.constant 0 : i32
          %dma_wait3A_196 = arith.constant 0 : i32
          %dma_wait3A_197 = tpu.memref_slice %arg17[%dma_wait3A_195, %dma_wait3A_196] : memref<10240x128xf32, #tpu.memory_space<vmem_shared>> -> memref<10240x128xf32, #tpu.memory_space<vmem_shared>>
          tpu.wait_indirect_dma semaphore(%run_scoped3A_185 : memref<!tpu.dma_semaphore, #tpu.memory_space<semaphore_mem>>) src(%arg11 : memref<128x128xf32, #tpu.memory_space<vmem>>) dst(%dma_wait3A_197 : memref<10240x128xf32, #tpu.memory_space<vmem_shared>>)
          tpu.yield
        }) : () -> ()
        %ne3A = arith.constant 0 : i32
        %ne3A_72 = arith.cmpi ne, %arg0, %ne3A : i32
        %convert_element_type3A_73 = arith.extui %ne3A_72 : i1 to i32
        %cond3A_74 = arith.constant 0 : i32
        %cond3A_75 = arith.cmpi ne, %convert_element_type3A_73, %cond3A_74 : i32
        scf.if %cond3A_75 {
          %dma_start3A_185 = arith.constant 1 : i32
          %dma_start3A_186 = arith.constant 0 : i32
          %dma_start3A_187 = tpu.memref_slice %arg7[%dma_start3A_185, %dma_start3A_186] : memref<8x128xi32, #tpu.memory_space<vmem>> -> memref<1x128xi32, #tpu.memory_space<vmem>>
          %dma_start3A_188 = tpu.memref_squeeze %dma_start3A_187 : memref<1x128xi32, #tpu.memory_space<vmem>> -> memref<128xi32, #tpu.memory_space<vmem>>
          %dma_start3A_189 = arith.constant 0 : i32
          %dma_start3A_190 = arith.constant 0 : i32
          %dma_start3A_191 = tpu.memref_slice %arg2[%dma_start3A_189, %dma_start3A_190] : memref<10000x128xf32, #tpu.memory_space<hbm>> -> memref<10000x128xf32, #tpu.memory_space<hbm>>
          tpu.enqueue_indirect_dma source(%dma_start3A_191 : memref<10000x128xf32, #tpu.memory_space<hbm>>) target(%arg12 : memref<128x128xf32, #tpu.memory_space<vmem>>) offsets(%dma_start3A_188 : memref<128xi32, #tpu.memory_space<vmem>>) semaphore(%arg16 : memref<!tpu.dma_semaphore, #tpu.memory_space<semaphore_mem>>)
        } else {
        }
        %dma_wait3A_76 = arith.constant 0 : i32
        %dma_wait3A_77 = arith.constant 0 : i32
        %dma_wait3A_78 = tpu.memref_slice %arg2[%dma_wait3A_76, %dma_wait3A_77] : memref<10000x128xf32, #tpu.memory_space<hbm>> -> memref<128x128xf32, #tpu.memory_space<hbm>>
        %dma_wait3A_79 = arith.constant 0 : i32
        %dma_wait3A_80 = arith.constant 0 : i32
        %dma_wait3A_81 = tpu.memref_slice %arg2[%dma_wait3A_79, %dma_wait3A_80] : memref<10000x128xf32, #tpu.memory_space<hbm>> -> memref<128x128xf32, #tpu.memory_space<hbm>>
        tpu.wait_dma2 semaphore(%arg16 : memref<!tpu.dma_semaphore, #tpu.memory_space<semaphore_mem>>) src(%dma_wait3A_81 : memref<128x128xf32, #tpu.memory_space<hbm>>) dst(%arg12 : memref<128x128xf32, #tpu.memory_space<vmem>>)
        %eq3A_82 = arith.constant 0 : i32
        %eq3A_83 = arith.cmpi eq, %arg0, %eq3A_82 : i32
        %convert_element_type3A_84 = arith.extui %eq3A_83 : i1 to i32
        %cond3A_85 = arith.constant 0 : i32
        %cond3A_86 = arith.cmpi ne, %convert_element_type3A_84, %cond3A_85 : i32
        scf.if %cond3A_86 {
          %dma_start3A_185 = arith.constant 2 : i32
          %dma_start3A_186 = arith.constant 0 : i32
          %dma_start3A_187 = tpu.memref_slice %arg7[%dma_start3A_185, %dma_start3A_186] : memref<8x128xi32, #tpu.memory_space<vmem>> -> memref<1x128xi32, #tpu.memory_space<vmem>>
          %dma_start3A_188 = tpu.memref_squeeze %dma_start3A_187 : memref<1x128xi32, #tpu.memory_space<vmem>> -> memref<128xi32, #tpu.memory_space<vmem>>
          %dma_start3A_189 = arith.constant 0 : i32
          %dma_start3A_190 = arith.constant 0 : i32
          %dma_start3A_191 = tpu.memref_slice %arg2[%dma_start3A_189, %dma_start3A_190] : memref<10000x128xf32, #tpu.memory_space<hbm>> -> memref<10000x128xf32, #tpu.memory_space<hbm>>
          tpu.enqueue_indirect_dma source(%dma_start3A_191 : memref<10000x128xf32, #tpu.memory_space<hbm>>) target(%arg11 : memref<128x128xf32, #tpu.memory_space<vmem>>) offsets(%dma_start3A_188 : memref<128xi32, #tpu.memory_space<vmem>>) semaphore(%arg15 : memref<!tpu.dma_semaphore, #tpu.memory_space<semaphore_mem>>)
        } else {
        }
        %run_scoped3A_87 = arith.constant 1 : i32
        "tpu.region"() ({
          %run_scoped3A_185 = tpu.sem_alloc : memref<!tpu.dma_semaphore, #tpu.memory_space<semaphore_mem>>
          %dma_start3A_186 = arith.constant 0 : i32
          %dma_start3A_187 = tpu.memref_slice %arg9[%run_scoped3A_87, %dma_start3A_186] : memref<8x128xi32, #tpu.memory_space<vmem>> -> memref<1x128xi32, #tpu.memory_space<vmem>>
          %dma_start3A_188 = tpu.memref_squeeze %dma_start3A_187 : memref<1x128xi32, #tpu.memory_space<vmem>> -> memref<128xi32, #tpu.memory_space<vmem>>
          %dma_start3A_189 = arith.constant 0 : i32
          %dma_start3A_190 = arith.constant 0 : i32
          %dma_start3A_191 = tpu.memref_slice %arg17[%dma_start3A_189, %dma_start3A_190] : memref<10240x128xf32, #tpu.memory_space<vmem_shared>> -> memref<10240x128xf32, #tpu.memory_space<vmem_shared>>
          tpu.enqueue_indirect_dma source(%arg12 : memref<128x128xf32, #tpu.memory_space<vmem>>) target(%dma_start3A_191 : memref<10240x128xf32, #tpu.memory_space<vmem_shared>>) offsets(%dma_start3A_188 : memref<128xi32, #tpu.memory_space<vmem>>) semaphore(%run_scoped3A_185 : memref<!tpu.dma_semaphore, #tpu.memory_space<semaphore_mem>>) {add = true}
          %dma_wait3A_192 = arith.constant 0 : i32
          %dma_wait3A_193 = tpu.memref_slice %arg9[%run_scoped3A_87, %dma_wait3A_192] : memref<8x128xi32, #tpu.memory_space<vmem>> -> memref<1x128xi32, #tpu.memory_space<vmem>>
          %dma_wait3A_194 = tpu.memref_squeeze %dma_wait3A_193 : memref<1x128xi32, #tpu.memory_space<vmem>> -> memref<128xi32, #tpu.memory_space<vmem>>
          %dma_wait3A_195 = arith.constant 0 : i32
          %dma_wait3A_196 = arith.constant 0 : i32
          %dma_wait3A_197 = tpu.memref_slice %arg17[%dma_wait3A_195, %dma_wait3A_196] : memref<10240x128xf32, #tpu.memory_space<vmem_shared>> -> memref<10240x128xf32, #tpu.memory_space<vmem_shared>>
          tpu.wait_indirect_dma semaphore(%run_scoped3A_185 : memref<!tpu.dma_semaphore, #tpu.memory_space<semaphore_mem>>) src(%arg12 : memref<128x128xf32, #tpu.memory_space<vmem>>) dst(%dma_wait3A_197 : memref<10240x128xf32, #tpu.memory_space<vmem_shared>>)
          tpu.yield
        }) : () -> ()
        %ne3A_88 = arith.constant 0 : i32
        %ne3A_89 = arith.cmpi ne, %arg0, %ne3A_88 : i32
        %convert_element_type3A_90 = arith.extui %ne3A_89 : i1 to i32
        %cond3A_91 = arith.constant 0 : i32
        %cond3A_92 = arith.cmpi ne, %convert_element_type3A_90, %cond3A_91 : i32
        scf.if %cond3A_92 {
          %dma_start3A_185 = arith.constant 2 : i32
          %dma_start3A_186 = arith.constant 0 : i32
          %dma_start3A_187 = tpu.memref_slice %arg7[%dma_start3A_185, %dma_start3A_186] : memref<8x128xi32, #tpu.memory_space<vmem>> -> memref<1x128xi32, #tpu.memory_space<vmem>>
          %dma_start3A_188 = tpu.memref_squeeze %dma_start3A_187 : memref<1x128xi32, #tpu.memory_space<vmem>> -> memref<128xi32, #tpu.memory_space<vmem>>
          %dma_start3A_189 = arith.constant 0 : i32
          %dma_start3A_190 = arith.constant 0 : i32
          %dma_start3A_191 = tpu.memref_slice %arg2[%dma_start3A_189, %dma_start3A_190] : memref<10000x128xf32, #tpu.memory_space<hbm>> -> memref<10000x128xf32, #tpu.memory_space<hbm>>
          tpu.enqueue_indirect_dma source(%dma_start3A_191 : memref<10000x128xf32, #tpu.memory_space<hbm>>) target(%arg11 : memref<128x128xf32, #tpu.memory_space<vmem>>) offsets(%dma_start3A_188 : memref<128xi32, #tpu.memory_space<vmem>>) semaphore(%arg15 : memref<!tpu.dma_semaphore, #tpu.memory_space<semaphore_mem>>)
        } else {
        }
        %dma_wait3A_93 = arith.constant 0 : i32
        %dma_wait3A_94 = arith.constant 0 : i32
        %dma_wait3A_95 = tpu.memref_slice %arg2[%dma_wait3A_93, %dma_wait3A_94] : memref<10000x128xf32, #tpu.memory_space<hbm>> -> memref<128x128xf32, #tpu.memory_space<hbm>>
        %dma_wait3A_96 = arith.constant 0 : i32
        %dma_wait3A_97 = arith.constant 0 : i32
        %dma_wait3A_98 = tpu.memref_slice %arg2[%dma_wait3A_96, %dma_wait3A_97] : memref<10000x128xf32, #tpu.memory_space<hbm>> -> memref<128x128xf32, #tpu.memory_space<hbm>>
        tpu.wait_dma2 semaphore(%arg15 : memref<!tpu.dma_semaphore, #tpu.memory_space<semaphore_mem>>) src(%dma_wait3A_98 : memref<128x128xf32, #tpu.memory_space<hbm>>) dst(%arg11 : memref<128x128xf32, #tpu.memory_space<vmem>>)
        %eq3A_99 = arith.constant 0 : i32
        %eq3A_100 = arith.cmpi eq, %arg0, %eq3A_99 : i32
        %convert_element_type3A_101 = arith.extui %eq3A_100 : i1 to i32
        %cond3A_102 = arith.constant 0 : i32
        %cond3A_103 = arith.cmpi ne, %convert_element_type3A_101, %cond3A_102 : i32
        scf.if %cond3A_103 {
          %dma_start3A_185 = arith.constant 3 : i32
          %dma_start3A_186 = arith.constant 0 : i32
          %dma_start3A_187 = tpu.memref_slice %arg7[%dma_start3A_185, %dma_start3A_186] : memref<8x128xi32, #tpu.memory_space<vmem>> -> memref<1x128xi32, #tpu.memory_space<vmem>>
          %dma_start3A_188 = tpu.memref_squeeze %dma_start3A_187 : memref<1x128xi32, #tpu.memory_space<vmem>> -> memref<128xi32, #tpu.memory_space<vmem>>
          %dma_start3A_189 = arith.constant 0 : i32
          %dma_start3A_190 = arith.constant 0 : i32
          %dma_start3A_191 = tpu.memref_slice %arg2[%dma_start3A_189, %dma_start3A_190] : memref<10000x128xf32, #tpu.memory_space<hbm>> -> memref<10000x128xf32, #tpu.memory_space<hbm>>
          tpu.enqueue_indirect_dma source(%dma_start3A_191 : memref<10000x128xf32, #tpu.memory_space<hbm>>) target(%arg12 : memref<128x128xf32, #tpu.memory_space<vmem>>) offsets(%dma_start3A_188 : memref<128xi32, #tpu.memory_space<vmem>>) semaphore(%arg16 : memref<!tpu.dma_semaphore, #tpu.memory_space<semaphore_mem>>)
        } else {
        }
        %run_scoped3A_104 = arith.constant 2 : i32
        "tpu.region"() ({
          %run_scoped3A_185 = tpu.sem_alloc : memref<!tpu.dma_semaphore, #tpu.memory_space<semaphore_mem>>
          %dma_start3A_186 = arith.constant 0 : i32
          %dma_start3A_187 = tpu.memref_slice %arg9[%run_scoped3A_104, %dma_start3A_186] : memref<8x128xi32, #tpu.memory_space<vmem>> -> memref<1x128xi32, #tpu.memory_space<vmem>>
          %dma_start3A_188 = tpu.memref_squeeze %dma_start3A_187 : memref<1x128xi32, #tpu.memory_space<vmem>> -> memref<128xi32, #tpu.memory_space<vmem>>
          %dma_start3A_189 = arith.constant 0 : i32
          %dma_start3A_190 = arith.constant 0 : i32
          %dma_start3A_191 = tpu.memref_slice %arg17[%dma_start3A_189, %dma_start3A_190] : memref<10240x128xf32, #tpu.memory_space<vmem_shared>> -> memref<10240x128xf32, #tpu.memory_space<vmem_shared>>
          tpu.enqueue_indirect_dma source(%arg11 : memref<128x128xf32, #tpu.memory_space<vmem>>) target(%dma_start3A_191 : memref<10240x128xf32, #tpu.memory_space<vmem_shared>>) offsets(%dma_start3A_188 : memref<128xi32, #tpu.memory_space<vmem>>) semaphore(%run_scoped3A_185 : memref<!tpu.dma_semaphore, #tpu.memory_space<semaphore_mem>>) {add = true}
          %dma_wait3A_192 = arith.constant 0 : i32
          %dma_wait3A_193 = tpu.memref_slice %arg9[%run_scoped3A_104, %dma_wait3A_192] : memref<8x128xi32, #tpu.memory_space<vmem>> -> memref<1x128xi32, #tpu.memory_space<vmem>>
          %dma_wait3A_194 = tpu.memref_squeeze %dma_wait3A_193 : memref<1x128xi32, #tpu.memory_space<vmem>> -> memref<128xi32, #tpu.memory_space<vmem>>
          %dma_wait3A_195 = arith.constant 0 : i32
          %dma_wait3A_196 = arith.constant 0 : i32
          %dma_wait3A_197 = tpu.memref_slice %arg17[%dma_wait3A_195, %dma_wait3A_196] : memref<10240x128xf32, #tpu.memory_space<vmem_shared>> -> memref<10240x128xf32, #tpu.memory_space<vmem_shared>>
          tpu.wait_indirect_dma semaphore(%run_scoped3A_185 : memref<!tpu.dma_semaphore, #tpu.memory_space<semaphore_mem>>) src(%arg11 : memref<128x128xf32, #tpu.memory_space<vmem>>) dst(%dma_wait3A_197 : memref<10240x128xf32, #tpu.memory_space<vmem_shared>>)
          tpu.yield
        }) : () -> ()
        %ne3A_105 = arith.constant 0 : i32
        %ne3A_106 = arith.cmpi ne, %arg0, %ne3A_105 : i32
        %convert_element_type3A_107 = arith.extui %ne3A_106 : i1 to i32
        %cond3A_108 = arith.constant 0 : i32
        %cond3A_109 = arith.cmpi ne, %convert_element_type3A_107, %cond3A_108 : i32
        scf.if %cond3A_109 {
          %dma_start3A_185 = arith.constant 3 : i32
          %dma_start3A_186 = arith.constant 0 : i32
          %dma_start3A_187 = tpu.memref_slice %arg7[%dma_start3A_185, %dma_start3A_186] : memref<8x128xi32, #tpu.memory_space<vmem>> -> memref<1x128xi32, #tpu.memory_space<vmem>>
          %dma_start3A_188 = tpu.memref_squeeze %dma_start3A_187 : memref<1x128xi32, #tpu.memory_space<vmem>> -> memref<128xi32, #tpu.memory_space<vmem>>
          %dma_start3A_189 = arith.constant 0 : i32
          %dma_start3A_190 = arith.constant 0 : i32
          %dma_start3A_191 = tpu.memref_slice %arg2[%dma_start3A_189, %dma_start3A_190] : memref<10000x128xf32, #tpu.memory_space<hbm>> -> memref<10000x128xf32, #tpu.memory_space<hbm>>
          tpu.enqueue_indirect_dma source(%dma_start3A_191 : memref<10000x128xf32, #tpu.memory_space<hbm>>) target(%arg12 : memref<128x128xf32, #tpu.memory_space<vmem>>) offsets(%dma_start3A_188 : memref<128xi32, #tpu.memory_space<vmem>>) semaphore(%arg16 : memref<!tpu.dma_semaphore, #tpu.memory_space<semaphore_mem>>)
        } else {
        }
        %dma_wait3A_110 = arith.constant 0 : i32
        %dma_wait3A_111 = arith.constant 0 : i32
        %dma_wait3A_112 = tpu.memref_slice %arg2[%dma_wait3A_110, %dma_wait3A_111] : memref<10000x128xf32, #tpu.memory_space<hbm>> -> memref<128x128xf32, #tpu.memory_space<hbm>>
        %dma_wait3A_113 = arith.constant 0 : i32
        %dma_wait3A_114 = arith.constant 0 : i32
        %dma_wait3A_115 = tpu.memref_slice %arg2[%dma_wait3A_113, %dma_wait3A_114] : memref<10000x128xf32, #tpu.memory_space<hbm>> -> memref<128x128xf32, #tpu.memory_space<hbm>>
        tpu.wait_dma2 semaphore(%arg16 : memref<!tpu.dma_semaphore, #tpu.memory_space<semaphore_mem>>) src(%dma_wait3A_115 : memref<128x128xf32, #tpu.memory_space<hbm>>) dst(%arg12 : memref<128x128xf32, #tpu.memory_space<vmem>>)
        %eq3A_116 = arith.constant 0 : i32
        %eq3A_117 = arith.cmpi eq, %arg0, %eq3A_116 : i32
        %convert_element_type3A_118 = arith.extui %eq3A_117 : i1 to i32
        %cond3A_119 = arith.constant 0 : i32
        %cond3A_120 = arith.cmpi ne, %convert_element_type3A_118, %cond3A_119 : i32
        scf.if %cond3A_120 {
          %dma_start3A_185 = arith.constant 4 : i32
          %dma_start3A_186 = arith.constant 0 : i32
          %dma_start3A_187 = tpu.memref_slice %arg7[%dma_start3A_185, %dma_start3A_186] : memref<8x128xi32, #tpu.memory_space<vmem>> -> memref<1x128xi32, #tpu.memory_space<vmem>>
          %dma_start3A_188 = tpu.memref_squeeze %dma_start3A_187 : memref<1x128xi32, #tpu.memory_space<vmem>> -> memref<128xi32, #tpu.memory_space<vmem>>
          %dma_start3A_189 = arith.constant 0 : i32
          %dma_start3A_190 = arith.constant 0 : i32
          %dma_start3A_191 = tpu.memref_slice %arg2[%dma_start3A_189, %dma_start3A_190] : memref<10000x128xf32, #tpu.memory_space<hbm>> -> memref<10000x128xf32, #tpu.memory_space<hbm>>
          tpu.enqueue_indirect_dma source(%dma_start3A_191 : memref<10000x128xf32, #tpu.memory_space<hbm>>) target(%arg11 : memref<128x128xf32, #tpu.memory_space<vmem>>) offsets(%dma_start3A_188 : memref<128xi32, #tpu.memory_space<vmem>>) semaphore(%arg15 : memref<!tpu.dma_semaphore, #tpu.memory_space<semaphore_mem>>)
        } else {
        }
        %run_scoped3A_121 = arith.constant 3 : i32
        "tpu.region"() ({
          %run_scoped3A_185 = tpu.sem_alloc : memref<!tpu.dma_semaphore, #tpu.memory_space<semaphore_mem>>
          %dma_start3A_186 = arith.constant 0 : i32
          %dma_start3A_187 = tpu.memref_slice %arg9[%run_scoped3A_121, %dma_start3A_186] : memref<8x128xi32, #tpu.memory_space<vmem>> -> memref<1x128xi32, #tpu.memory_space<vmem>>
          %dma_start3A_188 = tpu.memref_squeeze %dma_start3A_187 : memref<1x128xi32, #tpu.memory_space<vmem>> -> memref<128xi32, #tpu.memory_space<vmem>>
          %dma_start3A_189 = arith.constant 0 : i32
          %dma_start3A_190 = arith.constant 0 : i32
          %dma_start3A_191 = tpu.memref_slice %arg17[%dma_start3A_189, %dma_start3A_190] : memref<10240x128xf32, #tpu.memory_space<vmem_shared>> -> memref<10240x128xf32, #tpu.memory_space<vmem_shared>>
          tpu.enqueue_indirect_dma source(%arg12 : memref<128x128xf32, #tpu.memory_space<vmem>>) target(%dma_start3A_191 : memref<10240x128xf32, #tpu.memory_space<vmem_shared>>) offsets(%dma_start3A_188 : memref<128xi32, #tpu.memory_space<vmem>>) semaphore(%run_scoped3A_185 : memref<!tpu.dma_semaphore, #tpu.memory_space<semaphore_mem>>) {add = true}
          %dma_wait3A_192 = arith.constant 0 : i32
          %dma_wait3A_193 = tpu.memref_slice %arg9[%run_scoped3A_121, %dma_wait3A_192] : memref<8x128xi32, #tpu.memory_space<vmem>> -> memref<1x128xi32, #tpu.memory_space<vmem>>
          %dma_wait3A_194 = tpu.memref_squeeze %dma_wait3A_193 : memref<1x128xi32, #tpu.memory_space<vmem>> -> memref<128xi32, #tpu.memory_space<vmem>>
          %dma_wait3A_195 = arith.constant 0 : i32
          %dma_wait3A_196 = arith.constant 0 : i32
          %dma_wait3A_197 = tpu.memref_slice %arg17[%dma_wait3A_195, %dma_wait3A_196] : memref<10240x128xf32, #tpu.memory_space<vmem_shared>> -> memref<10240x128xf32, #tpu.memory_space<vmem_shared>>
          tpu.wait_indirect_dma semaphore(%run_scoped3A_185 : memref<!tpu.dma_semaphore, #tpu.memory_space<semaphore_mem>>) src(%arg12 : memref<128x128xf32, #tpu.memory_space<vmem>>) dst(%dma_wait3A_197 : memref<10240x128xf32, #tpu.memory_space<vmem_shared>>)
          tpu.yield
        }) : () -> ()
        %ne3A_122 = arith.constant 0 : i32
        %ne3A_123 = arith.cmpi ne, %arg0, %ne3A_122 : i32
        %convert_element_type3A_124 = arith.extui %ne3A_123 : i1 to i32
        %cond3A_125 = arith.constant 0 : i32
        %cond3A_126 = arith.cmpi ne, %convert_element_type3A_124, %cond3A_125 : i32
        scf.if %cond3A_126 {
          %dma_start3A_185 = arith.constant 4 : i32
          %dma_start3A_186 = arith.constant 0 : i32
          %dma_start3A_187 = tpu.memref_slice %arg7[%dma_start3A_185, %dma_start3A_186] : memref<8x128xi32, #tpu.memory_space<vmem>> -> memref<1x128xi32, #tpu.memory_space<vmem>>
          %dma_start3A_188 = tpu.memref_squeeze %dma_start3A_187 : memref<1x128xi32, #tpu.memory_space<vmem>> -> memref<128xi32, #tpu.memory_space<vmem>>
          %dma_start3A_189 = arith.constant 0 : i32
          %dma_start3A_190 = arith.constant 0 : i32
          %dma_start3A_191 = tpu.memref_slice %arg2[%dma_start3A_189, %dma_start3A_190] : memref<10000x128xf32, #tpu.memory_space<hbm>> -> memref<10000x128xf32, #tpu.memory_space<hbm>>
          tpu.enqueue_indirect_dma source(%dma_start3A_191 : memref<10000x128xf32, #tpu.memory_space<hbm>>) target(%arg11 : memref<128x128xf32, #tpu.memory_space<vmem>>) offsets(%dma_start3A_188 : memref<128xi32, #tpu.memory_space<vmem>>) semaphore(%arg15 : memref<!tpu.dma_semaphore, #tpu.memory_space<semaphore_mem>>)
        } else {
        }
        %dma_wait3A_127 = arith.constant 0 : i32
        %dma_wait3A_128 = arith.constant 0 : i32
        %dma_wait3A_129 = tpu.memref_slice %arg2[%dma_wait3A_127, %dma_wait3A_128] : memref<10000x128xf32, #tpu.memory_space<hbm>> -> memref<128x128xf32, #tpu.memory_space<hbm>>
        %dma_wait3A_130 = arith.constant 0 : i32
        %dma_wait3A_131 = arith.constant 0 : i32
        %dma_wait3A_132 = tpu.memref_slice %arg2[%dma_wait3A_130, %dma_wait3A_131] : memref<10000x128xf32, #tpu.memory_space<hbm>> -> memref<128x128xf32, #tpu.memory_space<hbm>>
        tpu.wait_dma2 semaphore(%arg15 : memref<!tpu.dma_semaphore, #tpu.memory_space<semaphore_mem>>) src(%dma_wait3A_132 : memref<128x128xf32, #tpu.memory_space<hbm>>) dst(%arg11 : memref<128x128xf32, #tpu.memory_space<vmem>>)
        %eq3A_133 = arith.constant 0 : i32
        %eq3A_134 = arith.cmpi eq, %arg0, %eq3A_133 : i32
        %convert_element_type3A_135 = arith.extui %eq3A_134 : i1 to i32
        %cond3A_136 = arith.constant 0 : i32
        %cond3A_137 = arith.cmpi ne, %convert_element_type3A_135, %cond3A_136 : i32
        scf.if %cond3A_137 {
          %dma_start3A_185 = arith.constant 5 : i32
          %dma_start3A_186 = arith.constant 0 : i32
          %dma_start3A_187 = tpu.memref_slice %arg7[%dma_start3A_185, %dma_start3A_186] : memref<8x128xi32, #tpu.memory_space<vmem>> -> memref<1x128xi32, #tpu.memory_space<vmem>>
          %dma_start3A_188 = tpu.memref_squeeze %dma_start3A_187 : memref<1x128xi32, #tpu.memory_space<vmem>> -> memref<128xi32, #tpu.memory_space<vmem>>
          %dma_start3A_189 = arith.constant 0 : i32
          %dma_start3A_190 = arith.constant 0 : i32
          %dma_start3A_191 = tpu.memref_slice %arg2[%dma_start3A_189, %dma_start3A_190] : memref<10000x128xf32, #tpu.memory_space<hbm>> -> memref<10000x128xf32, #tpu.memory_space<hbm>>
          tpu.enqueue_indirect_dma source(%dma_start3A_191 : memref<10000x128xf32, #tpu.memory_space<hbm>>) target(%arg12 : memref<128x128xf32, #tpu.memory_space<vmem>>) offsets(%dma_start3A_188 : memref<128xi32, #tpu.memory_space<vmem>>) semaphore(%arg16 : memref<!tpu.dma_semaphore, #tpu.memory_space<semaphore_mem>>)
        } else {
        }
        %run_scoped3A_138 = arith.constant 4 : i32
        "tpu.region"() ({
          %run_scoped3A_185 = tpu.sem_alloc : memref<!tpu.dma_semaphore, #tpu.memory_space<semaphore_mem>>
          %dma_start3A_186 = arith.constant 0 : i32
          %dma_start3A_187 = tpu.memref_slice %arg9[%run_scoped3A_138, %dma_start3A_186] : memref<8x128xi32, #tpu.memory_space<vmem>> -> memref<1x128xi32, #tpu.memory_space<vmem>>
          %dma_start3A_188 = tpu.memref_squeeze %dma_start3A_187 : memref<1x128xi32, #tpu.memory_space<vmem>> -> memref<128xi32, #tpu.memory_space<vmem>>
          %dma_start3A_189 = arith.constant 0 : i32
          %dma_start3A_190 = arith.constant 0 : i32
          %dma_start3A_191 = tpu.memref_slice %arg17[%dma_start3A_189, %dma_start3A_190] : memref<10240x128xf32, #tpu.memory_space<vmem_shared>> -> memref<10240x128xf32, #tpu.memory_space<vmem_shared>>
          tpu.enqueue_indirect_dma source(%arg11 : memref<128x128xf32, #tpu.memory_space<vmem>>) target(%dma_start3A_191 : memref<10240x128xf32, #tpu.memory_space<vmem_shared>>) offsets(%dma_start3A_188 : memref<128xi32, #tpu.memory_space<vmem>>) semaphore(%run_scoped3A_185 : memref<!tpu.dma_semaphore, #tpu.memory_space<semaphore_mem>>) {add = true}
          %dma_wait3A_192 = arith.constant 0 : i32
          %dma_wait3A_193 = tpu.memref_slice %arg9[%run_scoped3A_138, %dma_wait3A_192] : memref<8x128xi32, #tpu.memory_space<vmem>> -> memref<1x128xi32, #tpu.memory_space<vmem>>
          %dma_wait3A_194 = tpu.memref_squeeze %dma_wait3A_193 : memref<1x128xi32, #tpu.memory_space<vmem>> -> memref<128xi32, #tpu.memory_space<vmem>>
          %dma_wait3A_195 = arith.constant 0 : i32
          %dma_wait3A_196 = arith.constant 0 : i32
          %dma_wait3A_197 = tpu.memref_slice %arg17[%dma_wait3A_195, %dma_wait3A_196] : memref<10240x128xf32, #tpu.memory_space<vmem_shared>> -> memref<10240x128xf32, #tpu.memory_space<vmem_shared>>
          tpu.wait_indirect_dma semaphore(%run_scoped3A_185 : memref<!tpu.dma_semaphore, #tpu.memory_space<semaphore_mem>>) src(%arg11 : memref<128x128xf32, #tpu.memory_space<vmem>>) dst(%dma_wait3A_197 : memref<10240x128xf32, #tpu.memory_space<vmem_shared>>)
          tpu.yield
        }) : () -> ()
        %ne3A_139 = arith.constant 0 : i32
        %ne3A_140 = arith.cmpi ne, %arg0, %ne3A_139 : i32
        %convert_element_type3A_141 = arith.extui %ne3A_140 : i1 to i32
        %cond3A_142 = arith.constant 0 : i32
        %cond3A_143 = arith.cmpi ne, %convert_element_type3A_141, %cond3A_142 : i32
        scf.if %cond3A_143 {
          %dma_start3A_185 = arith.constant 5 : i32
          %dma_start3A_186 = arith.constant 0 : i32
          %dma_start3A_187 = tpu.memref_slice %arg7[%dma_start3A_185, %dma_start3A_186] : memref<8x128xi32, #tpu.memory_space<vmem>> -> memref<1x128xi32, #tpu.memory_space<vmem>>
          %dma_start3A_188 = tpu.memref_squeeze %dma_start3A_187 : memref<1x128xi32, #tpu.memory_space<vmem>> -> memref<128xi32, #tpu.memory_space<vmem>>
          %dma_start3A_189 = arith.constant 0 : i32
          %dma_start3A_190 = arith.constant 0 : i32
          %dma_start3A_191 = tpu.memref_slice %arg2[%dma_start3A_189, %dma_start3A_190] : memref<10000x128xf32, #tpu.memory_space<hbm>> -> memref<10000x128xf32, #tpu.memory_space<hbm>>
          tpu.enqueue_indirect_dma source(%dma_start3A_191 : memref<10000x128xf32, #tpu.memory_space<hbm>>) target(%arg12 : memref<128x128xf32, #tpu.memory_space<vmem>>) offsets(%dma_start3A_188 : memref<128xi32, #tpu.memory_space<vmem>>) semaphore(%arg16 : memref<!tpu.dma_semaphore, #tpu.memory_space<semaphore_mem>>)
        } else {
        }
        %dma_wait3A_144 = arith.constant 0 : i32
        %dma_wait3A_145 = arith.constant 0 : i32
        %dma_wait3A_146 = tpu.memref_slice %arg2[%dma_wait3A_144, %dma_wait3A_145] : memref<10000x128xf32, #tpu.memory_space<hbm>> -> memref<128x128xf32, #tpu.memory_space<hbm>>
        %dma_wait3A_147 = arith.constant 0 : i32
        %dma_wait3A_148 = arith.constant 0 : i32
        %dma_wait3A_149 = tpu.memref_slice %arg2[%dma_wait3A_147, %dma_wait3A_148] : memref<10000x128xf32, #tpu.memory_space<hbm>> -> memref<128x128xf32, #tpu.memory_space<hbm>>
        tpu.wait_dma2 semaphore(%arg16 : memref<!tpu.dma_semaphore, #tpu.memory_space<semaphore_mem>>) src(%dma_wait3A_149 : memref<128x128xf32, #tpu.memory_space<hbm>>) dst(%arg12 : memref<128x128xf32, #tpu.memory_space<vmem>>)
        %eq3A_150 = arith.constant 0 : i32
        %eq3A_151 = arith.cmpi eq, %arg0, %eq3A_150 : i32
        %convert_element_type3A_152 = arith.extui %eq3A_151 : i1 to i32
        %cond3A_153 = arith.constant 0 : i32
        %cond3A_154 = arith.cmpi ne, %convert_element_type3A_152, %cond3A_153 : i32
        scf.if %cond3A_154 {
          %dma_start3A_185 = arith.constant 6 : i32
          %dma_start3A_186 = arith.constant 0 : i32
          %dma_start3A_187 = tpu.memref_slice %arg7[%dma_start3A_185, %dma_start3A_186] : memref<8x128xi32, #tpu.memory_space<vmem>> -> memref<1x128xi32, #tpu.memory_space<vmem>>
          %dma_start3A_188 = tpu.memref_squeeze %dma_start3A_187 : memref<1x128xi32, #tpu.memory_space<vmem>> -> memref<128xi32, #tpu.memory_space<vmem>>
          %dma_start3A_189 = arith.constant 0 : i32
          %dma_start3A_190 = arith.constant 0 : i32
          %dma_start3A_191 = tpu.memref_slice %arg2[%dma_start3A_189, %dma_start3A_190] : memref<10000x128xf32, #tpu.memory_space<hbm>> -> memref<10000x128xf32, #tpu.memory_space<hbm>>
          tpu.enqueue_indirect_dma source(%dma_start3A_191 : memref<10000x128xf32, #tpu.memory_space<hbm>>) target(%arg11 : memref<128x128xf32, #tpu.memory_space<vmem>>) offsets(%dma_start3A_188 : memref<128xi32, #tpu.memory_space<vmem>>) semaphore(%arg15 : memref<!tpu.dma_semaphore, #tpu.memory_space<semaphore_mem>>)
        } else {
        }
        %run_scoped3A_155 = arith.constant 5 : i32
        "tpu.region"() ({
          %run_scoped3A_185 = tpu.sem_alloc : memref<!tpu.dma_semaphore, #tpu.memory_space<semaphore_mem>>
          %dma_start3A_186 = arith.constant 0 : i32
          %dma_start3A_187 = tpu.memref_slice %arg9[%run_scoped3A_155, %dma_start3A_186] : memref<8x128xi32, #tpu.memory_space<vmem>> -> memref<1x128xi32, #tpu.memory_space<vmem>>
          %dma_start3A_188 = tpu.memref_squeeze %dma_start3A_187 : memref<1x128xi32, #tpu.memory_space<vmem>> -> memref<128xi32, #tpu.memory_space<vmem>>
          %dma_start3A_189 = arith.constant 0 : i32
          %dma_start3A_190 = arith.constant 0 : i32
          %dma_start3A_191 = tpu.memref_slice %arg17[%dma_start3A_189, %dma_start3A_190] : memref<10240x128xf32, #tpu.memory_space<vmem_shared>> -> memref<10240x128xf32, #tpu.memory_space<vmem_shared>>
          tpu.enqueue_indirect_dma source(%arg12 : memref<128x128xf32, #tpu.memory_space<vmem>>) target(%dma_start3A_191 : memref<10240x128xf32, #tpu.memory_space<vmem_shared>>) offsets(%dma_start3A_188 : memref<128xi32, #tpu.memory_space<vmem>>) semaphore(%run_scoped3A_185 : memref<!tpu.dma_semaphore, #tpu.memory_space<semaphore_mem>>) {add = true}
          %dma_wait3A_192 = arith.constant 0 : i32
          %dma_wait3A_193 = tpu.memref_slice %arg9[%run_scoped3A_155, %dma_wait3A_192] : memref<8x128xi32, #tpu.memory_space<vmem>> -> memref<1x128xi32, #tpu.memory_space<vmem>>
          %dma_wait3A_194 = tpu.memref_squeeze %dma_wait3A_193 : memref<1x128xi32, #tpu.memory_space<vmem>> -> memref<128xi32, #tpu.memory_space<vmem>>
          %dma_wait3A_195 = arith.constant 0 : i32
          %dma_wait3A_196 = arith.constant 0 : i32
          %dma_wait3A_197 = tpu.memref_slice %arg17[%dma_wait3A_195, %dma_wait3A_196] : memref<10240x128xf32, #tpu.memory_space<vmem_shared>> -> memref<10240x128xf32, #tpu.memory_space<vmem_shared>>
          tpu.wait_indirect_dma semaphore(%run_scoped3A_185 : memref<!tpu.dma_semaphore, #tpu.memory_space<semaphore_mem>>) src(%arg12 : memref<128x128xf32, #tpu.memory_space<vmem>>) dst(%dma_wait3A_197 : memref<10240x128xf32, #tpu.memory_space<vmem_shared>>)
          tpu.yield
        }) : () -> ()
        %ne3A_156 = arith.constant 0 : i32
        %ne3A_157 = arith.cmpi ne, %arg0, %ne3A_156 : i32
        %convert_element_type3A_158 = arith.extui %ne3A_157 : i1 to i32
        %cond3A_159 = arith.constant 0 : i32
        %cond3A_160 = arith.cmpi ne, %convert_element_type3A_158, %cond3A_159 : i32
        scf.if %cond3A_160 {
          %dma_start3A_185 = arith.constant 6 : i32
          %dma_start3A_186 = arith.constant 0 : i32
          %dma_start3A_187 = tpu.memref_slice %arg7[%dma_start3A_185, %dma_start3A_186] : memref<8x128xi32, #tpu.memory_space<vmem>> -> memref<1x128xi32, #tpu.memory_space<vmem>>
          %dma_start3A_188 = tpu.memref_squeeze %dma_start3A_187 : memref<1x128xi32, #tpu.memory_space<vmem>> -> memref<128xi32, #tpu.memory_space<vmem>>
          %dma_start3A_189 = arith.constant 0 : i32
          %dma_start3A_190 = arith.constant 0 : i32
          %dma_start3A_191 = tpu.memref_slice %arg2[%dma_start3A_189, %dma_start3A_190] : memref<10000x128xf32, #tpu.memory_space<hbm>> -> memref<10000x128xf32, #tpu.memory_space<hbm>>
          tpu.enqueue_indirect_dma source(%dma_start3A_191 : memref<10000x128xf32, #tpu.memory_space<hbm>>) target(%arg11 : memref<128x128xf32, #tpu.memory_space<vmem>>) offsets(%dma_start3A_188 : memref<128xi32, #tpu.memory_space<vmem>>) semaphore(%arg15 : memref<!tpu.dma_semaphore, #tpu.memory_space<semaphore_mem>>)
        } else {
        }
        %dma_wait3A_161 = arith.constant 0 : i32
        %dma_wait3A_162 = arith.constant 0 : i32
        %dma_wait3A_163 = tpu.memref_slice %arg2[%dma_wait3A_161, %dma_wait3A_162] : memref<10000x128xf32, #tpu.memory_space<hbm>> -> memref<128x128xf32, #tpu.memory_space<hbm>>
        %dma_wait3A_164 = arith.constant 0 : i32
        %dma_wait3A_165 = arith.constant 0 : i32
        %dma_wait3A_166 = tpu.memref_slice %arg2[%dma_wait3A_164, %dma_wait3A_165] : memref<10000x128xf32, #tpu.memory_space<hbm>> -> memref<128x128xf32, #tpu.memory_space<hbm>>
        tpu.wait_dma2 semaphore(%arg15 : memref<!tpu.dma_semaphore, #tpu.memory_space<semaphore_mem>>) src(%dma_wait3A_166 : memref<128x128xf32, #tpu.memory_space<hbm>>) dst(%arg11 : memref<128x128xf32, #tpu.memory_space<vmem>>)
        %eq3A_167 = arith.constant 0 : i32
        %eq3A_168 = arith.cmpi eq, %arg0, %eq3A_167 : i32
        %convert_element_type3A_169 = arith.extui %eq3A_168 : i1 to i32
        %cond3A_170 = arith.constant 0 : i32
        %cond3A_171 = arith.cmpi ne, %convert_element_type3A_169, %cond3A_170 : i32
        scf.if %cond3A_171 {
          %dma_start3A_185 = arith.constant 7 : i32
          %dma_start3A_186 = arith.constant 0 : i32
          %dma_start3A_187 = tpu.memref_slice %arg7[%dma_start3A_185, %dma_start3A_186] : memref<8x128xi32, #tpu.memory_space<vmem>> -> memref<1x128xi32, #tpu.memory_space<vmem>>
          %dma_start3A_188 = tpu.memref_squeeze %dma_start3A_187 : memref<1x128xi32, #tpu.memory_space<vmem>> -> memref<128xi32, #tpu.memory_space<vmem>>
          %dma_start3A_189 = arith.constant 0 : i32
          %dma_start3A_190 = arith.constant 0 : i32
          %dma_start3A_191 = tpu.memref_slice %arg2[%dma_start3A_189, %dma_start3A_190] : memref<10000x128xf32, #tpu.memory_space<hbm>> -> memref<10000x128xf32, #tpu.memory_space<hbm>>
          tpu.enqueue_indirect_dma source(%dma_start3A_191 : memref<10000x128xf32, #tpu.memory_space<hbm>>) target(%arg12 : memref<128x128xf32, #tpu.memory_space<vmem>>) offsets(%dma_start3A_188 : memref<128xi32, #tpu.memory_space<vmem>>) semaphore(%arg16 : memref<!tpu.dma_semaphore, #tpu.memory_space<semaphore_mem>>)
        } else {
        }
        %run_scoped3A_172 = arith.constant 6 : i32
        "tpu.region"() ({
          %run_scoped3A_185 = tpu.sem_alloc : memref<!tpu.dma_semaphore, #tpu.memory_space<semaphore_mem>>
          %dma_start3A_186 = arith.constant 0 : i32
          %dma_start3A_187 = tpu.memref_slice %arg9[%run_scoped3A_172, %dma_start3A_186] : memref<8x128xi32, #tpu.memory_space<vmem>> -> memref<1x128xi32, #tpu.memory_space<vmem>>
          %dma_start3A_188 = tpu.memref_squeeze %dma_start3A_187 : memref<1x128xi32, #tpu.memory_space<vmem>> -> memref<128xi32, #tpu.memory_space<vmem>>
          %dma_start3A_189 = arith.constant 0 : i32
          %dma_start3A_190 = arith.constant 0 : i32
          %dma_start3A_191 = tpu.memref_slice %arg17[%dma_start3A_189, %dma_start3A_190] : memref<10240x128xf32, #tpu.memory_space<vmem_shared>> -> memref<10240x128xf32, #tpu.memory_space<vmem_shared>>
          tpu.enqueue_indirect_dma source(%arg11 : memref<128x128xf32, #tpu.memory_space<vmem>>) target(%dma_start3A_191 : memref<10240x128xf32, #tpu.memory_space<vmem_shared>>) offsets(%dma_start3A_188 : memref<128xi32, #tpu.memory_space<vmem>>) semaphore(%run_scoped3A_185 : memref<!tpu.dma_semaphore, #tpu.memory_space<semaphore_mem>>) {add = true}
          %dma_wait3A_192 = arith.constant 0 : i32
          %dma_wait3A_193 = tpu.memref_slice %arg9[%run_scoped3A_172, %dma_wait3A_192] : memref<8x128xi32, #tpu.memory_space<vmem>> -> memref<1x128xi32, #tpu.memory_space<vmem>>
          %dma_wait3A_194 = tpu.memref_squeeze %dma_wait3A_193 : memref<1x128xi32, #tpu.memory_space<vmem>> -> memref<128xi32, #tpu.memory_space<vmem>>
          %dma_wait3A_195 = arith.constant 0 : i32
          %dma_wait3A_196 = arith.constant 0 : i32
          %dma_wait3A_197 = tpu.memref_slice %arg17[%dma_wait3A_195, %dma_wait3A_196] : memref<10240x128xf32, #tpu.memory_space<vmem_shared>> -> memref<10240x128xf32, #tpu.memory_space<vmem_shared>>
          tpu.wait_indirect_dma semaphore(%run_scoped3A_185 : memref<!tpu.dma_semaphore, #tpu.memory_space<semaphore_mem>>) src(%arg11 : memref<128x128xf32, #tpu.memory_space<vmem>>) dst(%dma_wait3A_197 : memref<10240x128xf32, #tpu.memory_space<vmem_shared>>)
          tpu.yield
        }) : () -> ()
        %ne3A_173 = arith.constant 0 : i32
        %ne3A_174 = arith.cmpi ne, %arg0, %ne3A_173 : i32
        %convert_element_type3A_175 = arith.extui %ne3A_174 : i1 to i32
        %cond3A_176 = arith.constant 0 : i32
        %cond3A_177 = arith.cmpi ne, %convert_element_type3A_175, %cond3A_176 : i32
        scf.if %cond3A_177 {
          %dma_start3A_185 = arith.constant 7 : i32
          %dma_start3A_186 = arith.constant 0 : i32
          %dma_start3A_187 = tpu.memref_slice %arg7[%dma_start3A_185, %dma_start3A_186] : memref<8x128xi32, #tpu.memory_space<vmem>> -> memref<1x128xi32, #tpu.memory_space<vmem>>
          %dma_start3A_188 = tpu.memref_squeeze %dma_start3A_187 : memref<1x128xi32, #tpu.memory_space<vmem>> -> memref<128xi32, #tpu.memory_space<vmem>>
          %dma_start3A_189 = arith.constant 0 : i32
          %dma_start3A_190 = arith.constant 0 : i32
          %dma_start3A_191 = tpu.memref_slice %arg2[%dma_start3A_189, %dma_start3A_190] : memref<10000x128xf32, #tpu.memory_space<hbm>> -> memref<10000x128xf32, #tpu.memory_space<hbm>>
          tpu.enqueue_indirect_dma source(%dma_start3A_191 : memref<10000x128xf32, #tpu.memory_space<hbm>>) target(%arg12 : memref<128x128xf32, #tpu.memory_space<vmem>>) offsets(%dma_start3A_188 : memref<128xi32, #tpu.memory_space<vmem>>) semaphore(%arg16 : memref<!tpu.dma_semaphore, #tpu.memory_space<semaphore_mem>>)
        } else {
        }
        %dma_wait3A_178 = arith.constant 0 : i32
        %dma_wait3A_179 = arith.constant 0 : i32
        %dma_wait3A_180 = tpu.memref_slice %arg2[%dma_wait3A_178, %dma_wait3A_179] : memref<10000x128xf32, #tpu.memory_space<hbm>> -> memref<128x128xf32, #tpu.memory_space<hbm>>
        %dma_wait3A_181 = arith.constant 0 : i32
        %dma_wait3A_182 = arith.constant 0 : i32
        %dma_wait3A_183 = tpu.memref_slice %arg2[%dma_wait3A_181, %dma_wait3A_182] : memref<10000x128xf32, #tpu.memory_space<hbm>> -> memref<128x128xf32, #tpu.memory_space<hbm>>
        tpu.wait_dma2 semaphore(%arg16 : memref<!tpu.dma_semaphore, #tpu.memory_space<semaphore_mem>>) src(%dma_wait3A_183 : memref<128x128xf32, #tpu.memory_space<hbm>>) dst(%arg12 : memref<128x128xf32, #tpu.memory_space<vmem>>)
        %run_scoped3A_184 = arith.constant 7 : i32
        "tpu.region"() ({
          %run_scoped3A_185 = tpu.sem_alloc : memref<!tpu.dma_semaphore, #tpu.memory_space<semaphore_mem>>
          %dma_start3A_186 = arith.constant 0 : i32
          %dma_start3A_187 = tpu.memref_slice %arg9[%run_scoped3A_184, %dma_start3A_186] : memref<8x128xi32, #tpu.memory_space<vmem>> -> memref<1x128xi32, #tpu.memory_space<vmem>>
          %dma_start3A_188 = tpu.memref_squeeze %dma_start3A_187 : memref<1x128xi32, #tpu.memory_space<vmem>> -> memref<128xi32, #tpu.memory_space<vmem>>
          %dma_start3A_189 = arith.constant 0 : i32
          %dma_start3A_190 = arith.constant 0 : i32
          %dma_start3A_191 = tpu.memref_slice %arg17[%dma_start3A_189, %dma_start3A_190] : memref<10240x128xf32, #tpu.memory_space<vmem_shared>> -> memref<10240x128xf32, #tpu.memory_space<vmem_shared>>
          tpu.enqueue_indirect_dma source(%arg12 : memref<128x128xf32, #tpu.memory_space<vmem>>) target(%dma_start3A_191 : memref<10240x128xf32, #tpu.memory_space<vmem_shared>>) offsets(%dma_start3A_188 : memref<128xi32, #tpu.memory_space<vmem>>) semaphore(%run_scoped3A_185 : memref<!tpu.dma_semaphore, #tpu.memory_space<semaphore_mem>>) {add = true}
          %dma_wait3A_192 = arith.constant 0 : i32
          %dma_wait3A_193 = tpu.memref_slice %arg9[%run_scoped3A_184, %dma_wait3A_192] : memref<8x128xi32, #tpu.memory_space<vmem>> -> memref<1x128xi32, #tpu.memory_space<vmem>>
          %dma_wait3A_194 = tpu.memref_squeeze %dma_wait3A_193 : memref<1x128xi32, #tpu.memory_space<vmem>> -> memref<128xi32, #tpu.memory_space<vmem>>
          %dma_wait3A_195 = arith.constant 0 : i32
          %dma_wait3A_196 = arith.constant 0 : i32
          %dma_wait3A_197 = tpu.memref_slice %arg17[%dma_wait3A_195, %dma_wait3A_196] : memref<10240x128xf32, #tpu.memory_space<vmem_shared>> -> memref<10240x128xf32, #tpu.memory_space<vmem_shared>>
          tpu.wait_indirect_dma semaphore(%run_scoped3A_185 : memref<!tpu.dma_semaphore, #tpu.memory_space<semaphore_mem>>) src(%arg12 : memref<128x128xf32, #tpu.memory_space<vmem>>) dst(%dma_wait3A_197 : memref<10240x128xf32, #tpu.memory_space<vmem_shared>>)
          tpu.yield
        }) : () -> ()
      } else {
      }
      %eq3A_31 = arith.constant 1 : i32
      %eq3A_32 = arith.cmpi eq, %rem3A_25, %eq3A_31 : i32
      %lt3A_33 = arith.cmpi slt, %scan3A_24, %select_n3A_9 : i32
      %and3A_34 = arith.andi %eq3A_32, %lt3A_33 : i1
      %convert_element_type3A_35 = arith.extui %and3A_34 : i1 to i32
      %cond3A_36 = arith.constant 0 : i32
      %cond3A_37 = arith.cmpi ne, %convert_element_type3A_35, %cond3A_36 : i32
      scf.if %cond3A_37 {
        %dma_wait3A = arith.constant 0 : i32
        %dma_wait3A_38 = arith.constant 0 : i32
        %dma_wait3A_39 = tpu.memref_slice %arg3[%dma_wait3A, %dma_wait3A_38] : memref<2560x128xi32, #tpu.memory_space<hbm>> -> memref<8x128xi32, #tpu.memory_space<hbm>>
        %dma_wait3A_40 = arith.constant 0 : i32
        %dma_wait3A_41 = arith.constant 0 : i32
        %dma_wait3A_42 = tpu.memref_slice %arg3[%dma_wait3A_40, %dma_wait3A_41] : memref<2560x128xi32, #tpu.memory_space<hbm>> -> memref<8x128xi32, #tpu.memory_space<hbm>>
        tpu.wait_dma2 semaphore(%arg14 : memref<!tpu.dma_semaphore, #tpu.memory_space<semaphore_mem>>) src(%dma_wait3A_42 : memref<8x128xi32, #tpu.memory_space<hbm>>) dst(%arg8 : memref<8x128xi32, #tpu.memory_space<vmem>>)
        %dma_wait3A_43 = arith.constant 0 : i32
        %dma_wait3A_44 = arith.constant 0 : i32
        %dma_wait3A_45 = tpu.memref_slice %arg3[%dma_wait3A_43, %dma_wait3A_44] : memref<2560x128xi32, #tpu.memory_space<hbm>> -> memref<8x128xi32, #tpu.memory_space<hbm>>
        %dma_wait3A_46 = arith.constant 0 : i32
        %dma_wait3A_47 = arith.constant 0 : i32
        %dma_wait3A_48 = tpu.memref_slice %arg3[%dma_wait3A_46, %dma_wait3A_47] : memref<2560x128xi32, #tpu.memory_space<hbm>> -> memref<8x128xi32, #tpu.memory_space<hbm>>
        tpu.wait_dma2 semaphore(%arg14 : memref<!tpu.dma_semaphore, #tpu.memory_space<semaphore_mem>>) src(%dma_wait3A_48 : memref<8x128xi32, #tpu.memory_space<hbm>>) dst(%arg10 : memref<8x128xi32, #tpu.memory_space<vmem>>)
        %add3A_49 = arith.constant 1 : i32
        %add3A_50 = arith.addi %scan3A_24, %add3A_49 : i32
        %lt3A_51 = arith.cmpi slt, %add3A_50, %select_n3A_9 : i32
        %convert_element_type3A_52 = arith.extui %lt3A_51 : i1 to i32
        %cond3A_53 = arith.constant 0 : i32
        %cond3A_54 = arith.cmpi ne, %convert_element_type3A_52, %cond3A_53 : i32
        scf.if %cond3A_54 {
          %add3A_185 = arith.constant 1 : i32
          %add3A_186 = arith.addi %scan3A_24, %add3A_185 : i32
          %mul3A_187 = arith.constant 8 : i32
          %mul3A_188 = arith.muli %add3A_186, %mul3A_187 : i32
          %add3A_189 = arith.addi %select_n3A, %mul3A_188 : i32
          %dma_start3A_190 = arith.constant 0 : i32
          %dma_start3A_191 = tpu.memref_slice %arg3[%add3A_189, %dma_start3A_190] : memref<2560x128xi32, #tpu.memory_space<hbm>> -> memref<8x128xi32, #tpu.memory_space<hbm>>
          %dma_start3A_192 = arith.constant 0 : i32
          %dma_start3A_193 = tpu.memref_slice %arg3[%add3A_189, %dma_start3A_192] : memref<2560x128xi32, #tpu.memory_space<hbm>> -> memref<8x128xi32, #tpu.memory_space<hbm>>
          tpu.enqueue_dma source(%dma_start3A_193 : memref<8x128xi32, #tpu.memory_space<hbm>>) target(%arg7 : memref<8x128xi32, #tpu.memory_space<vmem>>) target_semaphore(%arg13 : memref<!tpu.dma_semaphore, #tpu.memory_space<semaphore_mem>>)
          %mul3A_194 = arith.constant 8 : i32
          %mul3A_195 = arith.muli %add3A_186, %mul3A_194 : i32
          %add3A_196 = arith.addi %select_n3A, %mul3A_195 : i32
          %dma_start3A_197 = arith.constant 0 : i32
          %dma_start3A_198 = tpu.memref_slice %arg4[%add3A_196, %dma_start3A_197] : memref<2560x128xi32, #tpu.memory_space<hbm>> -> memref<8x128xi32, #tpu.memory_space<hbm>>
          %dma_start3A_199 = arith.constant 0 : i32
          %dma_start3A_200 = tpu.memref_slice %arg4[%add3A_196, %dma_start3A_199] : memref<2560x128xi32, #tpu.memory_space<hbm>> -> memref<8x128xi32, #tpu.memory_space<hbm>>
          tpu.enqueue_dma source(%dma_start3A_200 : memref<8x128xi32, #tpu.memory_space<hbm>>) target(%arg9 : memref<8x128xi32, #tpu.memory_space<vmem>>) target_semaphore(%arg13 : memref<!tpu.dma_semaphore, #tpu.memory_space<semaphore_mem>>)
        } else {
        }
        %dma_start3A = arith.constant 0 : i32
        %dma_start3A_55 = arith.constant 0 : i32
        %dma_start3A_56 = tpu.memref_slice %arg8[%dma_start3A, %dma_start3A_55] : memref<8x128xi32, #tpu.memory_space<vmem>> -> memref<1x128xi32, #tpu.memory_space<vmem>>
        %dma_start3A_57 = tpu.memref_squeeze %dma_start3A_56 : memref<1x128xi32, #tpu.memory_space<vmem>> -> memref<128xi32, #tpu.memory_space<vmem>>
        %dma_start3A_58 = arith.constant 0 : i32
        %dma_start3A_59 = arith.constant 0 : i32
        %dma_start3A_60 = tpu.memref_slice %arg2[%dma_start3A_58, %dma_start3A_59] : memref<10000x128xf32, #tpu.memory_space<hbm>> -> memref<10000x128xf32, #tpu.memory_space<hbm>>
        tpu.enqueue_indirect_dma source(%dma_start3A_60 : memref<10000x128xf32, #tpu.memory_space<hbm>>) target(%arg11 : memref<128x128xf32, #tpu.memory_space<vmem>>) offsets(%dma_start3A_57 : memref<128xi32, #tpu.memory_space<vmem>>) semaphore(%arg15 : memref<!tpu.dma_semaphore, #tpu.memory_space<semaphore_mem>>)
        %dma_wait3A_61 = arith.constant 0 : i32
        %dma_wait3A_62 = arith.constant 0 : i32
        %dma_wait3A_63 = tpu.memref_slice %arg2[%dma_wait3A_61, %dma_wait3A_62] : memref<10000x128xf32, #tpu.memory_space<hbm>> -> memref<128x128xf32, #tpu.memory_space<hbm>>
        %dma_wait3A_64 = arith.constant 0 : i32
        %dma_wait3A_65 = arith.constant 0 : i32
        %dma_wait3A_66 = tpu.memref_slice %arg2[%dma_wait3A_64, %dma_wait3A_65] : memref<10000x128xf32, #tpu.memory_space<hbm>> -> memref<128x128xf32, #tpu.memory_space<hbm>>
        tpu.wait_dma2 semaphore(%arg15 : memref<!tpu.dma_semaphore, #tpu.memory_space<semaphore_mem>>) src(%dma_wait3A_66 : memref<128x128xf32, #tpu.memory_space<hbm>>) dst(%arg11 : memref<128x128xf32, #tpu.memory_space<vmem>>)
        %eq3A_67 = arith.constant 0 : i32
        %eq3A_68 = arith.cmpi eq, %arg0, %eq3A_67 : i32
        %convert_element_type3A_69 = arith.extui %eq3A_68 : i1 to i32
        %cond3A_70 = arith.constant 0 : i32
        %cond3A_71 = arith.cmpi ne, %convert_element_type3A_69, %cond3A_70 : i32
        scf.if %cond3A_71 {
          %dma_start3A_185 = arith.constant 1 : i32
          %dma_start3A_186 = arith.constant 0 : i32
          %dma_start3A_187 = tpu.memref_slice %arg8[%dma_start3A_185, %dma_start3A_186] : memref<8x128xi32, #tpu.memory_space<vmem>> -> memref<1x128xi32, #tpu.memory_space<vmem>>
          %dma_start3A_188 = tpu.memref_squeeze %dma_start3A_187 : memref<1x128xi32, #tpu.memory_space<vmem>> -> memref<128xi32, #tpu.memory_space<vmem>>
          %dma_start3A_189 = arith.constant 0 : i32
          %dma_start3A_190 = arith.constant 0 : i32
          %dma_start3A_191 = tpu.memref_slice %arg2[%dma_start3A_189, %dma_start3A_190] : memref<10000x128xf32, #tpu.memory_space<hbm>> -> memref<10000x128xf32, #tpu.memory_space<hbm>>
          tpu.enqueue_indirect_dma source(%dma_start3A_191 : memref<10000x128xf32, #tpu.memory_space<hbm>>) target(%arg12 : memref<128x128xf32, #tpu.memory_space<vmem>>) offsets(%dma_start3A_188 : memref<128xi32, #tpu.memory_space<vmem>>) semaphore(%arg16 : memref<!tpu.dma_semaphore, #tpu.memory_space<semaphore_mem>>)
        } else {
        }
        %run_scoped3A = arith.constant 0 : i32
        "tpu.region"() ({
          %run_scoped3A_185 = tpu.sem_alloc : memref<!tpu.dma_semaphore, #tpu.memory_space<semaphore_mem>>
          %dma_start3A_186 = arith.constant 0 : i32
          %dma_start3A_187 = tpu.memref_slice %arg10[%run_scoped3A, %dma_start3A_186] : memref<8x128xi32, #tpu.memory_space<vmem>> -> memref<1x128xi32, #tpu.memory_space<vmem>>
          %dma_start3A_188 = tpu.memref_squeeze %dma_start3A_187 : memref<1x128xi32, #tpu.memory_space<vmem>> -> memref<128xi32, #tpu.memory_space<vmem>>
          %dma_start3A_189 = arith.constant 0 : i32
          %dma_start3A_190 = arith.constant 0 : i32
          %dma_start3A_191 = tpu.memref_slice %arg17[%dma_start3A_189, %dma_start3A_190] : memref<10240x128xf32, #tpu.memory_space<vmem_shared>> -> memref<10240x128xf32, #tpu.memory_space<vmem_shared>>
          tpu.enqueue_indirect_dma source(%arg11 : memref<128x128xf32, #tpu.memory_space<vmem>>) target(%dma_start3A_191 : memref<10240x128xf32, #tpu.memory_space<vmem_shared>>) offsets(%dma_start3A_188 : memref<128xi32, #tpu.memory_space<vmem>>) semaphore(%run_scoped3A_185 : memref<!tpu.dma_semaphore, #tpu.memory_space<semaphore_mem>>) {add = true}
          %dma_wait3A_192 = arith.constant 0 : i32
          %dma_wait3A_193 = tpu.memref_slice %arg10[%run_scoped3A, %dma_wait3A_192] : memref<8x128xi32, #tpu.memory_space<vmem>> -> memref<1x128xi32, #tpu.memory_space<vmem>>
          %dma_wait3A_194 = tpu.memref_squeeze %dma_wait3A_193 : memref<1x128xi32, #tpu.memory_space<vmem>> -> memref<128xi32, #tpu.memory_space<vmem>>
          %dma_wait3A_195 = arith.constant 0 : i32
          %dma_wait3A_196 = arith.constant 0 : i32
          %dma_wait3A_197 = tpu.memref_slice %arg17[%dma_wait3A_195, %dma_wait3A_196] : memref<10240x128xf32, #tpu.memory_space<vmem_shared>> -> memref<10240x128xf32, #tpu.memory_space<vmem_shared>>
          tpu.wait_indirect_dma semaphore(%run_scoped3A_185 : memref<!tpu.dma_semaphore, #tpu.memory_space<semaphore_mem>>) src(%arg11 : memref<128x128xf32, #tpu.memory_space<vmem>>) dst(%dma_wait3A_197 : memref<10240x128xf32, #tpu.memory_space<vmem_shared>>)
          tpu.yield
        }) : () -> ()
        %ne3A = arith.constant 0 : i32
        %ne3A_72 = arith.cmpi ne, %arg0, %ne3A : i32
        %convert_element_type3A_73 = arith.extui %ne3A_72 : i1 to i32
        %cond3A_74 = arith.constant 0 : i32
        %cond3A_75 = arith.cmpi ne, %convert_element_type3A_73, %cond3A_74 : i32
        scf.if %cond3A_75 {
          %dma_start3A_185 = arith.constant 1 : i32
          %dma_start3A_186 = arith.constant 0 : i32
          %dma_start3A_187 = tpu.memref_slice %arg8[%dma_start3A_185, %dma_start3A_186] : memref<8x128xi32, #tpu.memory_space<vmem>> -> memref<1x128xi32, #tpu.memory_space<vmem>>
          %dma_start3A_188 = tpu.memref_squeeze %dma_start3A_187 : memref<1x128xi32, #tpu.memory_space<vmem>> -> memref<128xi32, #tpu.memory_space<vmem>>
          %dma_start3A_189 = arith.constant 0 : i32
          %dma_start3A_190 = arith.constant 0 : i32
          %dma_start3A_191 = tpu.memref_slice %arg2[%dma_start3A_189, %dma_start3A_190] : memref<10000x128xf32, #tpu.memory_space<hbm>> -> memref<10000x128xf32, #tpu.memory_space<hbm>>
          tpu.enqueue_indirect_dma source(%dma_start3A_191 : memref<10000x128xf32, #tpu.memory_space<hbm>>) target(%arg12 : memref<128x128xf32, #tpu.memory_space<vmem>>) offsets(%dma_start3A_188 : memref<128xi32, #tpu.memory_space<vmem>>) semaphore(%arg16 : memref<!tpu.dma_semaphore, #tpu.memory_space<semaphore_mem>>)
        } else {
        }
        %dma_wait3A_76 = arith.constant 0 : i32
        %dma_wait3A_77 = arith.constant 0 : i32
        %dma_wait3A_78 = tpu.memref_slice %arg2[%dma_wait3A_76, %dma_wait3A_77] : memref<10000x128xf32, #tpu.memory_space<hbm>> -> memref<128x128xf32, #tpu.memory_space<hbm>>
        %dma_wait3A_79 = arith.constant 0 : i32
        %dma_wait3A_80 = arith.constant 0 : i32
        %dma_wait3A_81 = tpu.memref_slice %arg2[%dma_wait3A_79, %dma_wait3A_80] : memref<10000x128xf32, #tpu.memory_space<hbm>> -> memref<128x128xf32, #tpu.memory_space<hbm>>
        tpu.wait_dma2 semaphore(%arg16 : memref<!tpu.dma_semaphore, #tpu.memory_space<semaphore_mem>>) src(%dma_wait3A_81 : memref<128x128xf32, #tpu.memory_space<hbm>>) dst(%arg12 : memref<128x128xf32, #tpu.memory_space<vmem>>)
        %eq3A_82 = arith.constant 0 : i32
        %eq3A_83 = arith.cmpi eq, %arg0, %eq3A_82 : i32
        %convert_element_type3A_84 = arith.extui %eq3A_83 : i1 to i32
        %cond3A_85 = arith.constant 0 : i32
        %cond3A_86 = arith.cmpi ne, %convert_element_type3A_84, %cond3A_85 : i32
        scf.if %cond3A_86 {
          %dma_start3A_185 = arith.constant 2 : i32
          %dma_start3A_186 = arith.constant 0 : i32
          %dma_start3A_187 = tpu.memref_slice %arg8[%dma_start3A_185, %dma_start3A_186] : memref<8x128xi32, #tpu.memory_space<vmem>> -> memref<1x128xi32, #tpu.memory_space<vmem>>
          %dma_start3A_188 = tpu.memref_squeeze %dma_start3A_187 : memref<1x128xi32, #tpu.memory_space<vmem>> -> memref<128xi32, #tpu.memory_space<vmem>>
          %dma_start3A_189 = arith.constant 0 : i32
          %dma_start3A_190 = arith.constant 0 : i32
          %dma_start3A_191 = tpu.memref_slice %arg2[%dma_start3A_189, %dma_start3A_190] : memref<10000x128xf32, #tpu.memory_space<hbm>> -> memref<10000x128xf32, #tpu.memory_space<hbm>>
          tpu.enqueue_indirect_dma source(%dma_start3A_191 : memref<10000x128xf32, #tpu.memory_space<hbm>>) target(%arg11 : memref<128x128xf32, #tpu.memory_space<vmem>>) offsets(%dma_start3A_188 : memref<128xi32, #tpu.memory_space<vmem>>) semaphore(%arg15 : memref<!tpu.dma_semaphore, #tpu.memory_space<semaphore_mem>>)
        } else {
        }
        %run_scoped3A_87 = arith.constant 1 : i32
        "tpu.region"() ({
          %run_scoped3A_185 = tpu.sem_alloc : memref<!tpu.dma_semaphore, #tpu.memory_space<semaphore_mem>>
          %dma_start3A_186 = arith.constant 0 : i32
          %dma_start3A_187 = tpu.memref_slice %arg10[%run_scoped3A_87, %dma_start3A_186] : memref<8x128xi32, #tpu.memory_space<vmem>> -> memref<1x128xi32, #tpu.memory_space<vmem>>
          %dma_start3A_188 = tpu.memref_squeeze %dma_start3A_187 : memref<1x128xi32, #tpu.memory_space<vmem>> -> memref<128xi32, #tpu.memory_space<vmem>>
          %dma_start3A_189 = arith.constant 0 : i32
          %dma_start3A_190 = arith.constant 0 : i32
          %dma_start3A_191 = tpu.memref_slice %arg17[%dma_start3A_189, %dma_start3A_190] : memref<10240x128xf32, #tpu.memory_space<vmem_shared>> -> memref<10240x128xf32, #tpu.memory_space<vmem_shared>>
          tpu.enqueue_indirect_dma source(%arg12 : memref<128x128xf32, #tpu.memory_space<vmem>>) target(%dma_start3A_191 : memref<10240x128xf32, #tpu.memory_space<vmem_shared>>) offsets(%dma_start3A_188 : memref<128xi32, #tpu.memory_space<vmem>>) semaphore(%run_scoped3A_185 : memref<!tpu.dma_semaphore, #tpu.memory_space<semaphore_mem>>) {add = true}
          %dma_wait3A_192 = arith.constant 0 : i32
          %dma_wait3A_193 = tpu.memref_slice %arg10[%run_scoped3A_87, %dma_wait3A_192] : memref<8x128xi32, #tpu.memory_space<vmem>> -> memref<1x128xi32, #tpu.memory_space<vmem>>
          %dma_wait3A_194 = tpu.memref_squeeze %dma_wait3A_193 : memref<1x128xi32, #tpu.memory_space<vmem>> -> memref<128xi32, #tpu.memory_space<vmem>>
          %dma_wait3A_195 = arith.constant 0 : i32
          %dma_wait3A_196 = arith.constant 0 : i32
          %dma_wait3A_197 = tpu.memref_slice %arg17[%dma_wait3A_195, %dma_wait3A_196] : memref<10240x128xf32, #tpu.memory_space<vmem_shared>> -> memref<10240x128xf32, #tpu.memory_space<vmem_shared>>
          tpu.wait_indirect_dma semaphore(%run_scoped3A_185 : memref<!tpu.dma_semaphore, #tpu.memory_space<semaphore_mem>>) src(%arg12 : memref<128x128xf32, #tpu.memory_space<vmem>>) dst(%dma_wait3A_197 : memref<10240x128xf32, #tpu.memory_space<vmem_shared>>)
          tpu.yield
        }) : () -> ()
        %ne3A_88 = arith.constant 0 : i32
        %ne3A_89 = arith.cmpi ne, %arg0, %ne3A_88 : i32
        %convert_element_type3A_90 = arith.extui %ne3A_89 : i1 to i32
        %cond3A_91 = arith.constant 0 : i32
        %cond3A_92 = arith.cmpi ne, %convert_element_type3A_90, %cond3A_91 : i32
        scf.if %cond3A_92 {
          %dma_start3A_185 = arith.constant 2 : i32
          %dma_start3A_186 = arith.constant 0 : i32
          %dma_start3A_187 = tpu.memref_slice %arg8[%dma_start3A_185, %dma_start3A_186] : memref<8x128xi32, #tpu.memory_space<vmem>> -> memref<1x128xi32, #tpu.memory_space<vmem>>
          %dma_start3A_188 = tpu.memref_squeeze %dma_start3A_187 : memref<1x128xi32, #tpu.memory_space<vmem>> -> memref<128xi32, #tpu.memory_space<vmem>>
          %dma_start3A_189 = arith.constant 0 : i32
          %dma_start3A_190 = arith.constant 0 : i32
          %dma_start3A_191 = tpu.memref_slice %arg2[%dma_start3A_189, %dma_start3A_190] : memref<10000x128xf32, #tpu.memory_space<hbm>> -> memref<10000x128xf32, #tpu.memory_space<hbm>>
          tpu.enqueue_indirect_dma source(%dma_start3A_191 : memref<10000x128xf32, #tpu.memory_space<hbm>>) target(%arg11 : memref<128x128xf32, #tpu.memory_space<vmem>>) offsets(%dma_start3A_188 : memref<128xi32, #tpu.memory_space<vmem>>) semaphore(%arg15 : memref<!tpu.dma_semaphore, #tpu.memory_space<semaphore_mem>>)
        } else {
        }
        %dma_wait3A_93 = arith.constant 0 : i32
        %dma_wait3A_94 = arith.constant 0 : i32
        %dma_wait3A_95 = tpu.memref_slice %arg2[%dma_wait3A_93, %dma_wait3A_94] : memref<10000x128xf32, #tpu.memory_space<hbm>> -> memref<128x128xf32, #tpu.memory_space<hbm>>
        %dma_wait3A_96 = arith.constant 0 : i32
        %dma_wait3A_97 = arith.constant 0 : i32
        %dma_wait3A_98 = tpu.memref_slice %arg2[%dma_wait3A_96, %dma_wait3A_97] : memref<10000x128xf32, #tpu.memory_space<hbm>> -> memref<128x128xf32, #tpu.memory_space<hbm>>
        tpu.wait_dma2 semaphore(%arg15 : memref<!tpu.dma_semaphore, #tpu.memory_space<semaphore_mem>>) src(%dma_wait3A_98 : memref<128x128xf32, #tpu.memory_space<hbm>>) dst(%arg11 : memref<128x128xf32, #tpu.memory_space<vmem>>)
        %eq3A_99 = arith.constant 0 : i32
        %eq3A_100 = arith.cmpi eq, %arg0, %eq3A_99 : i32
        %convert_element_type3A_101 = arith.extui %eq3A_100 : i1 to i32
        %cond3A_102 = arith.constant 0 : i32
        %cond3A_103 = arith.cmpi ne, %convert_element_type3A_101, %cond3A_102 : i32
        scf.if %cond3A_103 {
          %dma_start3A_185 = arith.constant 3 : i32
          %dma_start3A_186 = arith.constant 0 : i32
          %dma_start3A_187 = tpu.memref_slice %arg8[%dma_start3A_185, %dma_start3A_186] : memref<8x128xi32, #tpu.memory_space<vmem>> -> memref<1x128xi32, #tpu.memory_space<vmem>>
          %dma_start3A_188 = tpu.memref_squeeze %dma_start3A_187 : memref<1x128xi32, #tpu.memory_space<vmem>> -> memref<128xi32, #tpu.memory_space<vmem>>
          %dma_start3A_189 = arith.constant 0 : i32
          %dma_start3A_190 = arith.constant 0 : i32
          %dma_start3A_191 = tpu.memref_slice %arg2[%dma_start3A_189, %dma_start3A_190] : memref<10000x128xf32, #tpu.memory_space<hbm>> -> memref<10000x128xf32, #tpu.memory_space<hbm>>
          tpu.enqueue_indirect_dma source(%dma_start3A_191 : memref<10000x128xf32, #tpu.memory_space<hbm>>) target(%arg12 : memref<128x128xf32, #tpu.memory_space<vmem>>) offsets(%dma_start3A_188 : memref<128xi32, #tpu.memory_space<vmem>>) semaphore(%arg16 : memref<!tpu.dma_semaphore, #tpu.memory_space<semaphore_mem>>)
        } else {
        }
        %run_scoped3A_104 = arith.constant 2 : i32
        "tpu.region"() ({
          %run_scoped3A_185 = tpu.sem_alloc : memref<!tpu.dma_semaphore, #tpu.memory_space<semaphore_mem>>
          %dma_start3A_186 = arith.constant 0 : i32
          %dma_start3A_187 = tpu.memref_slice %arg10[%run_scoped3A_104, %dma_start3A_186] : memref<8x128xi32, #tpu.memory_space<vmem>> -> memref<1x128xi32, #tpu.memory_space<vmem>>
          %dma_start3A_188 = tpu.memref_squeeze %dma_start3A_187 : memref<1x128xi32, #tpu.memory_space<vmem>> -> memref<128xi32, #tpu.memory_space<vmem>>
          %dma_start3A_189 = arith.constant 0 : i32
          %dma_start3A_190 = arith.constant 0 : i32
          %dma_start3A_191 = tpu.memref_slice %arg17[%dma_start3A_189, %dma_start3A_190] : memref<10240x128xf32, #tpu.memory_space<vmem_shared>> -> memref<10240x128xf32, #tpu.memory_space<vmem_shared>>
          tpu.enqueue_indirect_dma source(%arg11 : memref<128x128xf32, #tpu.memory_space<vmem>>) target(%dma_start3A_191 : memref<10240x128xf32, #tpu.memory_space<vmem_shared>>) offsets(%dma_start3A_188 : memref<128xi32, #tpu.memory_space<vmem>>) semaphore(%run_scoped3A_185 : memref<!tpu.dma_semaphore, #tpu.memory_space<semaphore_mem>>) {add = true}
          %dma_wait3A_192 = arith.constant 0 : i32
          %dma_wait3A_193 = tpu.memref_slice %arg10[%run_scoped3A_104, %dma_wait3A_192] : memref<8x128xi32, #tpu.memory_space<vmem>> -> memref<1x128xi32, #tpu.memory_space<vmem>>
          %dma_wait3A_194 = tpu.memref_squeeze %dma_wait3A_193 : memref<1x128xi32, #tpu.memory_space<vmem>> -> memref<128xi32, #tpu.memory_space<vmem>>
          %dma_wait3A_195 = arith.constant 0 : i32
          %dma_wait3A_196 = arith.constant 0 : i32
          %dma_wait3A_197 = tpu.memref_slice %arg17[%dma_wait3A_195, %dma_wait3A_196] : memref<10240x128xf32, #tpu.memory_space<vmem_shared>> -> memref<10240x128xf32, #tpu.memory_space<vmem_shared>>
          tpu.wait_indirect_dma semaphore(%run_scoped3A_185 : memref<!tpu.dma_semaphore, #tpu.memory_space<semaphore_mem>>) src(%arg11 : memref<128x128xf32, #tpu.memory_space<vmem>>) dst(%dma_wait3A_197 : memref<10240x128xf32, #tpu.memory_space<vmem_shared>>)
          tpu.yield
        }) : () -> ()
        %ne3A_105 = arith.constant 0 : i32
        %ne3A_106 = arith.cmpi ne, %arg0, %ne3A_105 : i32
        %convert_element_type3A_107 = arith.extui %ne3A_106 : i1 to i32
        %cond3A_108 = arith.constant 0 : i32
        %cond3A_109 = arith.cmpi ne, %convert_element_type3A_107, %cond3A_108 : i32
        scf.if %cond3A_109 {
          %dma_start3A_185 = arith.constant 3 : i32
          %dma_start3A_186 = arith.constant 0 : i32
          %dma_start3A_187 = tpu.memref_slice %arg8[%dma_start3A_185, %dma_start3A_186] : memref<8x128xi32, #tpu.memory_space<vmem>> -> memref<1x128xi32, #tpu.memory_space<vmem>>
          %dma_start3A_188 = tpu.memref_squeeze %dma_start3A_187 : memref<1x128xi32, #tpu.memory_space<vmem>> -> memref<128xi32, #tpu.memory_space<vmem>>
          %dma_start3A_189 = arith.constant 0 : i32
          %dma_start3A_190 = arith.constant 0 : i32
          %dma_start3A_191 = tpu.memref_slice %arg2[%dma_start3A_189, %dma_start3A_190] : memref<10000x128xf32, #tpu.memory_space<hbm>> -> memref<10000x128xf32, #tpu.memory_space<hbm>>
          tpu.enqueue_indirect_dma source(%dma_start3A_191 : memref<10000x128xf32, #tpu.memory_space<hbm>>) target(%arg12 : memref<128x128xf32, #tpu.memory_space<vmem>>) offsets(%dma_start3A_188 : memref<128xi32, #tpu.memory_space<vmem>>) semaphore(%arg16 : memref<!tpu.dma_semaphore, #tpu.memory_space<semaphore_mem>>)
        } else {
        }
        %dma_wait3A_110 = arith.constant 0 : i32
        %dma_wait3A_111 = arith.constant 0 : i32
        %dma_wait3A_112 = tpu.memref_slice %arg2[%dma_wait3A_110, %dma_wait3A_111] : memref<10000x128xf32, #tpu.memory_space<hbm>> -> memref<128x128xf32, #tpu.memory_space<hbm>>
        %dma_wait3A_113 = arith.constant 0 : i32
        %dma_wait3A_114 = arith.constant 0 : i32
        %dma_wait3A_115 = tpu.memref_slice %arg2[%dma_wait3A_113, %dma_wait3A_114] : memref<10000x128xf32, #tpu.memory_space<hbm>> -> memref<128x128xf32, #tpu.memory_space<hbm>>
        tpu.wait_dma2 semaphore(%arg16 : memref<!tpu.dma_semaphore, #tpu.memory_space<semaphore_mem>>) src(%dma_wait3A_115 : memref<128x128xf32, #tpu.memory_space<hbm>>) dst(%arg12 : memref<128x128xf32, #tpu.memory_space<vmem>>)
        %eq3A_116 = arith.constant 0 : i32
        %eq3A_117 = arith.cmpi eq, %arg0, %eq3A_116 : i32
        %convert_element_type3A_118 = arith.extui %eq3A_117 : i1 to i32
        %cond3A_119 = arith.constant 0 : i32
        %cond3A_120 = arith.cmpi ne, %convert_element_type3A_118, %cond3A_119 : i32
        scf.if %cond3A_120 {
          %dma_start3A_185 = arith.constant 4 : i32
          %dma_start3A_186 = arith.constant 0 : i32
          %dma_start3A_187 = tpu.memref_slice %arg8[%dma_start3A_185, %dma_start3A_186] : memref<8x128xi32, #tpu.memory_space<vmem>> -> memref<1x128xi32, #tpu.memory_space<vmem>>
          %dma_start3A_188 = tpu.memref_squeeze %dma_start3A_187 : memref<1x128xi32, #tpu.memory_space<vmem>> -> memref<128xi32, #tpu.memory_space<vmem>>
          %dma_start3A_189 = arith.constant 0 : i32
          %dma_start3A_190 = arith.constant 0 : i32
          %dma_start3A_191 = tpu.memref_slice %arg2[%dma_start3A_189, %dma_start3A_190] : memref<10000x128xf32, #tpu.memory_space<hbm>> -> memref<10000x128xf32, #tpu.memory_space<hbm>>
          tpu.enqueue_indirect_dma source(%dma_start3A_191 : memref<10000x128xf32, #tpu.memory_space<hbm>>) target(%arg11 : memref<128x128xf32, #tpu.memory_space<vmem>>) offsets(%dma_start3A_188 : memref<128xi32, #tpu.memory_space<vmem>>) semaphore(%arg15 : memref<!tpu.dma_semaphore, #tpu.memory_space<semaphore_mem>>)
        } else {
        }
        %run_scoped3A_121 = arith.constant 3 : i32
        "tpu.region"() ({
          %run_scoped3A_185 = tpu.sem_alloc : memref<!tpu.dma_semaphore, #tpu.memory_space<semaphore_mem>>
          %dma_start3A_186 = arith.constant 0 : i32
          %dma_start3A_187 = tpu.memref_slice %arg10[%run_scoped3A_121, %dma_start3A_186] : memref<8x128xi32, #tpu.memory_space<vmem>> -> memref<1x128xi32, #tpu.memory_space<vmem>>
          %dma_start3A_188 = tpu.memref_squeeze %dma_start3A_187 : memref<1x128xi32, #tpu.memory_space<vmem>> -> memref<128xi32, #tpu.memory_space<vmem>>
          %dma_start3A_189 = arith.constant 0 : i32
          %dma_start3A_190 = arith.constant 0 : i32
          %dma_start3A_191 = tpu.memref_slice %arg17[%dma_start3A_189, %dma_start3A_190] : memref<10240x128xf32, #tpu.memory_space<vmem_shared>> -> memref<10240x128xf32, #tpu.memory_space<vmem_shared>>
          tpu.enqueue_indirect_dma source(%arg12 : memref<128x128xf32, #tpu.memory_space<vmem>>) target(%dma_start3A_191 : memref<10240x128xf32, #tpu.memory_space<vmem_shared>>) offsets(%dma_start3A_188 : memref<128xi32, #tpu.memory_space<vmem>>) semaphore(%run_scoped3A_185 : memref<!tpu.dma_semaphore, #tpu.memory_space<semaphore_mem>>) {add = true}
          %dma_wait3A_192 = arith.constant 0 : i32
          %dma_wait3A_193 = tpu.memref_slice %arg10[%run_scoped3A_121, %dma_wait3A_192] : memref<8x128xi32, #tpu.memory_space<vmem>> -> memref<1x128xi32, #tpu.memory_space<vmem>>
          %dma_wait3A_194 = tpu.memref_squeeze %dma_wait3A_193 : memref<1x128xi32, #tpu.memory_space<vmem>> -> memref<128xi32, #tpu.memory_space<vmem>>
          %dma_wait3A_195 = arith.constant 0 : i32
          %dma_wait3A_196 = arith.constant 0 : i32
          %dma_wait3A_197 = tpu.memref_slice %arg17[%dma_wait3A_195, %dma_wait3A_196] : memref<10240x128xf32, #tpu.memory_space<vmem_shared>> -> memref<10240x128xf32, #tpu.memory_space<vmem_shared>>
          tpu.wait_indirect_dma semaphore(%run_scoped3A_185 : memref<!tpu.dma_semaphore, #tpu.memory_space<semaphore_mem>>) src(%arg12 : memref<128x128xf32, #tpu.memory_space<vmem>>) dst(%dma_wait3A_197 : memref<10240x128xf32, #tpu.memory_space<vmem_shared>>)
          tpu.yield
        }) : () -> ()
        %ne3A_122 = arith.constant 0 : i32
        %ne3A_123 = arith.cmpi ne, %arg0, %ne3A_122 : i32
        %convert_element_type3A_124 = arith.extui %ne3A_123 : i1 to i32
        %cond3A_125 = arith.constant 0 : i32
        %cond3A_126 = arith.cmpi ne, %convert_element_type3A_124, %cond3A_125 : i32
        scf.if %cond3A_126 {
          %dma_start3A_185 = arith.constant 4 : i32
          %dma_start3A_186 = arith.constant 0 : i32
          %dma_start3A_187 = tpu.memref_slice %arg8[%dma_start3A_185, %dma_start3A_186] : memref<8x128xi32, #tpu.memory_space<vmem>> -> memref<1x128xi32, #tpu.memory_space<vmem>>
          %dma_start3A_188 = tpu.memref_squeeze %dma_start3A_187 : memref<1x128xi32, #tpu.memory_space<vmem>> -> memref<128xi32, #tpu.memory_space<vmem>>
          %dma_start3A_189 = arith.constant 0 : i32
          %dma_start3A_190 = arith.constant 0 : i32
          %dma_start3A_191 = tpu.memref_slice %arg2[%dma_start3A_189, %dma_start3A_190] : memref<10000x128xf32, #tpu.memory_space<hbm>> -> memref<10000x128xf32, #tpu.memory_space<hbm>>
          tpu.enqueue_indirect_dma source(%dma_start3A_191 : memref<10000x128xf32, #tpu.memory_space<hbm>>) target(%arg11 : memref<128x128xf32, #tpu.memory_space<vmem>>) offsets(%dma_start3A_188 : memref<128xi32, #tpu.memory_space<vmem>>) semaphore(%arg15 : memref<!tpu.dma_semaphore, #tpu.memory_space<semaphore_mem>>)
        } else {
        }
        %dma_wait3A_127 = arith.constant 0 : i32
        %dma_wait3A_128 = arith.constant 0 : i32
        %dma_wait3A_129 = tpu.memref_slice %arg2[%dma_wait3A_127, %dma_wait3A_128] : memref<10000x128xf32, #tpu.memory_space<hbm>> -> memref<128x128xf32, #tpu.memory_space<hbm>>
        %dma_wait3A_130 = arith.constant 0 : i32
        %dma_wait3A_131 = arith.constant 0 : i32
        %dma_wait3A_132 = tpu.memref_slice %arg2[%dma_wait3A_130, %dma_wait3A_131] : memref<10000x128xf32, #tpu.memory_space<hbm>> -> memref<128x128xf32, #tpu.memory_space<hbm>>
        tpu.wait_dma2 semaphore(%arg15 : memref<!tpu.dma_semaphore, #tpu.memory_space<semaphore_mem>>) src(%dma_wait3A_132 : memref<128x128xf32, #tpu.memory_space<hbm>>) dst(%arg11 : memref<128x128xf32, #tpu.memory_space<vmem>>)
        %eq3A_133 = arith.constant 0 : i32
        %eq3A_134 = arith.cmpi eq, %arg0, %eq3A_133 : i32
        %convert_element_type3A_135 = arith.extui %eq3A_134 : i1 to i32
        %cond3A_136 = arith.constant 0 : i32
        %cond3A_137 = arith.cmpi ne, %convert_element_type3A_135, %cond3A_136 : i32
        scf.if %cond3A_137 {
          %dma_start3A_185 = arith.constant 5 : i32
          %dma_start3A_186 = arith.constant 0 : i32
          %dma_start3A_187 = tpu.memref_slice %arg8[%dma_start3A_185, %dma_start3A_186] : memref<8x128xi32, #tpu.memory_space<vmem>> -> memref<1x128xi32, #tpu.memory_space<vmem>>
          %dma_start3A_188 = tpu.memref_squeeze %dma_start3A_187 : memref<1x128xi32, #tpu.memory_space<vmem>> -> memref<128xi32, #tpu.memory_space<vmem>>
          %dma_start3A_189 = arith.constant 0 : i32
          %dma_start3A_190 = arith.constant 0 : i32
          %dma_start3A_191 = tpu.memref_slice %arg2[%dma_start3A_189, %dma_start3A_190] : memref<10000x128xf32, #tpu.memory_space<hbm>> -> memref<10000x128xf32, #tpu.memory_space<hbm>>
          tpu.enqueue_indirect_dma source(%dma_start3A_191 : memref<10000x128xf32, #tpu.memory_space<hbm>>) target(%arg12 : memref<128x128xf32, #tpu.memory_space<vmem>>) offsets(%dma_start3A_188 : memref<128xi32, #tpu.memory_space<vmem>>) semaphore(%arg16 : memref<!tpu.dma_semaphore, #tpu.memory_space<semaphore_mem>>)
        } else {
        }
        %run_scoped3A_138 = arith.constant 4 : i32
        "tpu.region"() ({
          %run_scoped3A_185 = tpu.sem_alloc : memref<!tpu.dma_semaphore, #tpu.memory_space<semaphore_mem>>
          %dma_start3A_186 = arith.constant 0 : i32
          %dma_start3A_187 = tpu.memref_slice %arg10[%run_scoped3A_138, %dma_start3A_186] : memref<8x128xi32, #tpu.memory_space<vmem>> -> memref<1x128xi32, #tpu.memory_space<vmem>>
          %dma_start3A_188 = tpu.memref_squeeze %dma_start3A_187 : memref<1x128xi32, #tpu.memory_space<vmem>> -> memref<128xi32, #tpu.memory_space<vmem>>
          %dma_start3A_189 = arith.constant 0 : i32
          %dma_start3A_190 = arith.constant 0 : i32
          %dma_start3A_191 = tpu.memref_slice %arg17[%dma_start3A_189, %dma_start3A_190] : memref<10240x128xf32, #tpu.memory_space<vmem_shared>> -> memref<10240x128xf32, #tpu.memory_space<vmem_shared>>
          tpu.enqueue_indirect_dma source(%arg11 : memref<128x128xf32, #tpu.memory_space<vmem>>) target(%dma_start3A_191 : memref<10240x128xf32, #tpu.memory_space<vmem_shared>>) offsets(%dma_start3A_188 : memref<128xi32, #tpu.memory_space<vmem>>) semaphore(%run_scoped3A_185 : memref<!tpu.dma_semaphore, #tpu.memory_space<semaphore_mem>>) {add = true}
          %dma_wait3A_192 = arith.constant 0 : i32
          %dma_wait3A_193 = tpu.memref_slice %arg10[%run_scoped3A_138, %dma_wait3A_192] : memref<8x128xi32, #tpu.memory_space<vmem>> -> memref<1x128xi32, #tpu.memory_space<vmem>>
          %dma_wait3A_194 = tpu.memref_squeeze %dma_wait3A_193 : memref<1x128xi32, #tpu.memory_space<vmem>> -> memref<128xi32, #tpu.memory_space<vmem>>
          %dma_wait3A_195 = arith.constant 0 : i32
          %dma_wait3A_196 = arith.constant 0 : i32
          %dma_wait3A_197 = tpu.memref_slice %arg17[%dma_wait3A_195, %dma_wait3A_196] : memref<10240x128xf32, #tpu.memory_space<vmem_shared>> -> memref<10240x128xf32, #tpu.memory_space<vmem_shared>>
          tpu.wait_indirect_dma semaphore(%run_scoped3A_185 : memref<!tpu.dma_semaphore, #tpu.memory_space<semaphore_mem>>) src(%arg11 : memref<128x128xf32, #tpu.memory_space<vmem>>) dst(%dma_wait3A_197 : memref<10240x128xf32, #tpu.memory_space<vmem_shared>>)
          tpu.yield
        }) : () -> ()
        %ne3A_139 = arith.constant 0 : i32
        %ne3A_140 = arith.cmpi ne, %arg0, %ne3A_139 : i32
        %convert_element_type3A_141 = arith.extui %ne3A_140 : i1 to i32
        %cond3A_142 = arith.constant 0 : i32
        %cond3A_143 = arith.cmpi ne, %convert_element_type3A_141, %cond3A_142 : i32
        scf.if %cond3A_143 {
          %dma_start3A_185 = arith.constant 5 : i32
          %dma_start3A_186 = arith.constant 0 : i32
          %dma_start3A_187 = tpu.memref_slice %arg8[%dma_start3A_185, %dma_start3A_186] : memref<8x128xi32, #tpu.memory_space<vmem>> -> memref<1x128xi32, #tpu.memory_space<vmem>>
          %dma_start3A_188 = tpu.memref_squeeze %dma_start3A_187 : memref<1x128xi32, #tpu.memory_space<vmem>> -> memref<128xi32, #tpu.memory_space<vmem>>
          %dma_start3A_189 = arith.constant 0 : i32
          %dma_start3A_190 = arith.constant 0 : i32
          %dma_start3A_191 = tpu.memref_slice %arg2[%dma_start3A_189, %dma_start3A_190] : memref<10000x128xf32, #tpu.memory_space<hbm>> -> memref<10000x128xf32, #tpu.memory_space<hbm>>
          tpu.enqueue_indirect_dma source(%dma_start3A_191 : memref<10000x128xf32, #tpu.memory_space<hbm>>) target(%arg12 : memref<128x128xf32, #tpu.memory_space<vmem>>) offsets(%dma_start3A_188 : memref<128xi32, #tpu.memory_space<vmem>>) semaphore(%arg16 : memref<!tpu.dma_semaphore, #tpu.memory_space<semaphore_mem>>)
        } else {
        }
        %dma_wait3A_144 = arith.constant 0 : i32
        %dma_wait3A_145 = arith.constant 0 : i32
        %dma_wait3A_146 = tpu.memref_slice %arg2[%dma_wait3A_144, %dma_wait3A_145] : memref<10000x128xf32, #tpu.memory_space<hbm>> -> memref<128x128xf32, #tpu.memory_space<hbm>>
        %dma_wait3A_147 = arith.constant 0 : i32
        %dma_wait3A_148 = arith.constant 0 : i32
        %dma_wait3A_149 = tpu.memref_slice %arg2[%dma_wait3A_147, %dma_wait3A_148] : memref<10000x128xf32, #tpu.memory_space<hbm>> -> memref<128x128xf32, #tpu.memory_space<hbm>>
        tpu.wait_dma2 semaphore(%arg16 : memref<!tpu.dma_semaphore, #tpu.memory_space<semaphore_mem>>) src(%dma_wait3A_149 : memref<128x128xf32, #tpu.memory_space<hbm>>) dst(%arg12 : memref<128x128xf32, #tpu.memory_space<vmem>>)
        %eq3A_150 = arith.constant 0 : i32
        %eq3A_151 = arith.cmpi eq, %arg0, %eq3A_150 : i32
        %convert_element_type3A_152 = arith.extui %eq3A_151 : i1 to i32
        %cond3A_153 = arith.constant 0 : i32
        %cond3A_154 = arith.cmpi ne, %convert_element_type3A_152, %cond3A_153 : i32
        scf.if %cond3A_154 {
          %dma_start3A_185 = arith.constant 6 : i32
          %dma_start3A_186 = arith.constant 0 : i32
          %dma_start3A_187 = tpu.memref_slice %arg8[%dma_start3A_185, %dma_start3A_186] : memref<8x128xi32, #tpu.memory_space<vmem>> -> memref<1x128xi32, #tpu.memory_space<vmem>>
          %dma_start3A_188 = tpu.memref_squeeze %dma_start3A_187 : memref<1x128xi32, #tpu.memory_space<vmem>> -> memref<128xi32, #tpu.memory_space<vmem>>
          %dma_start3A_189 = arith.constant 0 : i32
          %dma_start3A_190 = arith.constant 0 : i32
          %dma_start3A_191 = tpu.memref_slice %arg2[%dma_start3A_189, %dma_start3A_190] : memref<10000x128xf32, #tpu.memory_space<hbm>> -> memref<10000x128xf32, #tpu.memory_space<hbm>>
          tpu.enqueue_indirect_dma source(%dma_start3A_191 : memref<10000x128xf32, #tpu.memory_space<hbm>>) target(%arg11 : memref<128x128xf32, #tpu.memory_space<vmem>>) offsets(%dma_start3A_188 : memref<128xi32, #tpu.memory_space<vmem>>) semaphore(%arg15 : memref<!tpu.dma_semaphore, #tpu.memory_space<semaphore_mem>>)
        } else {
        }
        %run_scoped3A_155 = arith.constant 5 : i32
        "tpu.region"() ({
          %run_scoped3A_185 = tpu.sem_alloc : memref<!tpu.dma_semaphore, #tpu.memory_space<semaphore_mem>>
          %dma_start3A_186 = arith.constant 0 : i32
          %dma_start3A_187 = tpu.memref_slice %arg10[%run_scoped3A_155, %dma_start3A_186] : memref<8x128xi32, #tpu.memory_space<vmem>> -> memref<1x128xi32, #tpu.memory_space<vmem>>
          %dma_start3A_188 = tpu.memref_squeeze %dma_start3A_187 : memref<1x128xi32, #tpu.memory_space<vmem>> -> memref<128xi32, #tpu.memory_space<vmem>>
          %dma_start3A_189 = arith.constant 0 : i32
          %dma_start3A_190 = arith.constant 0 : i32
          %dma_start3A_191 = tpu.memref_slice %arg17[%dma_start3A_189, %dma_start3A_190] : memref<10240x128xf32, #tpu.memory_space<vmem_shared>> -> memref<10240x128xf32, #tpu.memory_space<vmem_shared>>
          tpu.enqueue_indirect_dma source(%arg12 : memref<128x128xf32, #tpu.memory_space<vmem>>) target(%dma_start3A_191 : memref<10240x128xf32, #tpu.memory_space<vmem_shared>>) offsets(%dma_start3A_188 : memref<128xi32, #tpu.memory_space<vmem>>) semaphore(%run_scoped3A_185 : memref<!tpu.dma_semaphore, #tpu.memory_space<semaphore_mem>>) {add = true}
          %dma_wait3A_192 = arith.constant 0 : i32
          %dma_wait3A_193 = tpu.memref_slice %arg10[%run_scoped3A_155, %dma_wait3A_192] : memref<8x128xi32, #tpu.memory_space<vmem>> -> memref<1x128xi32, #tpu.memory_space<vmem>>
          %dma_wait3A_194 = tpu.memref_squeeze %dma_wait3A_193 : memref<1x128xi32, #tpu.memory_space<vmem>> -> memref<128xi32, #tpu.memory_space<vmem>>
          %dma_wait3A_195 = arith.constant 0 : i32
          %dma_wait3A_196 = arith.constant 0 : i32
          %dma_wait3A_197 = tpu.memref_slice %arg17[%dma_wait3A_195, %dma_wait3A_196] : memref<10240x128xf32, #tpu.memory_space<vmem_shared>> -> memref<10240x128xf32, #tpu.memory_space<vmem_shared>>
          tpu.wait_indirect_dma semaphore(%run_scoped3A_185 : memref<!tpu.dma_semaphore, #tpu.memory_space<semaphore_mem>>) src(%arg12 : memref<128x128xf32, #tpu.memory_space<vmem>>) dst(%dma_wait3A_197 : memref<10240x128xf32, #tpu.memory_space<vmem_shared>>)
          tpu.yield
        }) : () -> ()
        %ne3A_156 = arith.constant 0 : i32
        %ne3A_157 = arith.cmpi ne, %arg0, %ne3A_156 : i32
        %convert_element_type3A_158 = arith.extui %ne3A_157 : i1 to i32
        %cond3A_159 = arith.constant 0 : i32
        %cond3A_160 = arith.cmpi ne, %convert_element_type3A_158, %cond3A_159 : i32
        scf.if %cond3A_160 {
          %dma_start3A_185 = arith.constant 6 : i32
          %dma_start3A_186 = arith.constant 0 : i32
          %dma_start3A_187 = tpu.memref_slice %arg8[%dma_start3A_185, %dma_start3A_186] : memref<8x128xi32, #tpu.memory_space<vmem>> -> memref<1x128xi32, #tpu.memory_space<vmem>>
          %dma_start3A_188 = tpu.memref_squeeze %dma_start3A_187 : memref<1x128xi32, #tpu.memory_space<vmem>> -> memref<128xi32, #tpu.memory_space<vmem>>
          %dma_start3A_189 = arith.constant 0 : i32
          %dma_start3A_190 = arith.constant 0 : i32
          %dma_start3A_191 = tpu.memref_slice %arg2[%dma_start3A_189, %dma_start3A_190] : memref<10000x128xf32, #tpu.memory_space<hbm>> -> memref<10000x128xf32, #tpu.memory_space<hbm>>
          tpu.enqueue_indirect_dma source(%dma_start3A_191 : memref<10000x128xf32, #tpu.memory_space<hbm>>) target(%arg11 : memref<128x128xf32, #tpu.memory_space<vmem>>) offsets(%dma_start3A_188 : memref<128xi32, #tpu.memory_space<vmem>>) semaphore(%arg15 : memref<!tpu.dma_semaphore, #tpu.memory_space<semaphore_mem>>)
        } else {
        }
        %dma_wait3A_161 = arith.constant 0 : i32
        %dma_wait3A_162 = arith.constant 0 : i32
        %dma_wait3A_163 = tpu.memref_slice %arg2[%dma_wait3A_161, %dma_wait3A_162] : memref<10000x128xf32, #tpu.memory_space<hbm>> -> memref<128x128xf32, #tpu.memory_space<hbm>>
        %dma_wait3A_164 = arith.constant 0 : i32
        %dma_wait3A_165 = arith.constant 0 : i32
        %dma_wait3A_166 = tpu.memref_slice %arg2[%dma_wait3A_164, %dma_wait3A_165] : memref<10000x128xf32, #tpu.memory_space<hbm>> -> memref<128x128xf32, #tpu.memory_space<hbm>>
        tpu.wait_dma2 semaphore(%arg15 : memref<!tpu.dma_semaphore, #tpu.memory_space<semaphore_mem>>) src(%dma_wait3A_166 : memref<128x128xf32, #tpu.memory_space<hbm>>) dst(%arg11 : memref<128x128xf32, #tpu.memory_space<vmem>>)
        %eq3A_167 = arith.constant 0 : i32
        %eq3A_168 = arith.cmpi eq, %arg0, %eq3A_167 : i32
        %convert_element_type3A_169 = arith.extui %eq3A_168 : i1 to i32
        %cond3A_170 = arith.constant 0 : i32
        %cond3A_171 = arith.cmpi ne, %convert_element_type3A_169, %cond3A_170 : i32
        scf.if %cond3A_171 {
          %dma_start3A_185 = arith.constant 7 : i32
          %dma_start3A_186 = arith.constant 0 : i32
          %dma_start3A_187 = tpu.memref_slice %arg8[%dma_start3A_185, %dma_start3A_186] : memref<8x128xi32, #tpu.memory_space<vmem>> -> memref<1x128xi32, #tpu.memory_space<vmem>>
          %dma_start3A_188 = tpu.memref_squeeze %dma_start3A_187 : memref<1x128xi32, #tpu.memory_space<vmem>> -> memref<128xi32, #tpu.memory_space<vmem>>
          %dma_start3A_189 = arith.constant 0 : i32
          %dma_start3A_190 = arith.constant 0 : i32
          %dma_start3A_191 = tpu.memref_slice %arg2[%dma_start3A_189, %dma_start3A_190] : memref<10000x128xf32, #tpu.memory_space<hbm>> -> memref<10000x128xf32, #tpu.memory_space<hbm>>
          tpu.enqueue_indirect_dma source(%dma_start3A_191 : memref<10000x128xf32, #tpu.memory_space<hbm>>) target(%arg12 : memref<128x128xf32, #tpu.memory_space<vmem>>) offsets(%dma_start3A_188 : memref<128xi32, #tpu.memory_space<vmem>>) semaphore(%arg16 : memref<!tpu.dma_semaphore, #tpu.memory_space<semaphore_mem>>)
        } else {
        }
        %run_scoped3A_172 = arith.constant 6 : i32
        "tpu.region"() ({
          %run_scoped3A_185 = tpu.sem_alloc : memref<!tpu.dma_semaphore, #tpu.memory_space<semaphore_mem>>
          %dma_start3A_186 = arith.constant 0 : i32
          %dma_start3A_187 = tpu.memref_slice %arg10[%run_scoped3A_172, %dma_start3A_186] : memref<8x128xi32, #tpu.memory_space<vmem>> -> memref<1x128xi32, #tpu.memory_space<vmem>>
          %dma_start3A_188 = tpu.memref_squeeze %dma_start3A_187 : memref<1x128xi32, #tpu.memory_space<vmem>> -> memref<128xi32, #tpu.memory_space<vmem>>
          %dma_start3A_189 = arith.constant 0 : i32
          %dma_start3A_190 = arith.constant 0 : i32
          %dma_start3A_191 = tpu.memref_slice %arg17[%dma_start3A_189, %dma_start3A_190] : memref<10240x128xf32, #tpu.memory_space<vmem_shared>> -> memref<10240x128xf32, #tpu.memory_space<vmem_shared>>
          tpu.enqueue_indirect_dma source(%arg11 : memref<128x128xf32, #tpu.memory_space<vmem>>) target(%dma_start3A_191 : memref<10240x128xf32, #tpu.memory_space<vmem_shared>>) offsets(%dma_start3A_188 : memref<128xi32, #tpu.memory_space<vmem>>) semaphore(%run_scoped3A_185 : memref<!tpu.dma_semaphore, #tpu.memory_space<semaphore_mem>>) {add = true}
          %dma_wait3A_192 = arith.constant 0 : i32
          %dma_wait3A_193 = tpu.memref_slice %arg10[%run_scoped3A_172, %dma_wait3A_192] : memref<8x128xi32, #tpu.memory_space<vmem>> -> memref<1x128xi32, #tpu.memory_space<vmem>>
          %dma_wait3A_194 = tpu.memref_squeeze %dma_wait3A_193 : memref<1x128xi32, #tpu.memory_space<vmem>> -> memref<128xi32, #tpu.memory_space<vmem>>
          %dma_wait3A_195 = arith.constant 0 : i32
          %dma_wait3A_196 = arith.constant 0 : i32
          %dma_wait3A_197 = tpu.memref_slice %arg17[%dma_wait3A_195, %dma_wait3A_196] : memref<10240x128xf32, #tpu.memory_space<vmem_shared>> -> memref<10240x128xf32, #tpu.memory_space<vmem_shared>>
          tpu.wait_indirect_dma semaphore(%run_scoped3A_185 : memref<!tpu.dma_semaphore, #tpu.memory_space<semaphore_mem>>) src(%arg11 : memref<128x128xf32, #tpu.memory_space<vmem>>) dst(%dma_wait3A_197 : memref<10240x128xf32, #tpu.memory_space<vmem_shared>>)
          tpu.yield
        }) : () -> ()
        %ne3A_173 = arith.constant 0 : i32
        %ne3A_174 = arith.cmpi ne, %arg0, %ne3A_173 : i32
        %convert_element_type3A_175 = arith.extui %ne3A_174 : i1 to i32
        %cond3A_176 = arith.constant 0 : i32
        %cond3A_177 = arith.cmpi ne, %convert_element_type3A_175, %cond3A_176 : i32
        scf.if %cond3A_177 {
          %dma_start3A_185 = arith.constant 7 : i32
          %dma_start3A_186 = arith.constant 0 : i32
          %dma_start3A_187 = tpu.memref_slice %arg8[%dma_start3A_185, %dma_start3A_186] : memref<8x128xi32, #tpu.memory_space<vmem>> -> memref<1x128xi32, #tpu.memory_space<vmem>>
          %dma_start3A_188 = tpu.memref_squeeze %dma_start3A_187 : memref<1x128xi32, #tpu.memory_space<vmem>> -> memref<128xi32, #tpu.memory_space<vmem>>
          %dma_start3A_189 = arith.constant 0 : i32
          %dma_start3A_190 = arith.constant 0 : i32
          %dma_start3A_191 = tpu.memref_slice %arg2[%dma_start3A_189, %dma_start3A_190] : memref<10000x128xf32, #tpu.memory_space<hbm>> -> memref<10000x128xf32, #tpu.memory_space<hbm>>
          tpu.enqueue_indirect_dma source(%dma_start3A_191 : memref<10000x128xf32, #tpu.memory_space<hbm>>) target(%arg12 : memref<128x128xf32, #tpu.memory_space<vmem>>) offsets(%dma_start3A_188 : memref<128xi32, #tpu.memory_space<vmem>>) semaphore(%arg16 : memref<!tpu.dma_semaphore, #tpu.memory_space<semaphore_mem>>)
        } else {
        }
        %dma_wait3A_178 = arith.constant 0 : i32
        %dma_wait3A_179 = arith.constant 0 : i32
        %dma_wait3A_180 = tpu.memref_slice %arg2[%dma_wait3A_178, %dma_wait3A_179] : memref<10000x128xf32, #tpu.memory_space<hbm>> -> memref<128x128xf32, #tpu.memory_space<hbm>>
        %dma_wait3A_181 = arith.constant 0 : i32
        %dma_wait3A_182 = arith.constant 0 : i32
        %dma_wait3A_183 = tpu.memref_slice %arg2[%dma_wait3A_181, %dma_wait3A_182] : memref<10000x128xf32, #tpu.memory_space<hbm>> -> memref<128x128xf32, #tpu.memory_space<hbm>>
        tpu.wait_dma2 semaphore(%arg16 : memref<!tpu.dma_semaphore, #tpu.memory_space<semaphore_mem>>) src(%dma_wait3A_183 : memref<128x128xf32, #tpu.memory_space<hbm>>) dst(%arg12 : memref<128x128xf32, #tpu.memory_space<vmem>>)
        %run_scoped3A_184 = arith.constant 7 : i32
        "tpu.region"() ({
          %run_scoped3A_185 = tpu.sem_alloc : memref<!tpu.dma_semaphore, #tpu.memory_space<semaphore_mem>>
          %dma_start3A_186 = arith.constant 0 : i32
          %dma_start3A_187 = tpu.memref_slice %arg10[%run_scoped3A_184, %dma_start3A_186] : memref<8x128xi32, #tpu.memory_space<vmem>> -> memref<1x128xi32, #tpu.memory_space<vmem>>
          %dma_start3A_188 = tpu.memref_squeeze %dma_start3A_187 : memref<1x128xi32, #tpu.memory_space<vmem>> -> memref<128xi32, #tpu.memory_space<vmem>>
          %dma_start3A_189 = arith.constant 0 : i32
          %dma_start3A_190 = arith.constant 0 : i32
          %dma_start3A_191 = tpu.memref_slice %arg17[%dma_start3A_189, %dma_start3A_190] : memref<10240x128xf32, #tpu.memory_space<vmem_shared>> -> memref<10240x128xf32, #tpu.memory_space<vmem_shared>>
          tpu.enqueue_indirect_dma source(%arg12 : memref<128x128xf32, #tpu.memory_space<vmem>>) target(%dma_start3A_191 : memref<10240x128xf32, #tpu.memory_space<vmem_shared>>) offsets(%dma_start3A_188 : memref<128xi32, #tpu.memory_space<vmem>>) semaphore(%run_scoped3A_185 : memref<!tpu.dma_semaphore, #tpu.memory_space<semaphore_mem>>) {add = true}
          %dma_wait3A_192 = arith.constant 0 : i32
          %dma_wait3A_193 = tpu.memref_slice %arg10[%run_scoped3A_184, %dma_wait3A_192] : memref<8x128xi32, #tpu.memory_space<vmem>> -> memref<1x128xi32, #tpu.memory_space<vmem>>
          %dma_wait3A_194 = tpu.memref_squeeze %dma_wait3A_193 : memref<1x128xi32, #tpu.memory_space<vmem>> -> memref<128xi32, #tpu.memory_space<vmem>>
          %dma_wait3A_195 = arith.constant 0 : i32
          %dma_wait3A_196 = arith.constant 0 : i32
          %dma_wait3A_197 = tpu.memref_slice %arg17[%dma_wait3A_195, %dma_wait3A_196] : memref<10240x128xf32, #tpu.memory_space<vmem_shared>> -> memref<10240x128xf32, #tpu.memory_space<vmem_shared>>
          tpu.wait_indirect_dma semaphore(%run_scoped3A_185 : memref<!tpu.dma_semaphore, #tpu.memory_space<semaphore_mem>>) src(%arg12 : memref<128x128xf32, #tpu.memory_space<vmem>>) dst(%dma_wait3A_197 : memref<10240x128xf32, #tpu.memory_space<vmem_shared>>)
          tpu.yield
        }) : () -> ()
      } else {
      }
    }
    %scan3A_18 = arith.constant 17 : i32
    %barrier3A_19 = arith.constant 0 : index
    tpu.barrier barrier_id(%barrier3A_19)
    %mul3A_20 = arith.constant 640 : i32
    %mul3A_21 = arith.muli %arg1, %mul3A_20 : i32
    %mul3A_22 = arith.constant 640 : i32
    %mul3A_23 = arith.muli %arg1, %mul3A_22 : i32
    "tpu.region"() ({
      %run_scoped3A = tpu.sem_alloc : memref<!tpu.dma_semaphore, #tpu.memory_space<semaphore_mem>>
      %dma_start3A = arith.constant 0 : i32
      %dma_start3A_24 = tpu.memref_slice %arg6[%arg0, %mul3A_23, %dma_start3A] : memref<2x10240x128xf32, #tpu.memory_space<hbm>> -> memref<1x640x128xf32, #tpu.memory_space<hbm>>
      %dma_start3A_25 = tpu.memref_squeeze %dma_start3A_24 : memref<1x640x128xf32, #tpu.memory_space<hbm>> -> memref<640x128xf32, #tpu.memory_space<hbm>>
      %dma_start3A_26 = arith.constant 0 : i32
      %dma_start3A_27 = tpu.memref_slice %arg17[%mul3A_21, %dma_start3A_26] : memref<10240x128xf32, #tpu.memory_space<vmem_shared>> -> memref<640x128xf32, #tpu.memory_space<vmem_shared>>
      tpu.enqueue_dma source(%dma_start3A_27 : memref<640x128xf32, #tpu.memory_space<vmem_shared>>) target(%dma_start3A_25 : memref<640x128xf32, #tpu.memory_space<hbm>>) target_semaphore(%run_scoped3A : memref<!tpu.dma_semaphore, #tpu.memory_space<semaphore_mem>>)
      %dma_wait3A = arith.constant 0 : i32
      %dma_wait3A_28 = tpu.memref_slice %arg6[%arg0, %mul3A_23, %dma_wait3A] : memref<2x10240x128xf32, #tpu.memory_space<hbm>> -> memref<1x640x128xf32, #tpu.memory_space<hbm>>
      %dma_wait3A_29 = tpu.memref_squeeze %dma_wait3A_28 : memref<1x640x128xf32, #tpu.memory_space<hbm>> -> memref<640x128xf32, #tpu.memory_space<hbm>>
      %dma_wait3A_30 = arith.constant 0 : i32
      %dma_wait3A_31 = tpu.memref_slice %arg17[%mul3A_21, %dma_wait3A_30] : memref<10240x128xf32, #tpu.memory_space<vmem_shared>> -> memref<640x128xf32, #tpu.memory_space<vmem_shared>>
      tpu.wait_dma2 semaphore(%run_scoped3A : memref<!tpu.dma_semaphore, #tpu.memory_space<semaphore_mem>>) src(%dma_wait3A_31 : memref<640x128xf32, #tpu.memory_space<vmem_shared>>) dst(%dma_wait3A_29 : memref<640x128xf32, #tpu.memory_space<hbm>>)
      tpu.yield
    }) : () -> ()
    return
  }
}

#map = affine_map<(d0, d1) -> (0, 0)>
#map1 = affine_map<(d0, d1) -> (0, 0, 0)>
module attributes {stable_mosaic.version = 14 : i64} {
  func.func @_agg_body(%arg0: i32, %arg1: i32, %arg2: memref<10000x128xf32, #tpu.memory_space<hbm>>, %arg3: memref<2560x128xi32, #tpu.memory_space<hbm>>, %arg4: memref<2560x128xi32, #tpu.memory_space<hbm>>, %arg5: memref<640x128xf32, #tpu.memory_space<hbm>>, %arg6: memref<2x10240x128xf32, #tpu.memory_space<hbm>>, %arg7: memref<8x128xi32, #tpu.memory_space<vmem>>, %arg8: memref<8x128xi32, #tpu.memory_space<vmem>>, %arg9: memref<8x128xi32, #tpu.memory_space<vmem>>, %arg10: memref<8x128xi32, #tpu.memory_space<vmem>>, %arg11: memref<128x128xf32, #tpu.memory_space<vmem>>, %arg12: memref<128x128xf32, #tpu.memory_space<vmem>>, %arg13: memref<!tpu.dma_semaphore, #tpu.memory_space<semaphore_mem>>, %arg14: memref<!tpu.dma_semaphore, #tpu.memory_space<semaphore_mem>>, %arg15: memref<!tpu.dma_semaphore, #tpu.memory_space<semaphore_mem>>, %arg16: memref<!tpu.dma_semaphore, #tpu.memory_space<semaphore_mem>>, %arg17: memref<10240x128xf32, #tpu.memory_space<vmem_shared>>) attributes {dimension_semantics = [#tpu.dimension_semantics<core_parallel>, #tpu.dimension_semantics<subcore_parallel>], iteration_bounds = array<i64: 2, 16>, scalar_prefetch = 0 : i64, scratch_operands = 11 : i64, tpu.core_type = #tpu.core_type<sc_vector_subcore>, window_params = [{transform_indices = #map}, {transform_indices = #map}, {transform_indices = #map}, {transform_indices = #map}, {transform_indices = #map1}]} {
    %eq3A = arith.constant 0 : i32
    %eq3A_0 = arith.cmpi eq, %arg0, %eq3A : i32
    %mul3A = arith.constant 136 : i32
    %mul3A_1 = arith.muli %arg1, %mul3A : i32
    %mul3A_2 = arith.constant 24 : i32
    %mul3A_3 = arith.muli %arg1, %mul3A_2 : i32
    %add3A = arith.constant 2176 : i32
    %add3A_4 = arith.addi %add3A, %mul3A_3 : i32
    %select_n3A = arith.select %eq3A_0, %mul3A_1, %add3A_4 : i32
    %eq3A_5 = arith.constant 0 : i32
    %eq3A_6 = arith.cmpi eq, %arg0, %eq3A_5 : i32
    %select_n3A_7 = arith.constant 3 : i32
    %select_n3A_8 = arith.constant 17 : i32
    %select_n3A_9 = arith.select %eq3A_6, %select_n3A_8, %select_n3A_7 : i32
    %mul3A_10 = arith.constant 640 : i32
    %mul3A_11 = arith.muli %arg1, %mul3A_10 : i32
    "tpu.region"() ({
      %run_scoped3A = tpu.sem_alloc : memref<!tpu.dma_semaphore, #tpu.memory_space<semaphore_mem>>
      %dma_start3A = arith.constant 0 : i32
      %dma_start3A_24 = tpu.memref_slice %arg17[%mul3A_11, %dma_start3A] : memref<10240x128xf32, #tpu.memory_space<vmem_shared>> -> memref<640x128xf32, #tpu.memory_space<vmem_shared>>
      tpu.enqueue_dma source(%arg5 : memref<640x128xf32, #tpu.memory_space<hbm>>) target(%dma_start3A_24 : memref<640x128xf32, #tpu.memory_space<vmem_shared>>) target_semaphore(%run_scoped3A : memref<!tpu.dma_semaphore, #tpu.memory_space<semaphore_mem>>)
      %dma_wait3A = arith.constant 0 : i32
      %dma_wait3A_25 = tpu.memref_slice %arg17[%mul3A_11, %dma_wait3A] : memref<10240x128xf32, #tpu.memory_space<vmem_shared>> -> memref<640x128xf32, #tpu.memory_space<vmem_shared>>
      tpu.wait_dma2 semaphore(%run_scoped3A : memref<!tpu.dma_semaphore, #tpu.memory_space<semaphore_mem>>) src(%arg5 : memref<640x128xf32, #tpu.memory_space<hbm>>) dst(%dma_wait3A_25 : memref<640x128xf32, #tpu.memory_space<vmem_shared>>)
      tpu.yield
    }) : () -> ()
    %barrier3A = arith.constant 0 : index
    tpu.barrier barrier_id(%barrier3A)
    %gt3A = arith.constant 0 : i32
    %gt3A_12 = arith.cmpi sgt, %select_n3A_9, %gt3A : i32
    %convert_element_type3A = arith.extui %gt3A_12 : i1 to i32
    %cond3A = arith.constant 0 : i32
    %cond3A_13 = arith.cmpi ne, %convert_element_type3A, %cond3A : i32
    scf.if %cond3A_13 {
      %add3A_24 = arith.constant 0 : i32
      %add3A_25 = arith.addi %select_n3A, %add3A_24 : i32
      %dma_start3A = arith.constant 0 : i32
      %dma_start3A_26 = tpu.memref_slice %arg3[%add3A_25, %dma_start3A] : memref<2560x128xi32, #tpu.memory_space<hbm>> -> memref<8x128xi32, #tpu.memory_space<hbm>>
      %dma_start3A_27 = arith.constant 0 : i32
      %dma_start3A_28 = tpu.memref_slice %arg3[%add3A_25, %dma_start3A_27] : memref<2560x128xi32, #tpu.memory_space<hbm>> -> memref<8x128xi32, #tpu.memory_space<hbm>>
      tpu.enqueue_dma source(%dma_start3A_28 : memref<8x128xi32, #tpu.memory_space<hbm>>) target(%arg7 : memref<8x128xi32, #tpu.memory_space<vmem>>) target_semaphore(%arg13 : memref<!tpu.dma_semaphore, #tpu.memory_space<semaphore_mem>>)
      %add3A_29 = arith.constant 0 : i32
      %add3A_30 = arith.addi %select_n3A, %add3A_29 : i32
      %dma_start3A_31 = arith.constant 0 : i32
      %dma_start3A_32 = tpu.memref_slice %arg4[%add3A_30, %dma_start3A_31] : memref<2560x128xi32, #tpu.memory_space<hbm>> -> memref<8x128xi32, #tpu.memory_space<hbm>>
      %dma_start3A_33 = arith.constant 0 : i32
      %dma_start3A_34 = tpu.memref_slice %arg4[%add3A_30, %dma_start3A_33] : memref<2560x128xi32, #tpu.memory_space<hbm>> -> memref<8x128xi32, #tpu.memory_space<hbm>>
      tpu.enqueue_dma source(%dma_start3A_34 : memref<8x128xi32, #tpu.memory_space<hbm>>) target(%arg9 : memref<8x128xi32, #tpu.memory_space<vmem>>) target_semaphore(%arg13 : memref<!tpu.dma_semaphore, #tpu.memory_space<semaphore_mem>>)
    } else {
    }
    %scan3A = arith.constant 0 : i32
    %scan3A_14 = arith.constant 0 : i32
    %scan3A_15 = arith.constant 17 : i32
    %scan3A_16 = arith.addi %scan3A_14, %scan3A_15 : i32
    %scan3A_17 = arith.constant 1 : i32
    scf.for %scan3A_24 = %scan3A_14 to %scan3A_16 step %scan3A_17  : i32 {
      %rem3A = arith.constant 2 : i32
      %rem3A_25 = arith.remsi %scan3A_24, %rem3A : i32
      %eq3A_26 = arith.constant 0 : i32
      %eq3A_27 = arith.cmpi eq, %rem3A_25, %eq3A_26 : i32
      %lt3A = arith.cmpi slt, %scan3A_24, %select_n3A_9 : i32
      %and3A = arith.andi %eq3A_27, %lt3A : i1
      %convert_element_type3A_28 = arith.extui %and3A : i1 to i32
      %cond3A_29 = arith.constant 0 : i32
      %cond3A_30 = arith.cmpi ne, %convert_element_type3A_28, %cond3A_29 : i32
      scf.if %cond3A_30 {
        %dma_wait3A = arith.constant 0 : i32
        %dma_wait3A_38 = arith.constant 0 : i32
        %dma_wait3A_39 = tpu.memref_slice %arg3[%dma_wait3A, %dma_wait3A_38] : memref<2560x128xi32, #tpu.memory_space<hbm>> -> memref<8x128xi32, #tpu.memory_space<hbm>>
        %dma_wait3A_40 = arith.constant 0 : i32
        %dma_wait3A_41 = arith.constant 0 : i32
        %dma_wait3A_42 = tpu.memref_slice %arg3[%dma_wait3A_40, %dma_wait3A_41] : memref<2560x128xi32, #tpu.memory_space<hbm>> -> memref<8x128xi32, #tpu.memory_space<hbm>>
        tpu.wait_dma2 semaphore(%arg13 : memref<!tpu.dma_semaphore, #tpu.memory_space<semaphore_mem>>) src(%dma_wait3A_42 : memref<8x128xi32, #tpu.memory_space<hbm>>) dst(%arg7 : memref<8x128xi32, #tpu.memory_space<vmem>>)
        %dma_wait3A_43 = arith.constant 0 : i32
        %dma_wait3A_44 = arith.constant 0 : i32
        %dma_wait3A_45 = tpu.memref_slice %arg3[%dma_wait3A_43, %dma_wait3A_44] : memref<2560x128xi32, #tpu.memory_space<hbm>> -> memref<8x128xi32, #tpu.memory_space<hbm>>
        %dma_wait3A_46 = arith.constant 0 : i32
        %dma_wait3A_47 = arith.constant 0 : i32
        %dma_wait3A_48 = tpu.memref_slice %arg3[%dma_wait3A_46, %dma_wait3A_47] : memref<2560x128xi32, #tpu.memory_space<hbm>> -> memref<8x128xi32, #tpu.memory_space<hbm>>
        tpu.wait_dma2 semaphore(%arg13 : memref<!tpu.dma_semaphore, #tpu.memory_space<semaphore_mem>>) src(%dma_wait3A_48 : memref<8x128xi32, #tpu.memory_space<hbm>>) dst(%arg9 : memref<8x128xi32, #tpu.memory_space<vmem>>)
        %add3A_49 = arith.constant 1 : i32
        %add3A_50 = arith.addi %scan3A_24, %add3A_49 : i32
        %lt3A_51 = arith.cmpi slt, %add3A_50, %select_n3A_9 : i32
        %convert_element_type3A_52 = arith.extui %lt3A_51 : i1 to i32
        %cond3A_53 = arith.constant 0 : i32
        %cond3A_54 = arith.cmpi ne, %convert_element_type3A_52, %cond3A_53 : i32
        scf.if %cond3A_54 {
          %add3A_185 = arith.constant 1 : i32
          %add3A_186 = arith.addi %scan3A_24, %add3A_185 : i32
          %mul3A_187 = arith.constant 8 : i32
          %mul3A_188 = arith.muli %add3A_186, %mul3A_187 : i32
          %add3A_189 = arith.addi %select_n3A, %mul3A_188 : i32
          %dma_start3A_190 = arith.constant 0 : i32
          %dma_start3A_191 = tpu.memref_slice %arg3[%add3A_189, %dma_start3A_190] : memref<2560x128xi32, #tpu.memory_space<hbm>> -> memref<8x128xi32, #tpu.memory_space<hbm>>
          %dma_start3A_192 = arith.constant 0 : i32
          %dma_start3A_193 = tpu.memref_slice %arg3[%add3A_189, %dma_start3A_192] : memref<2560x128xi32, #tpu.memory_space<hbm>> -> memref<8x128xi32, #tpu.memory_space<hbm>>
          tpu.enqueue_dma source(%dma_start3A_193 : memref<8x128xi32, #tpu.memory_space<hbm>>) target(%arg8 : memref<8x128xi32, #tpu.memory_space<vmem>>) target_semaphore(%arg14 : memref<!tpu.dma_semaphore, #tpu.memory_space<semaphore_mem>>)
          %mul3A_194 = arith.constant 8 : i32
          %mul3A_195 = arith.muli %add3A_186, %mul3A_194 : i32
          %add3A_196 = arith.addi %select_n3A, %mul3A_195 : i32
          %dma_start3A_197 = arith.constant 0 : i32
          %dma_start3A_198 = tpu.memref_slice %arg4[%add3A_196, %dma_start3A_197] : memref<2560x128xi32, #tpu.memory_space<hbm>> -> memref<8x128xi32, #tpu.memory_space<hbm>>
          %dma_start3A_199 = arith.constant 0 : i32
          %dma_start3A_200 = tpu.memref_slice %arg4[%add3A_196, %dma_start3A_199] : memref<2560x128xi32, #tpu.memory_space<hbm>> -> memref<8x128xi32, #tpu.memory_space<hbm>>
          tpu.enqueue_dma source(%dma_start3A_200 : memref<8x128xi32, #tpu.memory_space<hbm>>) target(%arg10 : memref<8x128xi32, #tpu.memory_space<vmem>>) target_semaphore(%arg14 : memref<!tpu.dma_semaphore, #tpu.memory_space<semaphore_mem>>)
        } else {
        }
        %dma_start3A = arith.constant 0 : i32
        %dma_start3A_55 = arith.constant 0 : i32
        %dma_start3A_56 = tpu.memref_slice %arg7[%dma_start3A, %dma_start3A_55] : memref<8x128xi32, #tpu.memory_space<vmem>> -> memref<1x128xi32, #tpu.memory_space<vmem>>
        %dma_start3A_57 = tpu.memref_squeeze %dma_start3A_56 : memref<1x128xi32, #tpu.memory_space<vmem>> -> memref<128xi32, #tpu.memory_space<vmem>>
        %dma_start3A_58 = arith.constant 0 : i32
        %dma_start3A_59 = arith.constant 0 : i32
        %dma_start3A_60 = tpu.memref_slice %arg2[%dma_start3A_58, %dma_start3A_59] : memref<10000x128xf32, #tpu.memory_space<hbm>> -> memref<10000x128xf32, #tpu.memory_space<hbm>>
        tpu.enqueue_indirect_dma source(%dma_start3A_60 : memref<10000x128xf32, #tpu.memory_space<hbm>>) target(%arg11 : memref<128x128xf32, #tpu.memory_space<vmem>>) offsets(%dma_start3A_57 : memref<128xi32, #tpu.memory_space<vmem>>) semaphore(%arg15 : memref<!tpu.dma_semaphore, #tpu.memory_space<semaphore_mem>>)
        %dma_wait3A_61 = arith.constant 0 : i32
        %dma_wait3A_62 = arith.constant 0 : i32
        %dma_wait3A_63 = tpu.memref_slice %arg2[%dma_wait3A_61, %dma_wait3A_62] : memref<10000x128xf32, #tpu.memory_space<hbm>> -> memref<128x128xf32, #tpu.memory_space<hbm>>
        %dma_wait3A_64 = arith.constant 0 : i32
        %dma_wait3A_65 = arith.constant 0 : i32
        %dma_wait3A_66 = tpu.memref_slice %arg2[%dma_wait3A_64, %dma_wait3A_65] : memref<10000x128xf32, #tpu.memory_space<hbm>> -> memref<128x128xf32, #tpu.memory_space<hbm>>
        tpu.wait_dma2 semaphore(%arg15 : memref<!tpu.dma_semaphore, #tpu.memory_space<semaphore_mem>>) src(%dma_wait3A_66 : memref<128x128xf32, #tpu.memory_space<hbm>>) dst(%arg11 : memref<128x128xf32, #tpu.memory_space<vmem>>)
        %eq3A_67 = arith.constant 0 : i32
        %eq3A_68 = arith.cmpi eq, %arg0, %eq3A_67 : i32
        %convert_element_type3A_69 = arith.extui %eq3A_68 : i1 to i32
        %cond3A_70 = arith.constant 0 : i32
        %cond3A_71 = arith.cmpi ne, %convert_element_type3A_69, %cond3A_70 : i32
        scf.if %cond3A_71 {
          %dma_start3A_185 = arith.constant 1 : i32
          %dma_start3A_186 = arith.constant 0 : i32
          %dma_start3A_187 = tpu.memref_slice %arg7[%dma_start3A_185, %dma_start3A_186] : memref<8x128xi32, #tpu.memory_space<vmem>> -> memref<1x128xi32, #tpu.memory_space<vmem>>
          %dma_start3A_188 = tpu.memref_squeeze %dma_start3A_187 : memref<1x128xi32, #tpu.memory_space<vmem>> -> memref<128xi32, #tpu.memory_space<vmem>>
          %dma_start3A_189 = arith.constant 0 : i32
          %dma_start3A_190 = arith.constant 0 : i32
          %dma_start3A_191 = tpu.memref_slice %arg2[%dma_start3A_189, %dma_start3A_190] : memref<10000x128xf32, #tpu.memory_space<hbm>> -> memref<10000x128xf32, #tpu.memory_space<hbm>>
          tpu.enqueue_indirect_dma source(%dma_start3A_191 : memref<10000x128xf32, #tpu.memory_space<hbm>>) target(%arg12 : memref<128x128xf32, #tpu.memory_space<vmem>>) offsets(%dma_start3A_188 : memref<128xi32, #tpu.memory_space<vmem>>) semaphore(%arg16 : memref<!tpu.dma_semaphore, #tpu.memory_space<semaphore_mem>>)
        } else {
        }
        %run_scoped3A = arith.constant 0 : i32
        "tpu.region"() ({
          %run_scoped3A_185 = tpu.sem_alloc : memref<!tpu.dma_semaphore, #tpu.memory_space<semaphore_mem>>
          %dma_start3A_186 = arith.constant 0 : i32
          %dma_start3A_187 = tpu.memref_slice %arg9[%run_scoped3A, %dma_start3A_186] : memref<8x128xi32, #tpu.memory_space<vmem>> -> memref<1x128xi32, #tpu.memory_space<vmem>>
          %dma_start3A_188 = tpu.memref_squeeze %dma_start3A_187 : memref<1x128xi32, #tpu.memory_space<vmem>> -> memref<128xi32, #tpu.memory_space<vmem>>
          %dma_start3A_189 = arith.constant 0 : i32
          %dma_start3A_190 = arith.constant 0 : i32
          %dma_start3A_191 = tpu.memref_slice %arg17[%dma_start3A_189, %dma_start3A_190] : memref<10240x128xf32, #tpu.memory_space<vmem_shared>> -> memref<10240x128xf32, #tpu.memory_space<vmem_shared>>
          tpu.enqueue_indirect_dma source(%arg11 : memref<128x128xf32, #tpu.memory_space<vmem>>) target(%dma_start3A_191 : memref<10240x128xf32, #tpu.memory_space<vmem_shared>>) offsets(%dma_start3A_188 : memref<128xi32, #tpu.memory_space<vmem>>) semaphore(%run_scoped3A_185 : memref<!tpu.dma_semaphore, #tpu.memory_space<semaphore_mem>>) {add = true}
          %dma_wait3A_192 = arith.constant 0 : i32
          %dma_wait3A_193 = tpu.memref_slice %arg9[%run_scoped3A, %dma_wait3A_192] : memref<8x128xi32, #tpu.memory_space<vmem>> -> memref<1x128xi32, #tpu.memory_space<vmem>>
          %dma_wait3A_194 = tpu.memref_squeeze %dma_wait3A_193 : memref<1x128xi32, #tpu.memory_space<vmem>> -> memref<128xi32, #tpu.memory_space<vmem>>
          %dma_wait3A_195 = arith.constant 0 : i32
          %dma_wait3A_196 = arith.constant 0 : i32
          %dma_wait3A_197 = tpu.memref_slice %arg17[%dma_wait3A_195, %dma_wait3A_196] : memref<10240x128xf32, #tpu.memory_space<vmem_shared>> -> memref<10240x128xf32, #tpu.memory_space<vmem_shared>>
          tpu.wait_indirect_dma semaphore(%run_scoped3A_185 : memref<!tpu.dma_semaphore, #tpu.memory_space<semaphore_mem>>) src(%arg11 : memref<128x128xf32, #tpu.memory_space<vmem>>) dst(%dma_wait3A_197 : memref<10240x128xf32, #tpu.memory_space<vmem_shared>>)
          tpu.yield
        }) : () -> ()
        %ne3A = arith.constant 0 : i32
        %ne3A_72 = arith.cmpi ne, %arg0, %ne3A : i32
        %convert_element_type3A_73 = arith.extui %ne3A_72 : i1 to i32
        %cond3A_74 = arith.constant 0 : i32
        %cond3A_75 = arith.cmpi ne, %convert_element_type3A_73, %cond3A_74 : i32
        scf.if %cond3A_75 {
          %dma_start3A_185 = arith.constant 1 : i32
          %dma_start3A_186 = arith.constant 0 : i32
          %dma_start3A_187 = tpu.memref_slice %arg7[%dma_start3A_185, %dma_start3A_186] : memref<8x128xi32, #tpu.memory_space<vmem>> -> memref<1x128xi32, #tpu.memory_space<vmem>>
          %dma_start3A_188 = tpu.memref_squeeze %dma_start3A_187 : memref<1x128xi32, #tpu.memory_space<vmem>> -> memref<128xi32, #tpu.memory_space<vmem>>
          %dma_start3A_189 = arith.constant 0 : i32
          %dma_start3A_190 = arith.constant 0 : i32
          %dma_start3A_191 = tpu.memref_slice %arg2[%dma_start3A_189, %dma_start3A_190] : memref<10000x128xf32, #tpu.memory_space<hbm>> -> memref<10000x128xf32, #tpu.memory_space<hbm>>
          tpu.enqueue_indirect_dma source(%dma_start3A_191 : memref<10000x128xf32, #tpu.memory_space<hbm>>) target(%arg12 : memref<128x128xf32, #tpu.memory_space<vmem>>) offsets(%dma_start3A_188 : memref<128xi32, #tpu.memory_space<vmem>>) semaphore(%arg16 : memref<!tpu.dma_semaphore, #tpu.memory_space<semaphore_mem>>)
        } else {
        }
        %dma_wait3A_76 = arith.constant 0 : i32
        %dma_wait3A_77 = arith.constant 0 : i32
        %dma_wait3A_78 = tpu.memref_slice %arg2[%dma_wait3A_76, %dma_wait3A_77] : memref<10000x128xf32, #tpu.memory_space<hbm>> -> memref<128x128xf32, #tpu.memory_space<hbm>>
        %dma_wait3A_79 = arith.constant 0 : i32
        %dma_wait3A_80 = arith.constant 0 : i32
        %dma_wait3A_81 = tpu.memref_slice %arg2[%dma_wait3A_79, %dma_wait3A_80] : memref<10000x128xf32, #tpu.memory_space<hbm>> -> memref<128x128xf32, #tpu.memory_space<hbm>>
        tpu.wait_dma2 semaphore(%arg16 : memref<!tpu.dma_semaphore, #tpu.memory_space<semaphore_mem>>) src(%dma_wait3A_81 : memref<128x128xf32, #tpu.memory_space<hbm>>) dst(%arg12 : memref<128x128xf32, #tpu.memory_space<vmem>>)
        %eq3A_82 = arith.constant 0 : i32
        %eq3A_83 = arith.cmpi eq, %arg0, %eq3A_82 : i32
        %convert_element_type3A_84 = arith.extui %eq3A_83 : i1 to i32
        %cond3A_85 = arith.constant 0 : i32
        %cond3A_86 = arith.cmpi ne, %convert_element_type3A_84, %cond3A_85 : i32
        scf.if %cond3A_86 {
          %dma_start3A_185 = arith.constant 2 : i32
          %dma_start3A_186 = arith.constant 0 : i32
          %dma_start3A_187 = tpu.memref_slice %arg7[%dma_start3A_185, %dma_start3A_186] : memref<8x128xi32, #tpu.memory_space<vmem>> -> memref<1x128xi32, #tpu.memory_space<vmem>>
          %dma_start3A_188 = tpu.memref_squeeze %dma_start3A_187 : memref<1x128xi32, #tpu.memory_space<vmem>> -> memref<128xi32, #tpu.memory_space<vmem>>
          %dma_start3A_189 = arith.constant 0 : i32
          %dma_start3A_190 = arith.constant 0 : i32
          %dma_start3A_191 = tpu.memref_slice %arg2[%dma_start3A_189, %dma_start3A_190] : memref<10000x128xf32, #tpu.memory_space<hbm>> -> memref<10000x128xf32, #tpu.memory_space<hbm>>
          tpu.enqueue_indirect_dma source(%dma_start3A_191 : memref<10000x128xf32, #tpu.memory_space<hbm>>) target(%arg11 : memref<128x128xf32, #tpu.memory_space<vmem>>) offsets(%dma_start3A_188 : memref<128xi32, #tpu.memory_space<vmem>>) semaphore(%arg15 : memref<!tpu.dma_semaphore, #tpu.memory_space<semaphore_mem>>)
        } else {
        }
        %run_scoped3A_87 = arith.constant 1 : i32
        "tpu.region"() ({
          %run_scoped3A_185 = tpu.sem_alloc : memref<!tpu.dma_semaphore, #tpu.memory_space<semaphore_mem>>
          %dma_start3A_186 = arith.constant 0 : i32
          %dma_start3A_187 = tpu.memref_slice %arg9[%run_scoped3A_87, %dma_start3A_186] : memref<8x128xi32, #tpu.memory_space<vmem>> -> memref<1x128xi32, #tpu.memory_space<vmem>>
          %dma_start3A_188 = tpu.memref_squeeze %dma_start3A_187 : memref<1x128xi32, #tpu.memory_space<vmem>> -> memref<128xi32, #tpu.memory_space<vmem>>
          %dma_start3A_189 = arith.constant 0 : i32
          %dma_start3A_190 = arith.constant 0 : i32
          %dma_start3A_191 = tpu.memref_slice %arg17[%dma_start3A_189, %dma_start3A_190] : memref<10240x128xf32, #tpu.memory_space<vmem_shared>> -> memref<10240x128xf32, #tpu.memory_space<vmem_shared>>
          tpu.enqueue_indirect_dma source(%arg12 : memref<128x128xf32, #tpu.memory_space<vmem>>) target(%dma_start3A_191 : memref<10240x128xf32, #tpu.memory_space<vmem_shared>>) offsets(%dma_start3A_188 : memref<128xi32, #tpu.memory_space<vmem>>) semaphore(%run_scoped3A_185 : memref<!tpu.dma_semaphore, #tpu.memory_space<semaphore_mem>>) {add = true}
          %dma_wait3A_192 = arith.constant 0 : i32
          %dma_wait3A_193 = tpu.memref_slice %arg9[%run_scoped3A_87, %dma_wait3A_192] : memref<8x128xi32, #tpu.memory_space<vmem>> -> memref<1x128xi32, #tpu.memory_space<vmem>>
          %dma_wait3A_194 = tpu.memref_squeeze %dma_wait3A_193 : memref<1x128xi32, #tpu.memory_space<vmem>> -> memref<128xi32, #tpu.memory_space<vmem>>
          %dma_wait3A_195 = arith.constant 0 : i32
          %dma_wait3A_196 = arith.constant 0 : i32
          %dma_wait3A_197 = tpu.memref_slice %arg17[%dma_wait3A_195, %dma_wait3A_196] : memref<10240x128xf32, #tpu.memory_space<vmem_shared>> -> memref<10240x128xf32, #tpu.memory_space<vmem_shared>>
          tpu.wait_indirect_dma semaphore(%run_scoped3A_185 : memref<!tpu.dma_semaphore, #tpu.memory_space<semaphore_mem>>) src(%arg12 : memref<128x128xf32, #tpu.memory_space<vmem>>) dst(%dma_wait3A_197 : memref<10240x128xf32, #tpu.memory_space<vmem_shared>>)
          tpu.yield
        }) : () -> ()
        %ne3A_88 = arith.constant 0 : i32
        %ne3A_89 = arith.cmpi ne, %arg0, %ne3A_88 : i32
        %convert_element_type3A_90 = arith.extui %ne3A_89 : i1 to i32
        %cond3A_91 = arith.constant 0 : i32
        %cond3A_92 = arith.cmpi ne, %convert_element_type3A_90, %cond3A_91 : i32
        scf.if %cond3A_92 {
          %dma_start3A_185 = arith.constant 2 : i32
          %dma_start3A_186 = arith.constant 0 : i32
          %dma_start3A_187 = tpu.memref_slice %arg7[%dma_start3A_185, %dma_start3A_186] : memref<8x128xi32, #tpu.memory_space<vmem>> -> memref<1x128xi32, #tpu.memory_space<vmem>>
          %dma_start3A_188 = tpu.memref_squeeze %dma_start3A_187 : memref<1x128xi32, #tpu.memory_space<vmem>> -> memref<128xi32, #tpu.memory_space<vmem>>
          %dma_start3A_189 = arith.constant 0 : i32
          %dma_start3A_190 = arith.constant 0 : i32
          %dma_start3A_191 = tpu.memref_slice %arg2[%dma_start3A_189, %dma_start3A_190] : memref<10000x128xf32, #tpu.memory_space<hbm>> -> memref<10000x128xf32, #tpu.memory_space<hbm>>
          tpu.enqueue_indirect_dma source(%dma_start3A_191 : memref<10000x128xf32, #tpu.memory_space<hbm>>) target(%arg11 : memref<128x128xf32, #tpu.memory_space<vmem>>) offsets(%dma_start3A_188 : memref<128xi32, #tpu.memory_space<vmem>>) semaphore(%arg15 : memref<!tpu.dma_semaphore, #tpu.memory_space<semaphore_mem>>)
        } else {
        }
        %dma_wait3A_93 = arith.constant 0 : i32
        %dma_wait3A_94 = arith.constant 0 : i32
        %dma_wait3A_95 = tpu.memref_slice %arg2[%dma_wait3A_93, %dma_wait3A_94] : memref<10000x128xf32, #tpu.memory_space<hbm>> -> memref<128x128xf32, #tpu.memory_space<hbm>>
        %dma_wait3A_96 = arith.constant 0 : i32
        %dma_wait3A_97 = arith.constant 0 : i32
        %dma_wait3A_98 = tpu.memref_slice %arg2[%dma_wait3A_96, %dma_wait3A_97] : memref<10000x128xf32, #tpu.memory_space<hbm>> -> memref<128x128xf32, #tpu.memory_space<hbm>>
        tpu.wait_dma2 semaphore(%arg15 : memref<!tpu.dma_semaphore, #tpu.memory_space<semaphore_mem>>) src(%dma_wait3A_98 : memref<128x128xf32, #tpu.memory_space<hbm>>) dst(%arg11 : memref<128x128xf32, #tpu.memory_space<vmem>>)
        %eq3A_99 = arith.constant 0 : i32
        %eq3A_100 = arith.cmpi eq, %arg0, %eq3A_99 : i32
        %convert_element_type3A_101 = arith.extui %eq3A_100 : i1 to i32
        %cond3A_102 = arith.constant 0 : i32
        %cond3A_103 = arith.cmpi ne, %convert_element_type3A_101, %cond3A_102 : i32
        scf.if %cond3A_103 {
          %dma_start3A_185 = arith.constant 3 : i32
          %dma_start3A_186 = arith.constant 0 : i32
          %dma_start3A_187 = tpu.memref_slice %arg7[%dma_start3A_185, %dma_start3A_186] : memref<8x128xi32, #tpu.memory_space<vmem>> -> memref<1x128xi32, #tpu.memory_space<vmem>>
          %dma_start3A_188 = tpu.memref_squeeze %dma_start3A_187 : memref<1x128xi32, #tpu.memory_space<vmem>> -> memref<128xi32, #tpu.memory_space<vmem>>
          %dma_start3A_189 = arith.constant 0 : i32
          %dma_start3A_190 = arith.constant 0 : i32
          %dma_start3A_191 = tpu.memref_slice %arg2[%dma_start3A_189, %dma_start3A_190] : memref<10000x128xf32, #tpu.memory_space<hbm>> -> memref<10000x128xf32, #tpu.memory_space<hbm>>
          tpu.enqueue_indirect_dma source(%dma_start3A_191 : memref<10000x128xf32, #tpu.memory_space<hbm>>) target(%arg12 : memref<128x128xf32, #tpu.memory_space<vmem>>) offsets(%dma_start3A_188 : memref<128xi32, #tpu.memory_space<vmem>>) semaphore(%arg16 : memref<!tpu.dma_semaphore, #tpu.memory_space<semaphore_mem>>)
        } else {
        }
        %run_scoped3A_104 = arith.constant 2 : i32
        "tpu.region"() ({
          %run_scoped3A_185 = tpu.sem_alloc : memref<!tpu.dma_semaphore, #tpu.memory_space<semaphore_mem>>
          %dma_start3A_186 = arith.constant 0 : i32
          %dma_start3A_187 = tpu.memref_slice %arg9[%run_scoped3A_104, %dma_start3A_186] : memref<8x128xi32, #tpu.memory_space<vmem>> -> memref<1x128xi32, #tpu.memory_space<vmem>>
          %dma_start3A_188 = tpu.memref_squeeze %dma_start3A_187 : memref<1x128xi32, #tpu.memory_space<vmem>> -> memref<128xi32, #tpu.memory_space<vmem>>
          %dma_start3A_189 = arith.constant 0 : i32
          %dma_start3A_190 = arith.constant 0 : i32
          %dma_start3A_191 = tpu.memref_slice %arg17[%dma_start3A_189, %dma_start3A_190] : memref<10240x128xf32, #tpu.memory_space<vmem_shared>> -> memref<10240x128xf32, #tpu.memory_space<vmem_shared>>
          tpu.enqueue_indirect_dma source(%arg11 : memref<128x128xf32, #tpu.memory_space<vmem>>) target(%dma_start3A_191 : memref<10240x128xf32, #tpu.memory_space<vmem_shared>>) offsets(%dma_start3A_188 : memref<128xi32, #tpu.memory_space<vmem>>) semaphore(%run_scoped3A_185 : memref<!tpu.dma_semaphore, #tpu.memory_space<semaphore_mem>>) {add = true}
          %dma_wait3A_192 = arith.constant 0 : i32
          %dma_wait3A_193 = tpu.memref_slice %arg9[%run_scoped3A_104, %dma_wait3A_192] : memref<8x128xi32, #tpu.memory_space<vmem>> -> memref<1x128xi32, #tpu.memory_space<vmem>>
          %dma_wait3A_194 = tpu.memref_squeeze %dma_wait3A_193 : memref<1x128xi32, #tpu.memory_space<vmem>> -> memref<128xi32, #tpu.memory_space<vmem>>
          %dma_wait3A_195 = arith.constant 0 : i32
          %dma_wait3A_196 = arith.constant 0 : i32
          %dma_wait3A_197 = tpu.memref_slice %arg17[%dma_wait3A_195, %dma_wait3A_196] : memref<10240x128xf32, #tpu.memory_space<vmem_shared>> -> memref<10240x128xf32, #tpu.memory_space<vmem_shared>>
          tpu.wait_indirect_dma semaphore(%run_scoped3A_185 : memref<!tpu.dma_semaphore, #tpu.memory_space<semaphore_mem>>) src(%arg11 : memref<128x128xf32, #tpu.memory_space<vmem>>) dst(%dma_wait3A_197 : memref<10240x128xf32, #tpu.memory_space<vmem_shared>>)
          tpu.yield
        }) : () -> ()
        %ne3A_105 = arith.constant 0 : i32
        %ne3A_106 = arith.cmpi ne, %arg0, %ne3A_105 : i32
        %convert_element_type3A_107 = arith.extui %ne3A_106 : i1 to i32
        %cond3A_108 = arith.constant 0 : i32
        %cond3A_109 = arith.cmpi ne, %convert_element_type3A_107, %cond3A_108 : i32
        scf.if %cond3A_109 {
          %dma_start3A_185 = arith.constant 3 : i32
          %dma_start3A_186 = arith.constant 0 : i32
          %dma_start3A_187 = tpu.memref_slice %arg7[%dma_start3A_185, %dma_start3A_186] : memref<8x128xi32, #tpu.memory_space<vmem>> -> memref<1x128xi32, #tpu.memory_space<vmem>>
          %dma_start3A_188 = tpu.memref_squeeze %dma_start3A_187 : memref<1x128xi32, #tpu.memory_space<vmem>> -> memref<128xi32, #tpu.memory_space<vmem>>
          %dma_start3A_189 = arith.constant 0 : i32
          %dma_start3A_190 = arith.constant 0 : i32
          %dma_start3A_191 = tpu.memref_slice %arg2[%dma_start3A_189, %dma_start3A_190] : memref<10000x128xf32, #tpu.memory_space<hbm>> -> memref<10000x128xf32, #tpu.memory_space<hbm>>
          tpu.enqueue_indirect_dma source(%dma_start3A_191 : memref<10000x128xf32, #tpu.memory_space<hbm>>) target(%arg12 : memref<128x128xf32, #tpu.memory_space<vmem>>) offsets(%dma_start3A_188 : memref<128xi32, #tpu.memory_space<vmem>>) semaphore(%arg16 : memref<!tpu.dma_semaphore, #tpu.memory_space<semaphore_mem>>)
        } else {
        }
        %dma_wait3A_110 = arith.constant 0 : i32
        %dma_wait3A_111 = arith.constant 0 : i32
        %dma_wait3A_112 = tpu.memref_slice %arg2[%dma_wait3A_110, %dma_wait3A_111] : memref<10000x128xf32, #tpu.memory_space<hbm>> -> memref<128x128xf32, #tpu.memory_space<hbm>>
        %dma_wait3A_113 = arith.constant 0 : i32
        %dma_wait3A_114 = arith.constant 0 : i32
        %dma_wait3A_115 = tpu.memref_slice %arg2[%dma_wait3A_113, %dma_wait3A_114] : memref<10000x128xf32, #tpu.memory_space<hbm>> -> memref<128x128xf32, #tpu.memory_space<hbm>>
        tpu.wait_dma2 semaphore(%arg16 : memref<!tpu.dma_semaphore, #tpu.memory_space<semaphore_mem>>) src(%dma_wait3A_115 : memref<128x128xf32, #tpu.memory_space<hbm>>) dst(%arg12 : memref<128x128xf32, #tpu.memory_space<vmem>>)
        %eq3A_116 = arith.constant 0 : i32
        %eq3A_117 = arith.cmpi eq, %arg0, %eq3A_116 : i32
        %convert_element_type3A_118 = arith.extui %eq3A_117 : i1 to i32
        %cond3A_119 = arith.constant 0 : i32
        %cond3A_120 = arith.cmpi ne, %convert_element_type3A_118, %cond3A_119 : i32
        scf.if %cond3A_120 {
          %dma_start3A_185 = arith.constant 4 : i32
          %dma_start3A_186 = arith.constant 0 : i32
          %dma_start3A_187 = tpu.memref_slice %arg7[%dma_start3A_185, %dma_start3A_186] : memref<8x128xi32, #tpu.memory_space<vmem>> -> memref<1x128xi32, #tpu.memory_space<vmem>>
          %dma_start3A_188 = tpu.memref_squeeze %dma_start3A_187 : memref<1x128xi32, #tpu.memory_space<vmem>> -> memref<128xi32, #tpu.memory_space<vmem>>
          %dma_start3A_189 = arith.constant 0 : i32
          %dma_start3A_190 = arith.constant 0 : i32
          %dma_start3A_191 = tpu.memref_slice %arg2[%dma_start3A_189, %dma_start3A_190] : memref<10000x128xf32, #tpu.memory_space<hbm>> -> memref<10000x128xf32, #tpu.memory_space<hbm>>
          tpu.enqueue_indirect_dma source(%dma_start3A_191 : memref<10000x128xf32, #tpu.memory_space<hbm>>) target(%arg11 : memref<128x128xf32, #tpu.memory_space<vmem>>) offsets(%dma_start3A_188 : memref<128xi32, #tpu.memory_space<vmem>>) semaphore(%arg15 : memref<!tpu.dma_semaphore, #tpu.memory_space<semaphore_mem>>)
        } else {
        }
        %run_scoped3A_121 = arith.constant 3 : i32
        "tpu.region"() ({
          %run_scoped3A_185 = tpu.sem_alloc : memref<!tpu.dma_semaphore, #tpu.memory_space<semaphore_mem>>
          %dma_start3A_186 = arith.constant 0 : i32
          %dma_start3A_187 = tpu.memref_slice %arg9[%run_scoped3A_121, %dma_start3A_186] : memref<8x128xi32, #tpu.memory_space<vmem>> -> memref<1x128xi32, #tpu.memory_space<vmem>>
          %dma_start3A_188 = tpu.memref_squeeze %dma_start3A_187 : memref<1x128xi32, #tpu.memory_space<vmem>> -> memref<128xi32, #tpu.memory_space<vmem>>
          %dma_start3A_189 = arith.constant 0 : i32
          %dma_start3A_190 = arith.constant 0 : i32
          %dma_start3A_191 = tpu.memref_slice %arg17[%dma_start3A_189, %dma_start3A_190] : memref<10240x128xf32, #tpu.memory_space<vmem_shared>> -> memref<10240x128xf32, #tpu.memory_space<vmem_shared>>
          tpu.enqueue_indirect_dma source(%arg12 : memref<128x128xf32, #tpu.memory_space<vmem>>) target(%dma_start3A_191 : memref<10240x128xf32, #tpu.memory_space<vmem_shared>>) offsets(%dma_start3A_188 : memref<128xi32, #tpu.memory_space<vmem>>) semaphore(%run_scoped3A_185 : memref<!tpu.dma_semaphore, #tpu.memory_space<semaphore_mem>>) {add = true}
          %dma_wait3A_192 = arith.constant 0 : i32
          %dma_wait3A_193 = tpu.memref_slice %arg9[%run_scoped3A_121, %dma_wait3A_192] : memref<8x128xi32, #tpu.memory_space<vmem>> -> memref<1x128xi32, #tpu.memory_space<vmem>>
          %dma_wait3A_194 = tpu.memref_squeeze %dma_wait3A_193 : memref<1x128xi32, #tpu.memory_space<vmem>> -> memref<128xi32, #tpu.memory_space<vmem>>
          %dma_wait3A_195 = arith.constant 0 : i32
          %dma_wait3A_196 = arith.constant 0 : i32
          %dma_wait3A_197 = tpu.memref_slice %arg17[%dma_wait3A_195, %dma_wait3A_196] : memref<10240x128xf32, #tpu.memory_space<vmem_shared>> -> memref<10240x128xf32, #tpu.memory_space<vmem_shared>>
          tpu.wait_indirect_dma semaphore(%run_scoped3A_185 : memref<!tpu.dma_semaphore, #tpu.memory_space<semaphore_mem>>) src(%arg12 : memref<128x128xf32, #tpu.memory_space<vmem>>) dst(%dma_wait3A_197 : memref<10240x128xf32, #tpu.memory_space<vmem_shared>>)
          tpu.yield
        }) : () -> ()
        %ne3A_122 = arith.constant 0 : i32
        %ne3A_123 = arith.cmpi ne, %arg0, %ne3A_122 : i32
        %convert_element_type3A_124 = arith.extui %ne3A_123 : i1 to i32
        %cond3A_125 = arith.constant 0 : i32
        %cond3A_126 = arith.cmpi ne, %convert_element_type3A_124, %cond3A_125 : i32
        scf.if %cond3A_126 {
          %dma_start3A_185 = arith.constant 4 : i32
          %dma_start3A_186 = arith.constant 0 : i32
          %dma_start3A_187 = tpu.memref_slice %arg7[%dma_start3A_185, %dma_start3A_186] : memref<8x128xi32, #tpu.memory_space<vmem>> -> memref<1x128xi32, #tpu.memory_space<vmem>>
          %dma_start3A_188 = tpu.memref_squeeze %dma_start3A_187 : memref<1x128xi32, #tpu.memory_space<vmem>> -> memref<128xi32, #tpu.memory_space<vmem>>
          %dma_start3A_189 = arith.constant 0 : i32
          %dma_start3A_190 = arith.constant 0 : i32
          %dma_start3A_191 = tpu.memref_slice %arg2[%dma_start3A_189, %dma_start3A_190] : memref<10000x128xf32, #tpu.memory_space<hbm>> -> memref<10000x128xf32, #tpu.memory_space<hbm>>
          tpu.enqueue_indirect_dma source(%dma_start3A_191 : memref<10000x128xf32, #tpu.memory_space<hbm>>) target(%arg11 : memref<128x128xf32, #tpu.memory_space<vmem>>) offsets(%dma_start3A_188 : memref<128xi32, #tpu.memory_space<vmem>>) semaphore(%arg15 : memref<!tpu.dma_semaphore, #tpu.memory_space<semaphore_mem>>)
        } else {
        }
        %dma_wait3A_127 = arith.constant 0 : i32
        %dma_wait3A_128 = arith.constant 0 : i32
        %dma_wait3A_129 = tpu.memref_slice %arg2[%dma_wait3A_127, %dma_wait3A_128] : memref<10000x128xf32, #tpu.memory_space<hbm>> -> memref<128x128xf32, #tpu.memory_space<hbm>>
        %dma_wait3A_130 = arith.constant 0 : i32
        %dma_wait3A_131 = arith.constant 0 : i32
        %dma_wait3A_132 = tpu.memref_slice %arg2[%dma_wait3A_130, %dma_wait3A_131] : memref<10000x128xf32, #tpu.memory_space<hbm>> -> memref<128x128xf32, #tpu.memory_space<hbm>>
        tpu.wait_dma2 semaphore(%arg15 : memref<!tpu.dma_semaphore, #tpu.memory_space<semaphore_mem>>) src(%dma_wait3A_132 : memref<128x128xf32, #tpu.memory_space<hbm>>) dst(%arg11 : memref<128x128xf32, #tpu.memory_space<vmem>>)
        %eq3A_133 = arith.constant 0 : i32
        %eq3A_134 = arith.cmpi eq, %arg0, %eq3A_133 : i32
        %convert_element_type3A_135 = arith.extui %eq3A_134 : i1 to i32
        %cond3A_136 = arith.constant 0 : i32
        %cond3A_137 = arith.cmpi ne, %convert_element_type3A_135, %cond3A_136 : i32
        scf.if %cond3A_137 {
          %dma_start3A_185 = arith.constant 5 : i32
          %dma_start3A_186 = arith.constant 0 : i32
          %dma_start3A_187 = tpu.memref_slice %arg7[%dma_start3A_185, %dma_start3A_186] : memref<8x128xi32, #tpu.memory_space<vmem>> -> memref<1x128xi32, #tpu.memory_space<vmem>>
          %dma_start3A_188 = tpu.memref_squeeze %dma_start3A_187 : memref<1x128xi32, #tpu.memory_space<vmem>> -> memref<128xi32, #tpu.memory_space<vmem>>
          %dma_start3A_189 = arith.constant 0 : i32
          %dma_start3A_190 = arith.constant 0 : i32
          %dma_start3A_191 = tpu.memref_slice %arg2[%dma_start3A_189, %dma_start3A_190] : memref<10000x128xf32, #tpu.memory_space<hbm>> -> memref<10000x128xf32, #tpu.memory_space<hbm>>
          tpu.enqueue_indirect_dma source(%dma_start3A_191 : memref<10000x128xf32, #tpu.memory_space<hbm>>) target(%arg12 : memref<128x128xf32, #tpu.memory_space<vmem>>) offsets(%dma_start3A_188 : memref<128xi32, #tpu.memory_space<vmem>>) semaphore(%arg16 : memref<!tpu.dma_semaphore, #tpu.memory_space<semaphore_mem>>)
        } else {
        }
        %run_scoped3A_138 = arith.constant 4 : i32
        "tpu.region"() ({
          %run_scoped3A_185 = tpu.sem_alloc : memref<!tpu.dma_semaphore, #tpu.memory_space<semaphore_mem>>
          %dma_start3A_186 = arith.constant 0 : i32
          %dma_start3A_187 = tpu.memref_slice %arg9[%run_scoped3A_138, %dma_start3A_186] : memref<8x128xi32, #tpu.memory_space<vmem>> -> memref<1x128xi32, #tpu.memory_space<vmem>>
          %dma_start3A_188 = tpu.memref_squeeze %dma_start3A_187 : memref<1x128xi32, #tpu.memory_space<vmem>> -> memref<128xi32, #tpu.memory_space<vmem>>
          %dma_start3A_189 = arith.constant 0 : i32
          %dma_start3A_190 = arith.constant 0 : i32
          %dma_start3A_191 = tpu.memref_slice %arg17[%dma_start3A_189, %dma_start3A_190] : memref<10240x128xf32, #tpu.memory_space<vmem_shared>> -> memref<10240x128xf32, #tpu.memory_space<vmem_shared>>
          tpu.enqueue_indirect_dma source(%arg11 : memref<128x128xf32, #tpu.memory_space<vmem>>) target(%dma_start3A_191 : memref<10240x128xf32, #tpu.memory_space<vmem_shared>>) offsets(%dma_start3A_188 : memref<128xi32, #tpu.memory_space<vmem>>) semaphore(%run_scoped3A_185 : memref<!tpu.dma_semaphore, #tpu.memory_space<semaphore_mem>>) {add = true}
          %dma_wait3A_192 = arith.constant 0 : i32
          %dma_wait3A_193 = tpu.memref_slice %arg9[%run_scoped3A_138, %dma_wait3A_192] : memref<8x128xi32, #tpu.memory_space<vmem>> -> memref<1x128xi32, #tpu.memory_space<vmem>>
          %dma_wait3A_194 = tpu.memref_squeeze %dma_wait3A_193 : memref<1x128xi32, #tpu.memory_space<vmem>> -> memref<128xi32, #tpu.memory_space<vmem>>
          %dma_wait3A_195 = arith.constant 0 : i32
          %dma_wait3A_196 = arith.constant 0 : i32
          %dma_wait3A_197 = tpu.memref_slice %arg17[%dma_wait3A_195, %dma_wait3A_196] : memref<10240x128xf32, #tpu.memory_space<vmem_shared>> -> memref<10240x128xf32, #tpu.memory_space<vmem_shared>>
          tpu.wait_indirect_dma semaphore(%run_scoped3A_185 : memref<!tpu.dma_semaphore, #tpu.memory_space<semaphore_mem>>) src(%arg11 : memref<128x128xf32, #tpu.memory_space<vmem>>) dst(%dma_wait3A_197 : memref<10240x128xf32, #tpu.memory_space<vmem_shared>>)
          tpu.yield
        }) : () -> ()
        %ne3A_139 = arith.constant 0 : i32
        %ne3A_140 = arith.cmpi ne, %arg0, %ne3A_139 : i32
        %convert_element_type3A_141 = arith.extui %ne3A_140 : i1 to i32
        %cond3A_142 = arith.constant 0 : i32
        %cond3A_143 = arith.cmpi ne, %convert_element_type3A_141, %cond3A_142 : i32
        scf.if %cond3A_143 {
          %dma_start3A_185 = arith.constant 5 : i32
          %dma_start3A_186 = arith.constant 0 : i32
          %dma_start3A_187 = tpu.memref_slice %arg7[%dma_start3A_185, %dma_start3A_186] : memref<8x128xi32, #tpu.memory_space<vmem>> -> memref<1x128xi32, #tpu.memory_space<vmem>>
          %dma_start3A_188 = tpu.memref_squeeze %dma_start3A_187 : memref<1x128xi32, #tpu.memory_space<vmem>> -> memref<128xi32, #tpu.memory_space<vmem>>
          %dma_start3A_189 = arith.constant 0 : i32
          %dma_start3A_190 = arith.constant 0 : i32
          %dma_start3A_191 = tpu.memref_slice %arg2[%dma_start3A_189, %dma_start3A_190] : memref<10000x128xf32, #tpu.memory_space<hbm>> -> memref<10000x128xf32, #tpu.memory_space<hbm>>
          tpu.enqueue_indirect_dma source(%dma_start3A_191 : memref<10000x128xf32, #tpu.memory_space<hbm>>) target(%arg12 : memref<128x128xf32, #tpu.memory_space<vmem>>) offsets(%dma_start3A_188 : memref<128xi32, #tpu.memory_space<vmem>>) semaphore(%arg16 : memref<!tpu.dma_semaphore, #tpu.memory_space<semaphore_mem>>)
        } else {
        }
        %dma_wait3A_144 = arith.constant 0 : i32
        %dma_wait3A_145 = arith.constant 0 : i32
        %dma_wait3A_146 = tpu.memref_slice %arg2[%dma_wait3A_144, %dma_wait3A_145] : memref<10000x128xf32, #tpu.memory_space<hbm>> -> memref<128x128xf32, #tpu.memory_space<hbm>>
        %dma_wait3A_147 = arith.constant 0 : i32
        %dma_wait3A_148 = arith.constant 0 : i32
        %dma_wait3A_149 = tpu.memref_slice %arg2[%dma_wait3A_147, %dma_wait3A_148] : memref<10000x128xf32, #tpu.memory_space<hbm>> -> memref<128x128xf32, #tpu.memory_space<hbm>>
        tpu.wait_dma2 semaphore(%arg16 : memref<!tpu.dma_semaphore, #tpu.memory_space<semaphore_mem>>) src(%dma_wait3A_149 : memref<128x128xf32, #tpu.memory_space<hbm>>) dst(%arg12 : memref<128x128xf32, #tpu.memory_space<vmem>>)
        %eq3A_150 = arith.constant 0 : i32
        %eq3A_151 = arith.cmpi eq, %arg0, %eq3A_150 : i32
        %convert_element_type3A_152 = arith.extui %eq3A_151 : i1 to i32
        %cond3A_153 = arith.constant 0 : i32
        %cond3A_154 = arith.cmpi ne, %convert_element_type3A_152, %cond3A_153 : i32
        scf.if %cond3A_154 {
          %dma_start3A_185 = arith.constant 6 : i32
          %dma_start3A_186 = arith.constant 0 : i32
          %dma_start3A_187 = tpu.memref_slice %arg7[%dma_start3A_185, %dma_start3A_186] : memref<8x128xi32, #tpu.memory_space<vmem>> -> memref<1x128xi32, #tpu.memory_space<vmem>>
          %dma_start3A_188 = tpu.memref_squeeze %dma_start3A_187 : memref<1x128xi32, #tpu.memory_space<vmem>> -> memref<128xi32, #tpu.memory_space<vmem>>
          %dma_start3A_189 = arith.constant 0 : i32
          %dma_start3A_190 = arith.constant 0 : i32
          %dma_start3A_191 = tpu.memref_slice %arg2[%dma_start3A_189, %dma_start3A_190] : memref<10000x128xf32, #tpu.memory_space<hbm>> -> memref<10000x128xf32, #tpu.memory_space<hbm>>
          tpu.enqueue_indirect_dma source(%dma_start3A_191 : memref<10000x128xf32, #tpu.memory_space<hbm>>) target(%arg11 : memref<128x128xf32, #tpu.memory_space<vmem>>) offsets(%dma_start3A_188 : memref<128xi32, #tpu.memory_space<vmem>>) semaphore(%arg15 : memref<!tpu.dma_semaphore, #tpu.memory_space<semaphore_mem>>)
        } else {
        }
        %run_scoped3A_155 = arith.constant 5 : i32
        "tpu.region"() ({
          %run_scoped3A_185 = tpu.sem_alloc : memref<!tpu.dma_semaphore, #tpu.memory_space<semaphore_mem>>
          %dma_start3A_186 = arith.constant 0 : i32
          %dma_start3A_187 = tpu.memref_slice %arg9[%run_scoped3A_155, %dma_start3A_186] : memref<8x128xi32, #tpu.memory_space<vmem>> -> memref<1x128xi32, #tpu.memory_space<vmem>>
          %dma_start3A_188 = tpu.memref_squeeze %dma_start3A_187 : memref<1x128xi32, #tpu.memory_space<vmem>> -> memref<128xi32, #tpu.memory_space<vmem>>
          %dma_start3A_189 = arith.constant 0 : i32
          %dma_start3A_190 = arith.constant 0 : i32
          %dma_start3A_191 = tpu.memref_slice %arg17[%dma_start3A_189, %dma_start3A_190] : memref<10240x128xf32, #tpu.memory_space<vmem_shared>> -> memref<10240x128xf32, #tpu.memory_space<vmem_shared>>
          tpu.enqueue_indirect_dma source(%arg12 : memref<128x128xf32, #tpu.memory_space<vmem>>) target(%dma_start3A_191 : memref<10240x128xf32, #tpu.memory_space<vmem_shared>>) offsets(%dma_start3A_188 : memref<128xi32, #tpu.memory_space<vmem>>) semaphore(%run_scoped3A_185 : memref<!tpu.dma_semaphore, #tpu.memory_space<semaphore_mem>>) {add = true}
          %dma_wait3A_192 = arith.constant 0 : i32
          %dma_wait3A_193 = tpu.memref_slice %arg9[%run_scoped3A_155, %dma_wait3A_192] : memref<8x128xi32, #tpu.memory_space<vmem>> -> memref<1x128xi32, #tpu.memory_space<vmem>>
          %dma_wait3A_194 = tpu.memref_squeeze %dma_wait3A_193 : memref<1x128xi32, #tpu.memory_space<vmem>> -> memref<128xi32, #tpu.memory_space<vmem>>
          %dma_wait3A_195 = arith.constant 0 : i32
          %dma_wait3A_196 = arith.constant 0 : i32
          %dma_wait3A_197 = tpu.memref_slice %arg17[%dma_wait3A_195, %dma_wait3A_196] : memref<10240x128xf32, #tpu.memory_space<vmem_shared>> -> memref<10240x128xf32, #tpu.memory_space<vmem_shared>>
          tpu.wait_indirect_dma semaphore(%run_scoped3A_185 : memref<!tpu.dma_semaphore, #tpu.memory_space<semaphore_mem>>) src(%arg12 : memref<128x128xf32, #tpu.memory_space<vmem>>) dst(%dma_wait3A_197 : memref<10240x128xf32, #tpu.memory_space<vmem_shared>>)
          tpu.yield
        }) : () -> ()
        %ne3A_156 = arith.constant 0 : i32
        %ne3A_157 = arith.cmpi ne, %arg0, %ne3A_156 : i32
        %convert_element_type3A_158 = arith.extui %ne3A_157 : i1 to i32
        %cond3A_159 = arith.constant 0 : i32
        %cond3A_160 = arith.cmpi ne, %convert_element_type3A_158, %cond3A_159 : i32
        scf.if %cond3A_160 {
          %dma_start3A_185 = arith.constant 6 : i32
          %dma_start3A_186 = arith.constant 0 : i32
          %dma_start3A_187 = tpu.memref_slice %arg7[%dma_start3A_185, %dma_start3A_186] : memref<8x128xi32, #tpu.memory_space<vmem>> -> memref<1x128xi32, #tpu.memory_space<vmem>>
          %dma_start3A_188 = tpu.memref_squeeze %dma_start3A_187 : memref<1x128xi32, #tpu.memory_space<vmem>> -> memref<128xi32, #tpu.memory_space<vmem>>
          %dma_start3A_189 = arith.constant 0 : i32
          %dma_start3A_190 = arith.constant 0 : i32
          %dma_start3A_191 = tpu.memref_slice %arg2[%dma_start3A_189, %dma_start3A_190] : memref<10000x128xf32, #tpu.memory_space<hbm>> -> memref<10000x128xf32, #tpu.memory_space<hbm>>
          tpu.enqueue_indirect_dma source(%dma_start3A_191 : memref<10000x128xf32, #tpu.memory_space<hbm>>) target(%arg11 : memref<128x128xf32, #tpu.memory_space<vmem>>) offsets(%dma_start3A_188 : memref<128xi32, #tpu.memory_space<vmem>>) semaphore(%arg15 : memref<!tpu.dma_semaphore, #tpu.memory_space<semaphore_mem>>)
        } else {
        }
        %dma_wait3A_161 = arith.constant 0 : i32
        %dma_wait3A_162 = arith.constant 0 : i32
        %dma_wait3A_163 = tpu.memref_slice %arg2[%dma_wait3A_161, %dma_wait3A_162] : memref<10000x128xf32, #tpu.memory_space<hbm>> -> memref<128x128xf32, #tpu.memory_space<hbm>>
        %dma_wait3A_164 = arith.constant 0 : i32
        %dma_wait3A_165 = arith.constant 0 : i32
        %dma_wait3A_166 = tpu.memref_slice %arg2[%dma_wait3A_164, %dma_wait3A_165] : memref<10000x128xf32, #tpu.memory_space<hbm>> -> memref<128x128xf32, #tpu.memory_space<hbm>>
        tpu.wait_dma2 semaphore(%arg15 : memref<!tpu.dma_semaphore, #tpu.memory_space<semaphore_mem>>) src(%dma_wait3A_166 : memref<128x128xf32, #tpu.memory_space<hbm>>) dst(%arg11 : memref<128x128xf32, #tpu.memory_space<vmem>>)
        %eq3A_167 = arith.constant 0 : i32
        %eq3A_168 = arith.cmpi eq, %arg0, %eq3A_167 : i32
        %convert_element_type3A_169 = arith.extui %eq3A_168 : i1 to i32
        %cond3A_170 = arith.constant 0 : i32
        %cond3A_171 = arith.cmpi ne, %convert_element_type3A_169, %cond3A_170 : i32
        scf.if %cond3A_171 {
          %dma_start3A_185 = arith.constant 7 : i32
          %dma_start3A_186 = arith.constant 0 : i32
          %dma_start3A_187 = tpu.memref_slice %arg7[%dma_start3A_185, %dma_start3A_186] : memref<8x128xi32, #tpu.memory_space<vmem>> -> memref<1x128xi32, #tpu.memory_space<vmem>>
          %dma_start3A_188 = tpu.memref_squeeze %dma_start3A_187 : memref<1x128xi32, #tpu.memory_space<vmem>> -> memref<128xi32, #tpu.memory_space<vmem>>
          %dma_start3A_189 = arith.constant 0 : i32
          %dma_start3A_190 = arith.constant 0 : i32
          %dma_start3A_191 = tpu.memref_slice %arg2[%dma_start3A_189, %dma_start3A_190] : memref<10000x128xf32, #tpu.memory_space<hbm>> -> memref<10000x128xf32, #tpu.memory_space<hbm>>
          tpu.enqueue_indirect_dma source(%dma_start3A_191 : memref<10000x128xf32, #tpu.memory_space<hbm>>) target(%arg12 : memref<128x128xf32, #tpu.memory_space<vmem>>) offsets(%dma_start3A_188 : memref<128xi32, #tpu.memory_space<vmem>>) semaphore(%arg16 : memref<!tpu.dma_semaphore, #tpu.memory_space<semaphore_mem>>)
        } else {
        }
        %run_scoped3A_172 = arith.constant 6 : i32
        "tpu.region"() ({
          %run_scoped3A_185 = tpu.sem_alloc : memref<!tpu.dma_semaphore, #tpu.memory_space<semaphore_mem>>
          %dma_start3A_186 = arith.constant 0 : i32
          %dma_start3A_187 = tpu.memref_slice %arg9[%run_scoped3A_172, %dma_start3A_186] : memref<8x128xi32, #tpu.memory_space<vmem>> -> memref<1x128xi32, #tpu.memory_space<vmem>>
          %dma_start3A_188 = tpu.memref_squeeze %dma_start3A_187 : memref<1x128xi32, #tpu.memory_space<vmem>> -> memref<128xi32, #tpu.memory_space<vmem>>
          %dma_start3A_189 = arith.constant 0 : i32
          %dma_start3A_190 = arith.constant 0 : i32
          %dma_start3A_191 = tpu.memref_slice %arg17[%dma_start3A_189, %dma_start3A_190] : memref<10240x128xf32, #tpu.memory_space<vmem_shared>> -> memref<10240x128xf32, #tpu.memory_space<vmem_shared>>
          tpu.enqueue_indirect_dma source(%arg11 : memref<128x128xf32, #tpu.memory_space<vmem>>) target(%dma_start3A_191 : memref<10240x128xf32, #tpu.memory_space<vmem_shared>>) offsets(%dma_start3A_188 : memref<128xi32, #tpu.memory_space<vmem>>) semaphore(%run_scoped3A_185 : memref<!tpu.dma_semaphore, #tpu.memory_space<semaphore_mem>>) {add = true}
          %dma_wait3A_192 = arith.constant 0 : i32
          %dma_wait3A_193 = tpu.memref_slice %arg9[%run_scoped3A_172, %dma_wait3A_192] : memref<8x128xi32, #tpu.memory_space<vmem>> -> memref<1x128xi32, #tpu.memory_space<vmem>>
          %dma_wait3A_194 = tpu.memref_squeeze %dma_wait3A_193 : memref<1x128xi32, #tpu.memory_space<vmem>> -> memref<128xi32, #tpu.memory_space<vmem>>
          %dma_wait3A_195 = arith.constant 0 : i32
          %dma_wait3A_196 = arith.constant 0 : i32
          %dma_wait3A_197 = tpu.memref_slice %arg17[%dma_wait3A_195, %dma_wait3A_196] : memref<10240x128xf32, #tpu.memory_space<vmem_shared>> -> memref<10240x128xf32, #tpu.memory_space<vmem_shared>>
          tpu.wait_indirect_dma semaphore(%run_scoped3A_185 : memref<!tpu.dma_semaphore, #tpu.memory_space<semaphore_mem>>) src(%arg11 : memref<128x128xf32, #tpu.memory_space<vmem>>) dst(%dma_wait3A_197 : memref<10240x128xf32, #tpu.memory_space<vmem_shared>>)
          tpu.yield
        }) : () -> ()
        %ne3A_173 = arith.constant 0 : i32
        %ne3A_174 = arith.cmpi ne, %arg0, %ne3A_173 : i32
        %convert_element_type3A_175 = arith.extui %ne3A_174 : i1 to i32
        %cond3A_176 = arith.constant 0 : i32
        %cond3A_177 = arith.cmpi ne, %convert_element_type3A_175, %cond3A_176 : i32
        scf.if %cond3A_177 {
          %dma_start3A_185 = arith.constant 7 : i32
          %dma_start3A_186 = arith.constant 0 : i32
          %dma_start3A_187 = tpu.memref_slice %arg7[%dma_start3A_185, %dma_start3A_186] : memref<8x128xi32, #tpu.memory_space<vmem>> -> memref<1x128xi32, #tpu.memory_space<vmem>>
          %dma_start3A_188 = tpu.memref_squeeze %dma_start3A_187 : memref<1x128xi32, #tpu.memory_space<vmem>> -> memref<128xi32, #tpu.memory_space<vmem>>
          %dma_start3A_189 = arith.constant 0 : i32
          %dma_start3A_190 = arith.constant 0 : i32
          %dma_start3A_191 = tpu.memref_slice %arg2[%dma_start3A_189, %dma_start3A_190] : memref<10000x128xf32, #tpu.memory_space<hbm>> -> memref<10000x128xf32, #tpu.memory_space<hbm>>
          tpu.enqueue_indirect_dma source(%dma_start3A_191 : memref<10000x128xf32, #tpu.memory_space<hbm>>) target(%arg12 : memref<128x128xf32, #tpu.memory_space<vmem>>) offsets(%dma_start3A_188 : memref<128xi32, #tpu.memory_space<vmem>>) semaphore(%arg16 : memref<!tpu.dma_semaphore, #tpu.memory_space<semaphore_mem>>)
        } else {
        }
        %dma_wait3A_178 = arith.constant 0 : i32
        %dma_wait3A_179 = arith.constant 0 : i32
        %dma_wait3A_180 = tpu.memref_slice %arg2[%dma_wait3A_178, %dma_wait3A_179] : memref<10000x128xf32, #tpu.memory_space<hbm>> -> memref<128x128xf32, #tpu.memory_space<hbm>>
        %dma_wait3A_181 = arith.constant 0 : i32
        %dma_wait3A_182 = arith.constant 0 : i32
        %dma_wait3A_183 = tpu.memref_slice %arg2[%dma_wait3A_181, %dma_wait3A_182] : memref<10000x128xf32, #tpu.memory_space<hbm>> -> memref<128x128xf32, #tpu.memory_space<hbm>>
        tpu.wait_dma2 semaphore(%arg16 : memref<!tpu.dma_semaphore, #tpu.memory_space<semaphore_mem>>) src(%dma_wait3A_183 : memref<128x128xf32, #tpu.memory_space<hbm>>) dst(%arg12 : memref<128x128xf32, #tpu.memory_space<vmem>>)
        %run_scoped3A_184 = arith.constant 7 : i32
        "tpu.region"() ({
          %run_scoped3A_185 = tpu.sem_alloc : memref<!tpu.dma_semaphore, #tpu.memory_space<semaphore_mem>>
          %dma_start3A_186 = arith.constant 0 : i32
          %dma_start3A_187 = tpu.memref_slice %arg9[%run_scoped3A_184, %dma_start3A_186] : memref<8x128xi32, #tpu.memory_space<vmem>> -> memref<1x128xi32, #tpu.memory_space<vmem>>
          %dma_start3A_188 = tpu.memref_squeeze %dma_start3A_187 : memref<1x128xi32, #tpu.memory_space<vmem>> -> memref<128xi32, #tpu.memory_space<vmem>>
          %dma_start3A_189 = arith.constant 0 : i32
          %dma_start3A_190 = arith.constant 0 : i32
          %dma_start3A_191 = tpu.memref_slice %arg17[%dma_start3A_189, %dma_start3A_190] : memref<10240x128xf32, #tpu.memory_space<vmem_shared>> -> memref<10240x128xf32, #tpu.memory_space<vmem_shared>>
          tpu.enqueue_indirect_dma source(%arg12 : memref<128x128xf32, #tpu.memory_space<vmem>>) target(%dma_start3A_191 : memref<10240x128xf32, #tpu.memory_space<vmem_shared>>) offsets(%dma_start3A_188 : memref<128xi32, #tpu.memory_space<vmem>>) semaphore(%run_scoped3A_185 : memref<!tpu.dma_semaphore, #tpu.memory_space<semaphore_mem>>) {add = true}
          %dma_wait3A_192 = arith.constant 0 : i32
          %dma_wait3A_193 = tpu.memref_slice %arg9[%run_scoped3A_184, %dma_wait3A_192] : memref<8x128xi32, #tpu.memory_space<vmem>> -> memref<1x128xi32, #tpu.memory_space<vmem>>
          %dma_wait3A_194 = tpu.memref_squeeze %dma_wait3A_193 : memref<1x128xi32, #tpu.memory_space<vmem>> -> memref<128xi32, #tpu.memory_space<vmem>>
          %dma_wait3A_195 = arith.constant 0 : i32
          %dma_wait3A_196 = arith.constant 0 : i32
          %dma_wait3A_197 = tpu.memref_slice %arg17[%dma_wait3A_195, %dma_wait3A_196] : memref<10240x128xf32, #tpu.memory_space<vmem_shared>> -> memref<10240x128xf32, #tpu.memory_space<vmem_shared>>
          tpu.wait_indirect_dma semaphore(%run_scoped3A_185 : memref<!tpu.dma_semaphore, #tpu.memory_space<semaphore_mem>>) src(%arg12 : memref<128x128xf32, #tpu.memory_space<vmem>>) dst(%dma_wait3A_197 : memref<10240x128xf32, #tpu.memory_space<vmem_shared>>)
          tpu.yield
        }) : () -> ()
      } else {
      }
      %eq3A_31 = arith.constant 1 : i32
      %eq3A_32 = arith.cmpi eq, %rem3A_25, %eq3A_31 : i32
      %lt3A_33 = arith.cmpi slt, %scan3A_24, %select_n3A_9 : i32
      %and3A_34 = arith.andi %eq3A_32, %lt3A_33 : i1
      %convert_element_type3A_35 = arith.extui %and3A_34 : i1 to i32
      %cond3A_36 = arith.constant 0 : i32
      %cond3A_37 = arith.cmpi ne, %convert_element_type3A_35, %cond3A_36 : i32
      scf.if %cond3A_37 {
        %dma_wait3A = arith.constant 0 : i32
        %dma_wait3A_38 = arith.constant 0 : i32
        %dma_wait3A_39 = tpu.memref_slice %arg3[%dma_wait3A, %dma_wait3A_38] : memref<2560x128xi32, #tpu.memory_space<hbm>> -> memref<8x128xi32, #tpu.memory_space<hbm>>
        %dma_wait3A_40 = arith.constant 0 : i32
        %dma_wait3A_41 = arith.constant 0 : i32
        %dma_wait3A_42 = tpu.memref_slice %arg3[%dma_wait3A_40, %dma_wait3A_41] : memref<2560x128xi32, #tpu.memory_space<hbm>> -> memref<8x128xi32, #tpu.memory_space<hbm>>
        tpu.wait_dma2 semaphore(%arg14 : memref<!tpu.dma_semaphore, #tpu.memory_space<semaphore_mem>>) src(%dma_wait3A_42 : memref<8x128xi32, #tpu.memory_space<hbm>>) dst(%arg8 : memref<8x128xi32, #tpu.memory_space<vmem>>)
        %dma_wait3A_43 = arith.constant 0 : i32
        %dma_wait3A_44 = arith.constant 0 : i32
        %dma_wait3A_45 = tpu.memref_slice %arg3[%dma_wait3A_43, %dma_wait3A_44] : memref<2560x128xi32, #tpu.memory_space<hbm>> -> memref<8x128xi32, #tpu.memory_space<hbm>>
        %dma_wait3A_46 = arith.constant 0 : i32
        %dma_wait3A_47 = arith.constant 0 : i32
        %dma_wait3A_48 = tpu.memref_slice %arg3[%dma_wait3A_46, %dma_wait3A_47] : memref<2560x128xi32, #tpu.memory_space<hbm>> -> memref<8x128xi32, #tpu.memory_space<hbm>>
        tpu.wait_dma2 semaphore(%arg14 : memref<!tpu.dma_semaphore, #tpu.memory_space<semaphore_mem>>) src(%dma_wait3A_48 : memref<8x128xi32, #tpu.memory_space<hbm>>) dst(%arg10 : memref<8x128xi32, #tpu.memory_space<vmem>>)
        %add3A_49 = arith.constant 1 : i32
        %add3A_50 = arith.addi %scan3A_24, %add3A_49 : i32
        %lt3A_51 = arith.cmpi slt, %add3A_50, %select_n3A_9 : i32
        %convert_element_type3A_52 = arith.extui %lt3A_51 : i1 to i32
        %cond3A_53 = arith.constant 0 : i32
        %cond3A_54 = arith.cmpi ne, %convert_element_type3A_52, %cond3A_53 : i32
        scf.if %cond3A_54 {
          %add3A_185 = arith.constant 1 : i32
          %add3A_186 = arith.addi %scan3A_24, %add3A_185 : i32
          %mul3A_187 = arith.constant 8 : i32
          %mul3A_188 = arith.muli %add3A_186, %mul3A_187 : i32
          %add3A_189 = arith.addi %select_n3A, %mul3A_188 : i32
          %dma_start3A_190 = arith.constant 0 : i32
          %dma_start3A_191 = tpu.memref_slice %arg3[%add3A_189, %dma_start3A_190] : memref<2560x128xi32, #tpu.memory_space<hbm>> -> memref<8x128xi32, #tpu.memory_space<hbm>>
          %dma_start3A_192 = arith.constant 0 : i32
          %dma_start3A_193 = tpu.memref_slice %arg3[%add3A_189, %dma_start3A_192] : memref<2560x128xi32, #tpu.memory_space<hbm>> -> memref<8x128xi32, #tpu.memory_space<hbm>>
          tpu.enqueue_dma source(%dma_start3A_193 : memref<8x128xi32, #tpu.memory_space<hbm>>) target(%arg7 : memref<8x128xi32, #tpu.memory_space<vmem>>) target_semaphore(%arg13 : memref<!tpu.dma_semaphore, #tpu.memory_space<semaphore_mem>>)
          %mul3A_194 = arith.constant 8 : i32
          %mul3A_195 = arith.muli %add3A_186, %mul3A_194 : i32
          %add3A_196 = arith.addi %select_n3A, %mul3A_195 : i32
          %dma_start3A_197 = arith.constant 0 : i32
          %dma_start3A_198 = tpu.memref_slice %arg4[%add3A_196, %dma_start3A_197] : memref<2560x128xi32, #tpu.memory_space<hbm>> -> memref<8x128xi32, #tpu.memory_space<hbm>>
          %dma_start3A_199 = arith.constant 0 : i32
          %dma_start3A_200 = tpu.memref_slice %arg4[%add3A_196, %dma_start3A_199] : memref<2560x128xi32, #tpu.memory_space<hbm>> -> memref<8x128xi32, #tpu.memory_space<hbm>>
          tpu.enqueue_dma source(%dma_start3A_200 : memref<8x128xi32, #tpu.memory_space<hbm>>) target(%arg9 : memref<8x128xi32, #tpu.memory_space<vmem>>) target_semaphore(%arg13 : memref<!tpu.dma_semaphore, #tpu.memory_space<semaphore_mem>>)
        } else {
        }
        %dma_start3A = arith.constant 0 : i32
        %dma_start3A_55 = arith.constant 0 : i32
        %dma_start3A_56 = tpu.memref_slice %arg8[%dma_start3A, %dma_start3A_55] : memref<8x128xi32, #tpu.memory_space<vmem>> -> memref<1x128xi32, #tpu.memory_space<vmem>>
        %dma_start3A_57 = tpu.memref_squeeze %dma_start3A_56 : memref<1x128xi32, #tpu.memory_space<vmem>> -> memref<128xi32, #tpu.memory_space<vmem>>
        %dma_start3A_58 = arith.constant 0 : i32
        %dma_start3A_59 = arith.constant 0 : i32
        %dma_start3A_60 = tpu.memref_slice %arg2[%dma_start3A_58, %dma_start3A_59] : memref<10000x128xf32, #tpu.memory_space<hbm>> -> memref<10000x128xf32, #tpu.memory_space<hbm>>
        tpu.enqueue_indirect_dma source(%dma_start3A_60 : memref<10000x128xf32, #tpu.memory_space<hbm>>) target(%arg11 : memref<128x128xf32, #tpu.memory_space<vmem>>) offsets(%dma_start3A_57 : memref<128xi32, #tpu.memory_space<vmem>>) semaphore(%arg15 : memref<!tpu.dma_semaphore, #tpu.memory_space<semaphore_mem>>)
        %dma_wait3A_61 = arith.constant 0 : i32
        %dma_wait3A_62 = arith.constant 0 : i32
        %dma_wait3A_63 = tpu.memref_slice %arg2[%dma_wait3A_61, %dma_wait3A_62] : memref<10000x128xf32, #tpu.memory_space<hbm>> -> memref<128x128xf32, #tpu.memory_space<hbm>>
        %dma_wait3A_64 = arith.constant 0 : i32
        %dma_wait3A_65 = arith.constant 0 : i32
        %dma_wait3A_66 = tpu.memref_slice %arg2[%dma_wait3A_64, %dma_wait3A_65] : memref<10000x128xf32, #tpu.memory_space<hbm>> -> memref<128x128xf32, #tpu.memory_space<hbm>>
        tpu.wait_dma2 semaphore(%arg15 : memref<!tpu.dma_semaphore, #tpu.memory_space<semaphore_mem>>) src(%dma_wait3A_66 : memref<128x128xf32, #tpu.memory_space<hbm>>) dst(%arg11 : memref<128x128xf32, #tpu.memory_space<vmem>>)
        %eq3A_67 = arith.constant 0 : i32
        %eq3A_68 = arith.cmpi eq, %arg0, %eq3A_67 : i32
        %convert_element_type3A_69 = arith.extui %eq3A_68 : i1 to i32
        %cond3A_70 = arith.constant 0 : i32
        %cond3A_71 = arith.cmpi ne, %convert_element_type3A_69, %cond3A_70 : i32
        scf.if %cond3A_71 {
          %dma_start3A_185 = arith.constant 1 : i32
          %dma_start3A_186 = arith.constant 0 : i32
          %dma_start3A_187 = tpu.memref_slice %arg8[%dma_start3A_185, %dma_start3A_186] : memref<8x128xi32, #tpu.memory_space<vmem>> -> memref<1x128xi32, #tpu.memory_space<vmem>>
          %dma_start3A_188 = tpu.memref_squeeze %dma_start3A_187 : memref<1x128xi32, #tpu.memory_space<vmem>> -> memref<128xi32, #tpu.memory_space<vmem>>
          %dma_start3A_189 = arith.constant 0 : i32
          %dma_start3A_190 = arith.constant 0 : i32
          %dma_start3A_191 = tpu.memref_slice %arg2[%dma_start3A_189, %dma_start3A_190] : memref<10000x128xf32, #tpu.memory_space<hbm>> -> memref<10000x128xf32, #tpu.memory_space<hbm>>
          tpu.enqueue_indirect_dma source(%dma_start3A_191 : memref<10000x128xf32, #tpu.memory_space<hbm>>) target(%arg12 : memref<128x128xf32, #tpu.memory_space<vmem>>) offsets(%dma_start3A_188 : memref<128xi32, #tpu.memory_space<vmem>>) semaphore(%arg16 : memref<!tpu.dma_semaphore, #tpu.memory_space<semaphore_mem>>)
        } else {
        }
        %run_scoped3A = arith.constant 0 : i32
        "tpu.region"() ({
          %run_scoped3A_185 = tpu.sem_alloc : memref<!tpu.dma_semaphore, #tpu.memory_space<semaphore_mem>>
          %dma_start3A_186 = arith.constant 0 : i32
          %dma_start3A_187 = tpu.memref_slice %arg10[%run_scoped3A, %dma_start3A_186] : memref<8x128xi32, #tpu.memory_space<vmem>> -> memref<1x128xi32, #tpu.memory_space<vmem>>
          %dma_start3A_188 = tpu.memref_squeeze %dma_start3A_187 : memref<1x128xi32, #tpu.memory_space<vmem>> -> memref<128xi32, #tpu.memory_space<vmem>>
          %dma_start3A_189 = arith.constant 0 : i32
          %dma_start3A_190 = arith.constant 0 : i32
          %dma_start3A_191 = tpu.memref_slice %arg17[%dma_start3A_189, %dma_start3A_190] : memref<10240x128xf32, #tpu.memory_space<vmem_shared>> -> memref<10240x128xf32, #tpu.memory_space<vmem_shared>>
          tpu.enqueue_indirect_dma source(%arg11 : memref<128x128xf32, #tpu.memory_space<vmem>>) target(%dma_start3A_191 : memref<10240x128xf32, #tpu.memory_space<vmem_shared>>) offsets(%dma_start3A_188 : memref<128xi32, #tpu.memory_space<vmem>>) semaphore(%run_scoped3A_185 : memref<!tpu.dma_semaphore, #tpu.memory_space<semaphore_mem>>) {add = true}
          %dma_wait3A_192 = arith.constant 0 : i32
          %dma_wait3A_193 = tpu.memref_slice %arg10[%run_scoped3A, %dma_wait3A_192] : memref<8x128xi32, #tpu.memory_space<vmem>> -> memref<1x128xi32, #tpu.memory_space<vmem>>
          %dma_wait3A_194 = tpu.memref_squeeze %dma_wait3A_193 : memref<1x128xi32, #tpu.memory_space<vmem>> -> memref<128xi32, #tpu.memory_space<vmem>>
          %dma_wait3A_195 = arith.constant 0 : i32
          %dma_wait3A_196 = arith.constant 0 : i32
          %dma_wait3A_197 = tpu.memref_slice %arg17[%dma_wait3A_195, %dma_wait3A_196] : memref<10240x128xf32, #tpu.memory_space<vmem_shared>> -> memref<10240x128xf32, #tpu.memory_space<vmem_shared>>
          tpu.wait_indirect_dma semaphore(%run_scoped3A_185 : memref<!tpu.dma_semaphore, #tpu.memory_space<semaphore_mem>>) src(%arg11 : memref<128x128xf32, #tpu.memory_space<vmem>>) dst(%dma_wait3A_197 : memref<10240x128xf32, #tpu.memory_space<vmem_shared>>)
          tpu.yield
        }) : () -> ()
        %ne3A = arith.constant 0 : i32
        %ne3A_72 = arith.cmpi ne, %arg0, %ne3A : i32
        %convert_element_type3A_73 = arith.extui %ne3A_72 : i1 to i32
        %cond3A_74 = arith.constant 0 : i32
        %cond3A_75 = arith.cmpi ne, %convert_element_type3A_73, %cond3A_74 : i32
        scf.if %cond3A_75 {
          %dma_start3A_185 = arith.constant 1 : i32
          %dma_start3A_186 = arith.constant 0 : i32
          %dma_start3A_187 = tpu.memref_slice %arg8[%dma_start3A_185, %dma_start3A_186] : memref<8x128xi32, #tpu.memory_space<vmem>> -> memref<1x128xi32, #tpu.memory_space<vmem>>
          %dma_start3A_188 = tpu.memref_squeeze %dma_start3A_187 : memref<1x128xi32, #tpu.memory_space<vmem>> -> memref<128xi32, #tpu.memory_space<vmem>>
          %dma_start3A_189 = arith.constant 0 : i32
          %dma_start3A_190 = arith.constant 0 : i32
          %dma_start3A_191 = tpu.memref_slice %arg2[%dma_start3A_189, %dma_start3A_190] : memref<10000x128xf32, #tpu.memory_space<hbm>> -> memref<10000x128xf32, #tpu.memory_space<hbm>>
          tpu.enqueue_indirect_dma source(%dma_start3A_191 : memref<10000x128xf32, #tpu.memory_space<hbm>>) target(%arg12 : memref<128x128xf32, #tpu.memory_space<vmem>>) offsets(%dma_start3A_188 : memref<128xi32, #tpu.memory_space<vmem>>) semaphore(%arg16 : memref<!tpu.dma_semaphore, #tpu.memory_space<semaphore_mem>>)
        } else {
        }
        %dma_wait3A_76 = arith.constant 0 : i32
        %dma_wait3A_77 = arith.constant 0 : i32
        %dma_wait3A_78 = tpu.memref_slice %arg2[%dma_wait3A_76, %dma_wait3A_77] : memref<10000x128xf32, #tpu.memory_space<hbm>> -> memref<128x128xf32, #tpu.memory_space<hbm>>
        %dma_wait3A_79 = arith.constant 0 : i32
        %dma_wait3A_80 = arith.constant 0 : i32
        %dma_wait3A_81 = tpu.memref_slice %arg2[%dma_wait3A_79, %dma_wait3A_80] : memref<10000x128xf32, #tpu.memory_space<hbm>> -> memref<128x128xf32, #tpu.memory_space<hbm>>
        tpu.wait_dma2 semaphore(%arg16 : memref<!tpu.dma_semaphore, #tpu.memory_space<semaphore_mem>>) src(%dma_wait3A_81 : memref<128x128xf32, #tpu.memory_space<hbm>>) dst(%arg12 : memref<128x128xf32, #tpu.memory_space<vmem>>)
        %eq3A_82 = arith.constant 0 : i32
        %eq3A_83 = arith.cmpi eq, %arg0, %eq3A_82 : i32
        %convert_element_type3A_84 = arith.extui %eq3A_83 : i1 to i32
        %cond3A_85 = arith.constant 0 : i32
        %cond3A_86 = arith.cmpi ne, %convert_element_type3A_84, %cond3A_85 : i32
        scf.if %cond3A_86 {
          %dma_start3A_185 = arith.constant 2 : i32
          %dma_start3A_186 = arith.constant 0 : i32
          %dma_start3A_187 = tpu.memref_slice %arg8[%dma_start3A_185, %dma_start3A_186] : memref<8x128xi32, #tpu.memory_space<vmem>> -> memref<1x128xi32, #tpu.memory_space<vmem>>
          %dma_start3A_188 = tpu.memref_squeeze %dma_start3A_187 : memref<1x128xi32, #tpu.memory_space<vmem>> -> memref<128xi32, #tpu.memory_space<vmem>>
          %dma_start3A_189 = arith.constant 0 : i32
          %dma_start3A_190 = arith.constant 0 : i32
          %dma_start3A_191 = tpu.memref_slice %arg2[%dma_start3A_189, %dma_start3A_190] : memref<10000x128xf32, #tpu.memory_space<hbm>> -> memref<10000x128xf32, #tpu.memory_space<hbm>>
          tpu.enqueue_indirect_dma source(%dma_start3A_191 : memref<10000x128xf32, #tpu.memory_space<hbm>>) target(%arg11 : memref<128x128xf32, #tpu.memory_space<vmem>>) offsets(%dma_start3A_188 : memref<128xi32, #tpu.memory_space<vmem>>) semaphore(%arg15 : memref<!tpu.dma_semaphore, #tpu.memory_space<semaphore_mem>>)
        } else {
        }
        %run_scoped3A_87 = arith.constant 1 : i32
        "tpu.region"() ({
          %run_scoped3A_185 = tpu.sem_alloc : memref<!tpu.dma_semaphore, #tpu.memory_space<semaphore_mem>>
          %dma_start3A_186 = arith.constant 0 : i32
          %dma_start3A_187 = tpu.memref_slice %arg10[%run_scoped3A_87, %dma_start3A_186] : memref<8x128xi32, #tpu.memory_space<vmem>> -> memref<1x128xi32, #tpu.memory_space<vmem>>
          %dma_start3A_188 = tpu.memref_squeeze %dma_start3A_187 : memref<1x128xi32, #tpu.memory_space<vmem>> -> memref<128xi32, #tpu.memory_space<vmem>>
          %dma_start3A_189 = arith.constant 0 : i32
          %dma_start3A_190 = arith.constant 0 : i32
          %dma_start3A_191 = tpu.memref_slice %arg17[%dma_start3A_189, %dma_start3A_190] : memref<10240x128xf32, #tpu.memory_space<vmem_shared>> -> memref<10240x128xf32, #tpu.memory_space<vmem_shared>>
          tpu.enqueue_indirect_dma source(%arg12 : memref<128x128xf32, #tpu.memory_space<vmem>>) target(%dma_start3A_191 : memref<10240x128xf32, #tpu.memory_space<vmem_shared>>) offsets(%dma_start3A_188 : memref<128xi32, #tpu.memory_space<vmem>>) semaphore(%run_scoped3A_185 : memref<!tpu.dma_semaphore, #tpu.memory_space<semaphore_mem>>) {add = true}
          %dma_wait3A_192 = arith.constant 0 : i32
          %dma_wait3A_193 = tpu.memref_slice %arg10[%run_scoped3A_87, %dma_wait3A_192] : memref<8x128xi32, #tpu.memory_space<vmem>> -> memref<1x128xi32, #tpu.memory_space<vmem>>
          %dma_wait3A_194 = tpu.memref_squeeze %dma_wait3A_193 : memref<1x128xi32, #tpu.memory_space<vmem>> -> memref<128xi32, #tpu.memory_space<vmem>>
          %dma_wait3A_195 = arith.constant 0 : i32
          %dma_wait3A_196 = arith.constant 0 : i32
          %dma_wait3A_197 = tpu.memref_slice %arg17[%dma_wait3A_195, %dma_wait3A_196] : memref<10240x128xf32, #tpu.memory_space<vmem_shared>> -> memref<10240x128xf32, #tpu.memory_space<vmem_shared>>
          tpu.wait_indirect_dma semaphore(%run_scoped3A_185 : memref<!tpu.dma_semaphore, #tpu.memory_space<semaphore_mem>>) src(%arg12 : memref<128x128xf32, #tpu.memory_space<vmem>>) dst(%dma_wait3A_197 : memref<10240x128xf32, #tpu.memory_space<vmem_shared>>)
          tpu.yield
        }) : () -> ()
        %ne3A_88 = arith.constant 0 : i32
        %ne3A_89 = arith.cmpi ne, %arg0, %ne3A_88 : i32
        %convert_element_type3A_90 = arith.extui %ne3A_89 : i1 to i32
        %cond3A_91 = arith.constant 0 : i32
        %cond3A_92 = arith.cmpi ne, %convert_element_type3A_90, %cond3A_91 : i32
        scf.if %cond3A_92 {
          %dma_start3A_185 = arith.constant 2 : i32
          %dma_start3A_186 = arith.constant 0 : i32
          %dma_start3A_187 = tpu.memref_slice %arg8[%dma_start3A_185, %dma_start3A_186] : memref<8x128xi32, #tpu.memory_space<vmem>> -> memref<1x128xi32, #tpu.memory_space<vmem>>
          %dma_start3A_188 = tpu.memref_squeeze %dma_start3A_187 : memref<1x128xi32, #tpu.memory_space<vmem>> -> memref<128xi32, #tpu.memory_space<vmem>>
          %dma_start3A_189 = arith.constant 0 : i32
          %dma_start3A_190 = arith.constant 0 : i32
          %dma_start3A_191 = tpu.memref_slice %arg2[%dma_start3A_189, %dma_start3A_190] : memref<10000x128xf32, #tpu.memory_space<hbm>> -> memref<10000x128xf32, #tpu.memory_space<hbm>>
          tpu.enqueue_indirect_dma source(%dma_start3A_191 : memref<10000x128xf32, #tpu.memory_space<hbm>>) target(%arg11 : memref<128x128xf32, #tpu.memory_space<vmem>>) offsets(%dma_start3A_188 : memref<128xi32, #tpu.memory_space<vmem>>) semaphore(%arg15 : memref<!tpu.dma_semaphore, #tpu.memory_space<semaphore_mem>>)
        } else {
        }
        %dma_wait3A_93 = arith.constant 0 : i32
        %dma_wait3A_94 = arith.constant 0 : i32
        %dma_wait3A_95 = tpu.memref_slice %arg2[%dma_wait3A_93, %dma_wait3A_94] : memref<10000x128xf32, #tpu.memory_space<hbm>> -> memref<128x128xf32, #tpu.memory_space<hbm>>
        %dma_wait3A_96 = arith.constant 0 : i32
        %dma_wait3A_97 = arith.constant 0 : i32
        %dma_wait3A_98 = tpu.memref_slice %arg2[%dma_wait3A_96, %dma_wait3A_97] : memref<10000x128xf32, #tpu.memory_space<hbm>> -> memref<128x128xf32, #tpu.memory_space<hbm>>
        tpu.wait_dma2 semaphore(%arg15 : memref<!tpu.dma_semaphore, #tpu.memory_space<semaphore_mem>>) src(%dma_wait3A_98 : memref<128x128xf32, #tpu.memory_space<hbm>>) dst(%arg11 : memref<128x128xf32, #tpu.memory_space<vmem>>)
        %eq3A_99 = arith.constant 0 : i32
        %eq3A_100 = arith.cmpi eq, %arg0, %eq3A_99 : i32
        %convert_element_type3A_101 = arith.extui %eq3A_100 : i1 to i32
        %cond3A_102 = arith.constant 0 : i32
        %cond3A_103 = arith.cmpi ne, %convert_element_type3A_101, %cond3A_102 : i32
        scf.if %cond3A_103 {
          %dma_start3A_185 = arith.constant 3 : i32
          %dma_start3A_186 = arith.constant 0 : i32
          %dma_start3A_187 = tpu.memref_slice %arg8[%dma_start3A_185, %dma_start3A_186] : memref<8x128xi32, #tpu.memory_space<vmem>> -> memref<1x128xi32, #tpu.memory_space<vmem>>
          %dma_start3A_188 = tpu.memref_squeeze %dma_start3A_187 : memref<1x128xi32, #tpu.memory_space<vmem>> -> memref<128xi32, #tpu.memory_space<vmem>>
          %dma_start3A_189 = arith.constant 0 : i32
          %dma_start3A_190 = arith.constant 0 : i32
          %dma_start3A_191 = tpu.memref_slice %arg2[%dma_start3A_189, %dma_start3A_190] : memref<10000x128xf32, #tpu.memory_space<hbm>> -> memref<10000x128xf32, #tpu.memory_space<hbm>>
          tpu.enqueue_indirect_dma source(%dma_start3A_191 : memref<10000x128xf32, #tpu.memory_space<hbm>>) target(%arg12 : memref<128x128xf32, #tpu.memory_space<vmem>>) offsets(%dma_start3A_188 : memref<128xi32, #tpu.memory_space<vmem>>) semaphore(%arg16 : memref<!tpu.dma_semaphore, #tpu.memory_space<semaphore_mem>>)
        } else {
        }
        %run_scoped3A_104 = arith.constant 2 : i32
        "tpu.region"() ({
          %run_scoped3A_185 = tpu.sem_alloc : memref<!tpu.dma_semaphore, #tpu.memory_space<semaphore_mem>>
          %dma_start3A_186 = arith.constant 0 : i32
          %dma_start3A_187 = tpu.memref_slice %arg10[%run_scoped3A_104, %dma_start3A_186] : memref<8x128xi32, #tpu.memory_space<vmem>> -> memref<1x128xi32, #tpu.memory_space<vmem>>
          %dma_start3A_188 = tpu.memref_squeeze %dma_start3A_187 : memref<1x128xi32, #tpu.memory_space<vmem>> -> memref<128xi32, #tpu.memory_space<vmem>>
          %dma_start3A_189 = arith.constant 0 : i32
          %dma_start3A_190 = arith.constant 0 : i32
          %dma_start3A_191 = tpu.memref_slice %arg17[%dma_start3A_189, %dma_start3A_190] : memref<10240x128xf32, #tpu.memory_space<vmem_shared>> -> memref<10240x128xf32, #tpu.memory_space<vmem_shared>>
          tpu.enqueue_indirect_dma source(%arg11 : memref<128x128xf32, #tpu.memory_space<vmem>>) target(%dma_start3A_191 : memref<10240x128xf32, #tpu.memory_space<vmem_shared>>) offsets(%dma_start3A_188 : memref<128xi32, #tpu.memory_space<vmem>>) semaphore(%run_scoped3A_185 : memref<!tpu.dma_semaphore, #tpu.memory_space<semaphore_mem>>) {add = true}
          %dma_wait3A_192 = arith.constant 0 : i32
          %dma_wait3A_193 = tpu.memref_slice %arg10[%run_scoped3A_104, %dma_wait3A_192] : memref<8x128xi32, #tpu.memory_space<vmem>> -> memref<1x128xi32, #tpu.memory_space<vmem>>
          %dma_wait3A_194 = tpu.memref_squeeze %dma_wait3A_193 : memref<1x128xi32, #tpu.memory_space<vmem>> -> memref<128xi32, #tpu.memory_space<vmem>>
          %dma_wait3A_195 = arith.constant 0 : i32
          %dma_wait3A_196 = arith.constant 0 : i32
          %dma_wait3A_197 = tpu.memref_slice %arg17[%dma_wait3A_195, %dma_wait3A_196] : memref<10240x128xf32, #tpu.memory_space<vmem_shared>> -> memref<10240x128xf32, #tpu.memory_space<vmem_shared>>
          tpu.wait_indirect_dma semaphore(%run_scoped3A_185 : memref<!tpu.dma_semaphore, #tpu.memory_space<semaphore_mem>>) src(%arg11 : memref<128x128xf32, #tpu.memory_space<vmem>>) dst(%dma_wait3A_197 : memref<10240x128xf32, #tpu.memory_space<vmem_shared>>)
          tpu.yield
        }) : () -> ()
        %ne3A_105 = arith.constant 0 : i32
        %ne3A_106 = arith.cmpi ne, %arg0, %ne3A_105 : i32
        %convert_element_type3A_107 = arith.extui %ne3A_106 : i1 to i32
        %cond3A_108 = arith.constant 0 : i32
        %cond3A_109 = arith.cmpi ne, %convert_element_type3A_107, %cond3A_108 : i32
        scf.if %cond3A_109 {
          %dma_start3A_185 = arith.constant 3 : i32
          %dma_start3A_186 = arith.constant 0 : i32
          %dma_start3A_187 = tpu.memref_slice %arg8[%dma_start3A_185, %dma_start3A_186] : memref<8x128xi32, #tpu.memory_space<vmem>> -> memref<1x128xi32, #tpu.memory_space<vmem>>
          %dma_start3A_188 = tpu.memref_squeeze %dma_start3A_187 : memref<1x128xi32, #tpu.memory_space<vmem>> -> memref<128xi32, #tpu.memory_space<vmem>>
          %dma_start3A_189 = arith.constant 0 : i32
          %dma_start3A_190 = arith.constant 0 : i32
          %dma_start3A_191 = tpu.memref_slice %arg2[%dma_start3A_189, %dma_start3A_190] : memref<10000x128xf32, #tpu.memory_space<hbm>> -> memref<10000x128xf32, #tpu.memory_space<hbm>>
          tpu.enqueue_indirect_dma source(%dma_start3A_191 : memref<10000x128xf32, #tpu.memory_space<hbm>>) target(%arg12 : memref<128x128xf32, #tpu.memory_space<vmem>>) offsets(%dma_start3A_188 : memref<128xi32, #tpu.memory_space<vmem>>) semaphore(%arg16 : memref<!tpu.dma_semaphore, #tpu.memory_space<semaphore_mem>>)
        } else {
        }
        %dma_wait3A_110 = arith.constant 0 : i32
        %dma_wait3A_111 = arith.constant 0 : i32
        %dma_wait3A_112 = tpu.memref_slice %arg2[%dma_wait3A_110, %dma_wait3A_111] : memref<10000x128xf32, #tpu.memory_space<hbm>> -> memref<128x128xf32, #tpu.memory_space<hbm>>
        %dma_wait3A_113 = arith.constant 0 : i32
        %dma_wait3A_114 = arith.constant 0 : i32
        %dma_wait3A_115 = tpu.memref_slice %arg2[%dma_wait3A_113, %dma_wait3A_114] : memref<10000x128xf32, #tpu.memory_space<hbm>> -> memref<128x128xf32, #tpu.memory_space<hbm>>
        tpu.wait_dma2 semaphore(%arg16 : memref<!tpu.dma_semaphore, #tpu.memory_space<semaphore_mem>>) src(%dma_wait3A_115 : memref<128x128xf32, #tpu.memory_space<hbm>>) dst(%arg12 : memref<128x128xf32, #tpu.memory_space<vmem>>)
        %eq3A_116 = arith.constant 0 : i32
        %eq3A_117 = arith.cmpi eq, %arg0, %eq3A_116 : i32
        %convert_element_type3A_118 = arith.extui %eq3A_117 : i1 to i32
        %cond3A_119 = arith.constant 0 : i32
        %cond3A_120 = arith.cmpi ne, %convert_element_type3A_118, %cond3A_119 : i32
        scf.if %cond3A_120 {
          %dma_start3A_185 = arith.constant 4 : i32
          %dma_start3A_186 = arith.constant 0 : i32
          %dma_start3A_187 = tpu.memref_slice %arg8[%dma_start3A_185, %dma_start3A_186] : memref<8x128xi32, #tpu.memory_space<vmem>> -> memref<1x128xi32, #tpu.memory_space<vmem>>
          %dma_start3A_188 = tpu.memref_squeeze %dma_start3A_187 : memref<1x128xi32, #tpu.memory_space<vmem>> -> memref<128xi32, #tpu.memory_space<vmem>>
          %dma_start3A_189 = arith.constant 0 : i32
          %dma_start3A_190 = arith.constant 0 : i32
          %dma_start3A_191 = tpu.memref_slice %arg2[%dma_start3A_189, %dma_start3A_190] : memref<10000x128xf32, #tpu.memory_space<hbm>> -> memref<10000x128xf32, #tpu.memory_space<hbm>>
          tpu.enqueue_indirect_dma source(%dma_start3A_191 : memref<10000x128xf32, #tpu.memory_space<hbm>>) target(%arg11 : memref<128x128xf32, #tpu.memory_space<vmem>>) offsets(%dma_start3A_188 : memref<128xi32, #tpu.memory_space<vmem>>) semaphore(%arg15 : memref<!tpu.dma_semaphore, #tpu.memory_space<semaphore_mem>>)
        } else {
        }
        %run_scoped3A_121 = arith.constant 3 : i32
        "tpu.region"() ({
          %run_scoped3A_185 = tpu.sem_alloc : memref<!tpu.dma_semaphore, #tpu.memory_space<semaphore_mem>>
          %dma_start3A_186 = arith.constant 0 : i32
          %dma_start3A_187 = tpu.memref_slice %arg10[%run_scoped3A_121, %dma_start3A_186] : memref<8x128xi32, #tpu.memory_space<vmem>> -> memref<1x128xi32, #tpu.memory_space<vmem>>
          %dma_start3A_188 = tpu.memref_squeeze %dma_start3A_187 : memref<1x128xi32, #tpu.memory_space<vmem>> -> memref<128xi32, #tpu.memory_space<vmem>>
          %dma_start3A_189 = arith.constant 0 : i32
          %dma_start3A_190 = arith.constant 0 : i32
          %dma_start3A_191 = tpu.memref_slice %arg17[%dma_start3A_189, %dma_start3A_190] : memref<10240x128xf32, #tpu.memory_space<vmem_shared>> -> memref<10240x128xf32, #tpu.memory_space<vmem_shared>>
          tpu.enqueue_indirect_dma source(%arg12 : memref<128x128xf32, #tpu.memory_space<vmem>>) target(%dma_start3A_191 : memref<10240x128xf32, #tpu.memory_space<vmem_shared>>) offsets(%dma_start3A_188 : memref<128xi32, #tpu.memory_space<vmem>>) semaphore(%run_scoped3A_185 : memref<!tpu.dma_semaphore, #tpu.memory_space<semaphore_mem>>) {add = true}
          %dma_wait3A_192 = arith.constant 0 : i32
          %dma_wait3A_193 = tpu.memref_slice %arg10[%run_scoped3A_121, %dma_wait3A_192] : memref<8x128xi32, #tpu.memory_space<vmem>> -> memref<1x128xi32, #tpu.memory_space<vmem>>
          %dma_wait3A_194 = tpu.memref_squeeze %dma_wait3A_193 : memref<1x128xi32, #tpu.memory_space<vmem>> -> memref<128xi32, #tpu.memory_space<vmem>>
          %dma_wait3A_195 = arith.constant 0 : i32
          %dma_wait3A_196 = arith.constant 0 : i32
          %dma_wait3A_197 = tpu.memref_slice %arg17[%dma_wait3A_195, %dma_wait3A_196] : memref<10240x128xf32, #tpu.memory_space<vmem_shared>> -> memref<10240x128xf32, #tpu.memory_space<vmem_shared>>
          tpu.wait_indirect_dma semaphore(%run_scoped3A_185 : memref<!tpu.dma_semaphore, #tpu.memory_space<semaphore_mem>>) src(%arg12 : memref<128x128xf32, #tpu.memory_space<vmem>>) dst(%dma_wait3A_197 : memref<10240x128xf32, #tpu.memory_space<vmem_shared>>)
          tpu.yield
        }) : () -> ()
        %ne3A_122 = arith.constant 0 : i32
        %ne3A_123 = arith.cmpi ne, %arg0, %ne3A_122 : i32
        %convert_element_type3A_124 = arith.extui %ne3A_123 : i1 to i32
        %cond3A_125 = arith.constant 0 : i32
        %cond3A_126 = arith.cmpi ne, %convert_element_type3A_124, %cond3A_125 : i32
        scf.if %cond3A_126 {
          %dma_start3A_185 = arith.constant 4 : i32
          %dma_start3A_186 = arith.constant 0 : i32
          %dma_start3A_187 = tpu.memref_slice %arg8[%dma_start3A_185, %dma_start3A_186] : memref<8x128xi32, #tpu.memory_space<vmem>> -> memref<1x128xi32, #tpu.memory_space<vmem>>
          %dma_start3A_188 = tpu.memref_squeeze %dma_start3A_187 : memref<1x128xi32, #tpu.memory_space<vmem>> -> memref<128xi32, #tpu.memory_space<vmem>>
          %dma_start3A_189 = arith.constant 0 : i32
          %dma_start3A_190 = arith.constant 0 : i32
          %dma_start3A_191 = tpu.memref_slice %arg2[%dma_start3A_189, %dma_start3A_190] : memref<10000x128xf32, #tpu.memory_space<hbm>> -> memref<10000x128xf32, #tpu.memory_space<hbm>>
          tpu.enqueue_indirect_dma source(%dma_start3A_191 : memref<10000x128xf32, #tpu.memory_space<hbm>>) target(%arg11 : memref<128x128xf32, #tpu.memory_space<vmem>>) offsets(%dma_start3A_188 : memref<128xi32, #tpu.memory_space<vmem>>) semaphore(%arg15 : memref<!tpu.dma_semaphore, #tpu.memory_space<semaphore_mem>>)
        } else {
        }
        %dma_wait3A_127 = arith.constant 0 : i32
        %dma_wait3A_128 = arith.constant 0 : i32
        %dma_wait3A_129 = tpu.memref_slice %arg2[%dma_wait3A_127, %dma_wait3A_128] : memref<10000x128xf32, #tpu.memory_space<hbm>> -> memref<128x128xf32, #tpu.memory_space<hbm>>
        %dma_wait3A_130 = arith.constant 0 : i32
        %dma_wait3A_131 = arith.constant 0 : i32
        %dma_wait3A_132 = tpu.memref_slice %arg2[%dma_wait3A_130, %dma_wait3A_131] : memref<10000x128xf32, #tpu.memory_space<hbm>> -> memref<128x128xf32, #tpu.memory_space<hbm>>
        tpu.wait_dma2 semaphore(%arg15 : memref<!tpu.dma_semaphore, #tpu.memory_space<semaphore_mem>>) src(%dma_wait3A_132 : memref<128x128xf32, #tpu.memory_space<hbm>>) dst(%arg11 : memref<128x128xf32, #tpu.memory_space<vmem>>)
        %eq3A_133 = arith.constant 0 : i32
        %eq3A_134 = arith.cmpi eq, %arg0, %eq3A_133 : i32
        %convert_element_type3A_135 = arith.extui %eq3A_134 : i1 to i32
        %cond3A_136 = arith.constant 0 : i32
        %cond3A_137 = arith.cmpi ne, %convert_element_type3A_135, %cond3A_136 : i32
        scf.if %cond3A_137 {
          %dma_start3A_185 = arith.constant 5 : i32
          %dma_start3A_186 = arith.constant 0 : i32
          %dma_start3A_187 = tpu.memref_slice %arg8[%dma_start3A_185, %dma_start3A_186] : memref<8x128xi32, #tpu.memory_space<vmem>> -> memref<1x128xi32, #tpu.memory_space<vmem>>
          %dma_start3A_188 = tpu.memref_squeeze %dma_start3A_187 : memref<1x128xi32, #tpu.memory_space<vmem>> -> memref<128xi32, #tpu.memory_space<vmem>>
          %dma_start3A_189 = arith.constant 0 : i32
          %dma_start3A_190 = arith.constant 0 : i32
          %dma_start3A_191 = tpu.memref_slice %arg2[%dma_start3A_189, %dma_start3A_190] : memref<10000x128xf32, #tpu.memory_space<hbm>> -> memref<10000x128xf32, #tpu.memory_space<hbm>>
          tpu.enqueue_indirect_dma source(%dma_start3A_191 : memref<10000x128xf32, #tpu.memory_space<hbm>>) target(%arg12 : memref<128x128xf32, #tpu.memory_space<vmem>>) offsets(%dma_start3A_188 : memref<128xi32, #tpu.memory_space<vmem>>) semaphore(%arg16 : memref<!tpu.dma_semaphore, #tpu.memory_space<semaphore_mem>>)
        } else {
        }
        %run_scoped3A_138 = arith.constant 4 : i32
        "tpu.region"() ({
          %run_scoped3A_185 = tpu.sem_alloc : memref<!tpu.dma_semaphore, #tpu.memory_space<semaphore_mem>>
          %dma_start3A_186 = arith.constant 0 : i32
          %dma_start3A_187 = tpu.memref_slice %arg10[%run_scoped3A_138, %dma_start3A_186] : memref<8x128xi32, #tpu.memory_space<vmem>> -> memref<1x128xi32, #tpu.memory_space<vmem>>
          %dma_start3A_188 = tpu.memref_squeeze %dma_start3A_187 : memref<1x128xi32, #tpu.memory_space<vmem>> -> memref<128xi32, #tpu.memory_space<vmem>>
          %dma_start3A_189 = arith.constant 0 : i32
          %dma_start3A_190 = arith.constant 0 : i32
          %dma_start3A_191 = tpu.memref_slice %arg17[%dma_start3A_189, %dma_start3A_190] : memref<10240x128xf32, #tpu.memory_space<vmem_shared>> -> memref<10240x128xf32, #tpu.memory_space<vmem_shared>>
          tpu.enqueue_indirect_dma source(%arg11 : memref<128x128xf32, #tpu.memory_space<vmem>>) target(%dma_start3A_191 : memref<10240x128xf32, #tpu.memory_space<vmem_shared>>) offsets(%dma_start3A_188 : memref<128xi32, #tpu.memory_space<vmem>>) semaphore(%run_scoped3A_185 : memref<!tpu.dma_semaphore, #tpu.memory_space<semaphore_mem>>) {add = true}
          %dma_wait3A_192 = arith.constant 0 : i32
          %dma_wait3A_193 = tpu.memref_slice %arg10[%run_scoped3A_138, %dma_wait3A_192] : memref<8x128xi32, #tpu.memory_space<vmem>> -> memref<1x128xi32, #tpu.memory_space<vmem>>
          %dma_wait3A_194 = tpu.memref_squeeze %dma_wait3A_193 : memref<1x128xi32, #tpu.memory_space<vmem>> -> memref<128xi32, #tpu.memory_space<vmem>>
          %dma_wait3A_195 = arith.constant 0 : i32
          %dma_wait3A_196 = arith.constant 0 : i32
          %dma_wait3A_197 = tpu.memref_slice %arg17[%dma_wait3A_195, %dma_wait3A_196] : memref<10240x128xf32, #tpu.memory_space<vmem_shared>> -> memref<10240x128xf32, #tpu.memory_space<vmem_shared>>
          tpu.wait_indirect_dma semaphore(%run_scoped3A_185 : memref<!tpu.dma_semaphore, #tpu.memory_space<semaphore_mem>>) src(%arg11 : memref<128x128xf32, #tpu.memory_space<vmem>>) dst(%dma_wait3A_197 : memref<10240x128xf32, #tpu.memory_space<vmem_shared>>)
          tpu.yield
        }) : () -> ()
        %ne3A_139 = arith.constant 0 : i32
        %ne3A_140 = arith.cmpi ne, %arg0, %ne3A_139 : i32
        %convert_element_type3A_141 = arith.extui %ne3A_140 : i1 to i32
        %cond3A_142 = arith.constant 0 : i32
        %cond3A_143 = arith.cmpi ne, %convert_element_type3A_141, %cond3A_142 : i32
        scf.if %cond3A_143 {
          %dma_start3A_185 = arith.constant 5 : i32
          %dma_start3A_186 = arith.constant 0 : i32
          %dma_start3A_187 = tpu.memref_slice %arg8[%dma_start3A_185, %dma_start3A_186] : memref<8x128xi32, #tpu.memory_space<vmem>> -> memref<1x128xi32, #tpu.memory_space<vmem>>
          %dma_start3A_188 = tpu.memref_squeeze %dma_start3A_187 : memref<1x128xi32, #tpu.memory_space<vmem>> -> memref<128xi32, #tpu.memory_space<vmem>>
          %dma_start3A_189 = arith.constant 0 : i32
          %dma_start3A_190 = arith.constant 0 : i32
          %dma_start3A_191 = tpu.memref_slice %arg2[%dma_start3A_189, %dma_start3A_190] : memref<10000x128xf32, #tpu.memory_space<hbm>> -> memref<10000x128xf32, #tpu.memory_space<hbm>>
          tpu.enqueue_indirect_dma source(%dma_start3A_191 : memref<10000x128xf32, #tpu.memory_space<hbm>>) target(%arg12 : memref<128x128xf32, #tpu.memory_space<vmem>>) offsets(%dma_start3A_188 : memref<128xi32, #tpu.memory_space<vmem>>) semaphore(%arg16 : memref<!tpu.dma_semaphore, #tpu.memory_space<semaphore_mem>>)
        } else {
        }
        %dma_wait3A_144 = arith.constant 0 : i32
        %dma_wait3A_145 = arith.constant 0 : i32
        %dma_wait3A_146 = tpu.memref_slice %arg2[%dma_wait3A_144, %dma_wait3A_145] : memref<10000x128xf32, #tpu.memory_space<hbm>> -> memref<128x128xf32, #tpu.memory_space<hbm>>
        %dma_wait3A_147 = arith.constant 0 : i32
        %dma_wait3A_148 = arith.constant 0 : i32
        %dma_wait3A_149 = tpu.memref_slice %arg2[%dma_wait3A_147, %dma_wait3A_148] : memref<10000x128xf32, #tpu.memory_space<hbm>> -> memref<128x128xf32, #tpu.memory_space<hbm>>
        tpu.wait_dma2 semaphore(%arg16 : memref<!tpu.dma_semaphore, #tpu.memory_space<semaphore_mem>>) src(%dma_wait3A_149 : memref<128x128xf32, #tpu.memory_space<hbm>>) dst(%arg12 : memref<128x128xf32, #tpu.memory_space<vmem>>)
        %eq3A_150 = arith.constant 0 : i32
        %eq3A_151 = arith.cmpi eq, %arg0, %eq3A_150 : i32
        %convert_element_type3A_152 = arith.extui %eq3A_151 : i1 to i32
        %cond3A_153 = arith.constant 0 : i32
        %cond3A_154 = arith.cmpi ne, %convert_element_type3A_152, %cond3A_153 : i32
        scf.if %cond3A_154 {
          %dma_start3A_185 = arith.constant 6 : i32
          %dma_start3A_186 = arith.constant 0 : i32
          %dma_start3A_187 = tpu.memref_slice %arg8[%dma_start3A_185, %dma_start3A_186] : memref<8x128xi32, #tpu.memory_space<vmem>> -> memref<1x128xi32, #tpu.memory_space<vmem>>
          %dma_start3A_188 = tpu.memref_squeeze %dma_start3A_187 : memref<1x128xi32, #tpu.memory_space<vmem>> -> memref<128xi32, #tpu.memory_space<vmem>>
          %dma_start3A_189 = arith.constant 0 : i32
          %dma_start3A_190 = arith.constant 0 : i32
          %dma_start3A_191 = tpu.memref_slice %arg2[%dma_start3A_189, %dma_start3A_190] : memref<10000x128xf32, #tpu.memory_space<hbm>> -> memref<10000x128xf32, #tpu.memory_space<hbm>>
          tpu.enqueue_indirect_dma source(%dma_start3A_191 : memref<10000x128xf32, #tpu.memory_space<hbm>>) target(%arg11 : memref<128x128xf32, #tpu.memory_space<vmem>>) offsets(%dma_start3A_188 : memref<128xi32, #tpu.memory_space<vmem>>) semaphore(%arg15 : memref<!tpu.dma_semaphore, #tpu.memory_space<semaphore_mem>>)
        } else {
        }
        %run_scoped3A_155 = arith.constant 5 : i32
        "tpu.region"() ({
          %run_scoped3A_185 = tpu.sem_alloc : memref<!tpu.dma_semaphore, #tpu.memory_space<semaphore_mem>>
          %dma_start3A_186 = arith.constant 0 : i32
          %dma_start3A_187 = tpu.memref_slice %arg10[%run_scoped3A_155, %dma_start3A_186] : memref<8x128xi32, #tpu.memory_space<vmem>> -> memref<1x128xi32, #tpu.memory_space<vmem>>
          %dma_start3A_188 = tpu.memref_squeeze %dma_start3A_187 : memref<1x128xi32, #tpu.memory_space<vmem>> -> memref<128xi32, #tpu.memory_space<vmem>>
          %dma_start3A_189 = arith.constant 0 : i32
          %dma_start3A_190 = arith.constant 0 : i32
          %dma_start3A_191 = tpu.memref_slice %arg17[%dma_start3A_189, %dma_start3A_190] : memref<10240x128xf32, #tpu.memory_space<vmem_shared>> -> memref<10240x128xf32, #tpu.memory_space<vmem_shared>>
          tpu.enqueue_indirect_dma source(%arg12 : memref<128x128xf32, #tpu.memory_space<vmem>>) target(%dma_start3A_191 : memref<10240x128xf32, #tpu.memory_space<vmem_shared>>) offsets(%dma_start3A_188 : memref<128xi32, #tpu.memory_space<vmem>>) semaphore(%run_scoped3A_185 : memref<!tpu.dma_semaphore, #tpu.memory_space<semaphore_mem>>) {add = true}
          %dma_wait3A_192 = arith.constant 0 : i32
          %dma_wait3A_193 = tpu.memref_slice %arg10[%run_scoped3A_155, %dma_wait3A_192] : memref<8x128xi32, #tpu.memory_space<vmem>> -> memref<1x128xi32, #tpu.memory_space<vmem>>
          %dma_wait3A_194 = tpu.memref_squeeze %dma_wait3A_193 : memref<1x128xi32, #tpu.memory_space<vmem>> -> memref<128xi32, #tpu.memory_space<vmem>>
          %dma_wait3A_195 = arith.constant 0 : i32
          %dma_wait3A_196 = arith.constant 0 : i32
          %dma_wait3A_197 = tpu.memref_slice %arg17[%dma_wait3A_195, %dma_wait3A_196] : memref<10240x128xf32, #tpu.memory_space<vmem_shared>> -> memref<10240x128xf32, #tpu.memory_space<vmem_shared>>
          tpu.wait_indirect_dma semaphore(%run_scoped3A_185 : memref<!tpu.dma_semaphore, #tpu.memory_space<semaphore_mem>>) src(%arg12 : memref<128x128xf32, #tpu.memory_space<vmem>>) dst(%dma_wait3A_197 : memref<10240x128xf32, #tpu.memory_space<vmem_shared>>)
          tpu.yield
        }) : () -> ()
        %ne3A_156 = arith.constant 0 : i32
        %ne3A_157 = arith.cmpi ne, %arg0, %ne3A_156 : i32
        %convert_element_type3A_158 = arith.extui %ne3A_157 : i1 to i32
        %cond3A_159 = arith.constant 0 : i32
        %cond3A_160 = arith.cmpi ne, %convert_element_type3A_158, %cond3A_159 : i32
        scf.if %cond3A_160 {
          %dma_start3A_185 = arith.constant 6 : i32
          %dma_start3A_186 = arith.constant 0 : i32
          %dma_start3A_187 = tpu.memref_slice %arg8[%dma_start3A_185, %dma_start3A_186] : memref<8x128xi32, #tpu.memory_space<vmem>> -> memref<1x128xi32, #tpu.memory_space<vmem>>
          %dma_start3A_188 = tpu.memref_squeeze %dma_start3A_187 : memref<1x128xi32, #tpu.memory_space<vmem>> -> memref<128xi32, #tpu.memory_space<vmem>>
          %dma_start3A_189 = arith.constant 0 : i32
          %dma_start3A_190 = arith.constant 0 : i32
          %dma_start3A_191 = tpu.memref_slice %arg2[%dma_start3A_189, %dma_start3A_190] : memref<10000x128xf32, #tpu.memory_space<hbm>> -> memref<10000x128xf32, #tpu.memory_space<hbm>>
          tpu.enqueue_indirect_dma source(%dma_start3A_191 : memref<10000x128xf32, #tpu.memory_space<hbm>>) target(%arg11 : memref<128x128xf32, #tpu.memory_space<vmem>>) offsets(%dma_start3A_188 : memref<128xi32, #tpu.memory_space<vmem>>) semaphore(%arg15 : memref<!tpu.dma_semaphore, #tpu.memory_space<semaphore_mem>>)
        } else {
        }
        %dma_wait3A_161 = arith.constant 0 : i32
        %dma_wait3A_162 = arith.constant 0 : i32
        %dma_wait3A_163 = tpu.memref_slice %arg2[%dma_wait3A_161, %dma_wait3A_162] : memref<10000x128xf32, #tpu.memory_space<hbm>> -> memref<128x128xf32, #tpu.memory_space<hbm>>
        %dma_wait3A_164 = arith.constant 0 : i32
        %dma_wait3A_165 = arith.constant 0 : i32
        %dma_wait3A_166 = tpu.memref_slice %arg2[%dma_wait3A_164, %dma_wait3A_165] : memref<10000x128xf32, #tpu.memory_space<hbm>> -> memref<128x128xf32, #tpu.memory_space<hbm>>
        tpu.wait_dma2 semaphore(%arg15 : memref<!tpu.dma_semaphore, #tpu.memory_space<semaphore_mem>>) src(%dma_wait3A_166 : memref<128x128xf32, #tpu.memory_space<hbm>>) dst(%arg11 : memref<128x128xf32, #tpu.memory_space<vmem>>)
        %eq3A_167 = arith.constant 0 : i32
        %eq3A_168 = arith.cmpi eq, %arg0, %eq3A_167 : i32
        %convert_element_type3A_169 = arith.extui %eq3A_168 : i1 to i32
        %cond3A_170 = arith.constant 0 : i32
        %cond3A_171 = arith.cmpi ne, %convert_element_type3A_169, %cond3A_170 : i32
        scf.if %cond3A_171 {
          %dma_start3A_185 = arith.constant 7 : i32
          %dma_start3A_186 = arith.constant 0 : i32
          %dma_start3A_187 = tpu.memref_slice %arg8[%dma_start3A_185, %dma_start3A_186] : memref<8x128xi32, #tpu.memory_space<vmem>> -> memref<1x128xi32, #tpu.memory_space<vmem>>
          %dma_start3A_188 = tpu.memref_squeeze %dma_start3A_187 : memref<1x128xi32, #tpu.memory_space<vmem>> -> memref<128xi32, #tpu.memory_space<vmem>>
          %dma_start3A_189 = arith.constant 0 : i32
          %dma_start3A_190 = arith.constant 0 : i32
          %dma_start3A_191 = tpu.memref_slice %arg2[%dma_start3A_189, %dma_start3A_190] : memref<10000x128xf32, #tpu.memory_space<hbm>> -> memref<10000x128xf32, #tpu.memory_space<hbm>>
          tpu.enqueue_indirect_dma source(%dma_start3A_191 : memref<10000x128xf32, #tpu.memory_space<hbm>>) target(%arg12 : memref<128x128xf32, #tpu.memory_space<vmem>>) offsets(%dma_start3A_188 : memref<128xi32, #tpu.memory_space<vmem>>) semaphore(%arg16 : memref<!tpu.dma_semaphore, #tpu.memory_space<semaphore_mem>>)
        } else {
        }
        %run_scoped3A_172 = arith.constant 6 : i32
        "tpu.region"() ({
          %run_scoped3A_185 = tpu.sem_alloc : memref<!tpu.dma_semaphore, #tpu.memory_space<semaphore_mem>>
          %dma_start3A_186 = arith.constant 0 : i32
          %dma_start3A_187 = tpu.memref_slice %arg10[%run_scoped3A_172, %dma_start3A_186] : memref<8x128xi32, #tpu.memory_space<vmem>> -> memref<1x128xi32, #tpu.memory_space<vmem>>
          %dma_start3A_188 = tpu.memref_squeeze %dma_start3A_187 : memref<1x128xi32, #tpu.memory_space<vmem>> -> memref<128xi32, #tpu.memory_space<vmem>>
          %dma_start3A_189 = arith.constant 0 : i32
          %dma_start3A_190 = arith.constant 0 : i32
          %dma_start3A_191 = tpu.memref_slice %arg17[%dma_start3A_189, %dma_start3A_190] : memref<10240x128xf32, #tpu.memory_space<vmem_shared>> -> memref<10240x128xf32, #tpu.memory_space<vmem_shared>>
          tpu.enqueue_indirect_dma source(%arg11 : memref<128x128xf32, #tpu.memory_space<vmem>>) target(%dma_start3A_191 : memref<10240x128xf32, #tpu.memory_space<vmem_shared>>) offsets(%dma_start3A_188 : memref<128xi32, #tpu.memory_space<vmem>>) semaphore(%run_scoped3A_185 : memref<!tpu.dma_semaphore, #tpu.memory_space<semaphore_mem>>) {add = true}
          %dma_wait3A_192 = arith.constant 0 : i32
          %dma_wait3A_193 = tpu.memref_slice %arg10[%run_scoped3A_172, %dma_wait3A_192] : memref<8x128xi32, #tpu.memory_space<vmem>> -> memref<1x128xi32, #tpu.memory_space<vmem>>
          %dma_wait3A_194 = tpu.memref_squeeze %dma_wait3A_193 : memref<1x128xi32, #tpu.memory_space<vmem>> -> memref<128xi32, #tpu.memory_space<vmem>>
          %dma_wait3A_195 = arith.constant 0 : i32
          %dma_wait3A_196 = arith.constant 0 : i32
          %dma_wait3A_197 = tpu.memref_slice %arg17[%dma_wait3A_195, %dma_wait3A_196] : memref<10240x128xf32, #tpu.memory_space<vmem_shared>> -> memref<10240x128xf32, #tpu.memory_space<vmem_shared>>
          tpu.wait_indirect_dma semaphore(%run_scoped3A_185 : memref<!tpu.dma_semaphore, #tpu.memory_space<semaphore_mem>>) src(%arg11 : memref<128x128xf32, #tpu.memory_space<vmem>>) dst(%dma_wait3A_197 : memref<10240x128xf32, #tpu.memory_space<vmem_shared>>)
          tpu.yield
        }) : () -> ()
        %ne3A_173 = arith.constant 0 : i32
        %ne3A_174 = arith.cmpi ne, %arg0, %ne3A_173 : i32
        %convert_element_type3A_175 = arith.extui %ne3A_174 : i1 to i32
        %cond3A_176 = arith.constant 0 : i32
        %cond3A_177 = arith.cmpi ne, %convert_element_type3A_175, %cond3A_176 : i32
        scf.if %cond3A_177 {
          %dma_start3A_185 = arith.constant 7 : i32
          %dma_start3A_186 = arith.constant 0 : i32
          %dma_start3A_187 = tpu.memref_slice %arg8[%dma_start3A_185, %dma_start3A_186] : memref<8x128xi32, #tpu.memory_space<vmem>> -> memref<1x128xi32, #tpu.memory_space<vmem>>
          %dma_start3A_188 = tpu.memref_squeeze %dma_start3A_187 : memref<1x128xi32, #tpu.memory_space<vmem>> -> memref<128xi32, #tpu.memory_space<vmem>>
          %dma_start3A_189 = arith.constant 0 : i32
          %dma_start3A_190 = arith.constant 0 : i32
          %dma_start3A_191 = tpu.memref_slice %arg2[%dma_start3A_189, %dma_start3A_190] : memref<10000x128xf32, #tpu.memory_space<hbm>> -> memref<10000x128xf32, #tpu.memory_space<hbm>>
          tpu.enqueue_indirect_dma source(%dma_start3A_191 : memref<10000x128xf32, #tpu.memory_space<hbm>>) target(%arg12 : memref<128x128xf32, #tpu.memory_space<vmem>>) offsets(%dma_start3A_188 : memref<128xi32, #tpu.memory_space<vmem>>) semaphore(%arg16 : memref<!tpu.dma_semaphore, #tpu.memory_space<semaphore_mem>>)
        } else {
        }
        %dma_wait3A_178 = arith.constant 0 : i32
        %dma_wait3A_179 = arith.constant 0 : i32
        %dma_wait3A_180 = tpu.memref_slice %arg2[%dma_wait3A_178, %dma_wait3A_179] : memref<10000x128xf32, #tpu.memory_space<hbm>> -> memref<128x128xf32, #tpu.memory_space<hbm>>
        %dma_wait3A_181 = arith.constant 0 : i32
        %dma_wait3A_182 = arith.constant 0 : i32
        %dma_wait3A_183 = tpu.memref_slice %arg2[%dma_wait3A_181, %dma_wait3A_182] : memref<10000x128xf32, #tpu.memory_space<hbm>> -> memref<128x128xf32, #tpu.memory_space<hbm>>
        tpu.wait_dma2 semaphore(%arg16 : memref<!tpu.dma_semaphore, #tpu.memory_space<semaphore_mem>>) src(%dma_wait3A_183 : memref<128x128xf32, #tpu.memory_space<hbm>>) dst(%arg12 : memref<128x128xf32, #tpu.memory_space<vmem>>)
        %run_scoped3A_184 = arith.constant 7 : i32
        "tpu.region"() ({
          %run_scoped3A_185 = tpu.sem_alloc : memref<!tpu.dma_semaphore, #tpu.memory_space<semaphore_mem>>
          %dma_start3A_186 = arith.constant 0 : i32
          %dma_start3A_187 = tpu.memref_slice %arg10[%run_scoped3A_184, %dma_start3A_186] : memref<8x128xi32, #tpu.memory_space<vmem>> -> memref<1x128xi32, #tpu.memory_space<vmem>>
          %dma_start3A_188 = tpu.memref_squeeze %dma_start3A_187 : memref<1x128xi32, #tpu.memory_space<vmem>> -> memref<128xi32, #tpu.memory_space<vmem>>
          %dma_start3A_189 = arith.constant 0 : i32
          %dma_start3A_190 = arith.constant 0 : i32
          %dma_start3A_191 = tpu.memref_slice %arg17[%dma_start3A_189, %dma_start3A_190] : memref<10240x128xf32, #tpu.memory_space<vmem_shared>> -> memref<10240x128xf32, #tpu.memory_space<vmem_shared>>
          tpu.enqueue_indirect_dma source(%arg12 : memref<128x128xf32, #tpu.memory_space<vmem>>) target(%dma_start3A_191 : memref<10240x128xf32, #tpu.memory_space<vmem_shared>>) offsets(%dma_start3A_188 : memref<128xi32, #tpu.memory_space<vmem>>) semaphore(%run_scoped3A_185 : memref<!tpu.dma_semaphore, #tpu.memory_space<semaphore_mem>>) {add = true}
          %dma_wait3A_192 = arith.constant 0 : i32
          %dma_wait3A_193 = tpu.memref_slice %arg10[%run_scoped3A_184, %dma_wait3A_192] : memref<8x128xi32, #tpu.memory_space<vmem>> -> memref<1x128xi32, #tpu.memory_space<vmem>>
          %dma_wait3A_194 = tpu.memref_squeeze %dma_wait3A_193 : memref<1x128xi32, #tpu.memory_space<vmem>> -> memref<128xi32, #tpu.memory_space<vmem>>
          %dma_wait3A_195 = arith.constant 0 : i32
          %dma_wait3A_196 = arith.constant 0 : i32
          %dma_wait3A_197 = tpu.memref_slice %arg17[%dma_wait3A_195, %dma_wait3A_196] : memref<10240x128xf32, #tpu.memory_space<vmem_shared>> -> memref<10240x128xf32, #tpu.memory_space<vmem_shared>>
          tpu.wait_indirect_dma semaphore(%run_scoped3A_185 : memref<!tpu.dma_semaphore, #tpu.memory_space<semaphore_mem>>) src(%arg12 : memref<128x128xf32, #tpu.memory_space<vmem>>) dst(%dma_wait3A_197 : memref<10240x128xf32, #tpu.memory_space<vmem_shared>>)
          tpu.yield
        }) : () -> ()
      } else {
      }
    }
    %scan3A_18 = arith.constant 17 : i32
    %barrier3A_19 = arith.constant 0 : index
    tpu.barrier barrier_id(%barrier3A_19)
    %mul3A_20 = arith.constant 640 : i32
    %mul3A_21 = arith.muli %arg1, %mul3A_20 : i32
    %mul3A_22 = arith.constant 640 : i32
    %mul3A_23 = arith.muli %arg1, %mul3A_22 : i32
    "tpu.region"() ({
      %run_scoped3A = tpu.sem_alloc : memref<!tpu.dma_semaphore, #tpu.memory_space<semaphore_mem>>
      %dma_start3A = arith.constant 0 : i32
      %dma_start3A_24 = tpu.memref_slice %arg6[%arg0, %mul3A_23, %dma_start3A] : memref<2x10240x128xf32, #tpu.memory_space<hbm>> -> memref<1x640x128xf32, #tpu.memory_space<hbm>>
      %dma_start3A_25 = tpu.memref_squeeze %dma_start3A_24 : memref<1x640x128xf32, #tpu.memory_space<hbm>> -> memref<640x128xf32, #tpu.memory_space<hbm>>
      %dma_start3A_26 = arith.constant 0 : i32
      %dma_start3A_27 = tpu.memref_slice %arg17[%mul3A_21, %dma_start3A_26] : memref<10240x128xf32, #tpu.memory_space<vmem_shared>> -> memref<640x128xf32, #tpu.memory_space<vmem_shared>>
      tpu.enqueue_dma source(%dma_start3A_27 : memref<640x128xf32, #tpu.memory_space<vmem_shared>>) target(%dma_start3A_25 : memref<640x128xf32, #tpu.memory_space<hbm>>) target_semaphore(%run_scoped3A : memref<!tpu.dma_semaphore, #tpu.memory_space<semaphore_mem>>)
      %dma_wait3A = arith.constant 0 : i32
      %dma_wait3A_28 = tpu.memref_slice %arg6[%arg0, %mul3A_23, %dma_wait3A] : memref<2x10240x128xf32, #tpu.memory_space<hbm>> -> memref<1x640x128xf32, #tpu.memory_space<hbm>>
      %dma_wait3A_29 = tpu.memref_squeeze %dma_wait3A_28 : memref<1x640x128xf32, #tpu.memory_space<hbm>> -> memref<640x128xf32, #tpu.memory_space<hbm>>
      %dma_wait3A_30 = arith.constant 0 : i32
      %dma_wait3A_31 = tpu.memref_slice %arg17[%mul3A_21, %dma_wait3A_30] : memref<10240x128xf32, #tpu.memory_space<vmem_shared>> -> memref<640x128xf32, #tpu.memory_space<vmem_shared>>
      tpu.wait_dma2 semaphore(%run_scoped3A : memref<!tpu.dma_semaphore, #tpu.memory_space<semaphore_mem>>) src(%dma_wait3A_31 : memref<640x128xf32, #tpu.memory_space<vmem_shared>>) dst(%dma_wait3A_29 : memref<640x128xf32, #tpu.memory_space<hbm>>)
      tpu.yield
    }) : () -> ()
    return
  }
}

module attributes {stable_mosaic.version = 14 : i64} {
  func.func @_prep_body(%arg0: i32, %arg1: memref<1000x128xf32, #tpu.memory_space<vmem>>, %arg2: memref<1000x128xf32, #tpu.memory_space<vmem>>, %arg3: memref<1000x128xf32, #tpu.memory_space<vmem>>, %arg4: memref<1000x128xf32, #tpu.memory_space<vmem>>, %arg5: memref<1000x1xf32, #tpu.memory_space<vmem>>) attributes {dimension_semantics = [#tpu.dimension_semantics<arbitrary>], iteration_bounds = array<i64: 10>, scalar_prefetch = 0 : i64, scratch_operands = 0 : i64, tpu.core_type = #tpu.core_type<tc>, window_params = [{transform_indices = @transform_0, window_bounds = array<i64: 1000, 128>}, {transform_indices = @transform_1, window_bounds = array<i64: 1000, 128>}, {transform_indices = @transform_2, window_bounds = array<i64: 1000, 128>}, {transform_indices = @transform_3, window_bounds = array<i64: 1000, 128>}, {transform_indices = @transform_4, window_bounds = array<i64: 1000, 1>}]} {
    %get3A = arith.constant 0 : index
    %get3A_0 = arith.constant 0 : index
    %get3A_1 = vector.load %arg2[%get3A, %get3A_0] : memref<1000x128xf32, #tpu.memory_space<vmem>>, vector<1000x1xf32>
    %get3A_2 = arith.constant 0 : index
    %get3A_3 = arith.constant 0 : index
    %get3A_4 = vector.load %arg3[%get3A_2, %get3A_3] : memref<1000x128xf32, #tpu.memory_space<vmem>>, vector<1000x1xf32>
    %add3A = arith.addf %get3A_1, %get3A_4 : vector<1000x1xf32>
    %add3A_5 = arith.constant 1.000000e+00 : f32
    %add3A_6 = vector.broadcast %add3A_5 : f32 to vector<1000x1xf32>
    %add3A_7 = arith.addf %add3A, %add3A_6 : vector<1000x1xf32>
    %rsqrt3A = math.rsqrt %add3A_7 : vector<1000x1xf32>
    %swap3A = arith.constant 0 : index
    %swap3A_8 = arith.constant 0 : index
    %swap3A_9 = vector.load %arg5[%swap3A, %swap3A_8] : memref<1000x1xf32, #tpu.memory_space<vmem>>, vector<1000x1xf32>
    tpu.vector_store %arg5[%swap3A, %swap3A_8], %rsqrt3A {strides = array<i32>} : memref<1000x1xf32, #tpu.memory_space<vmem>>, vector<1000x1xf32>,
    %get3A_10 = arith.constant 0 : index
    %get3A_11 = arith.constant 0 : index
    %get3A_12 = vector.load %arg1[%get3A_10, %get3A_11] : memref<1000x128xf32, #tpu.memory_space<vmem>>, vector<1000x128xf32>
    %mul3A = vector.broadcast %rsqrt3A : vector<1000x1xf32> to vector<1000x128xf32>
    %mul3A_13 = arith.mulf %get3A_12, %mul3A : vector<1000x128xf32>
    %swap3A_14 = arith.constant 0 : index
    %swap3A_15 = arith.constant 0 : index
    %swap3A_16 = vector.load %arg4[%swap3A_14, %swap3A_15] : memref<1000x128xf32, #tpu.memory_space<vmem>>, vector<1000x128xf32>
    tpu.vector_store %arg4[%swap3A_14, %swap3A_15], %mul3A_13 {strides = array<i32>} : memref<1000x128xf32, #tpu.memory_space<vmem>>, vector<1000x128xf32>,
    return
  }
  func.func @transform_0(%arg0: i32) -> (i32, i32) {
    %c0_i32 = arith.constant 0 : i32
    %c0_i32_0 = arith.constant 0 : i32
    return %arg0, %c0_i32 : i32, i32
  }
  func.func @transform_1(%arg0: i32) -> (i32, i32) {
    %c0_i32 = arith.constant 0 : i32
    %c0_i32_0 = arith.constant 0 : i32
    return %arg0, %c0_i32 : i32, i32
  }
  func.func @transform_2(%arg0: i32) -> (i32, i32) {
    %c0_i32 = arith.constant 0 : i32
    %c0_i32_0 = arith.constant 0 : i32
    return %arg0, %c0_i32 : i32, i32
  }
  func.func @transform_3(%arg0: i32) -> (i32, i32) {
    %c0_i32 = arith.constant 0 : i32
    %c0_i32_0 = arith.constant 0 : i32
    return %arg0, %c0_i32 : i32, i32
  }
  func.func @transform_4(%arg0: i32) -> (i32, i32) {
    %c0_i32 = arith.constant 0 : i32
    %c0_i32_0 = arith.constant 0 : i32
    return %arg0, %c0_i32 : i32, i32
  }
}

module attributes {stable_mosaic.version = 14 : i64} {
  func.func @_layer1_body(%arg0: i32, %arg1: memref<400x128xf32, #tpu.memory_space<vmem>>, %arg2: memref<400x128xf32, #tpu.memory_space<vmem>>, %arg3: memref<400x128xf32, #tpu.memory_space<vmem>>, %arg4: memref<400x1xf32, #tpu.memory_space<vmem>>, %arg5: memref<128x256xf32, #tpu.memory_space<vmem>>, %arg6: memref<1x256xf32, #tpu.memory_space<vmem>>, %arg7: memref<400x128xf32, #tpu.memory_space<vmem>>, %arg8: memref<400x128xf32, #tpu.memory_space<vmem>>) attributes {dimension_semantics = [#tpu.dimension_semantics<arbitrary>], iteration_bounds = array<i64: 25>, scalar_prefetch = 0 : i64, scratch_operands = 0 : i64, tpu.core_type = #tpu.core_type<tc>, window_params = [{transform_indices = @transform_0, window_bounds = array<i64: 400, 128>}, {transform_indices = @transform_1, window_bounds = array<i64: 400, 128>}, {transform_indices = @transform_2, window_bounds = array<i64: 400, 128>}, {transform_indices = @transform_3, window_bounds = array<i64: 400, 1>}, {pipeline_mode = #tpu.pipeline_mode<synchronous>, transform_indices = @transform_4, window_bounds = array<i64: 128, 256>}, {pipeline_mode = #tpu.pipeline_mode<synchronous>, transform_indices = @transform_5, window_bounds = array<i64: 1, 256>}, {transform_indices = @transform_6, window_bounds = array<i64: 400, 128>}, {transform_indices = @transform_7, window_bounds = array<i64: 400, 128>}]} {
    %get3A = arith.constant 0 : index
    %get3A_0 = arith.constant 0 : index
    %get3A_1 = vector.load %arg4[%get3A, %get3A_0] : memref<400x1xf32, #tpu.memory_space<vmem>>, vector<400x1xf32>
    %get3A_2 = arith.constant 0 : index
    %get3A_3 = arith.constant 0 : index
    %get3A_4 = vector.load %arg1[%get3A_2, %get3A_3] : memref<400x128xf32, #tpu.memory_space<vmem>>, vector<400x128xf32>
    %get3A_5 = arith.constant 0 : index
    %get3A_6 = arith.constant 0 : index
    %get3A_7 = vector.load %arg2[%get3A_5, %get3A_6] : memref<400x128xf32, #tpu.memory_space<vmem>>, vector<400x128xf32>
    %add3A = arith.addf %get3A_4, %get3A_7 : vector<400x128xf32>
    %get3A_8 = arith.constant 0 : index
    %get3A_9 = arith.constant 0 : index
    %get3A_10 = vector.load %arg3[%get3A_8, %get3A_9] : memref<400x128xf32, #tpu.memory_space<vmem>>, vector<400x128xf32>
    %add3A_11 = arith.addf %add3A, %get3A_10 : vector<400x128xf32>
    %mul3A = vector.broadcast %get3A_1 : vector<400x1xf32> to vector<400x128xf32>
    %mul3A_12 = arith.mulf %add3A_11, %mul3A : vector<400x128xf32>
    %get3A_13 = arith.constant 0 : index
    %get3A_14 = arith.constant 0 : index
    %get3A_15 = vector.load %arg5[%get3A_13, %get3A_14] : memref<128x256xf32, #tpu.memory_space<vmem>>, vector<128x256xf32>
    %dot_general3A = arith.constant dense<0.000000e+00> : vector<400x256xf32>
    %dot_general3A_16 = tpu.matmul %mul3A_12, %get3A_15, %dot_general3A {dimension_numbers = #tpu.dot_dimension_numbers<[1], [0], [0], [1], [0, 0, 1, 1], [], []>, transpose_lhs_hint = false} : vector<400x128xf32>, vector<128x256xf32>, vector<400x256xf32> -> vector<400x256xf32>
    %get3A_17 = arith.constant 0 : index
    %get3A_18 = arith.constant 0 : index
    %get3A_19 = vector.load %arg6[%get3A_17, %get3A_18] : memref<1x256xf32, #tpu.memory_space<vmem>>, vector<1x256xf32>
    %add3A_20 = vector.broadcast %get3A_19 : vector<1x256xf32> to vector<400x256xf32>
    %add3A_21 = arith.addf %dot_general3A_16, %add3A_20 : vector<400x256xf32>
    %max3A = arith.constant 0.000000e+00 : f32
    %max3A_22 = vector.broadcast %max3A : f32 to vector<400x256xf32>
    %max3A_23 = arith.maximumf %add3A_21, %max3A_22 : vector<400x256xf32>
    %mul3A_24 = vector.broadcast %get3A_1 : vector<400x1xf32> to vector<400x256xf32>
    %mul3A_25 = arith.mulf %max3A_23, %mul3A_24 : vector<400x256xf32>
    %slice3A = vector.extract_strided_slice %mul3A_25 {offsets = [0, 0], sizes = [400, 128], strides = [1, 1]} : vector<400x256xf32> to vector<400x128xf32>
    %swap3A = arith.constant 0 : index
    %swap3A_26 = arith.constant 0 : index
    %swap3A_27 = vector.load %arg7[%swap3A, %swap3A_26] : memref<400x128xf32, #tpu.memory_space<vmem>>, vector<400x128xf32>
    tpu.vector_store %arg7[%swap3A, %swap3A_26], %slice3A {strides = array<i32>} : memref<400x128xf32, #tpu.memory_space<vmem>>, vector<400x128xf32>,
    %slice3A_28 = vector.extract_strided_slice %mul3A_25 {offsets = [0, 128], sizes = [400, 128], strides = [1, 1]} : vector<400x256xf32> to vector<400x128xf32>
    %swap3A_29 = arith.constant 0 : index
    %swap3A_30 = arith.constant 0 : index
    %swap3A_31 = vector.load %arg8[%swap3A_29, %swap3A_30] : memref<400x128xf32, #tpu.memory_space<vmem>>, vector<400x128xf32>
    tpu.vector_store %arg8[%swap3A_29, %swap3A_30], %slice3A_28 {strides = array<i32>} : memref<400x128xf32, #tpu.memory_space<vmem>>, vector<400x128xf32>,
    return
  }
  func.func @transform_0(%arg0: i32) -> (i32, i32) {
    %c0_i32 = arith.constant 0 : i32
    %c0_i32_0 = arith.constant 0 : i32
    return %arg0, %c0_i32 : i32, i32
  }
  func.func @transform_1(%arg0: i32) -> (i32, i32) {
    %c0_i32 = arith.constant 0 : i32
    %c0_i32_0 = arith.constant 0 : i32
    return %arg0, %c0_i32 : i32, i32
  }
  func.func @transform_2(%arg0: i32) -> (i32, i32) {
    %c0_i32 = arith.constant 0 : i32
    %c0_i32_0 = arith.constant 0 : i32
    return %arg0, %c0_i32 : i32, i32
  }
  func.func @transform_3(%arg0: i32) -> (i32, i32) {
    %c0_i32 = arith.constant 0 : i32
    %c0_i32_0 = arith.constant 0 : i32
    return %arg0, %c0_i32 : i32, i32
  }
  func.func @transform_4(%arg0: i32) -> (i32, i32) {
    %c0_i32 = arith.constant 0 : i32
    %c0_i32_0 = arith.constant 0 : i32
    %c0_i32_1 = arith.constant 0 : i32
    return %c0_i32, %c0_i32_0 : i32, i32
  }
  func.func @transform_5(%arg0: i32) -> (i32, i32) {
    %c0_i32 = arith.constant 0 : i32
    %c0_i32_0 = arith.constant 0 : i32
    %c0_i32_1 = arith.constant 0 : i32
    return %c0_i32, %c0_i32_0 : i32, i32
  }
  func.func @transform_6(%arg0: i32) -> (i32, i32) {
    %c0_i32 = arith.constant 0 : i32
    %c0_i32_0 = arith.constant 0 : i32
    return %arg0, %c0_i32 : i32, i32
  }
  func.func @transform_7(%arg0: i32) -> (i32, i32) {
    %c0_i32 = arith.constant 0 : i32
    %c0_i32_0 = arith.constant 0 : i32
    return %arg0, %c0_i32 : i32, i32
  }
}

module attributes {stable_mosaic.version = 14 : i64} {
  func.func @_layer2_pool_body(%arg0: i32, %arg1: memref<2x25xi32, #tpu.memory_space<smem>>, %arg2: memref<400x128xf32, #tpu.memory_space<vmem>>, %arg3: memref<400x128xf32, #tpu.memory_space<vmem>>, %arg4: memref<400x128xf32, #tpu.memory_space<vmem>>, %arg5: memref<400x128xf32, #tpu.memory_space<vmem>>, %arg6: memref<400x128xf32, #tpu.memory_space<vmem>>, %arg7: memref<400x128xf32, #tpu.memory_space<vmem>>, %arg8: memref<400x1xf32, #tpu.memory_space<vmem>>, %arg9: memref<400x1xi32, #tpu.memory_space<vmem>>, %arg10: memref<256x512xf32, #tpu.memory_space<vmem>>, %arg11: memref<1x512xf32, #tpu.memory_space<vmem>>, %arg12: memref<64x512xf32, #tpu.memory_space<vmem>>) attributes {dimension_semantics = [#tpu.dimension_semantics<arbitrary>], iteration_bounds = array<i64: 25>, scalar_prefetch = 1 : i64, scratch_operands = 0 : i64, tpu.core_type = #tpu.core_type<tc>, window_params = [{transform_indices = @transform_0, window_bounds = array<i64: 400, 128>}, {transform_indices = @transform_1, window_bounds = array<i64: 400, 128>}, {transform_indices = @transform_2, window_bounds = array<i64: 400, 128>}, {transform_indices = @transform_3, window_bounds = array<i64: 400, 128>}, {transform_indices = @transform_4, window_bounds = array<i64: 400, 128>}, {transform_indices = @transform_5, window_bounds = array<i64: 400, 128>}, {transform_indices = @transform_6, window_bounds = array<i64: 400, 1>}, {transform_indices = @transform_7, window_bounds = array<i64: 400, 1>}, {pipeline_mode = #tpu.pipeline_mode<synchronous>, transform_indices = @transform_8, window_bounds = array<i64: 256, 512>}, {pipeline_mode = #tpu.pipeline_mode<synchronous>, transform_indices = @transform_9, window_bounds = array<i64: 1, 512>}, {pipeline_mode = #tpu.pipeline_mode<synchronous>, transform_indices = @transform_10, window_bounds = array<i64: 64, 512>}]} {
    %eq3A = arith.constant 0 : i32
    %eq3A_0 = arith.cmpi eq, %arg0, %eq3A : i32
    %convert_element_type3A = arith.extui %eq3A_0 : i1 to i32
    %cond3A = arith.constant 0 : i32
    %cond3A_1 = arith.cmpi ne, %convert_element_type3A, %cond3A : i32
    scf.if %cond3A_1 {
      %broadcast_in_dim3A = arith.constant 0xFF800000 : f32
      %broadcast_in_dim3A_58 = vector.broadcast %broadcast_in_dim3A : f32 to vector<64x512xf32>
      %swap3A = arith.constant 0 : index
      %swap3A_59 = arith.constant 0 : index
      %swap3A_60 = vector.load %arg12[%swap3A, %swap3A_59] : memref<64x512xf32, #tpu.memory_space<vmem>>, vector<64x512xf32>
      tpu.vector_store %arg12[%swap3A, %swap3A_59], %broadcast_in_dim3A_58 {strides = array<i32>} : memref<64x512xf32, #tpu.memory_space<vmem>>, vector<64x512xf32>,
    } else {
    }
    %get3A = arith.constant 0 : index
    %get3A_2 = arith.constant 0 : index
    %get3A_3 = vector.load %arg8[%get3A, %get3A_2] : memref<400x1xf32, #tpu.memory_space<vmem>>, vector<400x1xf32>
    %get3A_4 = arith.constant 0 : index
    %get3A_5 = arith.constant 0 : index
    %get3A_6 = vector.load %arg2[%get3A_4, %get3A_5] : memref<400x128xf32, #tpu.memory_space<vmem>>, vector<400x128xf32>
    %get3A_7 = arith.constant 0 : index
    %get3A_8 = arith.constant 0 : index
    %get3A_9 = vector.load %arg3[%get3A_7, %get3A_8] : memref<400x128xf32, #tpu.memory_space<vmem>>, vector<400x128xf32>
    %add3A = arith.addf %get3A_6, %get3A_9 : vector<400x128xf32>
    %get3A_10 = arith.constant 0 : index
    %get3A_11 = arith.constant 0 : index
    %get3A_12 = vector.load %arg6[%get3A_10, %get3A_11] : memref<400x128xf32, #tpu.memory_space<vmem>>, vector<400x128xf32>
    %add3A_13 = arith.addf %add3A, %get3A_12 : vector<400x128xf32>
    %mul3A = vector.broadcast %get3A_3 : vector<400x1xf32> to vector<400x128xf32>
    %mul3A_14 = arith.mulf %add3A_13, %mul3A : vector<400x128xf32>
    %get3A_15 = arith.constant 0 : index
    %get3A_16 = arith.constant 0 : index
    %get3A_17 = vector.load %arg4[%get3A_15, %get3A_16] : memref<400x128xf32, #tpu.memory_space<vmem>>, vector<400x128xf32>
    %get3A_18 = arith.constant 0 : index
    %get3A_19 = arith.constant 0 : index
    %get3A_20 = vector.load %arg5[%get3A_18, %get3A_19] : memref<400x128xf32, #tpu.memory_space<vmem>>, vector<400x128xf32>
    %add3A_21 = arith.addf %get3A_17, %get3A_20 : vector<400x128xf32>
    %get3A_22 = arith.constant 0 : index
    %get3A_23 = arith.constant 0 : index
    %get3A_24 = vector.load %arg7[%get3A_22, %get3A_23] : memref<400x128xf32, #tpu.memory_space<vmem>>, vector<400x128xf32>
    %add3A_25 = arith.addf %add3A_21, %get3A_24 : vector<400x128xf32>
    %mul3A_26 = vector.broadcast %get3A_3 : vector<400x1xf32> to vector<400x128xf32>
    %mul3A_27 = arith.mulf %add3A_25, %mul3A_26 : vector<400x128xf32>
    %concatenate3A = tpu.concatenate %mul3A_14, %mul3A_27 in 1 : vector<400x128xf32>, vector<400x128xf32> -> vector<400x256xf32>
    %get3A_28 = arith.constant 0 : index
    %get3A_29 = arith.constant 0 : index
    %get3A_30 = vector.load %arg10[%get3A_28, %get3A_29] : memref<256x512xf32, #tpu.memory_space<vmem>>, vector<256x512xf32>
    %dot_general3A = arith.constant dense<0.000000e+00> : vector<400x512xf32>
    %dot_general3A_31 = tpu.matmul %concatenate3A, %get3A_30, %dot_general3A {dimension_numbers = #tpu.dot_dimension_numbers<[1], [0], [0], [1], [0, 0, 1, 1], [], []>, transpose_lhs_hint = false} : vector<400x256xf32>, vector<256x512xf32>, vector<400x512xf32> -> vector<400x512xf32>
    %get3A_32 = arith.constant 0 : index
    %get3A_33 = arith.constant 0 : index
    %get3A_34 = vector.load %arg11[%get3A_32, %get3A_33] : memref<1x512xf32, #tpu.memory_space<vmem>>, vector<1x512xf32>
    %add3A_35 = vector.broadcast %get3A_34 : vector<1x512xf32> to vector<400x512xf32>
    %add3A_36 = arith.addf %dot_general3A_31, %add3A_35 : vector<400x512xf32>
    %max3A = arith.constant 0.000000e+00 : f32
    %max3A_37 = vector.broadcast %max3A : f32 to vector<400x512xf32>
    %max3A_38 = arith.maximumf %add3A_36, %max3A_37 : vector<400x512xf32>
    %get3A_39 = arith.constant 0 : index
    %get3A_40 = arith.constant 0 : index
    %get3A_41 = vector.load %arg9[%get3A_39, %get3A_40] : memref<400x1xi32, #tpu.memory_space<vmem>>, vector<400x1xi32>
    %get3A_42 = arith.constant 0 : index
    %get3A_43 = arith.index_cast %arg0 : i32 to index
    %get3A_44 = memref.load %arg1[%get3A_42, %get3A_43] : memref<2x25xi32, #tpu.memory_space<smem>>
    %get3A_45 = arith.constant 1 : index
    %get3A_46 = arith.index_cast %arg0 : i32 to index
    %get3A_47 = memref.load %arg1[%get3A_45, %get3A_46] : memref<2x25xi32, #tpu.memory_space<smem>>
    %add3A_48 = arith.constant 1 : i32
    %add3A_49 = arith.addi %get3A_47, %add3A_48 : i32
    %while3A = arith.constant 0 : i32
    %while3A_50 = arith.subi %add3A_49, %get3A_44 : i32
    %while3A_51 = arith.addi %get3A_44, %while3A_50 : i32
    %while3A_52 = arith.constant 1 : i32
    %while3A_53 = arith.divsi %while3A_50, %while3A_52 : i32
    %while3A_54 = arith.muli %while3A_53, %while3A_52 : i32
    %while3A_55 = arith.addi %get3A_44, %while3A_54 : i32
    %while3A_56 = arith.constant 1 : i32
    scf.for %while3A_58 = %get3A_44 to %while3A_55 step %while3A_56  : i32 {
      %eq3A_59 = vector.broadcast %while3A_58 : i32 to vector<400x1xi32>
      %eq3A_60 = arith.cmpi eq, %get3A_41, %eq3A_59 : vector<400x1xi32>
      %jit3A = arith.constant 0xFF800000 : f32
      %broadcast_in_dim3A = vector.shape_cast %eq3A_60 : vector<400x1xi1> to vector<400x1xi1>
      %broadcast_in_dim3A_61 = vector.broadcast %broadcast_in_dim3A : vector<400x1xi1> to vector<400x512xi1>
      %broadcast_in_dim3A_62 = vector.broadcast %jit3A : f32 to vector<400x512xf32>
      %select_n3A = arith.select %broadcast_in_dim3A_61, %max3A_38, %broadcast_in_dim3A_62 : vector<400x512xi1>, vector<400x512xf32>
      %reduce_max3A = arith.constant dense<0xFF800000> : vector<512xf32>
      %reduce_max3A_63 = vector.multi_reduction <maximumf>, %select_n3A, %reduce_max3A [0] : vector<400x512xf32> to vector<512xf32>
      %broadcast_in_dim3A_64 = vector.shape_cast %reduce_max3A_63 : vector<512xf32> to vector<1x512xf32>
      %get3A_65 = arith.index_cast %while3A_58 : i32 to index
      %get3A_66 = arith.constant 0 : index
      %get3A_67 = vector.load %arg12[%get3A_65, %get3A_66] : memref<64x512xf32, #tpu.memory_space<vmem>>, vector<1x512xf32>
      %max3A_68 = arith.maximumf %get3A_67, %broadcast_in_dim3A_64 : vector<1x512xf32>
      %swap3A = arith.index_cast %while3A_58 : i32 to index
      %swap3A_69 = arith.constant 0 : index
      %swap3A_70 = vector.load %arg12[%swap3A, %swap3A_69] : memref<64x512xf32, #tpu.memory_space<vmem>>, vector<1x512xf32>
      tpu.vector_store %arg12[%swap3A, %swap3A_69], %max3A_68 {strides = array<i32>} : memref<64x512xf32, #tpu.memory_space<vmem>>, vector<1x512xf32>,
    }
    %while3A_57 = arith.constant 1 : i32
    scf.for %while3A_58 = %while3A_55 to %while3A_51 step %while3A_57  : i32 {
      %eq3A_59 = vector.broadcast %while3A_58 : i32 to vector<400x1xi32>
      %eq3A_60 = arith.cmpi eq, %get3A_41, %eq3A_59 : vector<400x1xi32>
      %jit3A = arith.constant 0xFF800000 : f32
      %broadcast_in_dim3A = vector.shape_cast %eq3A_60 : vector<400x1xi1> to vector<400x1xi1>
      %broadcast_in_dim3A_61 = vector.broadcast %broadcast_in_dim3A : vector<400x1xi1> to vector<400x512xi1>
      %broadcast_in_dim3A_62 = vector.broadcast %jit3A : f32 to vector<400x512xf32>
      %select_n3A = arith.select %broadcast_in_dim3A_61, %max3A_38, %broadcast_in_dim3A_62 : vector<400x512xi1>, vector<400x512xf32>
      %reduce_max3A = arith.constant dense<0xFF800000> : vector<512xf32>
      %reduce_max3A_63 = vector.multi_reduction <maximumf>, %select_n3A, %reduce_max3A [0] : vector<400x512xf32> to vector<512xf32>
      %broadcast_in_dim3A_64 = vector.shape_cast %reduce_max3A_63 : vector<512xf32> to vector<1x512xf32>
      %get3A_65 = arith.index_cast %while3A_58 : i32 to index
      %get3A_66 = arith.constant 0 : index
      %get3A_67 = vector.load %arg12[%get3A_65, %get3A_66] : memref<64x512xf32, #tpu.memory_space<vmem>>, vector<1x512xf32>
      %max3A_68 = arith.maximumf %get3A_67, %broadcast_in_dim3A_64 : vector<1x512xf32>
      %swap3A = arith.index_cast %while3A_58 : i32 to index
      %swap3A_69 = arith.constant 0 : index
      %swap3A_70 = vector.load %arg12[%swap3A, %swap3A_69] : memref<64x512xf32, #tpu.memory_space<vmem>>, vector<1x512xf32>
      tpu.vector_store %arg12[%swap3A, %swap3A_69], %max3A_68 {strides = array<i32>} : memref<64x512xf32, #tpu.memory_space<vmem>>, vector<1x512xf32>,
    }
    return
  }
  func.func @transform_0(%arg0: i32, %arg1: memref<2x25xi32, #tpu.memory_space<smem>>) -> (i32, i32) {
    %c0_i32 = arith.constant 0 : i32
    %c0_i32_0 = arith.constant 0 : i32
    return %arg0, %c0_i32 : i32, i32
  }
  func.func @transform_1(%arg0: i32, %arg1: memref<2x25xi32, #tpu.memory_space<smem>>) -> (i32, i32) {
    %c0_i32 = arith.constant 0 : i32
    %c0_i32_0 = arith.constant 0 : i32
    return %arg0, %c0_i32 : i32, i32
  }
  func.func @transform_2(%arg0: i32, %arg1: memref<2x25xi32, #tpu.memory_space<smem>>) -> (i32, i32) {
    %c0_i32 = arith.constant 0 : i32
    %c0_i32_0 = arith.constant 0 : i32
    return %arg0, %c0_i32 : i32, i32
  }
  func.func @transform_3(%arg0: i32, %arg1: memref<2x25xi32, #tpu.memory_space<smem>>) -> (i32, i32) {
    %c0_i32 = arith.constant 0 : i32
    %c0_i32_0 = arith.constant 0 : i32
    return %arg0, %c0_i32 : i32, i32
  }
  func.func @transform_4(%arg0: i32, %arg1: memref<2x25xi32, #tpu.memory_space<smem>>) -> (i32, i32) {
    %c0_i32 = arith.constant 0 : i32
    %c0_i32_0 = arith.constant 0 : i32
    return %arg0, %c0_i32 : i32, i32
  }
  func.func @transform_5(%arg0: i32, %arg1: memref<2x25xi32, #tpu.memory_space<smem>>) -> (i32, i32) {
    %c0_i32 = arith.constant 0 : i32
    %c0_i32_0 = arith.constant 0 : i32
    return %arg0, %c0_i32 : i32, i32
  }
  func.func @transform_6(%arg0: i32, %arg1: memref<2x25xi32, #tpu.memory_space<smem>>) -> (i32, i32) {
    %c0_i32 = arith.constant 0 : i32
    %c0_i32_0 = arith.constant 0 : i32
    return %arg0, %c0_i32 : i32, i32
  }
  func.func @transform_7(%arg0: i32, %arg1: memref<2x25xi32, #tpu.memory_space<smem>>) -> (i32, i32) {
    %c0_i32 = arith.constant 0 : i32
    %c0_i32_0 = arith.constant 0 : i32
    return %arg0, %c0_i32 : i32, i32
  }
  func.func @transform_8(%arg0: i32, %arg1: memref<2x25xi32, #tpu.memory_space<smem>>) -> (i32, i32) {
    %c0_i32 = arith.constant 0 : i32
    %c0_i32_0 = arith.constant 0 : i32
    %c0_i32_1 = arith.constant 0 : i32
    return %c0_i32, %c0_i32_0 : i32, i32
  }
  func.func @transform_9(%arg0: i32, %arg1: memref<2x25xi32, #tpu.memory_space<smem>>) -> (i32, i32) {
    %c0_i32 = arith.constant 0 : i32
    %c0_i32_0 = arith.constant 0 : i32
    %c0_i32_1 = arith.constant 0 : i32
    return %c0_i32, %c0_i32_0 : i32, i32
  }
  func.func @transform_10(%arg0: i32, %arg1: memref<2x25xi32, #tpu.memory_space<smem>>) -> (i32, i32) {
    %c0_i32 = arith.constant 0 : i32
    %c0_i32_0 = arith.constant 0 : i32
    %c0_i32_1 = arith.constant 0 : i32
    return %c0_i32, %c0_i32_0 : i32, i32
  }
}

module attributes {stable_mosaic.version = 14 : i64} {
  func.func @_head_body(%arg0: i32, %arg1: memref<64x512xf32, #tpu.memory_space<vmem>>, %arg2: memref<512x32xf32, #tpu.memory_space<vmem>>, %arg3: memref<1x32xf32, #tpu.memory_space<vmem>>, %arg4: memref<1x32xf32, #tpu.memory_space<vmem>>, %arg5: memref<1x32xf32, #tpu.memory_space<vmem>>, %arg6: memref<32x64xf32, #tpu.memory_space<vmem>>, %arg7: memref<1x64xf32, #tpu.memory_space<vmem>>, %arg8: memref<1x64xf32, #tpu.memory_space<vmem>>, %arg9: memref<1x64xf32, #tpu.memory_space<vmem>>, %arg10: memref<64x40xf32, #tpu.memory_space<vmem>>, %arg11: memref<1x40xf32, #tpu.memory_space<vmem>>, %arg12: memref<64x40xf32, #tpu.memory_space<vmem>>) attributes {dimension_semantics = [#tpu.dimension_semantics<arbitrary>], iteration_bounds = array<i64: 1>, scalar_prefetch = 0 : i64, scratch_operands = 0 : i64, tpu.core_type = #tpu.core_type<tc>, window_params = [{pipeline_mode = #tpu.pipeline_mode<synchronous>, transform_indices = @transform_0, window_bounds = array<i64: 64, 512>}, {pipeline_mode = #tpu.pipeline_mode<synchronous>, transform_indices = @transform_1, window_bounds = array<i64: 512, 32>}, {pipeline_mode = #tpu.pipeline_mode<synchronous>, transform_indices = @transform_2, window_bounds = array<i64: 1, 32>}, {pipeline_mode = #tpu.pipeline_mode<synchronous>, transform_indices = @transform_3, window_bounds = array<i64: 1, 32>}, {pipeline_mode = #tpu.pipeline_mode<synchronous>, transform_indices = @transform_4, window_bounds = array<i64: 1, 32>}, {pipeline_mode = #tpu.pipeline_mode<synchronous>, transform_indices = @transform_5, window_bounds = array<i64: 32, 64>}, {pipeline_mode = #tpu.pipeline_mode<synchronous>, transform_indices = @transform_6, window_bounds = array<i64: 1, 64>}, {pipeline_mode = #tpu.pipeline_mode<synchronous>, transform_indices = @transform_7, window_bounds = array<i64: 1, 64>}, {pipeline_mode = #tpu.pipeline_mode<synchronous>, transform_indices = @transform_8, window_bounds = array<i64: 1, 64>}, {pipeline_mode = #tpu.pipeline_mode<synchronous>, transform_indices = @transform_9, window_bounds = array<i64: 64, 40>}, {pipeline_mode = #tpu.pipeline_mode<synchronous>, transform_indices = @transform_10, window_bounds = array<i64: 1, 40>}, {pipeline_mode = #tpu.pipeline_mode<synchronous>, transform_indices = @transform_11, window_bounds = array<i64: 64, 40>}]} {
    %get3A = arith.constant 0 : index
    %get3A_0 = arith.constant 0 : index
    %get3A_1 = vector.load %arg1[%get3A, %get3A_0] : memref<64x512xf32, #tpu.memory_space<vmem>>, vector<64x512xf32>
    %is_finite3A = tpu.weird %get3A_1 : vector<64x512xf32> -> vector<64x512xi1>
    %is_finite3A_2 = arith.constant dense<true> : vector<64x512xi1>
    %is_finite3A_3 = arith.xori %is_finite3A, %is_finite3A_2 : vector<64x512xi1>
    %jit3A = arith.constant 0.000000e+00 : f32
    %broadcast_in_dim3A = vector.broadcast %jit3A : f32 to vector<64x512xf32>
    %select_n3A = arith.select %is_finite3A_3, %get3A_1, %broadcast_in_dim3A : vector<64x512xi1>, vector<64x512xf32>
    %get3A_4 = arith.constant 0 : index
    %get3A_5 = arith.constant 0 : index
    %get3A_6 = vector.load %arg2[%get3A_4, %get3A_5] : memref<512x32xf32, #tpu.memory_space<vmem>>, vector<512x32xf32>
    %dot_general3A = arith.constant dense<0.000000e+00> : vector<64x32xf32>
    %dot_general3A_7 = tpu.matmul %select_n3A, %get3A_6, %dot_general3A {dimension_numbers = #tpu.dot_dimension_numbers<[1], [0], [0], [1], [0, 0, 1, 1], [], []>, transpose_lhs_hint = false} : vector<64x512xf32>, vector<512x32xf32>, vector<64x32xf32> -> vector<64x32xf32>
    %get3A_8 = arith.constant 0 : index
    %get3A_9 = arith.constant 0 : index
    %get3A_10 = vector.load %arg3[%get3A_8, %get3A_9] : memref<1x32xf32, #tpu.memory_space<vmem>>, vector<1x32xf32>
    %add3A = vector.broadcast %get3A_10 : vector<1x32xf32> to vector<64x32xf32>
    %add3A_11 = arith.addf %dot_general3A_7, %add3A : vector<64x32xf32>
    %max3A = arith.constant 0.000000e+00 : f32
    %max3A_12 = vector.broadcast %max3A : f32 to vector<64x32xf32>
    %max3A_13 = arith.maximumf %add3A_11, %max3A_12 : vector<64x32xf32>
    %reduce_sum3A = arith.constant dense<0.000000e+00> : vector<32xf32>
    %reduce_sum3A_14 = vector.multi_reduction <add>, %max3A_13, %reduce_sum3A [0] : vector<64x32xf32> to vector<32xf32>
    %broadcast_in_dim3A_15 = vector.shape_cast %reduce_sum3A_14 : vector<32xf32> to vector<1x32xf32>
    %div3A = arith.constant 6.400000e+01 : f32
    %div3A_16 = vector.broadcast %div3A : f32 to vector<1x32xf32>
    %div3A_17 = arith.divf %broadcast_in_dim3A_15, %div3A_16 : vector<1x32xf32>
    %sub3A = vector.broadcast %div3A_17 : vector<1x32xf32> to vector<64x32xf32>
    %sub3A_18 = arith.subf %max3A_13, %sub3A : vector<64x32xf32>
    %integer_pow3A = arith.mulf %sub3A_18, %sub3A_18 : vector<64x32xf32>
    %reduce_sum3A_19 = arith.constant dense<0.000000e+00> : vector<32xf32>
    %reduce_sum3A_20 = vector.multi_reduction <add>, %integer_pow3A, %reduce_sum3A_19 [0] : vector<64x32xf32> to vector<32xf32>
    %broadcast_in_dim3A_21 = vector.shape_cast %reduce_sum3A_20 : vector<32xf32> to vector<1x32xf32>
    %div3A_22 = arith.constant 6.400000e+01 : f32
    %div3A_23 = vector.broadcast %div3A_22 : f32 to vector<1x32xf32>
    %div3A_24 = arith.divf %broadcast_in_dim3A_21, %div3A_23 : vector<1x32xf32>
    %get3A_25 = arith.constant 0 : index
    %get3A_26 = arith.constant 0 : index
    %get3A_27 = vector.load %arg4[%get3A_25, %get3A_26] : memref<1x32xf32, #tpu.memory_space<vmem>>, vector<1x32xf32>
    %sub3A_28 = vector.broadcast %div3A_17 : vector<1x32xf32> to vector<64x32xf32>
    %sub3A_29 = arith.subf %max3A_13, %sub3A_28 : vector<64x32xf32>
    %mul3A = vector.broadcast %get3A_27 : vector<1x32xf32> to vector<64x32xf32>
    %mul3A_30 = arith.mulf %mul3A, %sub3A_29 : vector<64x32xf32>
    %add3A_31 = arith.constant 9.99999974E-6 : f32
    %add3A_32 = vector.broadcast %add3A_31 : f32 to vector<1x32xf32>
    %add3A_33 = arith.addf %div3A_24, %add3A_32 : vector<1x32xf32>
    %sqrt3A = math.sqrt %add3A_33 : vector<1x32xf32>
    %div3A_34 = vector.broadcast %sqrt3A : vector<1x32xf32> to vector<64x32xf32>
    %div3A_35 = arith.divf %mul3A_30, %div3A_34 : vector<64x32xf32>
    %get3A_36 = arith.constant 0 : index
    %get3A_37 = arith.constant 0 : index
    %get3A_38 = vector.load %arg5[%get3A_36, %get3A_37] : memref<1x32xf32, #tpu.memory_space<vmem>>, vector<1x32xf32>
    %add3A_39 = vector.broadcast %get3A_38 : vector<1x32xf32> to vector<64x32xf32>
    %add3A_40 = arith.addf %div3A_35, %add3A_39 : vector<64x32xf32>
    %get3A_41 = arith.constant 0 : index
    %get3A_42 = arith.constant 0 : index
    %get3A_43 = vector.load %arg6[%get3A_41, %get3A_42] : memref<32x64xf32, #tpu.memory_space<vmem>>, vector<32x64xf32>
    %dot_general3A_44 = arith.constant dense<0.000000e+00> : vector<64x64xf32>
    %dot_general3A_45 = tpu.matmul %add3A_40, %get3A_43, %dot_general3A_44 {dimension_numbers = #tpu.dot_dimension_numbers<[1], [0], [0], [1], [0, 0, 1, 1], [], []>, transpose_lhs_hint = false} : vector<64x32xf32>, vector<32x64xf32>, vector<64x64xf32> -> vector<64x64xf32>
    %get3A_46 = arith.constant 0 : index
    %get3A_47 = arith.constant 0 : index
    %get3A_48 = vector.load %arg7[%get3A_46, %get3A_47] : memref<1x64xf32, #tpu.memory_space<vmem>>, vector<1x64xf32>
    %add3A_49 = vector.broadcast %get3A_48 : vector<1x64xf32> to vector<64x64xf32>
    %add3A_50 = arith.addf %dot_general3A_45, %add3A_49 : vector<64x64xf32>
    %max3A_51 = arith.constant 0.000000e+00 : f32
    %max3A_52 = vector.broadcast %max3A_51 : f32 to vector<64x64xf32>
    %max3A_53 = arith.maximumf %add3A_50, %max3A_52 : vector<64x64xf32>
    %reduce_sum3A_54 = arith.constant dense<0.000000e+00> : vector<64xf32>
    %reduce_sum3A_55 = vector.multi_reduction <add>, %max3A_53, %reduce_sum3A_54 [0] : vector<64x64xf32> to vector<64xf32>
    %broadcast_in_dim3A_56 = vector.shape_cast %reduce_sum3A_55 : vector<64xf32> to vector<1x64xf32>
    %div3A_57 = arith.constant 6.400000e+01 : f32
    %div3A_58 = vector.broadcast %div3A_57 : f32 to vector<1x64xf32>
    %div3A_59 = arith.divf %broadcast_in_dim3A_56, %div3A_58 : vector<1x64xf32>
    %sub3A_60 = vector.broadcast %div3A_59 : vector<1x64xf32> to vector<64x64xf32>
    %sub3A_61 = arith.subf %max3A_53, %sub3A_60 : vector<64x64xf32>
    %integer_pow3A_62 = arith.mulf %sub3A_61, %sub3A_61 : vector<64x64xf32>
    %reduce_sum3A_63 = arith.constant dense<0.000000e+00> : vector<64xf32>
    %reduce_sum3A_64 = vector.multi_reduction <add>, %integer_pow3A_62, %reduce_sum3A_63 [0] : vector<64x64xf32> to vector<64xf32>
    %broadcast_in_dim3A_65 = vector.shape_cast %reduce_sum3A_64 : vector<64xf32> to vector<1x64xf32>
    %div3A_66 = arith.constant 6.400000e+01 : f32
    %div3A_67 = vector.broadcast %div3A_66 : f32 to vector<1x64xf32>
    %div3A_68 = arith.divf %broadcast_in_dim3A_65, %div3A_67 : vector<1x64xf32>
    %get3A_69 = arith.constant 0 : index
    %get3A_70 = arith.constant 0 : index
    %get3A_71 = vector.load %arg8[%get3A_69, %get3A_70] : memref<1x64xf32, #tpu.memory_space<vmem>>, vector<1x64xf32>
    %sub3A_72 = vector.broadcast %div3A_59 : vector<1x64xf32> to vector<64x64xf32>
    %sub3A_73 = arith.subf %max3A_53, %sub3A_72 : vector<64x64xf32>
    %mul3A_74 = vector.broadcast %get3A_71 : vector<1x64xf32> to vector<64x64xf32>
    %mul3A_75 = arith.mulf %mul3A_74, %sub3A_73 : vector<64x64xf32>
    %add3A_76 = arith.constant 9.99999974E-6 : f32
    %add3A_77 = vector.broadcast %add3A_76 : f32 to vector<1x64xf32>
    %add3A_78 = arith.addf %div3A_68, %add3A_77 : vector<1x64xf32>
    %sqrt3A_79 = math.sqrt %add3A_78 : vector<1x64xf32>
    %div3A_80 = vector.broadcast %sqrt3A_79 : vector<1x64xf32> to vector<64x64xf32>
    %div3A_81 = arith.divf %mul3A_75, %div3A_80 : vector<64x64xf32>
    %get3A_82 = arith.constant 0 : index
    %get3A_83 = arith.constant 0 : index
    %get3A_84 = vector.load %arg9[%get3A_82, %get3A_83] : memref<1x64xf32, #tpu.memory_space<vmem>>, vector<1x64xf32>
    %add3A_85 = vector.broadcast %get3A_84 : vector<1x64xf32> to vector<64x64xf32>
    %add3A_86 = arith.addf %div3A_81, %add3A_85 : vector<64x64xf32>
    %get3A_87 = arith.constant 0 : index
    %get3A_88 = arith.constant 0 : index
    %get3A_89 = vector.load %arg10[%get3A_87, %get3A_88] : memref<64x40xf32, #tpu.memory_space<vmem>>, vector<64x40xf32>
    %dot_general3A_90 = arith.constant dense<0.000000e+00> : vector<64x40xf32>
    %dot_general3A_91 = tpu.matmul %add3A_86, %get3A_89, %dot_general3A_90 {dimension_numbers = #tpu.dot_dimension_numbers<[1], [0], [0], [1], [0, 0, 1, 1], [], []>, transpose_lhs_hint = false} : vector<64x64xf32>, vector<64x40xf32>, vector<64x40xf32> -> vector<64x40xf32>
    %get3A_92 = arith.constant 0 : index
    %get3A_93 = arith.constant 0 : index
    %get3A_94 = vector.load %arg11[%get3A_92, %get3A_93] : memref<1x40xf32, #tpu.memory_space<vmem>>, vector<1x40xf32>
    %add3A_95 = vector.broadcast %get3A_94 : vector<1x40xf32> to vector<64x40xf32>
    %add3A_96 = arith.addf %dot_general3A_91, %add3A_95 : vector<64x40xf32>
    %reduce_max3A = arith.constant dense<0xFF800000> : vector<64xf32>
    %reduce_max3A_97 = vector.multi_reduction <maximumf>, %add3A_96, %reduce_max3A [1] : vector<64x40xf32> to vector<64xf32>
    %broadcast_in_dim3A_98 = vector.shape_cast %reduce_max3A_97 : vector<64xf32> to vector<64x1xf32>
    %sub3A_99 = vector.broadcast %broadcast_in_dim3A_98 : vector<64x1xf32> to vector<64x40xf32>
    %sub3A_100 = arith.subf %add3A_96, %sub3A_99 : vector<64x40xf32>
    %exp3A = math.exp %sub3A_100 : vector<64x40xf32>
    %reduce_sum3A_101 = arith.constant dense<0.000000e+00> : vector<64xf32>
    %reduce_sum3A_102 = vector.multi_reduction <add>, %exp3A, %reduce_sum3A_101 [1] : vector<64x40xf32> to vector<64xf32>
    %broadcast_in_dim3A_103 = vector.shape_cast %reduce_sum3A_102 : vector<64xf32> to vector<64x1xf32>
    %log3A = math.log %broadcast_in_dim3A_103 : vector<64x1xf32>
    %sub3A_104 = vector.broadcast %log3A : vector<64x1xf32> to vector<64x40xf32>
    %sub3A_105 = arith.subf %sub3A_100, %sub3A_104 : vector<64x40xf32>
    %swap3A = arith.constant 0 : index
    %swap3A_106 = arith.constant 0 : index
    %swap3A_107 = vector.load %arg12[%swap3A, %swap3A_106] : memref<64x40xf32, #tpu.memory_space<vmem>>, vector<64x40xf32>
    tpu.vector_store %arg12[%swap3A, %swap3A_106], %sub3A_105 {strides = array<i32>} : memref<64x40xf32, #tpu.memory_space<vmem>>, vector<64x40xf32>,
    return
  }
  func.func @transform_0(%arg0: i32) -> (i32, i32) {
    %c0_i32 = arith.constant 0 : i32
    %c0_i32_0 = arith.constant 0 : i32
    %c0_i32_1 = arith.constant 0 : i32
    return %c0_i32, %c0_i32_0 : i32, i32
  }
  func.func @transform_1(%arg0: i32) -> (i32, i32) {
    %c0_i32 = arith.constant 0 : i32
    %c0_i32_0 = arith.constant 0 : i32
    %c0_i32_1 = arith.constant 0 : i32
    return %c0_i32, %c0_i32_0 : i32, i32
  }
  func.func @transform_2(%arg0: i32) -> (i32, i32) {
    %c0_i32 = arith.constant 0 : i32
    %c0_i32_0 = arith.constant 0 : i32
    %c0_i32_1 = arith.constant 0 : i32
    return %c0_i32, %c0_i32_0 : i32, i32
  }
  func.func @transform_3(%arg0: i32) -> (i32, i32) {
    %c0_i32 = arith.constant 0 : i32
    %c0_i32_0 = arith.constant 0 : i32
    %c0_i32_1 = arith.constant 0 : i32
    return %c0_i32, %c0_i32_0 : i32, i32
  }
  func.func @transform_4(%arg0: i32) -> (i32, i32) {
    %c0_i32 = arith.constant 0 : i32
    %c0_i32_0 = arith.constant 0 : i32
    %c0_i32_1 = arith.constant 0 : i32
    return %c0_i32, %c0_i32_0 : i32, i32
  }
  func.func @transform_5(%arg0: i32) -> (i32, i32) {
    %c0_i32 = arith.constant 0 : i32
    %c0_i32_0 = arith.constant 0 : i32
    %c0_i32_1 = arith.constant 0 : i32
    return %c0_i32, %c0_i32_0 : i32, i32
  }
  func.func @transform_6(%arg0: i32) -> (i32, i32) {
    %c0_i32 = arith.constant 0 : i32
    %c0_i32_0 = arith.constant 0 : i32
    %c0_i32_1 = arith.constant 0 : i32
    return %c0_i32, %c0_i32_0 : i32, i32
  }
  func.func @transform_7(%arg0: i32) -> (i32, i32) {
    %c0_i32 = arith.constant 0 : i32
    %c0_i32_0 = arith.constant 0 : i32
    %c0_i32_1 = arith.constant 0 : i32
    return %c0_i32, %c0_i32_0 : i32, i32
  }
  func.func @transform_8(%arg0: i32) -> (i32, i32) {
    %c0_i32 = arith.constant 0 : i32
    %c0_i32_0 = arith.constant 0 : i32
    %c0_i32_1 = arith.constant 0 : i32
    return %c0_i32, %c0_i32_0 : i32, i32
  }
  func.func @transform_9(%arg0: i32) -> (i32, i32) {
    %c0_i32 = arith.constant 0 : i32
    %c0_i32_0 = arith.constant 0 : i32
    %c0_i32_1 = arith.constant 0 : i32
    return %c0_i32, %c0_i32_0 : i32, i32
  }
  func.func @transform_10(%arg0: i32) -> (i32, i32) {
    %c0_i32 = arith.constant 0 : i32
    %c0_i32_0 = arith.constant 0 : i32
    %c0_i32_1 = arith.constant 0 : i32
    return %c0_i32, %c0_i32_0 : i32, i32
  }
  func.func @transform_11(%arg0: i32) -> (i32, i32) {
    %c0_i32 = arith.constant 0 : i32
    %c0_i32_0 = arith.constant 0 : i32
    %c0_i32_1 = arith.constant 0 : i32
    return %c0_i32, %c0_i32_0 : i32, i32
  }
}

</mosaic_0001>

<sc_bundles>
// kernel: kernel.10.cloned.1.call-start
scs
__scs_entry_jumppad:
0x0: {  	(pc) =	sbr.rel $0x88, $3  }
0x1: {  	(tag) =	ssettag $0x0;
	lr =	simm.s32 $0x1  }
0x2: {  	[smem:$0x3F90] =	sst lr;
	_ =	strace $0xD0000000  }
0x3: {  	_ = 	snop  }
0x4: {  	_ = 	snop  }
0x5: {  	_ = 	snop  }
0x6: {  	_ = 	snop  }
0x7: {  	_ = 	snop  }
__scs_overlays_trampoline_lowered:
0x8: {  	[smem:$0x3F9F] =	sst s0  }
0x9: {  	[smem:$0x3FA0] =	sst s1  }
0xa: {  	[smem:$0x3FA1] =	sst s2  }
0xb: {  	[smem:$0x3FA2] =	sst s3  }
0xc: {  	[smem:$0x3FA3] =	sst s4  }
0xd: {  	[smem:$0x3FA4] =	sst s5  }
0xe: {  	[smem:$0x3FA5] =	sst s6  }
0xf: {  	[smem:$0x3FA6] =	sst s7  }
0x10: {  	[smem:$0x3FA7] =	sst s8  }
0x11: {  	[smem:$0x3FA8] =	sst s9;
	s0 =	simm.s32 @!p0 $0x0  }
0x12: {  	s1 =	sld [smem:$0x3F8E];
	s0 =	simm.s32 @p0 $0x1  }
0x13: {  	[smem:$0x3FA9] =	sst s0;
	s0 =	simm.s32 @!p1 $0x0  }
0x14: {  	s2 =	sld [smem:$0x3F8D];
	s0 =	simm.s32 @p1 $0x1  }
0x15: {  	[smem:$0x3FAA] =	sst s0;
	s0 =	simm.s32 @!p2 $0x0  }
0x16: {  	s3 =	sld [smem:$0x3FDB];
	s0 =	simm.s32 @p2 $0x1  }
0x17: {  	s4 =	simm.s32 $0x1BF5;
	[smem:$0x3FAC] =	sst s0  }
0x18: {  	s0 =	sld [smem:$0x3F8F];
	_ =	swait.ge [sflag:s4], $0x0  }
0x19: {  	s7 =	sld [smem:$0x3F90]  }
0x1a: {  	s8 =	sadd.s32 $0xFFFFE003, lr  }
0x1b: {  	s9 =	sadd.s32 $0xFFFFFEF7, lr;
	s5 =	simm.s32 $0xFFFFFFFF;
	p2 =	slt.u32 s8, $0xFFFFF086  }
0x1c: {  	p1 =	slt.u32 s9, $0xF7A;
	s5 =	simm.s32 @!p2 $0x0  }
0x1d: {  	s5 =	simm.s32 @p1 $0x1;
	p0 =	seq.s32 s7, s2  }
0x1e: {  	s7 =	smul.u32 @!p0 $0xF7A, s2;
	p2 =	seq.s32 @!p0 s5, $0x0  }
0x1f: {  	s9 =	smul.u32 $0xF7A, s1;
	s8 =	simm.s32 @!p0 $0x1BF5;
	p2 =	por !p2, p0  }
0x20: {  	[sflag:s8] =	ssyncset.s32 @!p0 $0xFFFFF086;
	s6 =	sadd.s32 @!p0 s3, s7;
	s7 =	simm.s32 @!p0 $0x108  }
0x21: {  	s3 =	sadd.s32 s3, s9;
	s6 =	sadd.s32 @!p0 $0x88, s6;
	s7 =	simm.s32 @p2 $0x1082  }
0x22: {  	[simem:s7], [sflag:s8] =	dma.local @!p0 [hbm:s6], $0xF7A  }
0x23: {  	s9 =	sor.u32 $0xD0000000, s2;
	s6 =	simm.s32 $0x108;
	_ =	swait.ge @!p0 [sflag:s8], $0x0  }
0x24: {  	s3 =	sadd.s32 $0x88, s3;
	s6 =	simm.s32 @!p1 $0x1082;
	[sflag:s4] =	ssyncset.s32 $0xFFFFF086  }
0x25: {  	[simem:s6], [sflag:s4] =	dma.local [hbm:s3], $0xF7A  }
0x26: {  	[smem:$0x3F90] =	sst s1;
	(tag) =	ssettag s2;
	_ =	strace s9  }
0x27: {  	s1 =	sld [smem:$0x3FA0]  }
0x28: {  	s2 =	sld [smem:$0x3FA1]  }
0x29: {  	s4 =	sld [smem:$0x3FA3]  }
0x2a: {  	p0 =	seq.s32 s5, $0x0;
	s5 =	sld [smem:$0x3FA4]  }
0x2b: {  	s6 =	sld [smem:$0x3FA5]  }
0x2c: {  	s7 =	sld [smem:$0x3FA6]  }
0x2d: {  	s3 =	simm.s32 $0x108;
	s8 =	sld [smem:$0x3FA7]  }
0x2e: {  	s3 =	simm.s32 @!p0 $0x1082;
	s9 =	sld [smem:$0x3FA8]  }
0x2f: {  	lr =	sadd.s32 s0, s3;
	s0 =	sld [smem:$0x3F9F]  }
0x30: {  	s3 =	sld [smem:$0x3FA2]  }
0x31: {  	[smem:$0x3FAB] =	sst s10  }
0x32: {  	s10 =	sld [smem:$0x3FA9];
	_ =	sdelay $0x3  }
0x33: {  	p0 =	seq.s32 s10, $0x1;
	s10 =	sld [smem:$0x3FAB];
	_ =	sdelay $0x3  }
0x34: {  	[smem:$0x3FAB] =	sst s10  }
0x35: {  	s10 =	sld [smem:$0x3FAA];
	_ =	sdelay $0x3  }
0x36: {  	p1 =	seq.s32 s10, $0x1;
	s10 =	sld [smem:$0x3FAB];
	_ =	sdelay $0x3  }
0x37: {  	[smem:$0x3FAB] =	sst s10  }
0x38: {  	s10 =	sld [smem:$0x3FAC]  }
0x39: {  	_ = 	snop;
	(pc) =	sbr.ind lr, $3  }
0x3a: {  	_ = 	snop  }
0x3b: {  	_ = 	snop  }
0x3c: {  	p2 =	seq.s32 s10, $0x1;
	s10 =	sld [smem:$0x3FAB]  }
0x3d: {  	_ =	shalt  }
0x3e: {  	_ =	shalt  }
0x3f: {  	_ =	shalt  }
0x40: {  	_ =	shalt  }
0x41: {  	_ =	shalt  }
0x42: {  	_ =	shalt  }
0x43: {  	_ =	shalt  }
0x44: {  	_ =	shalt  }
0x45: {  	_ =	shalt  }
0x46: {  	_ =	shalt  }
0x47: {  	_ =	shalt  }
0x48: {  	_ =	shalt  }
0x49: {  	_ =	shalt  }
0x4a: {  	_ =	shalt  }
0x4b: {  	_ =	shalt  }
0x4c: {  	_ =	shalt  }
0x4d: {  	_ =	shalt  }
0x4e: {  	_ =	shalt  }
0x4f: {  	_ =	shalt  }
0x50: {  	_ =	shalt  }
0x51: {  	_ =	shalt  }
0x52: {  	_ =	shalt  }
0x53: {  	_ =	shalt  }
0x54: {  	_ =	shalt  }
0x55: {  	_ =	shalt  }
0x56: {  	_ =	shalt  }
0x57: {  	_ =	shalt  }
0x58: {  	_ =	shalt  }
0x59: {  	_ =	shalt  }
0x5a: {  	_ =	shalt  }
0x5b: {  	_ =	shalt  }
0x5c: {  	_ =	shalt  }
0x5d: {  	_ =	shalt  }
0x5e: {  	_ =	shalt  }
0x5f: {  	_ =	shalt  }
0x60: {  	_ =	shalt  }
0x61: {  	_ =	shalt  }
0x62: {  	_ =	shalt  }
0x63: {  	_ =	shalt  }
0x64: {  	_ =	shalt  }
0x65: {  	_ =	shalt  }
0x66: {  	_ =	shalt  }
0x67: {  	_ =	shalt  }
0x68: {  	_ =	shalt  }
0x69: {  	_ =	shalt  }
0x6a: {  	_ =	shalt  }
0x6b: {  	_ =	shalt  }
0x6c: {  	_ =	shalt  }
0x6d: {  	_ =	shalt  }
0x6e: {  	_ =	shalt  }
0x6f: {  	_ =	shalt  }
0x70: {  	_ =	shalt  }
0x71: {  	_ =	shalt  }
0x72: {  	_ =	shalt  }
0x73: {  	_ =	shalt  }
0x74: {  	_ =	shalt  }
0x75: {  	_ =	shalt  }
0x76: {  	_ =	shalt  }
0x77: {  	_ =	shalt  }
0x78: {  	_ =	shalt  }
0x79: {  	_ =	shalt  }
0x7a: {  	_ =	shalt  }
0x7b: {  	_ =	shalt  }
0x7c: {  	_ =	shalt  }
0x7d: {  	_ =	shalt  }
0x7e: {  	_ =	shalt  }
0x7f: {  	_ =	shalt  }
0x80: {  	_ =	shalt  }
0x81: {  	_ =	shalt  }
0x82: {  	_ =	shalt  }
0x83: {  	_ =	shalt  }
0x84: {  	_ =	shalt  }
0x85: {  	_ =	shalt  }
0x86: {  	_ =	shalt  }
0x87: {  	_ =	shalt  }
.Lfunc_end0:
.L_simem_size_0:
called_computation_lowered:
.L_overlay_start_0:
0x88: {  	s2 =	sld [smem:$0x3FD9]  }
0x89: {  	s3 =	sld [smem:$0x3FFE];
	_ =	sdelay $0x1  }
0x8a: {  	s1 =	srdreg.scid  }
0x8b: {  	s0 =	sand.u32 $0x1, s1  }
0x8c: {  	s16 =	sshll.u32 s0, $0xA;
	s2 =	sadd.s32 s3, s2  }
0x8d: {  	s2 =	sadd.s32 s2, s16  }
0x8e: {  	[smem:$0x3FB7] =	sst s2  }
0x8f: {  	_ = 	snop  }
0x90: {  	(tm) =	ssettm $0x1  }
0x91: {  	s17 =	sld [smem:$0x3FFB];
	_ =	sdelay $0x3  }
0x92: {  	_ =	strace s17  }
0x93: {  	s2 =	sld [smem:$0x3FFC];
	_ =	sdelay $0x3  }
0x94: {  	_ =	strace s2  }
0x95: {  	s2 =	sld [smem:$0x3FFD];
	_ =	sdelay $0x3  }
0x96: {  	_ =	strace s2  }
0x97: {  	_ =	strace $0x8FFFFFFF  }
0x98: {  	s18 =	sld [smem:$0x3FDB];
	_ =	sdelay $0x1  }
0x99: {  	s19 =	simm.s32 $_scs_section_size  }
0x9a: {  	s4 =	simm.s32 $_size__tile_overlayer_lowered;
	s5 =	simm.s32 $_tile_overlayer_lowered  }
0x9b: {  	s22 =	simm.s32 $0x1BFF;
	s21 =	sshll.u32 s5, $0x1;
	s2 =	sadd.s32 s19, s18  }
0x9c: {  	s6 =	simm.s32 $0x0;
	s20 =	sshll.u32 s4, $0x1;
	s4 =	sadd.s32 s21, s2  }
0x9d: {  	[timem:s6], [sflag:s22] =	dma.local [hbm:s4], s20  }
0x9e: {  	_ =	swait.ge [sflag:s22], s20  }
0x9f: {  	s3 =	ssub.s32 $0x0, s20;
	[sflag:s22] =	ssyncset.done $0x0  }
0xa0: {  	[sflag:s22] =	ssyncadd.s32 s3;
	_ =	sdelay $0x1  }
0xa1: {  	s23 =	simm.s32 $0x1B8B  }
0xa2: {  	_ =	swait.ge [sflag:s23], $0x1  }
0xa3: {  	[sflag:s23] =	ssyncset.done $0x0  }
0xa4: {  	s25 =	simm.s32 $0x1B8E;
	s24 =	sld [smem:$0x3FFE];
	[sflag:s23] =	ssyncadd.s32 $0xFFFFFFFF  }
0xa5: {  	s26 =	simm.s32 $execute0_lowered;
	[smem:$0x3FD2] =	sst s25  }
0xa6: {  	s4 =	sshll.u32 s26, $0x1;
	_ =	strace $0x80000046;
	[dreg:$0x1] =	wrdreg $0xFFFFFFFF  }
0xa7: {  	s28 =	simm.s32 $_size_execute0_lowered;
	s2 =	sadd.s32 s2, s4;
	[dreg:$0x0] =	wrdreg $0x0  }
0xa8: {  	s4 =	sshll.u32 s28, $0x1;
	[dreg:$0x2] =	wrdreg s2  }
0xa9: {  	[dreg:$0x3] =	wrdreg s4  }
0xaa: {  	[dreg:$0x4] =	wrdreg $0xC0  }
0xab: {  	_ =	task [dreg:s6], $0x5FFFF  }
0xac: {  	[dreg:$0x1] =	wrdreg $0xFFFFFFFF  }
0xad: {  	[dreg:$0x0] =	wrdreg $0x60  }
0xae: {  	[dreg:$0x2] =	wrdreg s24  }
0xaf: {  	[dreg:$0x3] =	wrdreg $0x68000  }
0xb0: {  	[dreg:$0x4] =	wrdreg $0x9  }
0xb1: {  	_ =	task.clear_ibuf [dreg:s6], $0x5FFFF;
	_ =	strace $0x90000046  }
0xb2: {  	s29 =	simm.s32 $0x9;
	_ =	strace $0x80000048  }
0xb3: {  	_ =	swait.ge [sflag:s29], $0x1  }
0xb4: {  	[sflag:s29] =	ssyncadd.s32 $0xFFFFFFFF  }
0xb5: {  	_ =	strace $0x90000048  }
0xb6: {  	_ =	sfence  }
0xb7: {  	s30 =	sld [smem:$0x0];
	_ =	sdelay $0x2  }
0xb8: {  	s31 =	sshll.u32 s1, $0xD;
	s1 =	sshrl.u32 s1, $0x2  }
0xb9: {  	s3 =	sand.u32 $0x4000, s31;
	s1 =	sadd.s32 s1, s30  }
0xba: {  	s0 =	sor.u32 s3, s0;
	s1 =	sshll.u32 s1, $0x11  }
0xbb: {  	s0 =	sor.u32 s1, s0  }
0xbc: {  	s0 =	sadd.s32 $0x8F2B, s0  }
0xbd: {  	[sflag:s0] =	ssyncadd.remote.s32 $0x1  }
0xbe: {  	_ =	sfence.sel $0xFFFF  }
0xbf: {  	[dreg:$0x0] =	wrdreg $0xFFFFFFFF;
	(pc) =	sbr.abs _section_cstart, $3  }
0xc0: {  	[dreg:$0x1] =	wrdreg $0xFFFFFFFF  }
0xc1: {  	_ =	task.clear_ibuf [dreg:s6], $0x2FFFF;
	_ =	strace $0x9FFFFFFF  }
0xc2: {  	(tm) =	ssettm $0x7FFFFFFF  }
0xc3: {  	_ =	shalt  }
tec
execute0_lowered:
.L_overlay_start_1:
0x0: {  	(tag) =	ssettag $0x1  }
0x1: {  	s7 =	rddreg [dreg:$0x0]  }
0x2: {  	s0 =	srdreg.scid;
	s2 =	rddreg [dreg:$0x1]  }
0x3: {  	s3 =	simm.s32 $0x0;
	s12 =	simm.s32 $0x4000;
	s6 =	sand.u32 $0x1, s0  }
0x4: {  	s13 =	simm.s32 $0x80;
	s0 =	stileid.u32;
	s5 =	smul.u32 $0x140000, s6  }
0x5: {  	s14 =	simm.s32 $0x0;
	[smem:$0x7FF] =	sst s3;
	s8 =	smul.u32 $0x14000, s0  }
0x6: {  	s1 =	sshll.u32 s6, $0x4;
	s10 =	smul.u32 $0x50000, s0;
	s6 =	ssub.s32 $0x2, s6  }
0x7: {  	s31 =	sshll.u32 s0, $0x6;
	s1 =	sor.u32 s0, s1;
	s30 =	sshrl.u32 s6, $0x1  }
0x8: {  	s4 =	smul.u32 $0x500, s1;
	s1 =	rddreg [dreg:$0x2];
	_ =	strace $0x80000047  }
0x9: {  	s8 =	sadd.s32 s8, s5;
	s5 =	sadd.s32 $0x1AC00, s7;
	s10 =	sshrl.u32 s10, $0x2  }
0xa: {  	s11 =	ssub.s32 s6, s30;
	s6 =	sor.u32 $0x1C01, s31;
	s8 =	sshrl.u32 s8, $0x3  }
0xb: {  	s10 =	sadd.s32 s10, s2;
	s9 =	sadd.s32 s4, s7;
	s4 =	sadd.s32 $0x18400, s7  }
0xc: {  	s8 =	sadd.s32 s8, s7;
	s10 =	sshrl.u32 s10, $0x3;
	s7 =	sadd.s32 $0xE400, s9  }
0xd: {  	s8 =	sadd.s32 $0x1B400, s8;
	s9 =	smax.u32 s11, $0x1;
	s11 =	simm.s32 $0x1  }
.LBB2_1:
0xe: {  	[spmem:s10], [sflag:s6] =	dma.local [hbm:s4], $0x2800  }
0xf: {  	_ =	swait.ge [sflag:s11], $0x2800  }
0x10: {  	[sflag:s11] =	ssyncset.done $0x0  }
0x11: {  	[sflag:s11] =	ssyncadd.s32 $0xFFFFD800  }
0x12: {  	[tilespmem:s3], [sflag:$0x1] =	stream.linear.gather [hbm4b:s5+s3], $0x4000, $0x38;
	[tilespmem:$0x1A800] =	vst v63  }
0x13: {  	_ =	swait.ge [sflag:s11], $0x4000  }
0x14: {  	[sflag:s11] =	ssyncset.done $0x0  }
0x15: {  	[sflag:s11] =	ssyncadd.s32 $0xFFFFC000  }
0x16: {  	[tilespmem:s12], [sflag:$0x1] =	stream.linear.gather [hbm4b:s7+s3], $0x2800, $0x38;
	[tilespmem:$0x1A800] =	vst v63  }
0x17: {  	_ =	swait.ge [sflag:s11], $0x2800  }
0x18: {  	[sflag:s11] =	ssyncset.done $0x0  }
0x19: {  	[sflag:s11] =	ssyncadd.s32 $0xFFFFD800  }
0x1a: {  	s15 =	simm.s32 $0x4000;
	[bflag:$0x0] =	sbarrier.arrive $0xFFFF  }
0x1b: {  	[spmem:s2] =	stream.indirect.scatter.add.f32 [tilespmem:s3], [sflag:$0x1], $0x80, s15, s13, $0xb8;
	[tilespmem:$0x1A800] =	vst v63  }
0x1c: {  	s15 =	simm.s32 $0x200;
	_ =	swait.ge [sflag:s11], $0x4000  }
.LBB2_2:
0x1d: {  	s16 =	sshra.s32 s15, $0x2;
	[sflag:s11] =	ssyncset.done $0x0;
	p0 =	sne.s32 s15, $0x9E00  }
.Ltmp0:
0x1e: {  	s16 =	sadd.s32 $0x4000, s16;
	[sflag:s11] =	ssyncadd.s32 $0xFFFFC000;
	(pc) =	sbr.rel @p0 .LBB2_2-.Ltmp0, $3  }
0x1f: {  	[spmem:s2] =	stream.indirect.scatter.add.f32 [tilespmem:s3], [sflag:$0x1], $0x80, s16, s13, $0xb8;
	[tilespmem:$0x1A800] =	vst v63  }
0x20: {  	s15 =	sadd.s32 $0x200, s15;
	_ =	sdelay $0x1  }
0x21: {  	_ =	swait.ge [sflag:s11], $0x4000  }
0x22: {  	[sflag:s11] =	ssyncset.done $0x0;
	s14 =	sadd.s32 $0x1, s14  }
0x23: {  	[sflag:s11] =	ssyncadd.s32 $0xFFFFC000;
	p0 =	sne.s32 s14, s9  }
.Ltmp1:
0x24: {  	[bflag:$0x0] =	sbarrier.arrive $0xFFFF;
	(pc) =	sbr.rel @p0 .LBB2_1-.Ltmp1, $4  }
0x25: {  	[hbm:s8], [sflag:s6] =	dma.local [spmem:s10], $0x2800  }
0x26: {  	_ =	swait.ge [sflag:s11], $0x2800  }
0x27: {  	[sflag:s11] =	ssyncset.done $0x0  }
0x28: {  	[sflag:s11] =	ssyncadd.s32 $0xFFFFD800  }
0x29: {  	_ =	sfence.sel $0x180000  }
0x2a: {  	[bflag:$0x0] =	sbarrier.arrive $0xFFFF  }
0x2b: {  	p0 =	sne.s32 s0, $0x0;
	_ =	strace $0x90000047  }
0x2c: {  	s0 =	sadd.s32 @!p0 $0x100000, s1;
	[bflag:$0x2] =	sbarrier.arrive $0xFFFF  }
0x2d: {  	[sflag:s0] =	ssyncadd.tile.s32 @!p0 $0x1;
	_ =	shalt  }
.Lfunc_end2:
_tile_overlayer_lowered:
.L_overlay_start_2:
0x2e: {  	(tag) =	ssettag $0x2  }
0x2f: {  	s0 =	rddreg [dreg:$0x0];
	s2 =	stileid.u32  }
0x30: {  	s1 =	rddreg [dreg:$0x1];
	p0 =	sne.s32 s2, $0x0  }
0x31: {  	s3 =	rddreg [dreg:$0x2];
	[bflag:$0x3] =	sbarrier.arrive $0xFFFF;
	s2 =	simm.s32 @!p0 $0x1C01  }
0x32: {  	[timem:s3], [sflag:s2] =	dma.local @!p0 [hbm:s0], s1  }
0x33: {  	s0 =	simm.s32 @!p0 $0x1  }
0x34: {  	_ =	swait.ge @!p0 [sflag:s0], s1  }
0x35: {  	s1 =	ssub.s32 @!p0 $0x0, s1;
	[sflag:s0] =	ssyncset.done @!p0 $0x0  }
0x36: {  	[sflag:s0] =	ssyncadd.s32 @!p0 s1  }
0x37: {  	[bflag:$0x3] =	sbarrier.arrive $0xFFFF  }
0x38: {  	_ =	shalt  }

// kernel: kernel.13.cloned.1.call-start
scs
__scs_entry_jumppad:
0x0: {  	(pc) =	sbr.rel $0x88, $3  }
0x1: {  	(tag) =	ssettag $0x0;
	lr =	simm.s32 $0x1  }
0x2: {  	[smem:$0x3F90] =	sst lr;
	_ =	strace $0xD0000000  }
0x3: {  	_ = 	snop  }
0x4: {  	_ = 	snop  }
0x5: {  	_ = 	snop  }
0x6: {  	_ = 	snop  }
0x7: {  	_ = 	snop  }
__scs_overlays_trampoline_lowered:
0x8: {  	[smem:$0x3F9F] =	sst s0  }
0x9: {  	[smem:$0x3FA0] =	sst s1  }
0xa: {  	[smem:$0x3FA1] =	sst s2  }
0xb: {  	[smem:$0x3FA2] =	sst s3  }
0xc: {  	[smem:$0x3FA3] =	sst s4  }
0xd: {  	[smem:$0x3FA4] =	sst s5  }
0xe: {  	[smem:$0x3FA5] =	sst s6  }
0xf: {  	[smem:$0x3FA6] =	sst s7  }
0x10: {  	[smem:$0x3FA7] =	sst s8  }
0x11: {  	[smem:$0x3FA8] =	sst s9;
	s0 =	simm.s32 @!p0 $0x0  }
0x12: {  	s1 =	sld [smem:$0x3F8E];
	s0 =	simm.s32 @p0 $0x1  }
0x13: {  	[smem:$0x3FA9] =	sst s0;
	s0 =	simm.s32 @!p1 $0x0  }
0x14: {  	s2 =	sld [smem:$0x3F8D];
	s0 =	simm.s32 @p1 $0x1  }
0x15: {  	[smem:$0x3FAA] =	sst s0;
	s0 =	simm.s32 @!p2 $0x0  }
0x16: {  	s3 =	sld [smem:$0x3FDB];
	s0 =	simm.s32 @p2 $0x1  }
0x17: {  	s4 =	simm.s32 $0x1BF5;
	[smem:$0x3FAC] =	sst s0  }
0x18: {  	s0 =	sld [smem:$0x3F8F];
	_ =	swait.ge [sflag:s4], $0x0  }
0x19: {  	s7 =	sld [smem:$0x3F90]  }
0x1a: {  	s8 =	sadd.s32 $0xFFFFE003, lr  }
0x1b: {  	s9 =	sadd.s32 $0xFFFFFEF7, lr;
	s5 =	simm.s32 $0xFFFFFFFF;
	p2 =	slt.u32 s8, $0xFFFFF086  }
0x1c: {  	p1 =	slt.u32 s9, $0xF7A;
	s5 =	simm.s32 @!p2 $0x0  }
0x1d: {  	s5 =	simm.s32 @p1 $0x1;
	p0 =	seq.s32 s7, s2  }
0x1e: {  	s7 =	smul.u32 @!p0 $0xF7A, s2;
	p2 =	seq.s32 @!p0 s5, $0x0  }
0x1f: {  	s9 =	smul.u32 $0xF7A, s1;
	s8 =	simm.s32 @!p0 $0x1BF5;
	p2 =	por !p2, p0  }
0x20: {  	[sflag:s8] =	ssyncset.s32 @!p0 $0xFFFFF086;
	s6 =	sadd.s32 @!p0 s3, s7;
	s7 =	simm.s32 @!p0 $0x108  }
0x21: {  	s3 =	sadd.s32 s3, s9;
	s6 =	sadd.s32 @!p0 $0x88, s6;
	s7 =	simm.s32 @p2 $0x1082  }
0x22: {  	[simem:s7], [sflag:s8] =	dma.local @!p0 [hbm:s6], $0xF7A  }
0x23: {  	s9 =	sor.u32 $0xD0000000, s2;
	s6 =	simm.s32 $0x108;
	_ =	swait.ge @!p0 [sflag:s8], $0x0  }
0x24: {  	s3 =	sadd.s32 $0x88, s3;
	s6 =	simm.s32 @!p1 $0x1082;
	[sflag:s4] =	ssyncset.s32 $0xFFFFF086  }
0x25: {  	[simem:s6], [sflag:s4] =	dma.local [hbm:s3], $0xF7A  }
0x26: {  	[smem:$0x3F90] =	sst s1;
	(tag) =	ssettag s2;
	_ =	strace s9  }
0x27: {  	s1 =	sld [smem:$0x3FA0]  }
0x28: {  	s2 =	sld [smem:$0x3FA1]  }
0x29: {  	s4 =	sld [smem:$0x3FA3]  }
0x2a: {  	p0 =	seq.s32 s5, $0x0;
	s5 =	sld [smem:$0x3FA4]  }
0x2b: {  	s6 =	sld [smem:$0x3FA5]  }
0x2c: {  	s7 =	sld [smem:$0x3FA6]  }
0x2d: {  	s3 =	simm.s32 $0x108;
	s8 =	sld [smem:$0x3FA7]  }
0x2e: {  	s3 =	simm.s32 @!p0 $0x1082;
	s9 =	sld [smem:$0x3FA8]  }
0x2f: {  	lr =	sadd.s32 s0, s3;
	s0 =	sld [smem:$0x3F9F]  }
0x30: {  	s3 =	sld [smem:$0x3FA2]  }
0x31: {  	[smem:$0x3FAB] =	sst s10  }
0x32: {  	s10 =	sld [smem:$0x3FA9];
	_ =	sdelay $0x3  }
0x33: {  	p0 =	seq.s32 s10, $0x1;
	s10 =	sld [smem:$0x3FAB];
	_ =	sdelay $0x3  }
0x34: {  	[smem:$0x3FAB] =	sst s10  }
0x35: {  	s10 =	sld [smem:$0x3FAA];
	_ =	sdelay $0x3  }
0x36: {  	p1 =	seq.s32 s10, $0x1;
	s10 =	sld [smem:$0x3FAB];
	_ =	sdelay $0x3  }
0x37: {  	[smem:$0x3FAB] =	sst s10  }
0x38: {  	s10 =	sld [smem:$0x3FAC]  }
0x39: {  	_ = 	snop;
	(pc) =	sbr.ind lr, $3  }
0x3a: {  	_ = 	snop  }
0x3b: {  	_ = 	snop  }
0x3c: {  	p2 =	seq.s32 s10, $0x1;
	s10 =	sld [smem:$0x3FAB]  }
0x3d: {  	_ =	shalt  }
0x3e: {  	_ =	shalt  }
0x3f: {  	_ =	shalt  }
0x40: {  	_ =	shalt  }
0x41: {  	_ =	shalt  }
0x42: {  	_ =	shalt  }
0x43: {  	_ =	shalt  }
0x44: {  	_ =	shalt  }
0x45: {  	_ =	shalt  }
0x46: {  	_ =	shalt  }
0x47: {  	_ =	shalt  }
0x48: {  	_ =	shalt  }
0x49: {  	_ =	shalt  }
0x4a: {  	_ =	shalt  }
0x4b: {  	_ =	shalt  }
0x4c: {  	_ =	shalt  }
0x4d: {  	_ =	shalt  }
0x4e: {  	_ =	shalt  }
0x4f: {  	_ =	shalt  }
0x50: {  	_ =	shalt  }
0x51: {  	_ =	shalt  }
0x52: {  	_ =	shalt  }
0x53: {  	_ =	shalt  }
0x54: {  	_ =	shalt  }
0x55: {  	_ =	shalt  }
0x56: {  	_ =	shalt  }
0x57: {  	_ =	shalt  }
0x58: {  	_ =	shalt  }
0x59: {  	_ =	shalt  }
0x5a: {  	_ =	shalt  }
0x5b: {  	_ =	shalt  }
0x5c: {  	_ =	shalt  }
0x5d: {  	_ =	shalt  }
0x5e: {  	_ =	shalt  }
0x5f: {  	_ =	shalt  }
0x60: {  	_ =	shalt  }
0x61: {  	_ =	shalt  }
0x62: {  	_ =	shalt  }
0x63: {  	_ =	shalt  }
0x64: {  	_ =	shalt  }
0x65: {  	_ =	shalt  }
0x66: {  	_ =	shalt  }
0x67: {  	_ =	shalt  }
0x68: {  	_ =	shalt  }
0x69: {  	_ =	shalt  }
0x6a: {  	_ =	shalt  }
0x6b: {  	_ =	shalt  }
0x6c: {  	_ =	shalt  }
0x6d: {  	_ =	shalt  }
0x6e: {  	_ =	shalt  }
0x6f: {  	_ =	shalt  }
0x70: {  	_ =	shalt  }
0x71: {  	_ =	shalt  }
0x72: {  	_ =	shalt  }
0x73: {  	_ =	shalt  }
0x74: {  	_ =	shalt  }
0x75: {  	_ =	shalt  }
0x76: {  	_ =	shalt  }
0x77: {  	_ =	shalt  }
0x78: {  	_ =	shalt  }
0x79: {  	_ =	shalt  }
0x7a: {  	_ =	shalt  }
0x7b: {  	_ =	shalt  }
0x7c: {  	_ =	shalt  }
0x7d: {  	_ =	shalt  }
0x7e: {  	_ =	shalt  }
0x7f: {  	_ =	shalt  }
0x80: {  	_ =	shalt  }
0x81: {  	_ =	shalt  }
0x82: {  	_ =	shalt  }
0x83: {  	_ =	shalt  }
0x84: {  	_ =	shalt  }
0x85: {  	_ =	shalt  }
0x86: {  	_ =	shalt  }
0x87: {  	_ =	shalt  }
.Lfunc_end0:
.L_simem_size_0:
called_computation.1_lowered:
.L_overlay_start_0:
0x88: {  	s2 =	sld [smem:$0x3FD9]  }
0x89: {  	s3 =	sld [smem:$0x3FFE];
	_ =	sdelay $0x1  }
0x8a: {  	s1 =	srdreg.scid  }
0x8b: {  	s0 =	sand.u32 $0x1, s1  }
0x8c: {  	s16 =	sshll.u32 s0, $0xA;
	s2 =	sadd.s32 s3, s2  }
0x8d: {  	s2 =	sadd.s32 s2, s16  }
0x8e: {  	[smem:$0x3FB7] =	sst s2  }
0x8f: {  	_ = 	snop  }
0x90: {  	(tm) =	ssettm $0x1  }
0x91: {  	s17 =	sld [smem:$0x3FFB];
	_ =	sdelay $0x3  }
0x92: {  	_ =	strace s17  }
0x93: {  	s2 =	sld [smem:$0x3FFC];
	_ =	sdelay $0x3  }
0x94: {  	_ =	strace s2  }
0x95: {  	s2 =	sld [smem:$0x3FFD];
	_ =	sdelay $0x3  }
0x96: {  	_ =	strace s2  }
0x97: {  	_ =	strace $0x8FFFFFFF  }
0x98: {  	s18 =	sld [smem:$0x3FDB];
	_ =	sdelay $0x1  }
0x99: {  	s19 =	simm.s32 $_scs_section_size  }
0x9a: {  	s4 =	simm.s32 $_size__tile_overlayer_lowered;
	s5 =	simm.s32 $_tile_overlayer_lowered  }
0x9b: {  	s22 =	simm.s32 $0x1BFF;
	s21 =	sshll.u32 s5, $0x1;
	s2 =	sadd.s32 s19, s18  }
0x9c: {  	s6 =	simm.s32 $0x0;
	s20 =	sshll.u32 s4, $0x1;
	s4 =	sadd.s32 s21, s2  }
0x9d: {  	[timem:s6], [sflag:s22] =	dma.local [hbm:s4], s20  }
0x9e: {  	_ =	swait.ge [sflag:s22], s20  }
0x9f: {  	s3 =	ssub.s32 $0x0, s20;
	[sflag:s22] =	ssyncset.done $0x0  }
0xa0: {  	[sflag:s22] =	ssyncadd.s32 s3;
	_ =	sdelay $0x1  }
0xa1: {  	s23 =	simm.s32 $0x1B8B  }
0xa2: {  	_ =	swait.ge [sflag:s23], $0x1  }
0xa3: {  	[sflag:s23] =	ssyncset.done $0x0  }
0xa4: {  	s25 =	simm.s32 $0x1B8E;
	s24 =	sld [smem:$0x3FFE];
	[sflag:s23] =	ssyncadd.s32 $0xFFFFFFFF  }
0xa5: {  	s26 =	simm.s32 $execute0_lowered;
	[smem:$0x3FD2] =	sst s25  }
0xa6: {  	s4 =	sshll.u32 s26, $0x1;
	_ =	strace $0x80000049;
	[dreg:$0x1] =	wrdreg $0xFFFFFFFF  }
0xa7: {  	s28 =	simm.s32 $_size_execute0_lowered;
	s2 =	sadd.s32 s2, s4;
	[dreg:$0x0] =	wrdreg $0x0  }
0xa8: {  	s4 =	sshll.u32 s28, $0x1;
	[dreg:$0x2] =	wrdreg s2  }
0xa9: {  	[dreg:$0x3] =	wrdreg s4  }
0xaa: {  	[dreg:$0x4] =	wrdreg $0xC0  }
0xab: {  	_ =	task [dreg:s6], $0x5FFFF  }
0xac: {  	[dreg:$0x1] =	wrdreg $0xFFFFFFFF  }
0xad: {  	[dreg:$0x0] =	wrdreg $0x60  }
0xae: {  	[dreg:$0x2] =	wrdreg s24  }
0xaf: {  	[dreg:$0x3] =	wrdreg $0x90000  }
0xb0: {  	[dreg:$0x4] =	wrdreg $0x9  }
0xb1: {  	_ =	task.clear_ibuf [dreg:s6], $0x5FFFF;
	_ =	strace $0x90000049  }
0xb2: {  	s29 =	simm.s32 $0x9;
	_ =	strace $0x8000004B  }
0xb3: {  	_ =	swait.ge [sflag:s29], $0x1  }
0xb4: {  	[sflag:s29] =	ssyncadd.s32 $0xFFFFFFFF  }
0xb5: {  	_ =	strace $0x9000004B  }
0xb6: {  	_ =	sfence  }
0xb7: {  	s30 =	sld [smem:$0x0];
	_ =	sdelay $0x2  }
0xb8: {  	s31 =	sshll.u32 s1, $0xD;
	s1 =	sshrl.u32 s1, $0x2  }
0xb9: {  	s3 =	sand.u32 $0x4000, s31;
	s1 =	sadd.s32 s1, s30  }
0xba: {  	s0 =	sor.u32 s3, s0;
	s1 =	sshll.u32 s1, $0x11  }
0xbb: {  	s0 =	sor.u32 s1, s0  }
0xbc: {  	s0 =	sadd.s32 $0x8F2B, s0  }
0xbd: {  	[sflag:s0] =	ssyncadd.remote.s32 $0x1  }
0xbe: {  	_ =	sfence.sel $0xFFFF  }
0xbf: {  	[dreg:$0x0] =	wrdreg $0xFFFFFFFF;
	(pc) =	sbr.abs _section_cstart, $3  }
0xc0: {  	[dreg:$0x1] =	wrdreg $0xFFFFFFFF  }
0xc1: {  	_ =	task.clear_ibuf [dreg:s6], $0x2FFFF;
	_ =	strace $0x9FFFFFFF  }
0xc2: {  	(tm) =	ssettm $0x7FFFFFFF  }
0xc3: {  	_ =	shalt  }
tec
execute0_lowered:
.L_overlay_start_1:
0x0: {  	(tag) =	ssettag $0x1  }
0x1: {  	s0 =	rddreg [dreg:$0x0]  }
0x2: {  	s2 =	rddreg [dreg:$0x1];
	s8 =	stileid.u32  }
0x3: {  	s4 =	simm.s32 $0x0;
	s1 =	srdreg.scid;
	s15 =	simm.s32 $0x5  }
0x4: {  	s17 =	simm.s32 $0x1;
	s18 =	simm.s32 $0x80;
	s19 =	simm.s32 $0x1000  }
0x5: {  	s20 =	simm.s32 $0x3;
	s21 =	simm.s32 $0x6;
	s3 =	smul.u32 $0x18, s8  }
0x6: {  	s30 =	simm.s32 $0x4;
	[smem:$0x7FF] =	sst s4;
	s4 =	smul.u32 $0x88, s8  }
0x7: {  	s13 =	simm.s32 $0xF00;
	s12 =	simm.s32 $0x0;
	s6 =	smul.u32 $0x14000, s8  }
0x8: {  	s1 =	sand.u32 $0x1, s1;
	s7 =	smul.u32 $0x50000, s8;
	s9 =	sadd.s32 $0x18400, s0  }
0x9: {  	s8 =	sshll.u32 s8, $0x6;
	p0 =	seq.s32 s1, $0x0;
	s5 =	smul.u32 $0x140000, s1  }
0xa: {  	_ =	strace $0x8000004A;
	s23 =	ssub.s32 $0x2, s1;
	[dreg:$0x3] =	wrdreg s9  }
0xb: {  	s8 =	sor.u32 $0x1C05, s8;
	p1 =	sne.s32 s1, $0x0;
	s3 =	sadd.s32 $0x880, s3  }
0xc: {  	s24 =	sshrl.u32 s23, $0x1;
	s7 =	sshrl.u32 s7, $0x2;
	s3 =	smov.u32 @p0 s4  }
0xd: {  	[dreg:$0x4] =	wrdreg s8;
	s4 =	sadd.s32 $0x1AC00, s0;
	s3 =	sshll.u32 s3, $0x4  }
0xe: {  	s5 =	sadd.s32 s6, s5;
	s6 =	simm.s32 $0x11;
	s3 =	sadd.s32 s3, s0  }
0xf: {  	s7 =	sadd.s32 s7, s2;
	s5 =	sshrl.u32 s5, $0x3;
	s25 =	sadd.s32 $0x4400, s3  }
0x10: {  	s0 =	sadd.s32 s5, s0;
	s26 =	sadd.s32 $0xE400, s3;
	[dreg:$0x5] =	wrdreg s25  }
0x11: {  	s5 =	ssub.s32 s23, s24;
	s0 =	sadd.s32 $0x69000, s0;
	[dreg:$0x6] =	wrdreg s26  }
.Ltmp0:
0x12: {  	s28 =	smax.u32 s5, $0x1;
	[dreg:$0x7] =	wrdreg s0;
	(pc) =	sbr.rel .LBB2_1-.Ltmp0, $4  }
0x13: {  	s6 =	simm.s32 @!p0 $0x3;
	s29 =	sadd.s32 $0xE480, s3;
	[dreg:$0x8] =	wrdreg s28  }
0x14: {  	s23 =	simm.s32 $0x5000;
	s31 =	sadd.s32 $0x4480, s3;
	[dreg:$0x9] =	wrdreg s29  }
0x15: {  	s3 =	sshrl.u32 s7, $0x3;
	s7 =	simm.s32 $0xF80;
	[dreg:$0xa] =	wrdreg s31  }
0x16: {  	s5 =	simm.s32 $0x0;
	s0 =	simm.s32 $0x2;
	[dreg:$0xb] =	wrdreg s3  }
.LBB2_8:
0x17: {  	[bflag:$0x0] =	sbarrier.arrive $0xFFFF  }
0x18: {  	s8 =	rddreg [dreg:$0x4]  }
0x19: {  	s1 =	rddreg [dreg:$0x7]  }
0x1a: {  	s3 =	rddreg [dreg:$0xb]  }
0x1b: {  	[hbm:s1], [sflag:s8] =	dma.local [spmem:s3], $0x2800  }
0x1c: {  	_ =	swait.ge [sflag:s15], $0x2800  }
0x1d: {  	s5 =	rddreg [dreg:$0xc]  }
0x1e: {  	s31 =	rddreg [dreg:$0x8];
	s5 =	sadd.s32 $0x1, s5  }
0x1f: {  	p2 =	sne.s32 s5, s31  }
.Ltmp1:
0x20: {  	_ = 	snop;
	(pc) =	sbr.rel @!p2 .LBB2_9-.Ltmp1, $3  }
0x21: {  	_ =	sdelay $0x1  }
0x22: {  	[sflag:s15] =	ssyncset.done $0x0  }
0x23: {  	[sflag:s15] =	ssyncadd.s32 $0xFFFFD800  }
.LBB2_1:
0x24: {  	[dreg:$0xc] =	wrdreg s5  }
0x25: {  	s1 =	rddreg [dreg:$0x3]  }
0x26: {  	[spmem:s3], [sflag:s8] =	dma.local [hbm:s1], $0x2800  }
0x27: {  	_ =	swait.ge [sflag:s15], $0x2800  }
0x28: {  	[sflag:s15] =	ssyncset.done $0x0  }
0x29: {  	[sflag:s15] =	ssyncadd.s32 $0xFFFFD800  }
0x2a: {  	[bflag:$0x0] =	sbarrier.arrive $0xFFFF  }
0x2b: {  	s28 =	rddreg [dreg:$0x5]  }
.Ltmp2:
0x2c: {  	s29 =	rddreg [dreg:$0x6];
	(pc) =	sbr.rel .LBB2_2-.Ltmp2, $4  }
0x2d: {  	s26 =	simm.s32 $0x0;
	s31 =	simm.s32 $0x800;
	s3 =	rddreg [dreg:$0xa]  }
0x2e: {  	[tilespmem:s26], [sflag:$0x1] =	stream.linear.gather [hbm4b:s28+s26], $0x400, $0x38;
	[tilespmem:$0x1D000] =	vst v63  }
0x2f: {  	s14 =	simm.s32 $0x1;
	s24 =	simm.s32 $0x0;
	s22 =	rddreg [dreg:$0x9]  }
0x30: {  	[tilespmem:s31], [sflag:$0x1] =	stream.linear.gather [hbm4b:s29+s26], $0x400, $0x38;
	[tilespmem:$0x1D000] =	vst v63  }
.LBB2_6:
0x31: {  	_ =	swait.ge [sflag:s0], $0x400  }
0x32: {  	[sflag:s0] =	ssyncset.done $0x0  }
0x33: {  	[sflag:s0] =	ssyncadd.s32 $0xFFFFFC00  }
0x34: {  	_ =	swait.ge [sflag:s0], $0x400  }
0x35: {  	p2 =	sge.u32 s14, s6;
	[sflag:s0] =	ssyncset.done $0x0  }
0x36: {  	s1 =	simm.s32 @!p2 $0x0;
	[sflag:s0] =	ssyncadd.s32 $0xFFFFFC00  }
0x37: {  	[tilespmem:s1], [sflag:$0x1] =	stream.linear.gather @!p2 [hbm4b:s3+s1], $0x400, $0x38;
	[tilespmem:$0x1D000] =	vst v63  }
0x38: {  	s5 =	simm.s32 @!p2 $0x800  }
0x39: {  	[tilespmem:s5], [sflag:$0x1] =	stream.linear.gather @!p2 [hbm4b:s22+s1], $0x400, $0x38;
	[tilespmem:$0x1D000] =	vst v63  }
0x3a: {  	s9 =	simm.s32 $0x400  }
0x3b: {  	[tilespmem:s19], [sflag:$0x3] =	stream.indirect.gather [hbm4b:s4+s18], $0x80, s9, s18, $0xb8;
	[tilespmem:$0x1D000] =	vst v63  }
0x3c: {  	_ =	swait.ge [sflag:s20], $0x4000  }
0x3d: {  	s8 =	simm.s32 @!p1 $0x5000;
	[sflag:s20] =	ssyncset.done $0x0  }
0x3e: {  	s1 =	simm.s32 @!p1 $0x80;
	s5 =	simm.s32 @!p1 $0x480;
	[sflag:s20] =	ssyncadd.s32 $0xFFFFC000  }
0x3f: {  	[tilespmem:s8], [sflag:$0x4] =	stream.indirect.gather @!p1 [hbm4b:s4+s1], $0x80, s5, s1, $0xb8;
	[tilespmem:$0x1D000] =	vst v63  }
0x40: {  	s10 =	simm.s32 $0xC00  }
0x41: {  	[spmem:s2] =	stream.indirect.scatter.add.f32 [tilespmem:s19], [sflag:$0x6], $0x80, s10, s18, $0xb8;
	[tilespmem:$0x1D000] =	vst v63  }
0x42: {  	_ =	swait.ge [sflag:s21], $0x4000  }
0x43: {  	[sflag:s21] =	ssyncset.done $0x0  }
0x44: {  	s29 =	simm.s32 @p0 $0x4;
	[sflag:s21] =	ssyncadd.s32 $0xFFFFC000  }
0x45: {  	_ =	swait.ge @p0 [sflag:s29], $0x4000  }
0x46: {  	s28 =	simm.s32 @p0 $0x80;
	[sflag:s29] =	ssyncset.done @p0 $0x0  }
0x47: {  	s31 =	simm.s32 @p0 $0x1000;
	s1 =	simm.s32 @p0 $0x500;
	[sflag:s29] =	ssyncadd.s32 @p0 $0xFFFFC000  }
0x48: {  	[tilespmem:s31], [sflag:$0x3] =	stream.indirect.gather @p0 [hbm4b:s4+s28], $0x80, s1, s28, $0xb8;
	[tilespmem:$0x1D000] =	vst v63  }
0x49: {  	s25 =	simm.s32 @!p0 $0x80;
	s26 =	simm.s32 @!p0 $0x5000;
	s1 =	simm.s32 @!p0 $0x480  }
0x4a: {  	[tilespmem:s26], [sflag:$0x4] =	stream.indirect.gather @!p0 [hbm4b:s4+s25], $0x80, s1, s25, $0xb8;
	[tilespmem:$0x1D000] =	vst v63  }
0x4b: {  	s1 =	simm.s32 @!p0 $0x4  }
0x4c: {  	_ =	swait.ge @!p0 [sflag:s1], $0x4000  }
0x4d: {  	[sflag:s1] =	ssyncset.done @!p0 $0x0  }
0x4e: {  	s11 =	simm.s32 $0xC80;
	[sflag:s1] =	ssyncadd.s32 @!p0 $0xFFFFC000  }
0x4f: {  	[spmem:s2] =	stream.indirect.scatter.add.f32 [tilespmem:s23], [sflag:$0x6], $0x80, s11, s18, $0xb8;
	[tilespmem:$0x1D000] =	vst v63  }
0x50: {  	_ =	swait.ge [sflag:s21], $0x4000  }
0x51: {  	[sflag:s21] =	ssyncset.done $0x0  }
0x52: {  	s5 =	simm.s32 @p0 $0x3;
	[sflag:s21] =	ssyncadd.s32 $0xFFFFC000  }
0x53: {  	_ =	swait.ge @p0 [sflag:s5], $0x4000  }
0x54: {  	[sflag:s5] =	ssyncset.done @p0 $0x0  }
0x55: {  	s9 =	simm.s32 @p0 $0x5000;
	s8 =	simm.s32 @p0 $0x580;
	[sflag:s5] =	ssyncadd.s32 @p0 $0xFFFFC000  }
0x56: {  	[tilespmem:s9], [sflag:$0x4] =	stream.indirect.gather @p0 [hbm4b:s4+s28], $0x80, s8, s28, $0xb8;
	[tilespmem:$0x1D000] =	vst v63  }
0x57: {  	s10 =	simm.s32 @!p0 $0x1000;
	s8 =	simm.s32 @!p0 $0x500  }
0x58: {  	[tilespmem:s10], [sflag:$0x3] =	stream.indirect.gather @!p0 [hbm4b:s4+s25], $0x80, s8, s25, $0xb8;
	[tilespmem:$0x1D000] =	vst v63  }
0x59: {  	s8 =	simm.s32 @!p0 $0x3  }
0x5a: {  	_ =	swait.ge @!p0 [sflag:s8], $0x4000  }
0x5b: {  	[sflag:s8] =	ssyncset.done @!p0 $0x0  }
0x5c: {  	s11 =	simm.s32 $0xD00;
	[sflag:s8] =	ssyncadd.s32 @!p0 $0xFFFFC000  }
0x5d: {  	[spmem:s2] =	stream.indirect.scatter.add.f32 [tilespmem:s19], [sflag:$0x6], $0x80, s11, s18, $0xb8;
	[tilespmem:$0x1D000] =	vst v63  }
0x5e: {  	_ =	swait.ge [sflag:s21], $0x4000  }
0x5f: {  	[sflag:s21] =	ssyncset.done $0x0  }
0x60: {  	[sflag:s21] =	ssyncadd.s32 $0xFFFFC000  }
0x61: {  	_ =	swait.ge @p0 [sflag:s29], $0x4000  }
0x62: {  	[sflag:s29] =	ssyncset.done @p0 $0x0  }
0x63: {  	s11 =	simm.s32 @p0 $0x600;
	[sflag:s29] =	ssyncadd.s32 @p0 $0xFFFFC000  }
0x64: {  	[tilespmem:s31], [sflag:$0x3] =	stream.indirect.gather @p0 [hbm4b:s4+s28], $0x80, s11, s28, $0xb8;
	[tilespmem:$0x1D000] =	vst v63  }
0x65: {  	s11 =	simm.s32 @!p0 $0x580  }
0x66: {  	[tilespmem:s26], [sflag:$0x4] =	stream.indirect.gather @!p0 [hbm4b:s4+s25], $0x80, s11, s25, $0xb8;
	[tilespmem:$0x1D000] =	vst v63  }
0x67: {  	_ =	swait.ge @!p0 [sflag:s1], $0x4000  }
0x68: {  	[sflag:s1] =	ssyncset.done @!p0 $0x0  }
0x69: {  	s16 =	simm.s32 $0xD80;
	[sflag:s1] =	ssyncadd.s32 @!p0 $0xFFFFC000  }
0x6a: {  	[spmem:s2] =	stream.indirect.scatter.add.f32 [tilespmem:s23], [sflag:$0x6], $0x80, s16, s18, $0xb8;
	[tilespmem:$0x1D000] =	vst v63  }
0x6b: {  	_ =	swait.ge [sflag:s21], $0x4000  }
0x6c: {  	[sflag:s21] =	ssyncset.done $0x0  }
0x6d: {  	[sflag:s21] =	ssyncadd.s32 $0xFFFFC000  }
0x6e: {  	_ =	swait.ge @p0 [sflag:s5], $0x4000  }
0x6f: {  	[sflag:s5] =	ssyncset.done @p0 $0x0  }
0x70: {  	s11 =	simm.s32 @p0 $0x680;
	[sflag:s5] =	ssyncadd.s32 @p0 $0xFFFFC000  }
0x71: {  	[tilespmem:s9], [sflag:$0x4] =	stream.indirect.gather @p0 [hbm4b:s4+s28], $0x80, s11, s28, $0xb8;
	[tilespmem:$0x1D000] =	vst v63  }
0x72: {  	s11 =	simm.s32 @!p0 $0x600  }
0x73: {  	[tilespmem:s10], [sflag:$0x3] =	stream.indirect.gather @!p0 [hbm4b:s4+s25], $0x80, s11, s25, $0xb8;
	[tilespmem:$0x1D000] =	vst v63  }
0x74: {  	_ =	swait.ge @!p0 [sflag:s8], $0x4000  }
0x75: {  	[sflag:s8] =	ssyncset.done @!p0 $0x0  }
0x76: {  	s16 =	simm.s32 $0xE00;
	[sflag:s8] =	ssyncadd.s32 @!p0 $0xFFFFC000  }
0x77: {  	[spmem:s2] =	stream.indirect.scatter.add.f32 [tilespmem:s19], [sflag:$0x6], $0x80, s16, s18, $0xb8;
	[tilespmem:$0x1D000] =	vst v63  }
0x78: {  	_ =	swait.ge [sflag:s21], $0x4000  }
0x79: {  	[sflag:s21] =	ssyncset.done $0x0  }
0x7a: {  	[sflag:s21] =	ssyncadd.s32 $0xFFFFC000  }
0x7b: {  	_ =	swait.ge @p0 [sflag:s29], $0x4000  }
0x7c: {  	[sflag:s29] =	ssyncset.done @p0 $0x0  }
0x7d: {  	s11 =	simm.s32 @p0 $0x700;
	[sflag:s29] =	ssyncadd.s32 @p0 $0xFFFFC000  }
0x7e: {  	[tilespmem:s31], [sflag:$0x3] =	stream.indirect.gather @p0 [hbm4b:s4+s28], $0x80, s11, s28, $0xb8;
	[tilespmem:$0x1D000] =	vst v63  }
0x7f: {  	s11 =	simm.s32 @!p0 $0x680  }
0x80: {  	[tilespmem:s26], [sflag:$0x4] =	stream.indirect.gather @!p0 [hbm4b:s4+s25], $0x80, s11, s25, $0xb8;
	[tilespmem:$0x1D000] =	vst v63  }
0x81: {  	_ =	swait.ge @!p0 [sflag:s1], $0x4000  }
0x82: {  	[sflag:s1] =	ssyncset.done @!p0 $0x0  }
0x83: {  	s31 =	simm.s32 $0xE80;
	[sflag:s1] =	ssyncadd.s32 @!p0 $0xFFFFC000  }
0x84: {  	[spmem:s2] =	stream.indirect.scatter.add.f32 [tilespmem:s23], [sflag:$0x6], $0x80, s31, s18, $0xb8;
	[tilespmem:$0x1D000] =	vst v63  }
0x85: {  	_ =	swait.ge [sflag:s21], $0x4000  }
0x86: {  	[sflag:s21] =	ssyncset.done $0x0  }
0x87: {  	[sflag:s21] =	ssyncadd.s32 $0xFFFFC000  }
0x88: {  	_ =	swait.ge @p0 [sflag:s5], $0x4000  }
0x89: {  	[sflag:s5] =	ssyncset.done @p0 $0x0  }
0x8a: {  	s1 =	simm.s32 @p0 $0x780;
	[sflag:s5] =	ssyncadd.s32 @p0 $0xFFFFC000  }
0x8b: {  	[tilespmem:s9], [sflag:$0x4] =	stream.indirect.gather @p0 [hbm4b:s4+s28], $0x80, s1, s28, $0xb8;
	[tilespmem:$0x1D000] =	vst v63  }
0x8c: {  	s1 =	simm.s32 @!p0 $0x700  }
0x8d: {  	[tilespmem:s10], [sflag:$0x3] =	stream.indirect.gather @!p0 [hbm4b:s4+s25], $0x80, s1, s25, $0xb8;
	[tilespmem:$0x1D000] =	vst v63  }
0x8e: {  	_ =	swait.ge @!p0 [sflag:s8], $0x4000  }
0x8f: {  	[sflag:s8] =	ssyncset.done @!p0 $0x0  }
0x90: {  	[sflag:s8] =	ssyncadd.s32 @!p0 $0xFFFFC000  }
0x91: {  	[spmem:s2] =	stream.indirect.scatter.add.f32 [tilespmem:s19], [sflag:$0x6], $0x80, s13, s18, $0xb8;
	[tilespmem:$0x1D000] =	vst v63  }
0x92: {  	_ =	swait.ge [sflag:s21], $0x4000  }
0x93: {  	[sflag:s21] =	ssyncset.done $0x0  }
0x94: {  	s1 =	simm.s32 @!p0 $0x780;
	[sflag:s21] =	ssyncadd.s32 $0xFFFFC000  }
0x95: {  	[tilespmem:s26], [sflag:$0x4] =	stream.indirect.gather @!p0 [hbm4b:s4+s25], $0x80, s1, s25, $0xb8;
	[tilespmem:$0x1D000] =	vst v63  }
0x96: {  	_ =	swait.ge [sflag:s30], $0x4000  }
0x97: {  	[sflag:s30] =	ssyncset.done $0x0  }
0x98: {  	[sflag:s30] =	ssyncadd.s32 $0xFFFFC000  }
0x99: {  	[spmem:s2] =	stream.indirect.scatter.add.f32 [tilespmem:s23], [sflag:$0x5], $0x80, s7, s18, $0xb8;
	[tilespmem:$0x1D000] =	vst v63  }
0x9a: {  	_ =	swait.ge [sflag:s15], $0x4000  }
0x9b: {  	[sflag:s15] =	ssyncset.done $0x0  }
0x9c: {  	s24 =	sadd.s32 $0x1, s24;
	[sflag:s15] =	ssyncadd.s32 $0xFFFFC000  }
.LBB2_7:
0x9d: {  	s14 =	sadd.s32 $0x1, s14  }
0x9e: {  	p2 =	sne.s32 s14, $0x12  }
.Ltmp3:
0x9f: {  	_ = 	snop;
	(pc) =	sbr.rel @!p2 .LBB2_8-.Ltmp3, $2  }
0xa0: {  	_ =	sdelay $0x2  }
0xa1: {  	s22 =	sadd.s32 $0x80, s22;
	s3 =	sadd.s32 $0x80, s3  }
.LBB2_2:
0xa2: {  	s1 =	sadd.s32 $0xFFFFFFFF, s14  }
0xa3: {  	s25 =	sand.u32 $0x1, s1;
	p2 =	sge.u32 s1, s6  }
0xa4: {  	p3 =	sne.s32 @!p2 s25, $0x0  }
0xa5: {  	p3 =	por p2, p3  }
.Ltmp4:
0xa6: {  	_ = 	snop;
	(pc) =	sbr.rel @p3 .LBB2_4-.Ltmp4, $1  }
0xa7: {  	_ =	sdelay $0x3  }
0xa8: {  	_ =	swait.ge [sflag:s17], $0x400  }
0xa9: {  	[sflag:s17] =	ssyncset.done $0x0  }
0xaa: {  	[sflag:s17] =	ssyncadd.s32 $0xFFFFFC00  }
0xab: {  	_ =	swait.ge [sflag:s17], $0x400  }
0xac: {  	p3 =	sge.u32 s14, s6;
	[sflag:s17] =	ssyncset.done $0x0  }
0xad: {  	s1 =	simm.s32 @!p3 $0x0;
	s16 =	simm.s32 @!p3 $0x400;
	[sflag:s17] =	ssyncadd.s32 $0xFFFFFC00  }
0xae: {  	[tilespmem:s16], [sflag:$0x2] =	stream.linear.gather @!p3 [hbm4b:s3+s1], $0x400, $0x38;
	[tilespmem:$0x1D000] =	vst v63  }
0xaf: {  	s16 =	simm.s32 @!p3 $0xC00  }
0xb0: {  	[tilespmem:s16], [sflag:$0x2] =	stream.linear.gather @!p3 [hbm4b:s22+s1], $0x400, $0x38;
	[tilespmem:$0x1D000] =	vst v63  }
0xb1: {  	_ = 	snop  }
0xb2: {  	[tilespmem:s19], [sflag:$0x3] =	stream.indirect.gather [hbm4b:s4+s18], $0x80, s12, s18, $0xb8;
	[tilespmem:$0x1D000] =	vst v63  }
0xb3: {  	_ =	swait.ge [sflag:s20], $0x4000  }
0xb4: {  	[sflag:s20] =	ssyncset.done $0x0  }
0xb5: {  	s1 =	simm.s32 @!p1 $0x80;
	s16 =	simm.s32 @!p1 $0x5000;
	[sflag:s20] =	ssyncadd.s32 $0xFFFFC000  }
0xb6: {  	[tilespmem:s16], [sflag:$0x4] =	stream.indirect.gather @!p1 [hbm4b:s4+s1], $0x80, s1, s1, $0xb8;
	[tilespmem:$0x1D000] =	vst v63  }
0xb7: {  	s11 =	simm.s32 $0x800  }
0xb8: {  	[spmem:s2] =	stream.indirect.scatter.add.f32 [tilespmem:s19], [sflag:$0x6], $0x80, s11, s18, $0xb8;
	[tilespmem:$0x1D000] =	vst v63  }
0xb9: {  	_ =	swait.ge [sflag:s21], $0x4000  }
0xba: {  	[sflag:s21] =	ssyncset.done $0x0  }
0xbb: {  	s31 =	simm.s32 @p0 $0x4;
	[sflag:s21] =	ssyncadd.s32 $0xFFFFC000  }
0xbc: {  	_ =	swait.ge @p0 [sflag:s31], $0x4000  }
0xbd: {  	s29 =	simm.s32 @p0 $0x80;
	[sflag:s31] =	ssyncset.done @p0 $0x0  }
0xbe: {  	s16 =	simm.s32 @p0 $0x100;
	s1 =	simm.s32 @p0 $0x1000;
	[sflag:s31] =	ssyncadd.s32 @p0 $0xFFFFC000  }
0xbf: {  	[tilespmem:s1], [sflag:$0x3] =	stream.indirect.gather @p0 [hbm4b:s4+s29], $0x80, s16, s29, $0xb8;
	[tilespmem:$0x1D000] =	vst v63  }
0xc0: {  	s26 =	simm.s32 @!p0 $0x80;
	s28 =	simm.s32 @!p0 $0x5000;
	s16 =	simm.s32 @!p0 $0x4  }
0xc1: {  	[tilespmem:s28], [sflag:$0x4] =	stream.indirect.gather @!p0 [hbm4b:s4+s26], $0x80, s26, s26, $0xb8;
	[tilespmem:$0x1D000] =	vst v63  }
0xc2: {  	_ =	swait.ge @!p0 [sflag:s16], $0x4000  }
0xc3: {  	[sflag:s16] =	ssyncset.done @!p0 $0x0  }
0xc4: {  	s5 =	simm.s32 $0x880;
	[sflag:s16] =	ssyncadd.s32 @!p0 $0xFFFFC000  }
0xc5: {  	[spmem:s2] =	stream.indirect.scatter.add.f32 [tilespmem:s23], [sflag:$0x6], $0x80, s5, s18, $0xb8;
	[tilespmem:$0x1D000] =	vst v63  }
0xc6: {  	_ =	swait.ge [sflag:s21], $0x4000  }
0xc7: {  	[sflag:s21] =	ssyncset.done $0x0  }
0xc8: {  	s5 =	simm.s32 @p0 $0x3;
	[sflag:s21] =	ssyncadd.s32 $0xFFFFC000  }
0xc9: {  	_ =	swait.ge @p0 [sflag:s5], $0x4000  }
0xca: {  	[sflag:s5] =	ssyncset.done @p0 $0x0  }
0xcb: {  	s8 =	simm.s32 @p0 $0x180;
	s9 =	simm.s32 @p0 $0x5000;
	[sflag:s5] =	ssyncadd.s32 @p0 $0xFFFFC000  }
0xcc: {  	[tilespmem:s9], [sflag:$0x4] =	stream.indirect.gather @p0 [hbm4b:s4+s29], $0x80, s8, s29, $0xb8;
	[tilespmem:$0x1D000] =	vst v63  }
0xcd: {  	s10 =	simm.s32 @!p0 $0x1000;
	s8 =	simm.s32 @!p0 $0x100  }
0xce: {  	[tilespmem:s10], [sflag:$0x3] =	stream.indirect.gather @!p0 [hbm4b:s4+s26], $0x80, s8, s26, $0xb8;
	[tilespmem:$0x1D000] =	vst v63  }
0xcf: {  	s8 =	simm.s32 @!p0 $0x3  }
0xd0: {  	_ =	swait.ge @!p0 [sflag:s8], $0x4000  }
0xd1: {  	[sflag:s8] =	ssyncset.done @!p0 $0x0  }
0xd2: {  	s11 =	simm.s32 $0x900;
	[sflag:s8] =	ssyncadd.s32 @!p0 $0xFFFFC000  }
0xd3: {  	[spmem:s2] =	stream.indirect.scatter.add.f32 [tilespmem:s19], [sflag:$0x6], $0x80, s11, s18, $0xb8;
	[tilespmem:$0x1D000] =	vst v63  }
0xd4: {  	_ =	swait.ge [sflag:s21], $0x4000  }
0xd5: {  	[sflag:s21] =	ssyncset.done $0x0  }
0xd6: {  	[sflag:s21] =	ssyncadd.s32 $0xFFFFC000  }
0xd7: {  	_ =	swait.ge @p0 [sflag:s31], $0x4000  }
0xd8: {  	[sflag:s31] =	ssyncset.done @p0 $0x0  }
0xd9: {  	s11 =	simm.s32 @p0 $0x200;
	[sflag:s31] =	ssyncadd.s32 @p0 $0xFFFFC000  }
0xda: {  	[tilespmem:s1], [sflag:$0x3] =	stream.indirect.gather @p0 [hbm4b:s4+s29], $0x80, s11, s29, $0xb8;
	[tilespmem:$0x1D000] =	vst v63  }
0xdb: {  	s11 =	simm.s32 @!p0 $0x180  }
0xdc: {  	[tilespmem:s28], [sflag:$0x4] =	stream.indirect.gather @!p0 [hbm4b:s4+s26], $0x80, s11, s26, $0xb8;
	[tilespmem:$0x1D000] =	vst v63  }
0xdd: {  	_ =	swait.ge @!p0 [sflag:s16], $0x4000  }
0xde: {  	[sflag:s16] =	ssyncset.done @!p0 $0x0  }
0xdf: {  	s11 =	simm.s32 $0x980;
	[sflag:s16] =	ssyncadd.s32 @!p0 $0xFFFFC000  }
0xe0: {  	[spmem:s2] =	stream.indirect.scatter.add.f32 [tilespmem:s23], [sflag:$0x6], $0x80, s11, s18, $0xb8;
	[tilespmem:$0x1D000] =	vst v63  }
0xe1: {  	_ =	swait.ge [sflag:s21], $0x4000  }
0xe2: {  	[sflag:s21] =	ssyncset.done $0x0  }
0xe3: {  	[sflag:s21] =	ssyncadd.s32 $0xFFFFC000  }
0xe4: {  	_ =	swait.ge @p0 [sflag:s5], $0x4000  }
0xe5: {  	[sflag:s5] =	ssyncset.done @p0 $0x0  }
0xe6: {  	s11 =	simm.s32 @p0 $0x280;
	[sflag:s5] =	ssyncadd.s32 @p0 $0xFFFFC000  }
0xe7: {  	[tilespmem:s9], [sflag:$0x4] =	stream.indirect.gather @p0 [hbm4b:s4+s29], $0x80, s11, s29, $0xb8;
	[tilespmem:$0x1D000] =	vst v63  }
0xe8: {  	s11 =	simm.s32 @!p0 $0x200  }
0xe9: {  	[tilespmem:s10], [sflag:$0x3] =	stream.indirect.gather @!p0 [hbm4b:s4+s26], $0x80, s11, s26, $0xb8;
	[tilespmem:$0x1D000] =	vst v63  }
0xea: {  	_ =	swait.ge @!p0 [sflag:s8], $0x4000  }
0xeb: {  	[sflag:s8] =	ssyncset.done @!p0 $0x0  }
0xec: {  	s11 =	simm.s32 $0xA00;
	[sflag:s8] =	ssyncadd.s32 @!p0 $0xFFFFC000  }
0xed: {  	[spmem:s2] =	stream.indirect.scatter.add.f32 [tilespmem:s19], [sflag:$0x6], $0x80, s11, s18, $0xb8;
	[tilespmem:$0x1D000] =	vst v63  }
0xee: {  	_ =	swait.ge [sflag:s21], $0x4000  }
0xef: {  	[sflag:s21] =	ssyncset.done $0x0  }
0xf0: {  	[sflag:s21] =	ssyncadd.s32 $0xFFFFC000  }
0xf1: {  	_ =	swait.ge @p0 [sflag:s31], $0x4000  }
0xf2: {  	[sflag:s31] =	ssyncset.done @p0 $0x0  }
0xf3: {  	s11 =	simm.s32 @p0 $0x300;
	[sflag:s31] =	ssyncadd.s32 @p0 $0xFFFFC000  }
0xf4: {  	[tilespmem:s1], [sflag:$0x3] =	stream.indirect.gather @p0 [hbm4b:s4+s29], $0x80, s11, s29, $0xb8;
	[tilespmem:$0x1D000] =	vst v63  }
0xf5: {  	s1 =	simm.s32 @!p0 $0x280  }
0xf6: {  	[tilespmem:s28], [sflag:$0x4] =	stream.indirect.gather @!p0 [hbm4b:s4+s26], $0x80, s1, s26, $0xb8;
	[tilespmem:$0x1D000] =	vst v63  }
0xf7: {  	_ =	swait.ge @!p0 [sflag:s16], $0x4000  }
0xf8: {  	[sflag:s16] =	ssyncset.done @!p0 $0x0  }
0xf9: {  	[sflag:s16] =	ssyncadd.s32 @!p0 $0xFFFFC000;
	s16 =	simm.s32 $0xA80  }
0xfa: {  	[spmem:s2] =	stream.indirect.scatter.add.f32 [tilespmem:s23], [sflag:$0x6], $0x80, s16, s18, $0xb8;
	[tilespmem:$0x1D000] =	vst v63  }
0xfb: {  	_ =	swait.ge [sflag:s21], $0x4000  }
0xfc: {  	[sflag:s21] =	ssyncset.done $0x0  }
0xfd: {  	[sflag:s21] =	ssyncadd.s32 $0xFFFFC000  }
0xfe: {  	_ =	swait.ge @p0 [sflag:s5], $0x4000  }
0xff: {  	[sflag:s5] =	ssyncset.done @p0 $0x0  }
0x100: {  	s1 =	simm.s32 @p0 $0x380;
	[sflag:s5] =	ssyncadd.s32 @p0 $0xFFFFC000  }
0x101: {  	[tilespmem:s9], [sflag:$0x4] =	stream.indirect.gather @p0 [hbm4b:s4+s29], $0x80, s1, s29, $0xb8;
	[tilespmem:$0x1D000] =	vst v63  }
0x102: {  	s1 =	simm.s32 @!p0 $0x300  }
0x103: {  	[tilespmem:s10], [sflag:$0x3] =	stream.indirect.gather @!p0 [hbm4b:s4+s26], $0x80, s1, s26, $0xb8;
	[tilespmem:$0x1D000] =	vst v63  }
0x104: {  	_ =	swait.ge @!p0 [sflag:s8], $0x4000  }
0x105: {  	[sflag:s8] =	ssyncset.done @!p0 $0x0  }
0x106: {  	s29 =	simm.s32 $0xB00;
	[sflag:s8] =	ssyncadd.s32 @!p0 $0xFFFFC000  }
0x107: {  	[spmem:s2] =	stream.indirect.scatter.add.f32 [tilespmem:s19], [sflag:$0x6], $0x80, s29, s18, $0xb8;
	[tilespmem:$0x1D000] =	vst v63  }
0x108: {  	_ =	swait.ge [sflag:s21], $0x4000  }
0x109: {  	[sflag:s21] =	ssyncset.done $0x0  }
0x10a: {  	s1 =	simm.s32 @!p0 $0x380;
	[sflag:s21] =	ssyncadd.s32 $0xFFFFC000  }
0x10b: {  	[tilespmem:s28], [sflag:$0x4] =	stream.indirect.gather @!p0 [hbm4b:s4+s26], $0x80, s1, s26, $0xb8;
	[tilespmem:$0x1D000] =	vst v63  }
0x10c: {  	_ =	swait.ge [sflag:s30], $0x4000  }
0x10d: {  	[sflag:s30] =	ssyncset.done $0x0  }
0x10e: {  	s31 =	simm.s32 $0xB80;
	[sflag:s30] =	ssyncadd.s32 $0xFFFFC000  }
0x10f: {  	[spmem:s2] =	stream.indirect.scatter.add.f32 [tilespmem:s23], [sflag:$0x6], $0x80, s31, s18, $0xb8;
	[tilespmem:$0x1D000] =	vst v63  }
0x110: {  	_ =	swait.ge [sflag:s21], $0x4000  }
0x111: {  	[sflag:s21] =	ssyncset.done $0x0  }
0x112: {  	[sflag:s21] =	ssyncadd.s32 $0xFFFFC000  }
.LBB2_4:
0x113: {  	p3 =	seq.s32 s25, $0x1  }
0x114: {  	p2 =	por p2, !p3  }
.Ltmp5:
0x115: {  	_ = 	snop;
	(pc) =	sbr.rel @!p2 .LBB2_6-.Ltmp5, $1  }
0x116: {  	_ =	sdelay $0x3  }
.Ltmp6:
0x117: {  	(pc) =	sbr.rel .LBB2_7-.Ltmp6, $2  }
0x118: {  	_ =	sdelay $0x2  }
0x119: {  	s24 =	sadd.s32 $0x1, s24  }
.LBB2_9:
0x11a: {  	_ =	sfence.sel $0x180000  }
0x11b: {  	[bflag:$0x0] =	sbarrier.arrive $0xFFFF  }
0x11c: {  	_ =	strace $0x9000004A  }
0x11d: {  	s0 =	stileid.u32;
	[bflag:$0x2] =	sbarrier.arrive $0xFFFF  }
0x11e: {  	p0 =	sne.s32 s0, $0x0;
	s0 =	rddreg [dreg:$0x2]  }
0x11f: {  	s0 =	sadd.s32 @!p0 $0x100000, s0  }
0x120: {  	[sflag:s0] =	ssyncadd.tile.s32 @!p0 $0x1;
	_ =	shalt  }
.Lfunc_end2:
_tile_overlayer_lowered:
.L_overlay_start_2:
0x121: {  	(tag) =	ssettag $0x2  }
0x122: {  	s0 =	rddreg [dreg:$0x0];
	s2 =	stileid.u32  }
0x123: {  	s1 =	rddreg [dreg:$0x1];
	p0 =	sne.s32 s2, $0x0  }
0x124: {  	s3 =	rddreg [dreg:$0x2];
	[bflag:$0x3] =	sbarrier.arrive $0xFFFF;
	s2 =	simm.s32 @!p0 $0x1C05  }
0x125: {  	[timem:s3], [sflag:s2] =	dma.local @!p0 [hbm:s0], s1  }
0x126: {  	s0 =	simm.s32 @!p0 $0x5  }
0x127: {  	_ =	swait.ge @!p0 [sflag:s0], s1  }
0x128: {  	s1 =	ssub.s32 @!p0 $0x0, s1;
	[sflag:s0] =	ssyncset.done @!p0 $0x0  }
0x129: {  	[sflag:s0] =	ssyncadd.s32 @!p0 s1  }
0x12a: {  	[bflag:$0x3] =	sbarrier.arrive $0xFFFF  }
0x12b: {  	_ =	shalt  }

// kernel: kernel.16.cloned.1.call-start
scs
__scs_entry_jumppad:
0x0: {  	(pc) =	sbr.rel $0x88, $3  }
0x1: {  	(tag) =	ssettag $0x0;
	lr =	simm.s32 $0x1  }
0x2: {  	[smem:$0x3F90] =	sst lr;
	_ =	strace $0xD0000000  }
0x3: {  	_ = 	snop  }
0x4: {  	_ = 	snop  }
0x5: {  	_ = 	snop  }
0x6: {  	_ = 	snop  }
0x7: {  	_ = 	snop  }
__scs_overlays_trampoline_lowered:
0x8: {  	[smem:$0x3F9F] =	sst s0  }
0x9: {  	[smem:$0x3FA0] =	sst s1  }
0xa: {  	[smem:$0x3FA1] =	sst s2  }
0xb: {  	[smem:$0x3FA2] =	sst s3  }
0xc: {  	[smem:$0x3FA3] =	sst s4  }
0xd: {  	[smem:$0x3FA4] =	sst s5  }
0xe: {  	[smem:$0x3FA5] =	sst s6  }
0xf: {  	[smem:$0x3FA6] =	sst s7  }
0x10: {  	[smem:$0x3FA7] =	sst s8  }
0x11: {  	[smem:$0x3FA8] =	sst s9;
	s0 =	simm.s32 @!p0 $0x0  }
0x12: {  	s1 =	sld [smem:$0x3F8E];
	s0 =	simm.s32 @p0 $0x1  }
0x13: {  	[smem:$0x3FA9] =	sst s0;
	s0 =	simm.s32 @!p1 $0x0  }
0x14: {  	s2 =	sld [smem:$0x3F8D];
	s0 =	simm.s32 @p1 $0x1  }
0x15: {  	[smem:$0x3FAA] =	sst s0;
	s0 =	simm.s32 @!p2 $0x0  }
0x16: {  	s3 =	sld [smem:$0x3FDB];
	s0 =	simm.s32 @p2 $0x1  }
0x17: {  	s4 =	simm.s32 $0x1BF5;
	[smem:$0x3FAC] =	sst s0  }
0x18: {  	s0 =	sld [smem:$0x3F8F];
	_ =	swait.ge [sflag:s4], $0x0  }
0x19: {  	s7 =	sld [smem:$0x3F90]  }
0x1a: {  	s8 =	sadd.s32 $0xFFFFE003, lr  }
0x1b: {  	s9 =	sadd.s32 $0xFFFFFEF7, lr;
	s5 =	simm.s32 $0xFFFFFFFF;
	p2 =	slt.u32 s8, $0xFFFFF086  }
0x1c: {  	p1 =	slt.u32 s9, $0xF7A;
	s5 =	simm.s32 @!p2 $0x0  }
0x1d: {  	s5 =	simm.s32 @p1 $0x1;
	p0 =	seq.s32 s7, s2  }
0x1e: {  	s7 =	smul.u32 @!p0 $0xF7A, s2;
	p2 =	seq.s32 @!p0 s5, $0x0  }
0x1f: {  	s9 =	smul.u32 $0xF7A, s1;
	s8 =	simm.s32 @!p0 $0x1BF5;
	p2 =	por !p2, p0  }
0x20: {  	[sflag:s8] =	ssyncset.s32 @!p0 $0xFFFFF086;
	s6 =	sadd.s32 @!p0 s3, s7;
	s7 =	simm.s32 @!p0 $0x108  }
0x21: {  	s3 =	sadd.s32 s3, s9;
	s6 =	sadd.s32 @!p0 $0x88, s6;
	s7 =	simm.s32 @p2 $0x1082  }
0x22: {  	[simem:s7], [sflag:s8] =	dma.local @!p0 [hbm:s6], $0xF7A  }
0x23: {  	s9 =	sor.u32 $0xD0000000, s2;
	s6 =	simm.s32 $0x108;
	_ =	swait.ge @!p0 [sflag:s8], $0x0  }
0x24: {  	s3 =	sadd.s32 $0x88, s3;
	s6 =	simm.s32 @!p1 $0x1082;
	[sflag:s4] =	ssyncset.s32 $0xFFFFF086  }
0x25: {  	[simem:s6], [sflag:s4] =	dma.local [hbm:s3], $0xF7A  }
0x26: {  	[smem:$0x3F90] =	sst s1;
	(tag) =	ssettag s2;
	_ =	strace s9  }
0x27: {  	s1 =	sld [smem:$0x3FA0]  }
0x28: {  	s2 =	sld [smem:$0x3FA1]  }
0x29: {  	s4 =	sld [smem:$0x3FA3]  }
0x2a: {  	p0 =	seq.s32 s5, $0x0;
	s5 =	sld [smem:$0x3FA4]  }
0x2b: {  	s6 =	sld [smem:$0x3FA5]  }
0x2c: {  	s7 =	sld [smem:$0x3FA6]  }
0x2d: {  	s3 =	simm.s32 $0x108;
	s8 =	sld [smem:$0x3FA7]  }
0x2e: {  	s3 =	simm.s32 @!p0 $0x1082;
	s9 =	sld [smem:$0x3FA8]  }
0x2f: {  	lr =	sadd.s32 s0, s3;
	s0 =	sld [smem:$0x3F9F]  }
0x30: {  	s3 =	sld [smem:$0x3FA2]  }
0x31: {  	[smem:$0x3FAB] =	sst s10  }
0x32: {  	s10 =	sld [smem:$0x3FA9];
	_ =	sdelay $0x3  }
0x33: {  	p0 =	seq.s32 s10, $0x1;
	s10 =	sld [smem:$0x3FAB];
	_ =	sdelay $0x3  }
0x34: {  	[smem:$0x3FAB] =	sst s10  }
0x35: {  	s10 =	sld [smem:$0x3FAA];
	_ =	sdelay $0x3  }
0x36: {  	p1 =	seq.s32 s10, $0x1;
	s10 =	sld [smem:$0x3FAB];
	_ =	sdelay $0x3  }
0x37: {  	[smem:$0x3FAB] =	sst s10  }
0x38: {  	s10 =	sld [smem:$0x3FAC]  }
0x39: {  	_ = 	snop;
	(pc) =	sbr.ind lr, $3  }
0x3a: {  	_ = 	snop  }
0x3b: {  	_ = 	snop  }
0x3c: {  	p2 =	seq.s32 s10, $0x1;
	s10 =	sld [smem:$0x3FAB]  }
0x3d: {  	_ =	shalt  }
0x3e: {  	_ =	shalt  }
0x3f: {  	_ =	shalt  }
0x40: {  	_ =	shalt  }
0x41: {  	_ =	shalt  }
0x42: {  	_ =	shalt  }
0x43: {  	_ =	shalt  }
0x44: {  	_ =	shalt  }
0x45: {  	_ =	shalt  }
0x46: {  	_ =	shalt  }
0x47: {  	_ =	shalt  }
0x48: {  	_ =	shalt  }
0x49: {  	_ =	shalt  }
0x4a: {  	_ =	shalt  }
0x4b: {  	_ =	shalt  }
0x4c: {  	_ =	shalt  }
0x4d: {  	_ =	shalt  }
0x4e: {  	_ =	shalt  }
0x4f: {  	_ =	shalt  }
0x50: {  	_ =	shalt  }
0x51: {  	_ =	shalt  }
0x52: {  	_ =	shalt  }
0x53: {  	_ =	shalt  }
0x54: {  	_ =	shalt  }
0x55: {  	_ =	shalt  }
0x56: {  	_ =	shalt  }
0x57: {  	_ =	shalt  }
0x58: {  	_ =	shalt  }
0x59: {  	_ =	shalt  }
0x5a: {  	_ =	shalt  }
0x5b: {  	_ =	shalt  }
0x5c: {  	_ =	shalt  }
0x5d: {  	_ =	shalt  }
0x5e: {  	_ =	shalt  }
0x5f: {  	_ =	shalt  }
0x60: {  	_ =	shalt  }
0x61: {  	_ =	shalt  }
0x62: {  	_ =	shalt  }
0x63: {  	_ =	shalt  }
0x64: {  	_ =	shalt  }
0x65: {  	_ =	shalt  }
0x66: {  	_ =	shalt  }
0x67: {  	_ =	shalt  }
0x68: {  	_ =	shalt  }
0x69: {  	_ =	shalt  }
0x6a: {  	_ =	shalt  }
0x6b: {  	_ =	shalt  }
0x6c: {  	_ =	shalt  }
0x6d: {  	_ =	shalt  }
0x6e: {  	_ =	shalt  }
0x6f: {  	_ =	shalt  }
0x70: {  	_ =	shalt  }
0x71: {  	_ =	shalt  }
0x72: {  	_ =	shalt  }
0x73: {  	_ =	shalt  }
0x74: {  	_ =	shalt  }
0x75: {  	_ =	shalt  }
0x76: {  	_ =	shalt  }
0x77: {  	_ =	shalt  }
0x78: {  	_ =	shalt  }
0x79: {  	_ =	shalt  }
0x7a: {  	_ =	shalt  }
0x7b: {  	_ =	shalt  }
0x7c: {  	_ =	shalt  }
0x7d: {  	_ =	shalt  }
0x7e: {  	_ =	shalt  }
0x7f: {  	_ =	shalt  }
0x80: {  	_ =	shalt  }
0x81: {  	_ =	shalt  }
0x82: {  	_ =	shalt  }
0x83: {  	_ =	shalt  }
0x84: {  	_ =	shalt  }
0x85: {  	_ =	shalt  }
0x86: {  	_ =	shalt  }
0x87: {  	_ =	shalt  }
.Lfunc_end0:
.L_simem_size_0:
called_computation.2_lowered:
.L_overlay_start_0:
0x88: {  	s2 =	sld [smem:$0x3FD9]  }
0x89: {  	s3 =	sld [smem:$0x3FFE];
	_ =	sdelay $0x1  }
0x8a: {  	s1 =	srdreg.scid  }
0x8b: {  	s0 =	sand.u32 $0x1, s1  }
0x8c: {  	s17 =	sshll.u32 s0, $0xA;
	s2 =	sadd.s32 s3, s2  }
0x8d: {  	s2 =	sadd.s32 s2, s17  }
0x8e: {  	[smem:$0x3FB7] =	sst s2  }
0x8f: {  	_ = 	snop  }
0x90: {  	(tm) =	ssettm $0x1  }
0x91: {  	s18 =	sld [smem:$0x3FFB];
	_ =	sdelay $0x3  }
0x92: {  	_ =	strace s18  }
0x93: {  	s2 =	sld [smem:$0x3FFC];
	_ =	sdelay $0x3  }
0x94: {  	_ =	strace s2  }
0x95: {  	s2 =	sld [smem:$0x3FFD];
	_ =	sdelay $0x3  }
0x96: {  	_ =	strace s2  }
0x97: {  	_ =	strace $0x8FFFFFFF  }
0x98: {  	s19 =	sld [smem:$0x3FDB];
	_ =	sdelay $0x1  }
0x99: {  	s20 =	simm.s32 $_scs_section_size  }
0x9a: {  	s4 =	simm.s32 $_size__tile_overlayer_lowered;
	s5 =	simm.s32 $_tile_overlayer_lowered  }
0x9b: {  	s6 =	simm.s32 $0x1BFF;
	s21 =	sshll.u32 s5, $0x1;
	s3 =	sadd.s32 s20, s19  }
0x9c: {  	s22 =	simm.s32 $0x0;
	s4 =	sshll.u32 s4, $0x1;
	s5 =	sadd.s32 s21, s3  }
0x9d: {  	[timem:s22], [sflag:s6] =	dma.local [hbm:s5], s4  }
0x9e: {  	_ =	swait.ge [sflag:s6], s4  }
0x9f: {  	s4 =	ssub.s32 $0x0, s4;
	[sflag:s6] =	ssyncset.done $0x0  }
0xa0: {  	[sflag:s6] =	ssyncadd.s32 s4;
	_ =	sdelay $0x1  }
0xa1: {  	s23 =	simm.s32 $0x1B8B  }
0xa2: {  	_ =	swait.ge [sflag:s23], $0x1  }
0xa3: {  	[sflag:s23] =	ssyncset.done $0x0  }
0xa4: {  	[sflag:s23] =	ssyncadd.s32 $0xFFFFFFFF  }
0xa5: {  	s4 =	sld [smem:$0x0]  }
0xa6: {  	s5 =	sand.u32 $0xFFFFFFFE, s1  }
0xa7: {  	p0 =	sne.s32 s1, s5  }
0xa8: {  	s5 =	sshll.u32 @p0 s5, $0xE  }
0xa9: {  	s5 =	sadd.s32 @p0 $0x11B8D, s5;
	s6 =	sshll.u32 @p0 s4, $0x11  }
0xaa: {  	s5 =	sor.u32 @p0 s6, s5  }
0xab: {  	[sflag:s5] =	ssyncadd.remote.s32 @p0 $0x1;
	_ =	sdelay $0x1  }
0xac: {  	s5 =	simm.s32 @p0 $0x1B8D  }
0xad: {  	_ =	swait.eq @p0 [sflag:s5], $0x1  }
0xae: {  	[sflag:s5] =	ssyncadd.s32 @p0 $0xFFFFFFFF  }
0xaf: {  	s6 =	sshll.u32 @!p0 s1, $0xE  }
0xb0: {  	s6 =	sor.u32 @!p0 $0x4000, s6;
	s5 =	simm.s32 @!p0 $0x1B8D  }
0xb1: {  	s4 =	sshll.u32 @!p0 s4, $0x11;
	s6 =	sadd.s32 @!p0 $0x11B8D, s6;
	_ =	swait.eq @!p0 [sflag:s5], $0x1  }
0xb2: {  	s4 =	sor.u32 @!p0 s4, s6;
	[sflag:s5] =	ssyncadd.s32 @!p0 $0xFFFFFFFF  }
0xb3: {  	s25 =	simm.s32 $0x1B8E;
	s24 =	sld [smem:$0x3FFE];
	[sflag:s4] =	ssyncadd.remote.s32 @!p0 $0x1  }
0xb4: {  	s26 =	simm.s32 $execute0_lowered;
	[smem:$0x3FD2] =	sst s25  }
0xb5: {  	s5 =	sshll.u32 s26, $0x1;
	_ =	strace $0x8000004F;
	[dreg:$0x1] =	wrdreg $0xFFFFFFFF  }
0xb6: {  	s28 =	simm.s32 $_size_execute0_lowered;
	s3 =	sadd.s32 s3, s5;
	[dreg:$0x0] =	wrdreg $0x0  }
0xb7: {  	s5 =	sshll.u32 s28, $0x1;
	[dreg:$0x2] =	wrdreg s3  }
0xb8: {  	[dreg:$0x3] =	wrdreg s5  }
0xb9: {  	[dreg:$0x4] =	wrdreg $0xC0  }
0xba: {  	_ =	task [dreg:s22], $0x5FFFF  }
0xbb: {  	[dreg:$0x1] =	wrdreg $0xFFFFFFFF  }
0xbc: {  	[dreg:$0x0] =	wrdreg $0x60  }
0xbd: {  	[dreg:$0x2] =	wrdreg s24  }
0xbe: {  	[dreg:$0x3] =	wrdreg $0x90000  }
0xbf: {  	[dreg:$0x4] =	wrdreg $0x9  }
0xc0: {  	_ =	task.clear_ibuf [dreg:s22], $0x5FFFF;
	_ =	strace $0x9000004F  }
0xc1: {  	s29 =	simm.s32 $0x9;
	_ =	strace $0x80000051  }
0xc2: {  	_ =	swait.ge [sflag:s29], $0x1  }
0xc3: {  	[sflag:s29] =	ssyncadd.s32 $0xFFFFFFFF  }
0xc4: {  	_ =	strace $0x90000051  }
0xc5: {  	_ =	sfence  }
0xc6: {  	s30 =	sld [smem:$0x0];
	_ =	sdelay $0x2  }
0xc7: {  	s31 =	sshll.u32 s1, $0xD;
	s1 =	sshrl.u32 s1, $0x2  }
0xc8: {  	s4 =	sand.u32 $0x4000, s31;
	s1 =	sadd.s32 s1, s30  }
0xc9: {  	s0 =	sor.u32 s4, s0;
	s1 =	sshll.u32 s1, $0x11  }
0xca: {  	s0 =	sor.u32 s1, s0  }
0xcb: {  	s0 =	sadd.s32 $0x8F2B, s0  }
0xcc: {  	[sflag:s0] =	ssyncadd.remote.s32 $0x1  }
0xcd: {  	_ =	sfence.sel $0xFFFF  }
0xce: {  	[dreg:$0x0] =	wrdreg $0xFFFFFFFF;
	(pc) =	sbr.abs _section_cstart, $3  }
0xcf: {  	[dreg:$0x1] =	wrdreg $0xFFFFFFFF  }
0xd0: {  	_ =	task.clear_ibuf [dreg:s22], $0x2FFFF;
	_ =	strace $0x9FFFFFFF  }
0xd1: {  	(tm) =	ssettm $0x7FFFFFFF  }
tec
execute0_lowered:
.L_overlay_start_1:
0x0: {  	(tag) =	ssettag $0x1  }
0x1: {  	s0 =	rddreg [dreg:$0x0]  }
0x2: {  	s2 =	rddreg [dreg:$0x1];
	s8 =	stileid.u32  }
0x3: {  	s4 =	simm.s32 $0x0;
	s1 =	srdreg.scid;
	s15 =	simm.s32 $0x5  }
0x4: {  	s17 =	simm.s32 $0x1;
	s18 =	simm.s32 $0x80;
	s19 =	simm.s32 $0x1000  }
0x5: {  	s20 =	simm.s32 $0x3;
	s21 =	simm.s32 $0x6;
	s3 =	smul.u32 $0x18, s8  }
0x6: {  	s30 =	simm.s32 $0x4;
	[smem:$0x7FF] =	sst s4;
	s4 =	smul.u32 $0x88, s8  }
0x7: {  	s13 =	simm.s32 $0xF00;
	s12 =	simm.s32 $0x0;
	s6 =	smul.u32 $0x14000, s8  }
0x8: {  	s1 =	sand.u32 $0x1, s1;
	s7 =	smul.u32 $0x50000, s8;
	s9 =	sadd.s32 $0x18400, s0  }
0x9: {  	s8 =	sshll.u32 s8, $0x6;
	p0 =	seq.s32 s1, $0x0;
	s5 =	smul.u32 $0x140000, s1  }
0xa: {  	_ =	strace $0x80000050;
	s23 =	ssub.s32 $0x2, s1;
	[dreg:$0x3] =	wrdreg s9  }
0xb: {  	s8 =	sor.u32 $0x1C05, s8;
	p1 =	sne.s32 s1, $0x0;
	s3 =	sadd.s32 $0x880, s3  }
0xc: {  	s24 =	sshrl.u32 s23, $0x1;
	s7 =	sshrl.u32 s7, $0x2;
	s3 =	smov.u32 @p0 s4  }
0xd: {  	[dreg:$0x4] =	wrdreg s8;
	s4 =	sadd.s32 $0x69000, s0;
	s3 =	sshll.u32 s3, $0x4  }
0xe: {  	s5 =	sadd.s32 s6, s5;
	s6 =	simm.s32 $0x11;
	s3 =	sadd.s32 s3, s0  }
0xf: {  	s7 =	sadd.s32 s7, s2;
	s5 =	sshrl.u32 s5, $0x3;
	s25 =	sadd.s32 $0x4400, s3  }
0x10: {  	s0 =	sadd.s32 s5, s0;
	s26 =	sadd.s32 $0xE400, s3;
	[dreg:$0x5] =	wrdreg s25  }
0x11: {  	s5 =	ssub.s32 s23, s24;
	s0 =	sadd.s32 $0xE0200, s0;
	[dreg:$0x6] =	wrdreg s26  }
.Ltmp0:
0x12: {  	s28 =	smax.u32 s5, $0x1;
	[dreg:$0x7] =	wrdreg s0;
	(pc) =	sbr.rel .LBB2_1-.Ltmp0, $4  }
0x13: {  	s6 =	simm.s32 @!p0 $0x3;
	s29 =	sadd.s32 $0xE480, s3;
	[dreg:$0x8] =	wrdreg s28  }
0x14: {  	s23 =	simm.s32 $0x5000;
	s31 =	sadd.s32 $0x4480, s3;
	[dreg:$0x9] =	wrdreg s29  }
0x15: {  	s3 =	sshrl.u32 s7, $0x3;
	s7 =	simm.s32 $0xF80;
	[dreg:$0xa] =	wrdreg s31  }
0x16: {  	s5 =	simm.s32 $0x0;
	s0 =	simm.s32 $0x2;
	[dreg:$0xb] =	wrdreg s3  }
.LBB2_8:
0x17: {  	[bflag:$0x0] =	sbarrier.arrive $0xFFFF  }
0x18: {  	s8 =	rddreg [dreg:$0x4]  }
0x19: {  	s1 =	rddreg [dreg:$0x7]  }
0x1a: {  	s3 =	rddreg [dreg:$0xb]  }
0x1b: {  	[hbm:s1], [sflag:s8] =	dma.local [spmem:s3], $0x2800  }
0x1c: {  	_ =	swait.ge [sflag:s15], $0x2800  }
0x1d: {  	s5 =	rddreg [dreg:$0xc]  }
0x1e: {  	s31 =	rddreg [dreg:$0x8];
	s5 =	sadd.s32 $0x1, s5  }
0x1f: {  	p2 =	sne.s32 s5, s31  }
.Ltmp1:
0x20: {  	_ = 	snop;
	(pc) =	sbr.rel @!p2 .LBB2_9-.Ltmp1, $3  }
0x21: {  	_ =	sdelay $0x1  }
0x22: {  	[sflag:s15] =	ssyncset.done $0x0  }
0x23: {  	[sflag:s15] =	ssyncadd.s32 $0xFFFFD800  }
.LBB2_1:
0x24: {  	[dreg:$0xc] =	wrdreg s5  }
0x25: {  	s1 =	rddreg [dreg:$0x3]  }
0x26: {  	[spmem:s3], [sflag:s8] =	dma.local [hbm:s1], $0x2800  }
0x27: {  	_ =	swait.ge [sflag:s15], $0x2800  }
0x28: {  	[sflag:s15] =	ssyncset.done $0x0  }
0x29: {  	[sflag:s15] =	ssyncadd.s32 $0xFFFFD800  }
0x2a: {  	[bflag:$0x0] =	sbarrier.arrive $0xFFFF  }
0x2b: {  	s28 =	rddreg [dreg:$0x5]  }
.Ltmp2:
0x2c: {  	s29 =	rddreg [dreg:$0x6];
	(pc) =	sbr.rel .LBB2_2-.Ltmp2, $4  }
0x2d: {  	s26 =	simm.s32 $0x0;
	s31 =	simm.s32 $0x800;
	s3 =	rddreg [dreg:$0xa]  }
0x2e: {  	[tilespmem:s26], [sflag:$0x1] =	stream.linear.gather [hbm4b:s28+s26], $0x400, $0x38;
	[tilespmem:$0x1D000] =	vst v63  }
0x2f: {  	s14 =	simm.s32 $0x1;
	s24 =	simm.s32 $0x0;
	s22 =	rddreg [dreg:$0x9]  }
0x30: {  	[tilespmem:s31], [sflag:$0x1] =	stream.linear.gather [hbm4b:s29+s26], $0x400, $0x38;
	[tilespmem:$0x1D000] =	vst v63  }
.LBB2_6:
0x31: {  	_ =	swait.ge [sflag:s0], $0x400  }
0x32: {  	[sflag:s0] =	ssyncset.done $0x0  }
0x33: {  	[sflag:s0] =	ssyncadd.s32 $0xFFFFFC00  }
0x34: {  	_ =	swait.ge [sflag:s0], $0x400  }
0x35: {  	p2 =	sge.u32 s14, s6;
	[sflag:s0] =	ssyncset.done $0x0  }
0x36: {  	s1 =	simm.s32 @!p2 $0x0;
	[sflag:s0] =	ssyncadd.s32 $0xFFFFFC00  }
0x37: {  	[tilespmem:s1], [sflag:$0x1] =	stream.linear.gather @!p2 [hbm4b:s3+s1], $0x400, $0x38;
	[tilespmem:$0x1D000] =	vst v63  }
0x38: {  	s5 =	simm.s32 @!p2 $0x800  }
0x39: {  	[tilespmem:s5], [sflag:$0x1] =	stream.linear.gather @!p2 [hbm4b:s22+s1], $0x400, $0x38;
	[tilespmem:$0x1D000] =	vst v63  }
0x3a: {  	s9 =	simm.s32 $0x400  }
0x3b: {  	[tilespmem:s19], [sflag:$0x3] =	stream.indirect.gather [hbm4b:s4+s18], $0x80, s9, s18, $0xb8;
	[tilespmem:$0x1D000] =	vst v63  }
0x3c: {  	_ =	swait.ge [sflag:s20], $0x4000  }
0x3d: {  	s8 =	simm.s32 @!p1 $0x5000;
	[sflag:s20] =	ssyncset.done $0x0  }
0x3e: {  	s1 =	simm.s32 @!p1 $0x80;
	s5 =	simm.s32 @!p1 $0x480;
	[sflag:s20] =	ssyncadd.s32 $0xFFFFC000  }
0x3f: {  	[tilespmem:s8], [sflag:$0x4] =	stream.indirect.gather @!p1 [hbm4b:s4+s1], $0x80, s5, s1, $0xb8;
	[tilespmem:$0x1D000] =	vst v63  }
0x40: {  	s10 =	simm.s32 $0xC00  }
0x41: {  	[spmem:s2] =	stream.indirect.scatter.add.f32 [tilespmem:s19], [sflag:$0x6], $0x80, s10, s18, $0xb8;
	[tilespmem:$0x1D000] =	vst v63  }
0x42: {  	_ =	swait.ge [sflag:s21], $0x4000  }
0x43: {  	[sflag:s21] =	ssyncset.done $0x0  }
0x44: {  	s29 =	simm.s32 @p0 $0x4;
	[sflag:s21] =	ssyncadd.s32 $0xFFFFC000  }
0x45: {  	_ =	swait.ge @p0 [sflag:s29], $0x4000  }
0x46: {  	s28 =	simm.s32 @p0 $0x80;
	[sflag:s29] =	ssyncset.done @p0 $0x0  }
0x47: {  	s31 =	simm.s32 @p0 $0x1000;
	s1 =	simm.s32 @p0 $0x500;
	[sflag:s29] =	ssyncadd.s32 @p0 $0xFFFFC000  }
0x48: {  	[tilespmem:s31], [sflag:$0x3] =	stream.indirect.gather @p0 [hbm4b:s4+s28], $0x80, s1, s28, $0xb8;
	[tilespmem:$0x1D000] =	vst v63  }
0x49: {  	s25 =	simm.s32 @!p0 $0x80;
	s26 =	simm.s32 @!p0 $0x5000;
	s1 =	simm.s32 @!p0 $0x480  }
0x4a: {  	[tilespmem:s26], [sflag:$0x4] =	stream.indirect.gather @!p0 [hbm4b:s4+s25], $0x80, s1, s25, $0xb8;
	[tilespmem:$0x1D000] =	vst v63  }
0x4b: {  	s1 =	simm.s32 @!p0 $0x4  }
0x4c: {  	_ =	swait.ge @!p0 [sflag:s1], $0x4000  }
0x4d: {  	[sflag:s1] =	ssyncset.done @!p0 $0x0  }
0x4e: {  	s11 =	simm.s32 $0xC80;
	[sflag:s1] =	ssyncadd.s32 @!p0 $0xFFFFC000  }
0x4f: {  	[spmem:s2] =	stream.indirect.scatter.add.f32 [tilespmem:s23], [sflag:$0x6], $0x80, s11, s18, $0xb8;
	[tilespmem:$0x1D000] =	vst v63  }
0x50: {  	_ =	swait.ge [sflag:s21], $0x4000  }
0x51: {  	[sflag:s21] =	ssyncset.done $0x0  }
0x52: {  	s5 =	simm.s32 @p0 $0x3;
	[sflag:s21] =	ssyncadd.s32 $0xFFFFC000  }
0x53: {  	_ =	swait.ge @p0 [sflag:s5], $0x4000  }
0x54: {  	[sflag:s5] =	ssyncset.done @p0 $0x0  }
0x55: {  	s9 =	simm.s32 @p0 $0x5000;
	s8 =	simm.s32 @p0 $0x580;
	[sflag:s5] =	ssyncadd.s32 @p0 $0xFFFFC000  }
0x56: {  	[tilespmem:s9], [sflag:$0x4] =	stream.indirect.gather @p0 [hbm4b:s4+s28], $0x80, s8, s28, $0xb8;
	[tilespmem:$0x1D000] =	vst v63  }
0x57: {  	s10 =	simm.s32 @!p0 $0x1000;
	s8 =	simm.s32 @!p0 $0x500  }
0x58: {  	[tilespmem:s10], [sflag:$0x3] =	stream.indirect.gather @!p0 [hbm4b:s4+s25], $0x80, s8, s25, $0xb8;
	[tilespmem:$0x1D000] =	vst v63  }
0x59: {  	s8 =	simm.s32 @!p0 $0x3  }
0x5a: {  	_ =	swait.ge @!p0 [sflag:s8], $0x4000  }
0x5b: {  	[sflag:s8] =	ssyncset.done @!p0 $0x0  }
0x5c: {  	s11 =	simm.s32 $0xD00;
	[sflag:s8] =	ssyncadd.s32 @!p0 $0xFFFFC000  }
0x5d: {  	[spmem:s2] =	stream.indirect.scatter.add.f32 [tilespmem:s19], [sflag:$0x6], $0x80, s11, s18, $0xb8;
	[tilespmem:$0x1D000] =	vst v63  }
0x5e: {  	_ =	swait.ge [sflag:s21], $0x4000  }
0x5f: {  	[sflag:s21] =	ssyncset.done $0x0  }
0x60: {  	[sflag:s21] =	ssyncadd.s32 $0xFFFFC000  }
0x61: {  	_ =	swait.ge @p0 [sflag:s29], $0x4000  }
0x62: {  	[sflag:s29] =	ssyncset.done @p0 $0x0  }
0x63: {  	s11 =	simm.s32 @p0 $0x600;
	[sflag:s29] =	ssyncadd.s32 @p0 $0xFFFFC000  }
0x64: {  	[tilespmem:s31], [sflag:$0x3] =	stream.indirect.gather @p0 [hbm4b:s4+s28], $0x80, s11, s28, $0xb8;
	[tilespmem:$0x1D000] =	vst v63  }
0x65: {  	s11 =	simm.s32 @!p0 $0x580  }
0x66: {  	[tilespmem:s26], [sflag:$0x4] =	stream.indirect.gather @!p0 [hbm4b:s4+s25], $0x80, s11, s25, $0xb8;
	[tilespmem:$0x1D000] =	vst v63  }
0x67: {  	_ =	swait.ge @!p0 [sflag:s1], $0x4000  }
0x68: {  	[sflag:s1] =	ssyncset.done @!p0 $0x0  }
0x69: {  	s16 =	simm.s32 $0xD80;
	[sflag:s1] =	ssyncadd.s32 @!p0 $0xFFFFC000  }
0x6a: {  	[spmem:s2] =	stream.indirect.scatter.add.f32 [tilespmem:s23], [sflag:$0x6], $0x80, s16, s18, $0xb8;
	[tilespmem:$0x1D000] =	vst v63  }
0x6b: {  	_ =	swait.ge [sflag:s21], $0x4000  }
0x6c: {  	[sflag:s21] =	ssyncset.done $0x0  }
0x6d: {  	[sflag:s21] =	ssyncadd.s32 $0xFFFFC000  }
0x6e: {  	_ =	swait.ge @p0 [sflag:s5], $0x4000  }
0x6f: {  	[sflag:s5] =	ssyncset.done @p0 $0x0  }
0x70: {  	s11 =	simm.s32 @p0 $0x680;
	[sflag:s5] =	ssyncadd.s32 @p0 $0xFFFFC000  }
0x71: {  	[tilespmem:s9], [sflag:$0x4] =	stream.indirect.gather @p0 [hbm4b:s4+s28], $0x80, s11, s28, $0xb8;
	[tilespmem:$0x1D000] =	vst v63  }
0x72: {  	s11 =	simm.s32 @!p0 $0x600  }
0x73: {  	[tilespmem:s10], [sflag:$0x3] =	stream.indirect.gather @!p0 [hbm4b:s4+s25], $0x80, s11, s25, $0xb8;
	[tilespmem:$0x1D000] =	vst v63  }
0x74: {  	_ =	swait.ge @!p0 [sflag:s8], $0x4000  }
0x75: {  	[sflag:s8] =	ssyncset.done @!p0 $0x0  }
0x76: {  	s16 =	simm.s32 $0xE00;
	[sflag:s8] =	ssyncadd.s32 @!p0 $0xFFFFC000  }
0x77: {  	[spmem:s2] =	stream.indirect.scatter.add.f32 [tilespmem:s19], [sflag:$0x6], $0x80, s16, s18, $0xb8;
	[tilespmem:$0x1D000] =	vst v63  }
0x78: {  	_ =	swait.ge [sflag:s21], $0x4000  }
0x79: {  	[sflag:s21] =	ssyncset.done $0x0  }
0x7a: {  	[sflag:s21] =	ssyncadd.s32 $0xFFFFC000  }
0x7b: {  	_ =	swait.ge @p0 [sflag:s29], $0x4000  }
0x7c: {  	[sflag:s29] =	ssyncset.done @p0 $0x0  }
0x7d: {  	s11 =	simm.s32 @p0 $0x700;
	[sflag:s29] =	ssyncadd.s32 @p0 $0xFFFFC000  }
0x7e: {  	[tilespmem:s31], [sflag:$0x3] =	stream.indirect.gather @p0 [hbm4b:s4+s28], $0x80, s11, s28, $0xb8;
	[tilespmem:$0x1D000] =	vst v63  }
0x7f: {  	s11 =	simm.s32 @!p0 $0x680  }
0x80: {  	[tilespmem:s26], [sflag:$0x4] =	stream.indirect.gather @!p0 [hbm4b:s4+s25], $0x80, s11, s25, $0xb8;
	[tilespmem:$0x1D000] =	vst v63  }
0x81: {  	_ =	swait.ge @!p0 [sflag:s1], $0x4000  }
0x82: {  	[sflag:s1] =	ssyncset.done @!p0 $0x0  }
0x83: {  	s31 =	simm.s32 $0xE80;
	[sflag:s1] =	ssyncadd.s32 @!p0 $0xFFFFC000  }
0x84: {  	[spmem:s2] =	stream.indirect.scatter.add.f32 [tilespmem:s23], [sflag:$0x6], $0x80, s31, s18, $0xb8;
	[tilespmem:$0x1D000] =	vst v63  }
0x85: {  	_ =	swait.ge [sflag:s21], $0x4000  }
0x86: {  	[sflag:s21] =	ssyncset.done $0x0  }
0x87: {  	[sflag:s21] =	ssyncadd.s32 $0xFFFFC000  }
0x88: {  	_ =	swait.ge @p0 [sflag:s5], $0x4000  }
0x89: {  	[sflag:s5] =	ssyncset.done @p0 $0x0  }
0x8a: {  	s1 =	simm.s32 @p0 $0x780;
	[sflag:s5] =	ssyncadd.s32 @p0 $0xFFFFC000  }
0x8b: {  	[tilespmem:s9], [sflag:$0x4] =	stream.indirect.gather @p0 [hbm4b:s4+s28], $0x80, s1, s28, $0xb8;
	[tilespmem:$0x1D000] =	vst v63  }
0x8c: {  	s1 =	simm.s32 @!p0 $0x700  }
0x8d: {  	[tilespmem:s10], [sflag:$0x3] =	stream.indirect.gather @!p0 [hbm4b:s4+s25], $0x80, s1, s25, $0xb8;
	[tilespmem:$0x1D000] =	vst v63  }
0x8e: {  	_ =	swait.ge @!p0 [sflag:s8], $0x4000  }
0x8f: {  	[sflag:s8] =	ssyncset.done @!p0 $0x0  }
0x90: {  	[sflag:s8] =	ssyncadd.s32 @!p0 $0xFFFFC000  }
0x91: {  	[spmem:s2] =	stream.indirect.scatter.add.f32 [tilespmem:s19], [sflag:$0x6], $0x80, s13, s18, $0xb8;
	[tilespmem:$0x1D000] =	vst v63  }
0x92: {  	_ =	swait.ge [sflag:s21], $0x4000  }
0x93: {  	[sflag:s21] =	ssyncset.done $0x0  }
0x94: {  	s1 =	simm.s32 @!p0 $0x780;
	[sflag:s21] =	ssyncadd.s32 $0xFFFFC000  }
0x95: {  	[tilespmem:s26], [sflag:$0x4] =	stream.indirect.gather @!p0 [hbm4b:s4+s25], $0x80, s1, s25, $0xb8;
	[tilespmem:$0x1D000] =	vst v63  }
0x96: {  	_ =	swait.ge [sflag:s30], $0x4000  }
0x97: {  	[sflag:s30] =	ssyncset.done $0x0  }
0x98: {  	[sflag:s30] =	ssyncadd.s32 $0xFFFFC000  }
0x99: {  	[spmem:s2] =	stream.indirect.scatter.add.f32 [tilespmem:s23], [sflag:$0x5], $0x80, s7, s18, $0xb8;
	[tilespmem:$0x1D000] =	vst v63  }
0x9a: {  	_ =	swait.ge [sflag:s15], $0x4000  }
0x9b: {  	[sflag:s15] =	ssyncset.done $0x0  }
0x9c: {  	s24 =	sadd.s32 $0x1, s24;
	[sflag:s15] =	ssyncadd.s32 $0xFFFFC000  }
.LBB2_7:
0x9d: {  	s14 =	sadd.s32 $0x1, s14  }
0x9e: {  	p2 =	sne.s32 s14, $0x12  }
.Ltmp3:
0x9f: {  	_ = 	snop;
	(pc) =	sbr.rel @!p2 .LBB2_8-.Ltmp3, $2  }
0xa0: {  	_ =	sdelay $0x2  }
0xa1: {  	s22 =	sadd.s32 $0x80, s22;
	s3 =	sadd.s32 $0x80, s3  }
.LBB2_2:
0xa2: {  	s1 =	sadd.s32 $0xFFFFFFFF, s14  }
0xa3: {  	s25 =	sand.u32 $0x1, s1;
	p2 =	sge.u32 s1, s6  }
0xa4: {  	p3 =	sne.s32 @!p2 s25, $0x0  }
0xa5: {  	p3 =	por p2, p3  }
.Ltmp4:
0xa6: {  	_ = 	snop;
	(pc) =	sbr.rel @p3 .LBB2_4-.Ltmp4, $1  }
0xa7: {  	_ =	sdelay $0x3  }
0xa8: {  	_ =	swait.ge [sflag:s17], $0x400  }
0xa9: {  	[sflag:s17] =	ssyncset.done $0x0  }
0xaa: {  	[sflag:s17] =	ssyncadd.s32 $0xFFFFFC00  }
0xab: {  	_ =	swait.ge [sflag:s17], $0x400  }
0xac: {  	p3 =	sge.u32 s14, s6;
	[sflag:s17] =	ssyncset.done $0x0  }
0xad: {  	s1 =	simm.s32 @!p3 $0x0;
	s16 =	simm.s32 @!p3 $0x400;
	[sflag:s17] =	ssyncadd.s32 $0xFFFFFC00  }
0xae: {  	[tilespmem:s16], [sflag:$0x2] =	stream.linear.gather @!p3 [hbm4b:s3+s1], $0x400, $0x38;
	[tilespmem:$0x1D000] =	vst v63  }
0xaf: {  	s16 =	simm.s32 @!p3 $0xC00  }
0xb0: {  	[tilespmem:s16], [sflag:$0x2] =	stream.linear.gather @!p3 [hbm4b:s22+s1], $0x400, $0x38;
	[tilespmem:$0x1D000] =	vst v63  }
0xb1: {  	_ = 	snop  }
0xb2: {  	[tilespmem:s19], [sflag:$0x3] =	stream.indirect.gather [hbm4b:s4+s18], $0x80, s12, s18, $0xb8;
	[tilespmem:$0x1D000] =	vst v63  }
0xb3: {  	_ =	swait.ge [sflag:s20], $0x4000  }
0xb4: {  	[sflag:s20] =	ssyncset.done $0x0  }
0xb5: {  	s1 =	simm.s32 @!p1 $0x80;
	s16 =	simm.s32 @!p1 $0x5000;
	[sflag:s20] =	ssyncadd.s32 $0xFFFFC000  }
0xb6: {  	[tilespmem:s16], [sflag:$0x4] =	stream.indirect.gather @!p1 [hbm4b:s4+s1], $0x80, s1, s1, $0xb8;
	[tilespmem:$0x1D000] =	vst v63  }
0xb7: {  	s11 =	simm.s32 $0x800  }
0xb8: {  	[spmem:s2] =	stream.indirect.scatter.add.f32 [tilespmem:s19], [sflag:$0x6], $0x80, s11, s18, $0xb8;
	[tilespmem:$0x1D000] =	vst v63  }
0xb9: {  	_ =	swait.ge [sflag:s21], $0x4000  }
0xba: {  	[sflag:s21] =	ssyncset.done $0x0  }
0xbb: {  	s31 =	simm.s32 @p0 $0x4;
	[sflag:s21] =	ssyncadd.s32 $0xFFFFC000  }
0xbc: {  	_ =	swait.ge @p0 [sflag:s31], $0x4000  }
0xbd: {  	s29 =	simm.s32 @p0 $0x80;
	[sflag:s31] =	ssyncset.done @p0 $0x0  }
0xbe: {  	s16 =	simm.s32 @p0 $0x100;
	s1 =	simm.s32 @p0 $0x1000;
	[sflag:s31] =	ssyncadd.s32 @p0 $0xFFFFC000  }
0xbf: {  	[tilespmem:s1], [sflag:$0x3] =	stream.indirect.gather @p0 [hbm4b:s4+s29], $0x80, s16, s29, $0xb8;
	[tilespmem:$0x1D000] =	vst v63  }
0xc0: {  	s26 =	simm.s32 @!p0 $0x80;
	s28 =	simm.s32 @!p0 $0x5000;
	s16 =	simm.s32 @!p0 $0x4  }
0xc1: {  	[tilespmem:s28], [sflag:$0x4] =	stream.indirect.gather @!p0 [hbm4b:s4+s26], $0x80, s26, s26, $0xb8;
	[tilespmem:$0x1D000] =	vst v63  }
0xc2: {  	_ =	swait.ge @!p0 [sflag:s16], $0x4000  }
0xc3: {  	[sflag:s16] =	ssyncset.done @!p0 $0x0  }
0xc4: {  	s5 =	simm.s32 $0x880;
	[sflag:s16] =	ssyncadd.s32 @!p0 $0xFFFFC000  }
0xc5: {  	[spmem:s2] =	stream.indirect.scatter.add.f32 [tilespmem:s23], [sflag:$0x6], $0x80, s5, s18, $0xb8;
	[tilespmem:$0x1D000] =	vst v63  }
0xc6: {  	_ =	swait.ge [sflag:s21], $0x4000  }
0xc7: {  	[sflag:s21] =	ssyncset.done $0x0  }
0xc8: {  	s5 =	simm.s32 @p0 $0x3;
	[sflag:s21] =	ssyncadd.s32 $0xFFFFC000  }
0xc9: {  	_ =	swait.ge @p0 [sflag:s5], $0x4000  }
0xca: {  	[sflag:s5] =	ssyncset.done @p0 $0x0  }
0xcb: {  	s8 =	simm.s32 @p0 $0x180;
	s9 =	simm.s32 @p0 $0x5000;
	[sflag:s5] =	ssyncadd.s32 @p0 $0xFFFFC000  }
0xcc: {  	[tilespmem:s9], [sflag:$0x4] =	stream.indirect.gather @p0 [hbm4b:s4+s29], $0x80, s8, s29, $0xb8;
	[tilespmem:$0x1D000] =	vst v63  }
0xcd: {  	s10 =	simm.s32 @!p0 $0x1000;
	s8 =	simm.s32 @!p0 $0x100  }
0xce: {  	[tilespmem:s10], [sflag:$0x3] =	stream.indirect.gather @!p0 [hbm4b:s4+s26], $0x80, s8, s26, $0xb8;
	[tilespmem:$0x1D000] =	vst v63  }
0xcf: {  	s8 =	simm.s32 @!p0 $0x3  }
0xd0: {  	_ =	swait.ge @!p0 [sflag:s8], $0x4000  }
0xd1: {  	[sflag:s8] =	ssyncset.done @!p0 $0x0  }
0xd2: {  	s11 =	simm.s32 $0x900;
	[sflag:s8] =	ssyncadd.s32 @!p0 $0xFFFFC000  }
0xd3: {  	[spmem:s2] =	stream.indirect.scatter.add.f32 [tilespmem:s19], [sflag:$0x6], $0x80, s11, s18, $0xb8;
	[tilespmem:$0x1D000] =	vst v63  }
0xd4: {  	_ =	swait.ge [sflag:s21], $0x4000  }
0xd5: {  	[sflag:s21] =	ssyncset.done $0x0  }
0xd6: {  	[sflag:s21] =	ssyncadd.s32 $0xFFFFC000  }
0xd7: {  	_ =	swait.ge @p0 [sflag:s31], $0x4000  }
0xd8: {  	[sflag:s31] =	ssyncset.done @p0 $0x0  }
0xd9: {  	s11 =	simm.s32 @p0 $0x200;
	[sflag:s31] =	ssyncadd.s32 @p0 $0xFFFFC000  }
0xda: {  	[tilespmem:s1], [sflag:$0x3] =	stream.indirect.gather @p0 [hbm4b:s4+s29], $0x80, s11, s29, $0xb8;
	[tilespmem:$0x1D000] =	vst v63  }
0xdb: {  	s11 =	simm.s32 @!p0 $0x180  }
0xdc: {  	[tilespmem:s28], [sflag:$0x4] =	stream.indirect.gather @!p0 [hbm4b:s4+s26], $0x80, s11, s26, $0xb8;
	[tilespmem:$0x1D000] =	vst v63  }
0xdd: {  	_ =	swait.ge @!p0 [sflag:s16], $0x4000  }
0xde: {  	[sflag:s16] =	ssyncset.done @!p0 $0x0  }
0xdf: {  	s11 =	simm.s32 $0x980;
	[sflag:s16] =	ssyncadd.s32 @!p0 $0xFFFFC000  }
0xe0: {  	[spmem:s2] =	stream.indirect.scatter.add.f32 [tilespmem:s23], [sflag:$0x6], $0x80, s11, s18, $0xb8;
	[tilespmem:$0x1D000] =	vst v63  }
0xe1: {  	_ =	swait.ge [sflag:s21], $0x4000  }
0xe2: {  	[sflag:s21] =	ssyncset.done $0x0  }
0xe3: {  	[sflag:s21] =	ssyncadd.s32 $0xFFFFC000  }
0xe4: {  	_ =	swait.ge @p0 [sflag:s5], $0x4000  }
0xe5: {  	[sflag:s5] =	ssyncset.done @p0 $0x0  }
0xe6: {  	s11 =	simm.s32 @p0 $0x280;
	[sflag:s5] =	ssyncadd.s32 @p0 $0xFFFFC000  }
0xe7: {  	[tilespmem:s9], [sflag:$0x4] =	stream.indirect.gather @p0 [hbm4b:s4+s29], $0x80, s11, s29, $0xb8;
	[tilespmem:$0x1D000] =	vst v63  }
0xe8: {  	s11 =	simm.s32 @!p0 $0x200  }
0xe9: {  	[tilespmem:s10], [sflag:$0x3] =	stream.indirect.gather @!p0 [hbm4b:s4+s26], $0x80, s11, s26, $0xb8;
	[tilespmem:$0x1D000] =	vst v63  }
0xea: {  	_ =	swait.ge @!p0 [sflag:s8], $0x4000  }
0xeb: {  	[sflag:s8] =	ssyncset.done @!p0 $0x0  }
0xec: {  	s11 =	simm.s32 $0xA00;
	[sflag:s8] =	ssyncadd.s32 @!p0 $0xFFFFC000  }
0xed: {  	[spmem:s2] =	stream.indirect.scatter.add.f32 [tilespmem:s19], [sflag:$0x6], $0x80, s11, s18, $0xb8;
	[tilespmem:$0x1D000] =	vst v63  }
0xee: {  	_ =	swait.ge [sflag:s21], $0x4000  }
0xef: {  	[sflag:s21] =	ssyncset.done $0x0  }
0xf0: {  	[sflag:s21] =	ssyncadd.s32 $0xFFFFC000  }
0xf1: {  	_ =	swait.ge @p0 [sflag:s31], $0x4000  }
0xf2: {  	[sflag:s31] =	ssyncset.done @p0 $0x0  }
0xf3: {  	s11 =	simm.s32 @p0 $0x300;
	[sflag:s31] =	ssyncadd.s32 @p0 $0xFFFFC000  }
0xf4: {  	[tilespmem:s1], [sflag:$0x3] =	stream.indirect.gather @p0 [hbm4b:s4+s29], $0x80, s11, s29, $0xb8;
	[tilespmem:$0x1D000] =	vst v63  }
0xf5: {  	s1 =	simm.s32 @!p0 $0x280  }
0xf6: {  	[tilespmem:s28], [sflag:$0x4] =	stream.indirect.gather @!p0 [hbm4b:s4+s26], $0x80, s1, s26, $0xb8;
	[tilespmem:$0x1D000] =	vst v63  }
0xf7: {  	_ =	swait.ge @!p0 [sflag:s16], $0x4000  }
0xf8: {  	[sflag:s16] =	ssyncset.done @!p0 $0x0  }
0xf9: {  	[sflag:s16] =	ssyncadd.s32 @!p0 $0xFFFFC000;
	s16 =	simm.s32 $0xA80  }
0xfa: {  	[spmem:s2] =	stream.indirect.scatter.add.f32 [tilespmem:s23], [sflag:$0x6], $0x80, s16, s18, $0xb8;
	[tilespmem:$0x1D000] =	vst v63  }
0xfb: {  	_ =	swait.ge [sflag:s21], $0x4000  }
0xfc: {  	[sflag:s21] =	ssyncset.done $0x0  }
0xfd: {  	[sflag:s21] =	ssyncadd.s32 $0xFFFFC000  }
0xfe: {  	_ =	swait.ge @p0 [sflag:s5], $0x4000  }
0xff: {  	[sflag:s5] =	ssyncset.done @p0 $0x0  }
0x100: {  	s1 =	simm.s32 @p0 $0x380;
	[sflag:s5] =	ssyncadd.s32 @p0 $0xFFFFC000  }
0x101: {  	[tilespmem:s9], [sflag:$0x4] =	stream.indirect.gather @p0 [hbm4b:s4+s29], $0x80, s1, s29, $0xb8;
	[tilespmem:$0x1D000] =	vst v63  }
0x102: {  	s1 =	simm.s32 @!p0 $0x300  }
0x103: {  	[tilespmem:s10], [sflag:$0x3] =	stream.indirect.gather @!p0 [hbm4b:s4+s26], $0x80, s1, s26, $0xb8;
	[tilespmem:$0x1D000] =	vst v63  }
0x104: {  	_ =	swait.ge @!p0 [sflag:s8], $0x4000  }
0x105: {  	[sflag:s8] =	ssyncset.done @!p0 $0x0  }
0x106: {  	s29 =	simm.s32 $0xB00;
	[sflag:s8] =	ssyncadd.s32 @!p0 $0xFFFFC000  }
0x107: {  	[spmem:s2] =	stream.indirect.scatter.add.f32 [tilespmem:s19], [sflag:$0x6], $0x80, s29, s18, $0xb8;
	[tilespmem:$0x1D000] =	vst v63  }
0x108: {  	_ =	swait.ge [sflag:s21], $0x4000  }
0x109: {  	[sflag:s21] =	ssyncset.done $0x0  }
0x10a: {  	s1 =	simm.s32 @!p0 $0x380;
	[sflag:s21] =	ssyncadd.s32 $0xFFFFC000  }
0x10b: {  	[tilespmem:s28], [sflag:$0x4] =	stream.indirect.gather @!p0 [hbm4b:s4+s26], $0x80, s1, s26, $0xb8;
	[tilespmem:$0x1D000] =	vst v63  }
0x10c: {  	_ =	swait.ge [sflag:s30], $0x4000  }
0x10d: {  	[sflag:s30] =	ssyncset.done $0x0  }
0x10e: {  	s31 =	simm.s32 $0xB80;
	[sflag:s30] =	ssyncadd.s32 $0xFFFFC000  }
0x10f: {  	[spmem:s2] =	stream.indirect.scatter.add.f32 [tilespmem:s23], [sflag:$0x6], $0x80, s31, s18, $0xb8;
	[tilespmem:$0x1D000] =	vst v63  }
0x110: {  	_ =	swait.ge [sflag:s21], $0x4000  }
0x111: {  	[sflag:s21] =	ssyncset.done $0x0  }
0x112: {  	[sflag:s21] =	ssyncadd.s32 $0xFFFFC000  }
.LBB2_4:
0x113: {  	p3 =	seq.s32 s25, $0x1  }
0x114: {  	p2 =	por p2, !p3  }
.Ltmp5:
0x115: {  	_ = 	snop;
	(pc) =	sbr.rel @!p2 .LBB2_6-.Ltmp5, $1  }
0x116: {  	_ =	sdelay $0x3  }
.Ltmp6:
0x117: {  	(pc) =	sbr.rel .LBB2_7-.Ltmp6, $2  }
0x118: {  	_ =	sdelay $0x2  }
0x119: {  	s24 =	sadd.s32 $0x1, s24  }
.LBB2_9:
0x11a: {  	_ =	sfence.sel $0x180000  }
0x11b: {  	[bflag:$0x0] =	sbarrier.arrive $0xFFFF  }
0x11c: {  	_ =	strace $0x90000050  }
0x11d: {  	s0 =	stileid.u32;
	[bflag:$0x2] =	sbarrier.arrive $0xFFFF  }
0x11e: {  	p0 =	sne.s32 s0, $0x0;
	s0 =	rddreg [dreg:$0x2]  }
0x11f: {  	s0 =	sadd.s32 @!p0 $0x100000, s0  }
0x120: {  	[sflag:s0] =	ssyncadd.tile.s32 @!p0 $0x1;
	_ =	shalt  }
.Lfunc_end2:
_tile_overlayer_lowered:
.L_overlay_start_2:
0x121: {  	(tag) =	ssettag $0x2  }
0x122: {  	s0 =	rddreg [dreg:$0x0];
	s2 =	stileid.u32  }
0x123: {  	s1 =	rddreg [dreg:$0x1];
	p0 =	sne.s32 s2, $0x0  }
0x124: {  	s3 =	rddreg [dreg:$0x2];
	[bflag:$0x3] =	sbarrier.arrive $0xFFFF;
	s2 =	simm.s32 @!p0 $0x1C05  }
0x125: {  	[timem:s3], [sflag:s2] =	dma.local @!p0 [hbm:s0], s1  }
0x126: {  	s0 =	simm.s32 @!p0 $0x5  }
0x127: {  	_ =	swait.ge @!p0 [sflag:s0], s1  }
0x128: {  	s1 =	ssub.s32 @!p0 $0x0, s1;
	[sflag:s0] =	ssyncset.done @!p0 $0x0  }
0x129: {  	[sflag:s0] =	ssyncadd.s32 @!p0 s1  }
0x12a: {  	[bflag:$0x3] =	sbarrier.arrive $0xFFFF  }
0x12b: {  	_ =	shalt  }

// kernel: kernel.19.cloned.1.call-start
scs
__scs_entry_jumppad:
0x0: {  	(pc) =	sbr.rel $0x88, $3  }
0x1: {  	(tag) =	ssettag $0x0;
	lr =	simm.s32 $0x1  }
0x2: {  	[smem:$0x3F90] =	sst lr;
	_ =	strace $0xD0000000  }
0x3: {  	_ = 	snop  }
0x4: {  	_ = 	snop  }
0x5: {  	_ = 	snop  }
0x6: {  	_ = 	snop  }
0x7: {  	_ = 	snop  }
__scs_overlays_trampoline_lowered:
0x8: {  	[smem:$0x3F9F] =	sst s0  }
0x9: {  	[smem:$0x3FA0] =	sst s1  }
0xa: {  	[smem:$0x3FA1] =	sst s2  }
0xb: {  	[smem:$0x3FA2] =	sst s3  }
0xc: {  	[smem:$0x3FA3] =	sst s4  }
0xd: {  	[smem:$0x3FA4] =	sst s5  }
0xe: {  	[smem:$0x3FA5] =	sst s6  }
0xf: {  	[smem:$0x3FA6] =	sst s7  }
0x10: {  	[smem:$0x3FA7] =	sst s8  }
0x11: {  	[smem:$0x3FA8] =	sst s9;
	s0 =	simm.s32 @!p0 $0x0  }
0x12: {  	s1 =	sld [smem:$0x3F8E];
	s0 =	simm.s32 @p0 $0x1  }
0x13: {  	[smem:$0x3FA9] =	sst s0;
	s0 =	simm.s32 @!p1 $0x0  }
0x14: {  	s2 =	sld [smem:$0x3F8D];
	s0 =	simm.s32 @p1 $0x1  }
0x15: {  	[smem:$0x3FAA] =	sst s0;
	s0 =	simm.s32 @!p2 $0x0  }
0x16: {  	s3 =	sld [smem:$0x3FDB];
	s0 =	simm.s32 @p2 $0x1  }
0x17: {  	s4 =	simm.s32 $0x1BF5;
	[smem:$0x3FAC] =	sst s0  }
0x18: {  	s0 =	sld [smem:$0x3F8F];
	_ =	swait.ge [sflag:s4], $0x0  }
0x19: {  	s7 =	sld [smem:$0x3F90]  }
0x1a: {  	s8 =	sadd.s32 $0xFFFFE003, lr  }
0x1b: {  	s9 =	sadd.s32 $0xFFFFFEF7, lr;
	s5 =	simm.s32 $0xFFFFFFFF;
	p2 =	slt.u32 s8, $0xFFFFF086  }
0x1c: {  	p1 =	slt.u32 s9, $0xF7A;
	s5 =	simm.s32 @!p2 $0x0  }
0x1d: {  	s5 =	simm.s32 @p1 $0x1;
	p0 =	seq.s32 s7, s2  }
0x1e: {  	s7 =	smul.u32 @!p0 $0xF7A, s2;
	p2 =	seq.s32 @!p0 s5, $0x0  }
0x1f: {  	s9 =	smul.u32 $0xF7A, s1;
	s8 =	simm.s32 @!p0 $0x1BF5;
	p2 =	por !p2, p0  }
0x20: {  	[sflag:s8] =	ssyncset.s32 @!p0 $0xFFFFF086;
	s6 =	sadd.s32 @!p0 s3, s7;
	s7 =	simm.s32 @!p0 $0x108  }
0x21: {  	s3 =	sadd.s32 s3, s9;
	s6 =	sadd.s32 @!p0 $0x88, s6;
	s7 =	simm.s32 @p2 $0x1082  }
0x22: {  	[simem:s7], [sflag:s8] =	dma.local @!p0 [hbm:s6], $0xF7A  }
0x23: {  	s9 =	sor.u32 $0xD0000000, s2;
	s6 =	simm.s32 $0x108;
	_ =	swait.ge @!p0 [sflag:s8], $0x0  }
0x24: {  	s3 =	sadd.s32 $0x88, s3;
	s6 =	simm.s32 @!p1 $0x1082;
	[sflag:s4] =	ssyncset.s32 $0xFFFFF086  }
0x25: {  	[simem:s6], [sflag:s4] =	dma.local [hbm:s3], $0xF7A  }
0x26: {  	[smem:$0x3F90] =	sst s1;
	(tag) =	ssettag s2;
	_ =	strace s9  }
0x27: {  	s1 =	sld [smem:$0x3FA0]  }
0x28: {  	s2 =	sld [smem:$0x3FA1]  }
0x29: {  	s4 =	sld [smem:$0x3FA3]  }
0x2a: {  	p0 =	seq.s32 s5, $0x0;
	s5 =	sld [smem:$0x3FA4]  }
0x2b: {  	s6 =	sld [smem:$0x3FA5]  }
0x2c: {  	s7 =	sld [smem:$0x3FA6]  }
0x2d: {  	s3 =	simm.s32 $0x108;
	s8 =	sld [smem:$0x3FA7]  }
0x2e: {  	s3 =	simm.s32 @!p0 $0x1082;
	s9 =	sld [smem:$0x3FA8]  }
0x2f: {  	lr =	sadd.s32 s0, s3;
	s0 =	sld [smem:$0x3F9F]  }
0x30: {  	s3 =	sld [smem:$0x3FA2]  }
0x31: {  	[smem:$0x3FAB] =	sst s10  }
0x32: {  	s10 =	sld [smem:$0x3FA9];
	_ =	sdelay $0x3  }
0x33: {  	p0 =	seq.s32 s10, $0x1;
	s10 =	sld [smem:$0x3FAB];
	_ =	sdelay $0x3  }
0x34: {  	[smem:$0x3FAB] =	sst s10  }
0x35: {  	s10 =	sld [smem:$0x3FAA];
	_ =	sdelay $0x3  }
0x36: {  	p1 =	seq.s32 s10, $0x1;
	s10 =	sld [smem:$0x3FAB];
	_ =	sdelay $0x3  }
0x37: {  	[smem:$0x3FAB] =	sst s10  }
0x38: {  	s10 =	sld [smem:$0x3FAC]  }
0x39: {  	_ = 	snop;
	(pc) =	sbr.ind lr, $3  }
0x3a: {  	_ = 	snop  }
0x3b: {  	_ = 	snop  }
0x3c: {  	p2 =	seq.s32 s10, $0x1;
	s10 =	sld [smem:$0x3FAB]  }
0x3d: {  	_ =	shalt  }
0x3e: {  	_ =	shalt  }
0x3f: {  	_ =	shalt  }
0x40: {  	_ =	shalt  }
0x41: {  	_ =	shalt  }
0x42: {  	_ =	shalt  }
0x43: {  	_ =	shalt  }
0x44: {  	_ =	shalt  }
0x45: {  	_ =	shalt  }
0x46: {  	_ =	shalt  }
0x47: {  	_ =	shalt  }
0x48: {  	_ =	shalt  }
0x49: {  	_ =	shalt  }
0x4a: {  	_ =	shalt  }
0x4b: {  	_ =	shalt  }
0x4c: {  	_ =	shalt  }
0x4d: {  	_ =	shalt  }
0x4e: {  	_ =	shalt  }
0x4f: {  	_ =	shalt  }
0x50: {  	_ =	shalt  }
0x51: {  	_ =	shalt  }
0x52: {  	_ =	shalt  }
0x53: {  	_ =	shalt  }
0x54: {  	_ =	shalt  }
0x55: {  	_ =	shalt  }
0x56: {  	_ =	shalt  }
0x57: {  	_ =	shalt  }
0x58: {  	_ =	shalt  }
0x59: {  	_ =	shalt  }
0x5a: {  	_ =	shalt  }
0x5b: {  	_ =	shalt  }
0x5c: {  	_ =	shalt  }
0x5d: {  	_ =	shalt  }
0x5e: {  	_ =	shalt  }
0x5f: {  	_ =	shalt  }
0x60: {  	_ =	shalt  }
0x61: {  	_ =	shalt  }
0x62: {  	_ =	shalt  }
0x63: {  	_ =	shalt  }
0x64: {  	_ =	shalt  }
0x65: {  	_ =	shalt  }
0x66: {  	_ =	shalt  }
0x67: {  	_ =	shalt  }
0x68: {  	_ =	shalt  }
0x69: {  	_ =	shalt  }
0x6a: {  	_ =	shalt  }
0x6b: {  	_ =	shalt  }
0x6c: {  	_ =	shalt  }
0x6d: {  	_ =	shalt  }
0x6e: {  	_ =	shalt  }
0x6f: {  	_ =	shalt  }
0x70: {  	_ =	shalt  }
0x71: {  	_ =	shalt  }
0x72: {  	_ =	shalt  }
0x73: {  	_ =	shalt  }
0x74: {  	_ =	shalt  }
0x75: {  	_ =	shalt  }
0x76: {  	_ =	shalt  }
0x77: {  	_ =	shalt  }
0x78: {  	_ =	shalt  }
0x79: {  	_ =	shalt  }
0x7a: {  	_ =	shalt  }
0x7b: {  	_ =	shalt  }
0x7c: {  	_ =	shalt  }
0x7d: {  	_ =	shalt  }
0x7e: {  	_ =	shalt  }
0x7f: {  	_ =	shalt  }
0x80: {  	_ =	shalt  }
0x81: {  	_ =	shalt  }
0x82: {  	_ =	shalt  }
0x83: {  	_ =	shalt  }
0x84: {  	_ =	shalt  }
0x85: {  	_ =	shalt  }
0x86: {  	_ =	shalt  }
0x87: {  	_ =	shalt  }
.Lfunc_end0:
.L_simem_size_0:
called_computation.3_lowered:
.L_overlay_start_0:
0x88: {  	s2 =	sld [smem:$0x3FD9]  }
0x89: {  	s3 =	sld [smem:$0x3FFE];
	_ =	sdelay $0x1  }
0x8a: {  	s1 =	srdreg.scid  }
0x8b: {  	s0 =	sand.u32 $0x1, s1  }
0x8c: {  	s16 =	sshll.u32 s0, $0xA;
	s2 =	sadd.s32 s3, s2  }
0x8d: {  	s2 =	sadd.s32 s2, s16  }
0x8e: {  	[smem:$0x3FB7] =	sst s2  }
0x8f: {  	_ = 	snop  }
0x90: {  	(tm) =	ssettm $0x1  }
0x91: {  	s17 =	sld [smem:$0x3FFB];
	_ =	sdelay $0x3  }
0x92: {  	_ =	strace s17  }
0x93: {  	s2 =	sld [smem:$0x3FFC];
	_ =	sdelay $0x3  }
0x94: {  	_ =	strace s2  }
0x95: {  	s2 =	sld [smem:$0x3FFD];
	_ =	sdelay $0x3  }
0x96: {  	_ =	strace s2  }
0x97: {  	_ =	strace $0x8FFFFFFF  }
0x98: {  	s18 =	sld [smem:$0x3FDB];
	_ =	sdelay $0x1  }
0x99: {  	s19 =	simm.s32 $_scs_section_size  }
0x9a: {  	s4 =	simm.s32 $_size__tile_overlayer_lowered;
	s5 =	simm.s32 $_tile_overlayer_lowered  }
0x9b: {  	s22 =	simm.s32 $0x1BFF;
	s21 =	sshll.u32 s5, $0x1;
	s2 =	sadd.s32 s19, s18  }
0x9c: {  	s6 =	simm.s32 $0x0;
	s20 =	sshll.u32 s4, $0x1;
	s4 =	sadd.s32 s21, s2  }
0x9d: {  	[timem:s6], [sflag:s22] =	dma.local [hbm:s4], s20  }
0x9e: {  	_ =	swait.ge [sflag:s22], s20  }
0x9f: {  	s3 =	ssub.s32 $0x0, s20;
	[sflag:s22] =	ssyncset.done $0x0  }
0xa0: {  	[sflag:s22] =	ssyncadd.s32 s3;
	_ =	sdelay $0x1  }
0xa1: {  	s23 =	simm.s32 $0x1B8B  }
0xa2: {  	_ =	swait.ge [sflag:s23], $0x1  }
0xa3: {  	[sflag:s23] =	ssyncset.done $0x0  }
0xa4: {  	s25 =	simm.s32 $0x1B8E;
	s24 =	sld [smem:$0x3FFE];
	[sflag:s23] =	ssyncadd.s32 $0xFFFFFFFF  }
0xa5: {  	s26 =	simm.s32 $execute0_lowered;
	[smem:$0x3FD2] =	sst s25  }
0xa6: {  	s4 =	sshll.u32 s26, $0x1;
	_ =	strace $0x8000004C;
	[dreg:$0x1] =	wrdreg $0xFFFFFFFF  }
0xa7: {  	s28 =	simm.s32 $_size_execute0_lowered;
	s2 =	sadd.s32 s2, s4;
	[dreg:$0x0] =	wrdreg $0x0  }
0xa8: {  	s4 =	sshll.u32 s28, $0x1;
	[dreg:$0x2] =	wrdreg s2  }
0xa9: {  	[dreg:$0x3] =	wrdreg s4  }
0xaa: {  	[dreg:$0x4] =	wrdreg $0xC0  }
0xab: {  	_ =	task [dreg:s6], $0x5FFFF  }
0xac: {  	[dreg:$0x1] =	wrdreg $0xFFFFFFFF  }
0xad: {  	[dreg:$0x0] =	wrdreg $0x60  }
0xae: {  	[dreg:$0x2] =	wrdreg s24  }
0xaf: {  	[dreg:$0x3] =	wrdreg $0x90000  }
0xb0: {  	[dreg:$0x4] =	wrdreg $0xA  }
0xb1: {  	_ =	task.clear_ibuf [dreg:s6], $0x5FFFF;
	_ =	strace $0x9000004C  }
0xb2: {  	s29 =	simm.s32 $0xA;
	_ =	strace $0x8000004E  }
0xb3: {  	_ =	swait.ge [sflag:s29], $0x1  }
0xb4: {  	[sflag:s29] =	ssyncadd.s32 $0xFFFFFFFF  }
0xb5: {  	_ =	strace $0x9000004E  }
0xb6: {  	_ =	sfence  }
0xb7: {  	s30 =	sld [smem:$0x0];
	_ =	sdelay $0x2  }
0xb8: {  	s31 =	sshll.u32 s1, $0xD;
	s1 =	sshrl.u32 s1, $0x2  }
0xb9: {  	s3 =	sand.u32 $0x4000, s31;
	s1 =	sadd.s32 s1, s30  }
0xba: {  	s0 =	sor.u32 s3, s0;
	s1 =	sshll.u32 s1, $0x11  }
0xbb: {  	s0 =	sor.u32 s1, s0  }
0xbc: {  	s0 =	sadd.s32 $0x8F2B, s0  }
0xbd: {  	[sflag:s0] =	ssyncadd.remote.s32 $0x1  }
0xbe: {  	_ =	sfence.sel $0xFFFF  }
0xbf: {  	[dreg:$0x0] =	wrdreg $0xFFFFFFFF;
	(pc) =	sbr.abs _section_cstart, $3  }
0xc0: {  	[dreg:$0x1] =	wrdreg $0xFFFFFFFF  }
0xc1: {  	_ =	task.clear_ibuf [dreg:s6], $0x2FFFF;
	_ =	strace $0x9FFFFFFF  }
0xc2: {  	(tm) =	ssettm $0x7FFFFFFF  }
0xc3: {  	_ =	shalt  }
tec
execute0_lowered:
.L_overlay_start_1:
0x0: {  	(tag) =	ssettag $0x1  }
0x1: {  	s0 =	rddreg [dreg:$0x0]  }
0x2: {  	s2 =	rddreg [dreg:$0x1];
	s8 =	stileid.u32  }
0x3: {  	s4 =	simm.s32 $0x0;
	s1 =	srdreg.scid;
	s15 =	simm.s32 $0x5  }
0x4: {  	s17 =	simm.s32 $0x1;
	s18 =	simm.s32 $0x80;
	s19 =	simm.s32 $0x1000  }
0x5: {  	s20 =	simm.s32 $0x3;
	s21 =	simm.s32 $0x6;
	s3 =	smul.u32 $0x18, s8  }
0x6: {  	s30 =	simm.s32 $0x4;
	[smem:$0x7FF] =	sst s4;
	s4 =	smul.u32 $0x88, s8  }
0x7: {  	s13 =	simm.s32 $0xF00;
	s12 =	simm.s32 $0x0;
	s6 =	smul.u32 $0x14000, s8  }
0x8: {  	s1 =	sand.u32 $0x1, s1;
	s7 =	smul.u32 $0x50000, s8;
	s9 =	sadd.s32 $0x18400, s0  }
0x9: {  	s8 =	sshll.u32 s8, $0x6;
	p0 =	seq.s32 s1, $0x0;
	s5 =	smul.u32 $0x140000, s1  }
0xa: {  	_ =	strace $0x8000004D;
	s23 =	ssub.s32 $0x2, s1;
	[dreg:$0x3] =	wrdreg s9  }
0xb: {  	s8 =	sor.u32 $0x1C05, s8;
	p1 =	sne.s32 s1, $0x0;
	s3 =	sadd.s32 $0x880, s3  }
0xc: {  	s24 =	sshrl.u32 s23, $0x1;
	s7 =	sshrl.u32 s7, $0x2;
	s3 =	smov.u32 @p0 s4  }
0xd: {  	[dreg:$0x4] =	wrdreg s8;
	s4 =	sadd.s32 $0x1AC00, s0;
	s3 =	sshll.u32 s3, $0x4  }
0xe: {  	s5 =	sadd.s32 s6, s5;
	s6 =	simm.s32 $0x11;
	s3 =	sadd.s32 s3, s0  }
0xf: {  	s7 =	sadd.s32 s7, s2;
	s5 =	sshrl.u32 s5, $0x3;
	s25 =	sadd.s32 $0x4400, s3  }
0x10: {  	s0 =	sadd.s32 s5, s0;
	s26 =	sadd.s32 $0xE400, s3;
	[dreg:$0x5] =	wrdreg s25  }
0x11: {  	s5 =	ssub.s32 s23, s24;
	s0 =	sadd.s32 $0x90200, s0;
	[dreg:$0x6] =	wrdreg s26  }
.Ltmp0:
0x12: {  	s28 =	smax.u32 s5, $0x1;
	[dreg:$0x7] =	wrdreg s0;
	(pc) =	sbr.rel .LBB2_1-.Ltmp0, $4  }
0x13: {  	s6 =	simm.s32 @!p0 $0x3;
	s29 =	sadd.s32 $0xE480, s3;
	[dreg:$0x8] =	wrdreg s28  }
0x14: {  	s23 =	simm.s32 $0x5000;
	s31 =	sadd.s32 $0x4480, s3;
	[dreg:$0x9] =	wrdreg s29  }
0x15: {  	s3 =	sshrl.u32 s7, $0x3;
	s7 =	simm.s32 $0xF80;
	[dreg:$0xa] =	wrdreg s31  }
0x16: {  	s5 =	simm.s32 $0x0;
	s0 =	simm.s32 $0x2;
	[dreg:$0xb] =	wrdreg s3  }
.LBB2_8:
0x17: {  	[bflag:$0x0] =	sbarrier.arrive $0xFFFF  }
0x18: {  	s8 =	rddreg [dreg:$0x4]  }
0x19: {  	s1 =	rddreg [dreg:$0x7]  }
0x1a: {  	s3 =	rddreg [dreg:$0xb]  }
0x1b: {  	[hbm:s1], [sflag:s8] =	dma.local [spmem:s3], $0x2800  }
0x1c: {  	_ =	swait.ge [sflag:s15], $0x2800  }
0x1d: {  	s5 =	rddreg [dreg:$0xc]  }
0x1e: {  	s31 =	rddreg [dreg:$0x8];
	s5 =	sadd.s32 $0x1, s5  }
0x1f: {  	p2 =	sne.s32 s5, s31  }
.Ltmp1:
0x20: {  	_ = 	snop;
	(pc) =	sbr.rel @!p2 .LBB2_9-.Ltmp1, $3  }
0x21: {  	_ =	sdelay $0x1  }
0x22: {  	[sflag:s15] =	ssyncset.done $0x0  }
0x23: {  	[sflag:s15] =	ssyncadd.s32 $0xFFFFD800  }
.LBB2_1:
0x24: {  	[dreg:$0xc] =	wrdreg s5  }
0x25: {  	s1 =	rddreg [dreg:$0x3]  }
0x26: {  	[spmem:s3], [sflag:s8] =	dma.local [hbm:s1], $0x2800  }
0x27: {  	_ =	swait.ge [sflag:s15], $0x2800  }
0x28: {  	[sflag:s15] =	ssyncset.done $0x0  }
0x29: {  	[sflag:s15] =	ssyncadd.s32 $0xFFFFD800  }
0x2a: {  	[bflag:$0x0] =	sbarrier.arrive $0xFFFF  }
0x2b: {  	s28 =	rddreg [dreg:$0x5]  }
.Ltmp2:
0x2c: {  	s29 =	rddreg [dreg:$0x6];
	(pc) =	sbr.rel .LBB2_2-.Ltmp2, $4  }
0x2d: {  	s26 =	simm.s32 $0x0;
	s31 =	simm.s32 $0x800;
	s3 =	rddreg [dreg:$0xa]  }
0x2e: {  	[tilespmem:s26], [sflag:$0x1] =	stream.linear.gather [hbm4b:s28+s26], $0x400, $0x38;
	[tilespmem:$0x1D000] =	vst v63  }
0x2f: {  	s14 =	simm.s32 $0x1;
	s24 =	simm.s32 $0x0;
	s22 =	rddreg [dreg:$0x9]  }
0x30: {  	[tilespmem:s31], [sflag:$0x1] =	stream.linear.gather [hbm4b:s29+s26], $0x400, $0x38;
	[tilespmem:$0x1D000] =	vst v63  }
.LBB2_6:
0x31: {  	_ =	swait.ge [sflag:s0], $0x400  }
0x32: {  	[sflag:s0] =	ssyncset.done $0x0  }
0x33: {  	[sflag:s0] =	ssyncadd.s32 $0xFFFFFC00  }
0x34: {  	_ =	swait.ge [sflag:s0], $0x400  }
0x35: {  	p2 =	sge.u32 s14, s6;
	[sflag:s0] =	ssyncset.done $0x0  }
0x36: {  	s1 =	simm.s32 @!p2 $0x0;
	[sflag:s0] =	ssyncadd.s32 $0xFFFFFC00  }
0x37: {  	[tilespmem:s1], [sflag:$0x1] =	stream.linear.gather @!p2 [hbm4b:s3+s1], $0x400, $0x38;
	[tilespmem:$0x1D000] =	vst v63  }
0x38: {  	s5 =	simm.s32 @!p2 $0x800  }
0x39: {  	[tilespmem:s5], [sflag:$0x1] =	stream.linear.gather @!p2 [hbm4b:s22+s1], $0x400, $0x38;
	[tilespmem:$0x1D000] =	vst v63  }
0x3a: {  	s9 =	simm.s32 $0x400  }
0x3b: {  	[tilespmem:s19], [sflag:$0x3] =	stream.indirect.gather [hbm4b:s4+s18], $0x80, s9, s18, $0xb8;
	[tilespmem:$0x1D000] =	vst v63  }
0x3c: {  	_ =	swait.ge [sflag:s20], $0x4000  }
0x3d: {  	s8 =	simm.s32 @!p1 $0x5000;
	[sflag:s20] =	ssyncset.done $0x0  }
0x3e: {  	s1 =	simm.s32 @!p1 $0x80;
	s5 =	simm.s32 @!p1 $0x480;
	[sflag:s20] =	ssyncadd.s32 $0xFFFFC000  }
0x3f: {  	[tilespmem:s8], [sflag:$0x4] =	stream.indirect.gather @!p1 [hbm4b:s4+s1], $0x80, s5, s1, $0xb8;
	[tilespmem:$0x1D000] =	vst v63  }
0x40: {  	s10 =	simm.s32 $0xC00  }
0x41: {  	[spmem:s2] =	stream.indirect.scatter.add.f32 [tilespmem:s19], [sflag:$0x6], $0x80, s10, s18, $0xb8;
	[tilespmem:$0x1D000] =	vst v63  }
0x42: {  	_ =	swait.ge [sflag:s21], $0x4000  }
0x43: {  	[sflag:s21] =	ssyncset.done $0x0  }
0x44: {  	s29 =	simm.s32 @p0 $0x4;
	[sflag:s21] =	ssyncadd.s32 $0xFFFFC000  }
0x45: {  	_ =	swait.ge @p0 [sflag:s29], $0x4000  }
0x46: {  	s28 =	simm.s32 @p0 $0x80;
	[sflag:s29] =	ssyncset.done @p0 $0x0  }
0x47: {  	s31 =	simm.s32 @p0 $0x1000;
	s1 =	simm.s32 @p0 $0x500;
	[sflag:s29] =	ssyncadd.s32 @p0 $0xFFFFC000  }
0x48: {  	[tilespmem:s31], [sflag:$0x3] =	stream.indirect.gather @p0 [hbm4b:s4+s28], $0x80, s1, s28, $0xb8;
	[tilespmem:$0x1D000] =	vst v63  }
0x49: {  	s25 =	simm.s32 @!p0 $0x80;
	s26 =	simm.s32 @!p0 $0x5000;
	s1 =	simm.s32 @!p0 $0x480  }
0x4a: {  	[tilespmem:s26], [sflag:$0x4] =	stream.indirect.gather @!p0 [hbm4b:s4+s25], $0x80, s1, s25, $0xb8;
	[tilespmem:$0x1D000] =	vst v63  }
0x4b: {  	s1 =	simm.s32 @!p0 $0x4  }
0x4c: {  	_ =	swait.ge @!p0 [sflag:s1], $0x4000  }
0x4d: {  	[sflag:s1] =	ssyncset.done @!p0 $0x0  }
0x4e: {  	s11 =	simm.s32 $0xC80;
	[sflag:s1] =	ssyncadd.s32 @!p0 $0xFFFFC000  }
0x4f: {  	[spmem:s2] =	stream.indirect.scatter.add.f32 [tilespmem:s23], [sflag:$0x6], $0x80, s11, s18, $0xb8;
	[tilespmem:$0x1D000] =	vst v63  }
0x50: {  	_ =	swait.ge [sflag:s21], $0x4000  }
0x51: {  	[sflag:s21] =	ssyncset.done $0x0  }
0x52: {  	s5 =	simm.s32 @p0 $0x3;
	[sflag:s21] =	ssyncadd.s32 $0xFFFFC000  }
0x53: {  	_ =	swait.ge @p0 [sflag:s5], $0x4000  }
0x54: {  	[sflag:s5] =	ssyncset.done @p0 $0x0  }
0x55: {  	s9 =	simm.s32 @p0 $0x5000;
	s8 =	simm.s32 @p0 $0x580;
	[sflag:s5] =	ssyncadd.s32 @p0 $0xFFFFC000  }
0x56: {  	[tilespmem:s9], [sflag:$0x4] =	stream.indirect.gather @p0 [hbm4b:s4+s28], $0x80, s8, s28, $0xb8;
	[tilespmem:$0x1D000] =	vst v63  }
0x57: {  	s10 =	simm.s32 @!p0 $0x1000;
	s8 =	simm.s32 @!p0 $0x500  }
0x58: {  	[tilespmem:s10], [sflag:$0x3] =	stream.indirect.gather @!p0 [hbm4b:s4+s25], $0x80, s8, s25, $0xb8;
	[tilespmem:$0x1D000] =	vst v63  }
0x59: {  	s8 =	simm.s32 @!p0 $0x3  }
0x5a: {  	_ =	swait.ge @!p0 [sflag:s8], $0x4000  }
0x5b: {  	[sflag:s8] =	ssyncset.done @!p0 $0x0  }
0x5c: {  	s11 =	simm.s32 $0xD00;
	[sflag:s8] =	ssyncadd.s32 @!p0 $0xFFFFC000  }
0x5d: {  	[spmem:s2] =	stream.indirect.scatter.add.f32 [tilespmem:s19], [sflag:$0x6], $0x80, s11, s18, $0xb8;
	[tilespmem:$0x1D000] =	vst v63  }
0x5e: {  	_ =	swait.ge [sflag:s21], $0x4000  }
0x5f: {  	[sflag:s21] =	ssyncset.done $0x0  }
0x60: {  	[sflag:s21] =	ssyncadd.s32 $0xFFFFC000  }
0x61: {  	_ =	swait.ge @p0 [sflag:s29], $0x4000  }
0x62: {  	[sflag:s29] =	ssyncset.done @p0 $0x0  }
0x63: {  	s11 =	simm.s32 @p0 $0x600;
	[sflag:s29] =	ssyncadd.s32 @p0 $0xFFFFC000  }
0x64: {  	[tilespmem:s31], [sflag:$0x3] =	stream.indirect.gather @p0 [hbm4b:s4+s28], $0x80, s11, s28, $0xb8;
	[tilespmem:$0x1D000] =	vst v63  }
0x65: {  	s11 =	simm.s32 @!p0 $0x580  }
0x66: {  	[tilespmem:s26], [sflag:$0x4] =	stream.indirect.gather @!p0 [hbm4b:s4+s25], $0x80, s11, s25, $0xb8;
	[tilespmem:$0x1D000] =	vst v63  }
0x67: {  	_ =	swait.ge @!p0 [sflag:s1], $0x4000  }
0x68: {  	[sflag:s1] =	ssyncset.done @!p0 $0x0  }
0x69: {  	s16 =	simm.s32 $0xD80;
	[sflag:s1] =	ssyncadd.s32 @!p0 $0xFFFFC000  }
0x6a: {  	[spmem:s2] =	stream.indirect.scatter.add.f32 [tilespmem:s23], [sflag:$0x6], $0x80, s16, s18, $0xb8;
	[tilespmem:$0x1D000] =	vst v63  }
0x6b: {  	_ =	swait.ge [sflag:s21], $0x4000  }
0x6c: {  	[sflag:s21] =	ssyncset.done $0x0  }
0x6d: {  	[sflag:s21] =	ssyncadd.s32 $0xFFFFC000  }
0x6e: {  	_ =	swait.ge @p0 [sflag:s5], $0x4000  }
0x6f: {  	[sflag:s5] =	ssyncset.done @p0 $0x0  }
0x70: {  	s11 =	simm.s32 @p0 $0x680;
	[sflag:s5] =	ssyncadd.s32 @p0 $0xFFFFC000  }
0x71: {  	[tilespmem:s9], [sflag:$0x4] =	stream.indirect.gather @p0 [hbm4b:s4+s28], $0x80, s11, s28, $0xb8;
	[tilespmem:$0x1D000] =	vst v63  }
0x72: {  	s11 =	simm.s32 @!p0 $0x600  }
0x73: {  	[tilespmem:s10], [sflag:$0x3] =	stream.indirect.gather @!p0 [hbm4b:s4+s25], $0x80, s11, s25, $0xb8;
	[tilespmem:$0x1D000] =	vst v63  }
0x74: {  	_ =	swait.ge @!p0 [sflag:s8], $0x4000  }
0x75: {  	[sflag:s8] =	ssyncset.done @!p0 $0x0  }
0x76: {  	s16 =	simm.s32 $0xE00;
	[sflag:s8] =	ssyncadd.s32 @!p0 $0xFFFFC000  }
0x77: {  	[spmem:s2] =	stream.indirect.scatter.add.f32 [tilespmem:s19], [sflag:$0x6], $0x80, s16, s18, $0xb8;
	[tilespmem:$0x1D000] =	vst v63  }
0x78: {  	_ =	swait.ge [sflag:s21], $0x4000  }
0x79: {  	[sflag:s21] =	ssyncset.done $0x0  }
0x7a: {  	[sflag:s21] =	ssyncadd.s32 $0xFFFFC000  }
0x7b: {  	_ =	swait.ge @p0 [sflag:s29], $0x4000  }
0x7c: {  	[sflag:s29] =	ssyncset.done @p0 $0x0  }
0x7d: {  	s11 =	simm.s32 @p0 $0x700;
	[sflag:s29] =	ssyncadd.s32 @p0 $0xFFFFC000  }
0x7e: {  	[tilespmem:s31], [sflag:$0x3] =	stream.indirect.gather @p0 [hbm4b:s4+s28], $0x80, s11, s28, $0xb8;
	[tilespmem:$0x1D000] =	vst v63  }
0x7f: {  	s11 =	simm.s32 @!p0 $0x680  }
0x80: {  	[tilespmem:s26], [sflag:$0x4] =	stream.indirect.gather @!p0 [hbm4b:s4+s25], $0x80, s11, s25, $0xb8;
	[tilespmem:$0x1D000] =	vst v63  }
0x81: {  	_ =	swait.ge @!p0 [sflag:s1], $0x4000  }
0x82: {  	[sflag:s1] =	ssyncset.done @!p0 $0x0  }
0x83: {  	s31 =	simm.s32 $0xE80;
	[sflag:s1] =	ssyncadd.s32 @!p0 $0xFFFFC000  }
0x84: {  	[spmem:s2] =	stream.indirect.scatter.add.f32 [tilespmem:s23], [sflag:$0x6], $0x80, s31, s18, $0xb8;
	[tilespmem:$0x1D000] =	vst v63  }
0x85: {  	_ =	swait.ge [sflag:s21], $0x4000  }
0x86: {  	[sflag:s21] =	ssyncset.done $0x0  }
0x87: {  	[sflag:s21] =	ssyncadd.s32 $0xFFFFC000  }
0x88: {  	_ =	swait.ge @p0 [sflag:s5], $0x4000  }
0x89: {  	[sflag:s5] =	ssyncset.done @p0 $0x0  }
0x8a: {  	s1 =	simm.s32 @p0 $0x780;
	[sflag:s5] =	ssyncadd.s32 @p0 $0xFFFFC000  }
0x8b: {  	[tilespmem:s9], [sflag:$0x4] =	stream.indirect.gather @p0 [hbm4b:s4+s28], $0x80, s1, s28, $0xb8;
	[tilespmem:$0x1D000] =	vst v63  }
0x8c: {  	s1 =	simm.s32 @!p0 $0x700  }
0x8d: {  	[tilespmem:s10], [sflag:$0x3] =	stream.indirect.gather @!p0 [hbm4b:s4+s25], $0x80, s1, s25, $0xb8;
	[tilespmem:$0x1D000] =	vst v63  }
0x8e: {  	_ =	swait.ge @!p0 [sflag:s8], $0x4000  }
0x8f: {  	[sflag:s8] =	ssyncset.done @!p0 $0x0  }
0x90: {  	[sflag:s8] =	ssyncadd.s32 @!p0 $0xFFFFC000  }
0x91: {  	[spmem:s2] =	stream.indirect.scatter.add.f32 [tilespmem:s19], [sflag:$0x6], $0x80, s13, s18, $0xb8;
	[tilespmem:$0x1D000] =	vst v63  }
0x92: {  	_ =	swait.ge [sflag:s21], $0x4000  }
0x93: {  	[sflag:s21] =	ssyncset.done $0x0  }
0x94: {  	s1 =	simm.s32 @!p0 $0x780;
	[sflag:s21] =	ssyncadd.s32 $0xFFFFC000  }
0x95: {  	[tilespmem:s26], [sflag:$0x4] =	stream.indirect.gather @!p0 [hbm4b:s4+s25], $0x80, s1, s25, $0xb8;
	[tilespmem:$0x1D000] =	vst v63  }
0x96: {  	_ =	swait.ge [sflag:s30], $0x4000  }
0x97: {  	[sflag:s30] =	ssyncset.done $0x0  }
0x98: {  	[sflag:s30] =	ssyncadd.s32 $0xFFFFC000  }
0x99: {  	[spmem:s2] =	stream.indirect.scatter.add.f32 [tilespmem:s23], [sflag:$0x5], $0x80, s7, s18, $0xb8;
	[tilespmem:$0x1D000] =	vst v63  }
0x9a: {  	_ =	swait.ge [sflag:s15], $0x4000  }
0x9b: {  	[sflag:s15] =	ssyncset.done $0x0  }
0x9c: {  	s24 =	sadd.s32 $0x1, s24;
	[sflag:s15] =	ssyncadd.s32 $0xFFFFC000  }
.LBB2_7:
0x9d: {  	s14 =	sadd.s32 $0x1, s14  }
0x9e: {  	p2 =	sne.s32 s14, $0x12  }
.Ltmp3:
0x9f: {  	_ = 	snop;
	(pc) =	sbr.rel @!p2 .LBB2_8-.Ltmp3, $2  }
0xa0: {  	_ =	sdelay $0x2  }
0xa1: {  	s22 =	sadd.s32 $0x80, s22;
	s3 =	sadd.s32 $0x80, s3  }
.LBB2_2:
0xa2: {  	s1 =	sadd.s32 $0xFFFFFFFF, s14  }
0xa3: {  	s25 =	sand.u32 $0x1, s1;
	p2 =	sge.u32 s1, s6  }
0xa4: {  	p3 =	sne.s32 @!p2 s25, $0x0  }
0xa5: {  	p3 =	por p2, p3  }
.Ltmp4:
0xa6: {  	_ = 	snop;
	(pc) =	sbr.rel @p3 .LBB2_4-.Ltmp4, $1  }
0xa7: {  	_ =	sdelay $0x3  }
0xa8: {  	_ =	swait.ge [sflag:s17], $0x400  }
0xa9: {  	[sflag:s17] =	ssyncset.done $0x0  }
0xaa: {  	[sflag:s17] =	ssyncadd.s32 $0xFFFFFC00  }
0xab: {  	_ =	swait.ge [sflag:s17], $0x400  }
0xac: {  	p3 =	sge.u32 s14, s6;
	[sflag:s17] =	ssyncset.done $0x0  }
0xad: {  	s1 =	simm.s32 @!p3 $0x0;
	s16 =	simm.s32 @!p3 $0x400;
	[sflag:s17] =	ssyncadd.s32 $0xFFFFFC00  }
0xae: {  	[tilespmem:s16], [sflag:$0x2] =	stream.linear.gather @!p3 [hbm4b:s3+s1], $0x400, $0x38;
	[tilespmem:$0x1D000] =	vst v63  }
0xaf: {  	s16 =	simm.s32 @!p3 $0xC00  }
0xb0: {  	[tilespmem:s16], [sflag:$0x2] =	stream.linear.gather @!p3 [hbm4b:s22+s1], $0x400, $0x38;
	[tilespmem:$0x1D000] =	vst v63  }
0xb1: {  	_ = 	snop  }
0xb2: {  	[tilespmem:s19], [sflag:$0x3] =	stream.indirect.gather [hbm4b:s4+s18], $0x80, s12, s18, $0xb8;
	[tilespmem:$0x1D000] =	vst v63  }
0xb3: {  	_ =	swait.ge [sflag:s20], $0x4000  }
0xb4: {  	[sflag:s20] =	ssyncset.done $0x0  }
0xb5: {  	s1 =	simm.s32 @!p1 $0x80;
	s16 =	simm.s32 @!p1 $0x5000;
	[sflag:s20] =	ssyncadd.s32 $0xFFFFC000  }
0xb6: {  	[tilespmem:s16], [sflag:$0x4] =	stream.indirect.gather @!p1 [hbm4b:s4+s1], $0x80, s1, s1, $0xb8;
	[tilespmem:$0x1D000] =	vst v63  }
0xb7: {  	s11 =	simm.s32 $0x800  }
0xb8: {  	[spmem:s2] =	stream.indirect.scatter.add.f32 [tilespmem:s19], [sflag:$0x6], $0x80, s11, s18, $0xb8;
	[tilespmem:$0x1D000] =	vst v63  }
0xb9: {  	_ =	swait.ge [sflag:s21], $0x4000  }
0xba: {  	[sflag:s21] =	ssyncset.done $0x0  }
0xbb: {  	s31 =	simm.s32 @p0 $0x4;
	[sflag:s21] =	ssyncadd.s32 $0xFFFFC000  }
0xbc: {  	_ =	swait.ge @p0 [sflag:s31], $0x4000  }
0xbd: {  	s29 =	simm.s32 @p0 $0x80;
	[sflag:s31] =	ssyncset.done @p0 $0x0  }
0xbe: {  	s16 =	simm.s32 @p0 $0x100;
	s1 =	simm.s32 @p0 $0x1000;
	[sflag:s31] =	ssyncadd.s32 @p0 $0xFFFFC000  }
0xbf: {  	[tilespmem:s1], [sflag:$0x3] =	stream.indirect.gather @p0 [hbm4b:s4+s29], $0x80, s16, s29, $0xb8;
	[tilespmem:$0x1D000] =	vst v63  }
0xc0: {  	s26 =	simm.s32 @!p0 $0x80;
	s28 =	simm.s32 @!p0 $0x5000;
	s16 =	simm.s32 @!p0 $0x4  }
0xc1: {  	[tilespmem:s28], [sflag:$0x4] =	stream.indirect.gather @!p0 [hbm4b:s4+s26], $0x80, s26, s26, $0xb8;
	[tilespmem:$0x1D000] =	vst v63  }
0xc2: {  	_ =	swait.ge @!p0 [sflag:s16], $0x4000  }
0xc3: {  	[sflag:s16] =	ssyncset.done @!p0 $0x0  }
0xc4: {  	s5 =	simm.s32 $0x880;
	[sflag:s16] =	ssyncadd.s32 @!p0 $0xFFFFC000  }
0xc5: {  	[spmem:s2] =	stream.indirect.scatter.add.f32 [tilespmem:s23], [sflag:$0x6], $0x80, s5, s18, $0xb8;
	[tilespmem:$0x1D000] =	vst v63  }
0xc6: {  	_ =	swait.ge [sflag:s21], $0x4000  }
0xc7: {  	[sflag:s21] =	ssyncset.done $0x0  }
0xc8: {  	s5 =	simm.s32 @p0 $0x3;
	[sflag:s21] =	ssyncadd.s32 $0xFFFFC000  }
0xc9: {  	_ =	swait.ge @p0 [sflag:s5], $0x4000  }
0xca: {  	[sflag:s5] =	ssyncset.done @p0 $0x0  }
0xcb: {  	s8 =	simm.s32 @p0 $0x180;
	s9 =	simm.s32 @p0 $0x5000;
	[sflag:s5] =	ssyncadd.s32 @p0 $0xFFFFC000  }
0xcc: {  	[tilespmem:s9], [sflag:$0x4] =	stream.indirect.gather @p0 [hbm4b:s4+s29], $0x80, s8, s29, $0xb8;
	[tilespmem:$0x1D000] =	vst v63  }
0xcd: {  	s10 =	simm.s32 @!p0 $0x1000;
	s8 =	simm.s32 @!p0 $0x100  }
0xce: {  	[tilespmem:s10], [sflag:$0x3] =	stream.indirect.gather @!p0 [hbm4b:s4+s26], $0x80, s8, s26, $0xb8;
	[tilespmem:$0x1D000] =	vst v63  }
0xcf: {  	s8 =	simm.s32 @!p0 $0x3  }
0xd0: {  	_ =	swait.ge @!p0 [sflag:s8], $0x4000  }
0xd1: {  	[sflag:s8] =	ssyncset.done @!p0 $0x0  }
0xd2: {  	s11 =	simm.s32 $0x900;
	[sflag:s8] =	ssyncadd.s32 @!p0 $0xFFFFC000  }
0xd3: {  	[spmem:s2] =	stream.indirect.scatter.add.f32 [tilespmem:s19], [sflag:$0x6], $0x80, s11, s18, $0xb8;
	[tilespmem:$0x1D000] =	vst v63  }
0xd4: {  	_ =	swait.ge [sflag:s21], $0x4000  }
0xd5: {  	[sflag:s21] =	ssyncset.done $0x0  }
0xd6: {  	[sflag:s21] =	ssyncadd.s32 $0xFFFFC000  }
0xd7: {  	_ =	swait.ge @p0 [sflag:s31], $0x4000  }
0xd8: {  	[sflag:s31] =	ssyncset.done @p0 $0x0  }
0xd9: {  	s11 =	simm.s32 @p0 $0x200;
	[sflag:s31] =	ssyncadd.s32 @p0 $0xFFFFC000  }
0xda: {  	[tilespmem:s1], [sflag:$0x3] =	stream.indirect.gather @p0 [hbm4b:s4+s29], $0x80, s11, s29, $0xb8;
	[tilespmem:$0x1D000] =	vst v63  }
0xdb: {  	s11 =	simm.s32 @!p0 $0x180  }
0xdc: {  	[tilespmem:s28], [sflag:$0x4] =	stream.indirect.gather @!p0 [hbm4b:s4+s26], $0x80, s11, s26, $0xb8;
	[tilespmem:$0x1D000] =	vst v63  }
0xdd: {  	_ =	swait.ge @!p0 [sflag:s16], $0x4000  }
0xde: {  	[sflag:s16] =	ssyncset.done @!p0 $0x0  }
0xdf: {  	s11 =	simm.s32 $0x980;
	[sflag:s16] =	ssyncadd.s32 @!p0 $0xFFFFC000  }
0xe0: {  	[spmem:s2] =	stream.indirect.scatter.add.f32 [tilespmem:s23], [sflag:$0x6], $0x80, s11, s18, $0xb8;
	[tilespmem:$0x1D000] =	vst v63  }
0xe1: {  	_ =	swait.ge [sflag:s21], $0x4000  }
0xe2: {  	[sflag:s21] =	ssyncset.done $0x0  }
0xe3: {  	[sflag:s21] =	ssyncadd.s32 $0xFFFFC000  }
0xe4: {  	_ =	swait.ge @p0 [sflag:s5], $0x4000  }
0xe5: {  	[sflag:s5] =	ssyncset.done @p0 $0x0  }
0xe6: {  	s11 =	simm.s32 @p0 $0x280;
	[sflag:s5] =	ssyncadd.s32 @p0 $0xFFFFC000  }
0xe7: {  	[tilespmem:s9], [sflag:$0x4] =	stream.indirect.gather @p0 [hbm4b:s4+s29], $0x80, s11, s29, $0xb8;
	[tilespmem:$0x1D000] =	vst v63  }
0xe8: {  	s11 =	simm.s32 @!p0 $0x200  }
0xe9: {  	[tilespmem:s10], [sflag:$0x3] =	stream.indirect.gather @!p0 [hbm4b:s4+s26], $0x80, s11, s26, $0xb8;
	[tilespmem:$0x1D000] =	vst v63  }
0xea: {  	_ =	swait.ge @!p0 [sflag:s8], $0x4000  }
0xeb: {  	[sflag:s8] =	ssyncset.done @!p0 $0x0  }
0xec: {  	s11 =	simm.s32 $0xA00;
	[sflag:s8] =	ssyncadd.s32 @!p0 $0xFFFFC000  }
0xed: {  	[spmem:s2] =	stream.indirect.scatter.add.f32 [tilespmem:s19], [sflag:$0x6], $0x80, s11, s18, $0xb8;
	[tilespmem:$0x1D000] =	vst v63  }
0xee: {  	_ =	swait.ge [sflag:s21], $0x4000  }
0xef: {  	[sflag:s21] =	ssyncset.done $0x0  }
0xf0: {  	[sflag:s21] =	ssyncadd.s32 $0xFFFFC000  }
0xf1: {  	_ =	swait.ge @p0 [sflag:s31], $0x4000  }
0xf2: {  	[sflag:s31] =	ssyncset.done @p0 $0x0  }
0xf3: {  	s11 =	simm.s32 @p0 $0x300;
	[sflag:s31] =	ssyncadd.s32 @p0 $0xFFFFC000  }
0xf4: {  	[tilespmem:s1], [sflag:$0x3] =	stream.indirect.gather @p0 [hbm4b:s4+s29], $0x80, s11, s29, $0xb8;
	[tilespmem:$0x1D000] =	vst v63  }
0xf5: {  	s1 =	simm.s32 @!p0 $0x280  }
0xf6: {  	[tilespmem:s28], [sflag:$0x4] =	stream.indirect.gather @!p0 [hbm4b:s4+s26], $0x80, s1, s26, $0xb8;
	[tilespmem:$0x1D000] =	vst v63  }
0xf7: {  	_ =	swait.ge @!p0 [sflag:s16], $0x4000  }
0xf8: {  	[sflag:s16] =	ssyncset.done @!p0 $0x0  }
0xf9: {  	[sflag:s16] =	ssyncadd.s32 @!p0 $0xFFFFC000;
	s16 =	simm.s32 $0xA80  }
0xfa: {  	[spmem:s2] =	stream.indirect.scatter.add.f32 [tilespmem:s23], [sflag:$0x6], $0x80, s16, s18, $0xb8;
	[tilespmem:$0x1D000] =	vst v63  }
0xfb: {  	_ =	swait.ge [sflag:s21], $0x4000  }
0xfc: {  	[sflag:s21] =	ssyncset.done $0x0  }
0xfd: {  	[sflag:s21] =	ssyncadd.s32 $0xFFFFC000  }
0xfe: {  	_ =	swait.ge @p0 [sflag:s5], $0x4000  }
0xff: {  	[sflag:s5] =	ssyncset.done @p0 $0x0  }
0x100: {  	s1 =	simm.s32 @p0 $0x380;
	[sflag:s5] =	ssyncadd.s32 @p0 $0xFFFFC000  }
0x101: {  	[tilespmem:s9], [sflag:$0x4] =	stream.indirect.gather @p0 [hbm4b:s4+s29], $0x80, s1, s29, $0xb8;
	[tilespmem:$0x1D000] =	vst v63  }
0x102: {  	s1 =	simm.s32 @!p0 $0x300  }
0x103: {  	[tilespmem:s10], [sflag:$0x3] =	stream.indirect.gather @!p0 [hbm4b:s4+s26], $0x80, s1, s26, $0xb8;
	[tilespmem:$0x1D000] =	vst v63  }
0x104: {  	_ =	swait.ge @!p0 [sflag:s8], $0x4000  }
0x105: {  	[sflag:s8] =	ssyncset.done @!p0 $0x0  }
0x106: {  	s29 =	simm.s32 $0xB00;
	[sflag:s8] =	ssyncadd.s32 @!p0 $0xFFFFC000  }
0x107: {  	[spmem:s2] =	stream.indirect.scatter.add.f32 [tilespmem:s19], [sflag:$0x6], $0x80, s29, s18, $0xb8;
	[tilespmem:$0x1D000] =	vst v63  }
0x108: {  	_ =	swait.ge [sflag:s21], $0x4000  }
0x109: {  	[sflag:s21] =	ssyncset.done $0x0  }
0x10a: {  	s1 =	simm.s32 @!p0 $0x380;
	[sflag:s21] =	ssyncadd.s32 $0xFFFFC000  }
0x10b: {  	[tilespmem:s28], [sflag:$0x4] =	stream.indirect.gather @!p0 [hbm4b:s4+s26], $0x80, s1, s26, $0xb8;
	[tilespmem:$0x1D000] =	vst v63  }
0x10c: {  	_ =	swait.ge [sflag:s30], $0x4000  }
0x10d: {  	[sflag:s30] =	ssyncset.done $0x0  }
0x10e: {  	s31 =	simm.s32 $0xB80;
	[sflag:s30] =	ssyncadd.s32 $0xFFFFC000  }
0x10f: {  	[spmem:s2] =	stream.indirect.scatter.add.f32 [tilespmem:s23], [sflag:$0x6], $0x80, s31, s18, $0xb8;
	[tilespmem:$0x1D000] =	vst v63  }
0x110: {  	_ =	swait.ge [sflag:s21], $0x4000  }
0x111: {  	[sflag:s21] =	ssyncset.done $0x0  }
0x112: {  	[sflag:s21] =	ssyncadd.s32 $0xFFFFC000  }
.LBB2_4:
0x113: {  	p3 =	seq.s32 s25, $0x1  }
0x114: {  	p2 =	por p2, !p3  }
.Ltmp5:
0x115: {  	_ = 	snop;
	(pc) =	sbr.rel @!p2 .LBB2_6-.Ltmp5, $1  }
0x116: {  	_ =	sdelay $0x3  }
.Ltmp6:
0x117: {  	(pc) =	sbr.rel .LBB2_7-.Ltmp6, $2  }
0x118: {  	_ =	sdelay $0x2  }
0x119: {  	s24 =	sadd.s32 $0x1, s24  }
.LBB2_9:
0x11a: {  	_ =	sfence.sel $0x180000  }
0x11b: {  	[bflag:$0x0] =	sbarrier.arrive $0xFFFF  }
0x11c: {  	_ =	strace $0x9000004D  }
0x11d: {  	s0 =	stileid.u32;
	[bflag:$0x2] =	sbarrier.arrive $0xFFFF  }
0x11e: {  	p0 =	sne.s32 s0, $0x0;
	s0 =	rddreg [dreg:$0x2]  }
0x11f: {  	s0 =	sadd.s32 @!p0 $0x100000, s0  }
0x120: {  	[sflag:s0] =	ssyncadd.tile.s32 @!p0 $0x1;
	_ =	shalt  }
.Lfunc_end2:
_tile_overlayer_lowered:
.L_overlay_start_2:
0x121: {  	(tag) =	ssettag $0x2  }
0x122: {  	s0 =	rddreg [dreg:$0x0];
	s2 =	stileid.u32  }
0x123: {  	s1 =	rddreg [dreg:$0x1];
	p0 =	sne.s32 s2, $0x0  }
0x124: {  	s3 =	rddreg [dreg:$0x2];
	[bflag:$0x3] =	sbarrier.arrive $0xFFFF;
	s2 =	simm.s32 @!p0 $0x1C05  }
0x125: {  	[timem:s3], [sflag:s2] =	dma.local @!p0 [hbm:s0], s1  }
0x126: {  	s0 =	simm.s32 @!p0 $0x5  }
0x127: {  	_ =	swait.ge @!p0 [sflag:s0], s1  }
0x128: {  	s1 =	ssub.s32 @!p0 $0x0, s1;
	[sflag:s0] =	ssyncset.done @!p0 $0x0  }
0x129: {  	[sflag:s0] =	ssyncadd.s32 @!p0 s1  }
0x12a: {  	[bflag:$0x3] =	sbarrier.arrive $0xFFFF  }
0x12b: {  	_ =	shalt  }

</sc_bundles>
